<compile_context>
chip_gen: v7x
topology: tpu7x:2x2x1
jax: 0.10.2.dev20260603
libtpu: 0.0.44.dev20260713+nightly
codegen_flags: <defaults>
</compile_context>

<pallas_src>
import functools

import jax
import jax.numpy as jnp
from jax import lax
from jax.experimental import pallas as pl
from jax.experimental.pallas import tpu as pltpu
from jax.experimental.pallas import tpu_sc as plsc

N_RAYS = 131072
NWEIGHT = 127
NBIN = 128
NSAMP = 128
NV = NBIN // 16

NUM_CORES = 2
NUM_SUBCORES = 16
NUM_W = NUM_CORES * NUM_SUBCORES
RAYS_PER_W = N_RAYS // NUM_W
CHUNK = 64
NCHUNK = RAYS_PER_W // CHUNK

HSTRIDE = 144

_GDN = lax.GatherDimensionNumbers(
    offset_dims=(), collapsed_slice_dims=(0,), start_index_map=(0,))


def _perm(x, idx):
    return lax.gather(x, idx[:, None], _GDN, (1,),
                      mode=lax.GatherScatterMode.PROMISE_IN_BOUNDS)


def _ray_prep(r, wv, bv, sv, av, hv):
    lane = lax.iota(jnp.int32, 16)
    zero_v = jnp.zeros((16,), jnp.float32)
    lane15 = jnp.full((16,), 15, jnp.int32)
    lane0 = jnp.zeros((16,), jnp.int32)
    lanem1 = jnp.maximum(lane - 1, 0)
    lanep1 = jnp.minimum(lane + 1, 15)

    wbase = r * NWEIGHT
    rrow = r * NBIN
    hbase = r * HSTRIDE

    w = [wv[pl.ds(wbase + 16 * b, 16)] + 1e-5 for b in range(NV)]
    w[NV - 1] = jnp.where(lane < 15, w[NV - 1], 0.0)

    cum = [plsc.cumsum(w[b]) for b in range(NV)]
    s = [_perm(cum[b], lane15) for b in range(NV)]
    off = [zero_v]
    for b in range(NV - 1):
        off.append(off[b] + s[b])
    tot_v = off[NV - 1] + s[NV - 1]
    inv_v = 1.0 / tot_v

    bn = [bv[pl.ds(rrow + 16 * b, 16)] for b in range(NV)]

    zi = jnp.zeros((16,), jnp.int32)
    for q in range(9):
        hv[pl.ds(hbase + 16 * q, 16)] = zi

    hrow = hv.at[pl.ds(hbase, HSTRIDE)]
    ones = jnp.ones((16,), jnp.int32)
    for b in range(NV):
        cn = (cum[b] + off[b]) * inv_v
        offinv = off[b] * inv_v
        c0 = jnp.where(lane == 0, offinv, _perm(cn, lanem1))
        b1 = _perm(bn[b], lanep1)
        if b < NV - 1:
            b1 = jnp.where(lane == 15, _perm(bn[b + 1], lane0), b1)
        dC = cn - c0
        dB = b1 - bn[b]
        S = jnp.where(dC < 1e-5, dB, dB / dC)
        A = bn[b] - c0 * S
        sv[pl.ds(rrow + 16 * b, 16)] = S
        av[pl.ds(rrow + 16 * b, 16)] = A
        kb = (cn * 128.0 + 0.49999997).astype(jnp.int32)
        plsc.addupdate_scatter(hrow, [kb], ones)


def _ray_sample(r, ov, sv, av, hv):
    lane = lax.iota(jnp.int32, 16)
    lane_f = lane.astype(jnp.float32)
    lane15 = jnp.full((16,), 15, jnp.int32)

    rrow = r * NBIN
    hbase = r * HSTRIDE

    hcum = []
    for b in range(NV):
        hb = hv[pl.ds(hbase + 16 * b, 16)]
        hcum.append(plsc.cumsum(hb))
    hs = [_perm(hcum[b], lane15) for b in range(NV)]
    hoff = [jnp.zeros((16,), jnp.int32)]
    for b in range(NV - 1):
        hoff.append(hoff[b] + hs[b])

    srow_ref = sv.at[pl.ds(rrow, NBIN)]
    arow_ref = av.at[pl.ds(rrow, NBIN)]
    for b in range(NV):
        below = hcum[b] + hoff[b]
        Sg = plsc.load_gather(srow_ref, [below])
        Ag = plsc.load_gather(arow_ref, [below])
        ub = (lane_f + (16.0 * b + 0.5)) * (1.0 / 128.0)
        ov[pl.ds(r * NSAMP + 16 * b, 16)] = Ag + ub * Sg


@functools.partial(
    pl.kernel,
    out_type=jax.ShapeDtypeStruct((N_RAYS * NSAMP,), jnp.float32),
    mesh=plsc.VectorSubcoreMesh(core_axis_name="c", subcore_axis_name="s"),
    compiler_params=pltpu.CompilerParams(needs_layout_passes=False),
    scratch_types=[
        pltpu.VMEM((CHUNK * NWEIGHT + 16,), jnp.float32),
        pltpu.VMEM((CHUNK * NWEIGHT + 16,), jnp.float32),
        pltpu.VMEM((CHUNK * NBIN,), jnp.float32),
        pltpu.VMEM((CHUNK * NBIN,), jnp.float32),
        pltpu.VMEM((CHUNK * NSAMP,), jnp.float32),
        pltpu.VMEM((CHUNK * NSAMP,), jnp.float32),
        pltpu.VMEM((CHUNK * NBIN,), jnp.float32),
        pltpu.VMEM((CHUNK * NBIN,), jnp.float32),
        pltpu.VMEM((CHUNK * HSTRIDE,), jnp.int32),
        pltpu.SemaphoreType.DMA,
        pltpu.SemaphoreType.DMA,
        pltpu.SemaphoreType.DMA,
        pltpu.SemaphoreType.DMA,
    ],
)
def _sample_pdf_sc(b_hbm, w_hbm, o_hbm, wv0, wv1, bv0, bv1, ov0, ov1,
                   sv, av, hv, si0, si1, so0, so1):
    wid = lax.axis_index("s") * NUM_CORES + lax.axis_index("c")
    tile_base = wid * RAYS_PER_W
    bufs = ((wv0, bv0, ov0, si0, so0), (wv1, bv1, ov1, si1, so1))

    def in_slices(c):
        rbase = tile_base + c * CHUNK
        return (w_hbm.at[pl.ds(rbase * NWEIGHT, CHUNK * NWEIGHT)],
                b_hbm.at[pl.ds(rbase * NBIN, CHUNK * NBIN)])

    def out_slice(c):
        rbase = tile_base + c * CHUNK
        return o_hbm.at[pl.ds(rbase * NSAMP, CHUNK * NSAMP)]

    def start_in(c, wvx, bvx, sin):
        wh, bh = in_slices(c)
        pltpu.async_copy(wh, wvx.at[pl.ds(0, CHUNK * NWEIGHT)], sin)
        pltpu.async_copy(bh, bvx, sin)

    def wait_in(c, wvx, bvx, sin):
        wh, bh = in_slices(c)
        pltpu.make_async_copy(wh, wvx.at[pl.ds(0, CHUNK * NWEIGHT)], sin).wait()
        pltpu.make_async_copy(bh, bvx, sin).wait()

    start_in(0, wv0, bv0, si0)
    start_in(1, wv1, bv1, si1)

    def pair_body(g, carry):
        for par, (wvx, bvx, ovx, sin, sout) in enumerate(bufs):
            c = 2 * g + par
            wait_in(c, wvx, bvx, sin)

            @pl.when(c >= 2)
            def _drain_prev_out():
                pltpu.make_async_copy(ovx, out_slice(c - 2), sout).wait()

            @plsc.parallel_loop(0, CHUNK, unroll=5)
            def _rays_a(r):
                _ray_prep(r, wvx, bvx, sv, av, hv)

            @plsc.parallel_loop(0, CHUNK, unroll=8)
            def _rays_b(r):
                _ray_sample(r, ovx, sv, av, hv)

            pltpu.async_copy(ovx, out_slice(c), sout)

            @pl.when(c + 2 < NCHUNK)
            def _prefetch_next():
                start_in(c + 2, wvx, bvx, sin)
        return carry

    lax.fori_loop(0, NCHUNK // 2, pair_body, 0)

    pltpu.make_async_copy(ov0, out_slice(NCHUNK - 2), so0).wait()
    pltpu.make_async_copy(ov1, out_slice(NCHUNK - 1), so1).wait()


def kernel(bins, weights, n_samples):
    del n_samples
    out = _sample_pdf_sc(bins.reshape(-1), weights.reshape(-1))
    return out.reshape(N_RAYS, NSAMP)

# --- scband reference (transcript-rebuilt; emitter-appended) ---
"""Pipeline reference for scband-ne-rfrenderer-67456756351271 (READ-ONLY COPY).

The authoritative reference and input builder live on the scoring server;
editing this copy changes nothing except your own understanding.
"""

import jax, jax.numpy as jnp
import numpy as np

N_RAYS = 131072
N_BINS = 128  # bins per ray (z_vals_mid); weights has N_BINS-1 entries
N_SAMPLES = 128


def setup_inputs(seed: int = 0) -> dict:
    key = jax.random.key(seed)
    k1, k2 = jax.random.split(key)
    # bins are per-ray z-value midpoints: must be monotonically increasing
    raw = jax.random.uniform(k1, (N_RAYS, N_BINS), dtype=jnp.float32)
    bins = jnp.cumsum(raw + 0.01, axis=-1)
    weights = jax.random.uniform(k2, (N_RAYS, N_BINS - 1), dtype=jnp.float32)
    return {"bins": bins, "weights": weights, "n_samples": N_SAMPLES}


def reference(bins, weights, n_samples):
    # Faithful translation of sample_pdf(bins, weights, n_samples, det=True)
    weights = weights + 1e-05
    pdf = weights / jnp.sum(weights, axis=-1, keepdims=True)
    cdf = jnp.cumsum(pdf, axis=-1)
    cdf = jnp.concatenate([jnp.zeros_like(cdf[..., :1]), cdf], axis=-1)  # [N, N_BINS]
    # det=True: evenly spaced u
    u = jnp.linspace(0.5 / n_samples, 1.0 - 0.5 / n_samples, N_SAMPLES, dtype=jnp.float32)
    u = jnp.broadcast_to(u, cdf.shape[:-1] + (N_SAMPLES,))
    # batched searchsorted (right) over the ray dimension
    inds = jax.vmap(lambda c, uu: jnp.searchsorted(c, uu, side='right'))(cdf, u)
    below = jnp.maximum(inds - 1, 0)
    above = jnp.minimum(inds, cdf.shape[-1] - 1)
    # gather cdf/bin values at below/above (equivalent to torch.gather on expanded tensors)
    cdf_g0 = jnp.take_along_axis(cdf, below, axis=-1)
    cdf_g1 = jnp.take_along_axis(cdf, above, axis=-1)
    bins_g0 = jnp.take_along_axis(bins, below, axis=-1)
    bins_g1 = jnp.take_along_axis(bins, above, axis=-1)
    denom = cdf_g1 - cdf_g0
    denom = jnp.where(denom < 1e-05, jnp.ones_like(denom), denom)
    t = (u - cdf_g0) / denom
    samples = bins_g0 + t * (bins_g1 - bins_g0)
    return samples

if __name__ == "__main__":
    import jax
    _d = setup_inputs()
    print(jax.jit(kernel)(*tuple(_d.values())))

</pallas_src>

<mosaic_0001>
#map = affine_map<(d0, d1) -> (0)>
module attributes {stable_mosaic.version = 14 : i64} {
  func.func @_sample_pdf_sc(%arg0: i32, %arg1: i32, %arg2: memref<16777216xf32, #tpu.memory_space<hbm>>, %arg3: memref<16646144xf32, #tpu.memory_space<hbm>>, %arg4: memref<16777216xf32, #tpu.memory_space<hbm>>, %arg5: memref<8144xf32, #tpu.memory_space<vmem>>, %arg6: memref<8144xf32, #tpu.memory_space<vmem>>, %arg7: memref<8192xf32, #tpu.memory_space<vmem>>, %arg8: memref<8192xf32, #tpu.memory_space<vmem>>, %arg9: memref<8192xf32, #tpu.memory_space<vmem>>, %arg10: memref<8192xf32, #tpu.memory_space<vmem>>, %arg11: memref<8192xf32, #tpu.memory_space<vmem>>, %arg12: memref<8192xf32, #tpu.memory_space<vmem>>, %arg13: memref<9216xi32, #tpu.memory_space<vmem>>, %arg14: memref<!tpu.dma_semaphore, #tpu.memory_space<semaphore_mem>>, %arg15: memref<!tpu.dma_semaphore, #tpu.memory_space<semaphore_mem>>, %arg16: memref<!tpu.dma_semaphore, #tpu.memory_space<semaphore_mem>>, %arg17: memref<!tpu.dma_semaphore, #tpu.memory_space<semaphore_mem>>) attributes {dimension_semantics = [#tpu.dimension_semantics<core_parallel>, #tpu.dimension_semantics<subcore_parallel>], iteration_bounds = array<i64: 2, 16>, scalar_prefetch = 0 : i64, scratch_operands = 13 : i64, tpu.core_type = #tpu.core_type<sc_vector_subcore>, window_params = [{transform_indices = #map}, {transform_indices = #map}, {transform_indices = #map}]} {
    %mul3A = arith.constant 2 : i32
    %mul3A_0 = arith.muli %arg1, %mul3A : i32
    %add3A = arith.addi %mul3A_0, %arg0 : i32
    %mul3A_1 = arith.constant 4096 : i32
    %mul3A_2 = arith.muli %add3A, %mul3A_1 : i32
    %add3A_3 = arith.constant 0 : i32
    %add3A_4 = arith.addi %mul3A_2, %add3A_3 : i32
    %mul3A_5 = arith.constant 127 : i32
    %mul3A_6 = arith.muli %add3A_4, %mul3A_5 : i32
    %mul3A_7 = arith.constant 128 : i32
    %mul3A_8 = arith.muli %add3A_4, %mul3A_7 : i32
    %dma_start3A = arith.constant 0 : i32
    %dma_start3A_9 = tpu.memref_slice %arg5[%dma_start3A] : memref<8144xf32, #tpu.memory_space<vmem>> -> memref<8128xf32, #tpu.memory_space<vmem>>
    %dma_start3A_10 = tpu.memref_slice %arg3[%mul3A_6] : memref<16646144xf32, #tpu.memory_space<hbm>> -> memref<8128xf32, #tpu.memory_space<hbm>>
    %dma_start3A_11 = arith.constant 0 : i32
    %dma_start3A_12 = tpu.memref_slice %arg5[%dma_start3A_11] : memref<8144xf32, #tpu.memory_space<vmem>> -> memref<8128xf32, #tpu.memory_space<vmem>>
    %dma_start3A_13 = tpu.memref_slice %arg3[%mul3A_6] : memref<16646144xf32, #tpu.memory_space<hbm>> -> memref<8128xf32, #tpu.memory_space<hbm>>
    tpu.enqueue_dma source(%dma_start3A_13 : memref<8128xf32, #tpu.memory_space<hbm>>) target(%dma_start3A_12 : memref<8128xf32, #tpu.memory_space<vmem>>) target_semaphore(%arg14 : memref<!tpu.dma_semaphore, #tpu.memory_space<semaphore_mem>>)
    %dma_start3A_14 = tpu.memref_slice %arg2[%mul3A_8] : memref<16777216xf32, #tpu.memory_space<hbm>> -> memref<8192xf32, #tpu.memory_space<hbm>>
    %dma_start3A_15 = tpu.memref_slice %arg2[%mul3A_8] : memref<16777216xf32, #tpu.memory_space<hbm>> -> memref<8192xf32, #tpu.memory_space<hbm>>
    tpu.enqueue_dma source(%dma_start3A_15 : memref<8192xf32, #tpu.memory_space<hbm>>) target(%arg7 : memref<8192xf32, #tpu.memory_space<vmem>>) target_semaphore(%arg14 : memref<!tpu.dma_semaphore, #tpu.memory_space<semaphore_mem>>)
    %add3A_16 = arith.constant 64 : i32
    %add3A_17 = arith.addi %mul3A_2, %add3A_16 : i32
    %mul3A_18 = arith.constant 127 : i32
    %mul3A_19 = arith.muli %add3A_17, %mul3A_18 : i32
    %mul3A_20 = arith.constant 128 : i32
    %mul3A_21 = arith.muli %add3A_17, %mul3A_20 : i32
    %dma_start3A_22 = arith.constant 0 : i32
    %dma_start3A_23 = tpu.memref_slice %arg6[%dma_start3A_22] : memref<8144xf32, #tpu.memory_space<vmem>> -> memref<8128xf32, #tpu.memory_space<vmem>>
    %dma_start3A_24 = tpu.memref_slice %arg3[%mul3A_19] : memref<16646144xf32, #tpu.memory_space<hbm>> -> memref<8128xf32, #tpu.memory_space<hbm>>
    %dma_start3A_25 = arith.constant 0 : i32
    %dma_start3A_26 = tpu.memref_slice %arg6[%dma_start3A_25] : memref<8144xf32, #tpu.memory_space<vmem>> -> memref<8128xf32, #tpu.memory_space<vmem>>
    %dma_start3A_27 = tpu.memref_slice %arg3[%mul3A_19] : memref<16646144xf32, #tpu.memory_space<hbm>> -> memref<8128xf32, #tpu.memory_space<hbm>>
    tpu.enqueue_dma source(%dma_start3A_27 : memref<8128xf32, #tpu.memory_space<hbm>>) target(%dma_start3A_26 : memref<8128xf32, #tpu.memory_space<vmem>>) target_semaphore(%arg15 : memref<!tpu.dma_semaphore, #tpu.memory_space<semaphore_mem>>)
    %dma_start3A_28 = tpu.memref_slice %arg2[%mul3A_21] : memref<16777216xf32, #tpu.memory_space<hbm>> -> memref<8192xf32, #tpu.memory_space<hbm>>
    %dma_start3A_29 = tpu.memref_slice %arg2[%mul3A_21] : memref<16777216xf32, #tpu.memory_space<hbm>> -> memref<8192xf32, #tpu.memory_space<hbm>>
    tpu.enqueue_dma source(%dma_start3A_29 : memref<8192xf32, #tpu.memory_space<hbm>>) target(%arg8 : memref<8192xf32, #tpu.memory_space<vmem>>) target_semaphore(%arg15 : memref<!tpu.dma_semaphore, #tpu.memory_space<semaphore_mem>>)
    %scan3A = arith.constant 0 : i32
    %scan3A_30 = arith.constant 0 : i32
    %scan3A_31 = arith.constant 32 : i32
    %scan3A_32 = arith.addi %scan3A_30, %scan3A_31 : i32
    %scan3A_33 = arith.constant 1 : i32
    scf.for %scan3A_46 = %scan3A_30 to %scan3A_32 step %scan3A_33  : i32 {
      %mul3A_47 = arith.constant 2 : i32
      %mul3A_48 = arith.muli %mul3A_47, %scan3A_46 : i32
      %add3A_49 = arith.constant 0 : i32
      %add3A_50 = arith.addi %mul3A_48, %add3A_49 : i32
      %mul3A_51 = arith.constant 64 : i32
      %mul3A_52 = arith.muli %add3A_50, %mul3A_51 : i32
      %add3A_53 = arith.addi %mul3A_2, %mul3A_52 : i32
      %mul3A_54 = arith.constant 127 : i32
      %mul3A_55 = arith.muli %add3A_53, %mul3A_54 : i32
      %mul3A_56 = arith.constant 128 : i32
      %mul3A_57 = arith.muli %add3A_53, %mul3A_56 : i32
      %dma_wait3A_58 = arith.constant 0 : i32
      %dma_wait3A_59 = tpu.memref_slice %arg5[%dma_wait3A_58] : memref<8144xf32, #tpu.memory_space<vmem>> -> memref<8128xf32, #tpu.memory_space<vmem>>
      %dma_wait3A_60 = tpu.memref_slice %arg3[%mul3A_55] : memref<16646144xf32, #tpu.memory_space<hbm>> -> memref<8128xf32, #tpu.memory_space<hbm>>
      %dma_wait3A_61 = arith.constant 0 : i32
      %dma_wait3A_62 = tpu.memref_slice %arg5[%dma_wait3A_61] : memref<8144xf32, #tpu.memory_space<vmem>> -> memref<8128xf32, #tpu.memory_space<vmem>>
      %dma_wait3A_63 = tpu.memref_slice %arg3[%mul3A_55] : memref<16646144xf32, #tpu.memory_space<hbm>> -> memref<8128xf32, #tpu.memory_space<hbm>>
      tpu.wait_dma2 semaphore(%arg14 : memref<!tpu.dma_semaphore, #tpu.memory_space<semaphore_mem>>) src(%dma_wait3A_63 : memref<8128xf32, #tpu.memory_space<hbm>>) dst(%dma_wait3A_62 : memref<8128xf32, #tpu.memory_space<vmem>>)
      %dma_wait3A_64 = tpu.memref_slice %arg2[%mul3A_57] : memref<16777216xf32, #tpu.memory_space<hbm>> -> memref<8192xf32, #tpu.memory_space<hbm>>
      %dma_wait3A_65 = tpu.memref_slice %arg2[%mul3A_57] : memref<16777216xf32, #tpu.memory_space<hbm>> -> memref<8192xf32, #tpu.memory_space<hbm>>
      tpu.wait_dma2 semaphore(%arg14 : memref<!tpu.dma_semaphore, #tpu.memory_space<semaphore_mem>>) src(%dma_wait3A_65 : memref<8192xf32, #tpu.memory_space<hbm>>) dst(%arg7 : memref<8192xf32, #tpu.memory_space<vmem>>)
      %ge3A = arith.constant 2 : i32
      %ge3A_66 = arith.cmpi sge, %add3A_50, %ge3A : i32
      %convert_element_type3A = arith.extui %ge3A_66 : i1 to i32
      %cond3A = arith.constant 0 : i32
      %cond3A_67 = arith.cmpi ne, %convert_element_type3A, %cond3A : i32
      scf.if %cond3A_67 {
        %sub3A = arith.constant 2 : i32
        %sub3A_130 = arith.subi %add3A_50, %sub3A : i32
        %mul3A_131 = arith.constant 64 : i32
        %mul3A_132 = arith.muli %sub3A_130, %mul3A_131 : i32
        %add3A_133 = arith.addi %mul3A_2, %mul3A_132 : i32
        %mul3A_134 = arith.constant 128 : i32
        %mul3A_135 = arith.muli %add3A_133, %mul3A_134 : i32
        %dma_wait3A_136 = tpu.memref_slice %arg4[%mul3A_135] : memref<16777216xf32, #tpu.memory_space<hbm>> -> memref<8192xf32, #tpu.memory_space<hbm>>
        %dma_wait3A_137 = tpu.memref_slice %arg4[%mul3A_135] : memref<16777216xf32, #tpu.memory_space<hbm>> -> memref<8192xf32, #tpu.memory_space<hbm>>
        tpu.wait_dma2 semaphore(%arg16 : memref<!tpu.dma_semaphore, #tpu.memory_space<semaphore_mem>>) src(%arg9 : memref<8192xf32, #tpu.memory_space<vmem>>) dst(%dma_wait3A_137 : memref<8192xf32, #tpu.memory_space<hbm>>)
      } else {
      }
      %parallel_loop3A = arith.constant 0 : i32
      %parallel_loop3A_68 = arith.constant 64 : i32
      %parallel_loop3A_69 = arith.constant 1 : i32
      scf.for %parallel_loop3A_130 = %parallel_loop3A to %parallel_loop3A_68 step %parallel_loop3A_69  : i32 {
        %parallel_loop3A_131 = tpu.iota {dimensions = array<i32: 0>} : vector<16xi32>
        %parallel_loop3A_132 = arith.constant 0.000000e+00 : f32
        %parallel_loop3A_133 = vector.broadcast %parallel_loop3A_132 : f32 to vector<16xf32>
        %parallel_loop3A_134 = arith.constant 15 : i32
        %parallel_loop3A_135 = vector.broadcast %parallel_loop3A_134 : i32 to vector<16xi32>
        %parallel_loop3A_136 = arith.constant 0 : i32
        %parallel_loop3A_137 = vector.broadcast %parallel_loop3A_136 : i32 to vector<16xi32>
        %parallel_loop3A_138 = arith.constant 1 : i32
        %parallel_loop3A_139 = vector.broadcast %parallel_loop3A_138 : i32 to vector<16xi32>
        %parallel_loop3A_140 = arith.subi %parallel_loop3A_131, %parallel_loop3A_139 : vector<16xi32>
        %parallel_loop3A_141 = arith.constant 0 : i32
        %parallel_loop3A_142 = vector.broadcast %parallel_loop3A_141 : i32 to vector<16xi32>
        %parallel_loop3A_143 = arith.maxsi %parallel_loop3A_140, %parallel_loop3A_142 : vector<16xi32>
        %parallel_loop3A_144 = arith.constant 1 : i32
        %parallel_loop3A_145 = vector.broadcast %parallel_loop3A_144 : i32 to vector<16xi32>
        %parallel_loop3A_146 = arith.addi %parallel_loop3A_131, %parallel_loop3A_145 : vector<16xi32>
        %parallel_loop3A_147 = arith.constant 15 : i32
        %parallel_loop3A_148 = vector.broadcast %parallel_loop3A_147 : i32 to vector<16xi32>
        %parallel_loop3A_149 = arith.minsi %parallel_loop3A_146, %parallel_loop3A_148 : vector<16xi32>
        %parallel_loop3A_150 = arith.constant 127 : i32
        %parallel_loop3A_151 = arith.muli %parallel_loop3A_130, %parallel_loop3A_150 : i32
        %parallel_loop3A_152 = arith.constant 128 : i32
        %parallel_loop3A_153 = arith.muli %parallel_loop3A_130, %parallel_loop3A_152 : i32
        %parallel_loop3A_154 = arith.constant 144 : i32
        %parallel_loop3A_155 = arith.muli %parallel_loop3A_130, %parallel_loop3A_154 : i32
        %parallel_loop3A_156 = arith.constant 0 : i32
        %parallel_loop3A_157 = arith.addi %parallel_loop3A_151, %parallel_loop3A_156 : i32
        %parallel_loop3A_158 = arith.index_cast %parallel_loop3A_157 : i32 to index
        %parallel_loop3A_159 = tpu.vector_load %arg5[%parallel_loop3A_158] {strides = array<i32>} : memref<8144xf32, #tpu.memory_space<vmem>>, vector<16xf32>,
        %parallel_loop3A_160 = arith.constant 9.99999974E-6 : f32
        %parallel_loop3A_161 = vector.broadcast %parallel_loop3A_160 : f32 to vector<16xf32>
        %parallel_loop3A_162 = arith.addf %parallel_loop3A_159, %parallel_loop3A_161 : vector<16xf32>
        %parallel_loop3A_163 = arith.constant 16 : i32
        %parallel_loop3A_164 = arith.addi %parallel_loop3A_151, %parallel_loop3A_163 : i32
        %parallel_loop3A_165 = arith.index_cast %parallel_loop3A_164 : i32 to index
        %parallel_loop3A_166 = tpu.vector_load %arg5[%parallel_loop3A_165] {strides = array<i32>} : memref<8144xf32, #tpu.memory_space<vmem>>, vector<16xf32>,
        %parallel_loop3A_167 = arith.constant 9.99999974E-6 : f32
        %parallel_loop3A_168 = vector.broadcast %parallel_loop3A_167 : f32 to vector<16xf32>
        %parallel_loop3A_169 = arith.addf %parallel_loop3A_166, %parallel_loop3A_168 : vector<16xf32>
        %parallel_loop3A_170 = arith.constant 32 : i32
        %parallel_loop3A_171 = arith.addi %parallel_loop3A_151, %parallel_loop3A_170 : i32
        %parallel_loop3A_172 = arith.index_cast %parallel_loop3A_171 : i32 to index
        %parallel_loop3A_173 = tpu.vector_load %arg5[%parallel_loop3A_172] {strides = array<i32>} : memref<8144xf32, #tpu.memory_space<vmem>>, vector<16xf32>,
        %parallel_loop3A_174 = arith.constant 9.99999974E-6 : f32
        %parallel_loop3A_175 = vector.broadcast %parallel_loop3A_174 : f32 to vector<16xf32>
        %parallel_loop3A_176 = arith.addf %parallel_loop3A_173, %parallel_loop3A_175 : vector<16xf32>
        %parallel_loop3A_177 = arith.constant 48 : i32
        %parallel_loop3A_178 = arith.addi %parallel_loop3A_151, %parallel_loop3A_177 : i32
        %parallel_loop3A_179 = arith.index_cast %parallel_loop3A_178 : i32 to index
        %parallel_loop3A_180 = tpu.vector_load %arg5[%parallel_loop3A_179] {strides = array<i32>} : memref<8144xf32, #tpu.memory_space<vmem>>, vector<16xf32>,
        %parallel_loop3A_181 = arith.constant 9.99999974E-6 : f32
        %parallel_loop3A_182 = vector.broadcast %parallel_loop3A_181 : f32 to vector<16xf32>
        %parallel_loop3A_183 = arith.addf %parallel_loop3A_180, %parallel_loop3A_182 : vector<16xf32>
        %parallel_loop3A_184 = arith.constant 64 : i32
        %parallel_loop3A_185 = arith.addi %parallel_loop3A_151, %parallel_loop3A_184 : i32
        %parallel_loop3A_186 = arith.index_cast %parallel_loop3A_185 : i32 to index
        %parallel_loop3A_187 = tpu.vector_load %arg5[%parallel_loop3A_186] {strides = array<i32>} : memref<8144xf32, #tpu.memory_space<vmem>>, vector<16xf32>,
        %parallel_loop3A_188 = arith.constant 9.99999974E-6 : f32
        %parallel_loop3A_189 = vector.broadcast %parallel_loop3A_188 : f32 to vector<16xf32>
        %parallel_loop3A_190 = arith.addf %parallel_loop3A_187, %parallel_loop3A_189 : vector<16xf32>
        %parallel_loop3A_191 = arith.constant 80 : i32
        %parallel_loop3A_192 = arith.addi %parallel_loop3A_151, %parallel_loop3A_191 : i32
        %parallel_loop3A_193 = arith.index_cast %parallel_loop3A_192 : i32 to index
        %parallel_loop3A_194 = tpu.vector_load %arg5[%parallel_loop3A_193] {strides = array<i32>} : memref<8144xf32, #tpu.memory_space<vmem>>, vector<16xf32>,
        %parallel_loop3A_195 = arith.constant 9.99999974E-6 : f32
        %parallel_loop3A_196 = vector.broadcast %parallel_loop3A_195 : f32 to vector<16xf32>
        %parallel_loop3A_197 = arith.addf %parallel_loop3A_194, %parallel_loop3A_196 : vector<16xf32>
        %parallel_loop3A_198 = arith.constant 96 : i32
        %parallel_loop3A_199 = arith.addi %parallel_loop3A_151, %parallel_loop3A_198 : i32
        %parallel_loop3A_200 = arith.index_cast %parallel_loop3A_199 : i32 to index
        %parallel_loop3A_201 = tpu.vector_load %arg5[%parallel_loop3A_200] {strides = array<i32>} : memref<8144xf32, #tpu.memory_space<vmem>>, vector<16xf32>,
        %parallel_loop3A_202 = arith.constant 9.99999974E-6 : f32
        %parallel_loop3A_203 = vector.broadcast %parallel_loop3A_202 : f32 to vector<16xf32>
        %parallel_loop3A_204 = arith.addf %parallel_loop3A_201, %parallel_loop3A_203 : vector<16xf32>
        %parallel_loop3A_205 = arith.constant 112 : i32
        %parallel_loop3A_206 = arith.addi %parallel_loop3A_151, %parallel_loop3A_205 : i32
        %parallel_loop3A_207 = arith.index_cast %parallel_loop3A_206 : i32 to index
        %parallel_loop3A_208 = tpu.vector_load %arg5[%parallel_loop3A_207] {strides = array<i32>} : memref<8144xf32, #tpu.memory_space<vmem>>, vector<16xf32>,
        %parallel_loop3A_209 = arith.constant 9.99999974E-6 : f32
        %parallel_loop3A_210 = vector.broadcast %parallel_loop3A_209 : f32 to vector<16xf32>
        %parallel_loop3A_211 = arith.addf %parallel_loop3A_208, %parallel_loop3A_210 : vector<16xf32>
        %parallel_loop3A_212 = arith.constant 15 : i32
        %parallel_loop3A_213 = vector.broadcast %parallel_loop3A_212 : i32 to vector<16xi32>
        %parallel_loop3A_214 = arith.cmpi slt, %parallel_loop3A_131, %parallel_loop3A_213 : vector<16xi32>
        %parallel_loop3A_215 = arith.constant 0.000000e+00 : f32
        %parallel_loop3A_216 = vector.broadcast %parallel_loop3A_215 : f32 to vector<16xf32>
        %parallel_loop3A_217 = arith.select %parallel_loop3A_214, %parallel_loop3A_211, %parallel_loop3A_216 : vector<16xi1>, vector<16xf32>
        %parallel_loop3A_218 = arith.constant true
        %parallel_loop3A_219 = vector.broadcast %parallel_loop3A_218 : i1 to vector<16xi1>
        %parallel_loop3A_220 = tpu.scan <sum>, %parallel_loop3A_162 masked %parallel_loop3A_219 : vector<16xf32>, vector<16xi1> -> vector<16xf32>
        %parallel_loop3A_221 = arith.constant true
        %parallel_loop3A_222 = vector.broadcast %parallel_loop3A_221 : i1 to vector<16xi1>
        %parallel_loop3A_223 = tpu.scan <sum>, %parallel_loop3A_169 masked %parallel_loop3A_222 : vector<16xf32>, vector<16xi1> -> vector<16xf32>
        %parallel_loop3A_224 = arith.constant true
        %parallel_loop3A_225 = vector.broadcast %parallel_loop3A_224 : i1 to vector<16xi1>
        %parallel_loop3A_226 = tpu.scan <sum>, %parallel_loop3A_176 masked %parallel_loop3A_225 : vector<16xf32>, vector<16xi1> -> vector<16xf32>
        %parallel_loop3A_227 = arith.constant true
        %parallel_loop3A_228 = vector.broadcast %parallel_loop3A_227 : i1 to vector<16xi1>
        %parallel_loop3A_229 = tpu.scan <sum>, %parallel_loop3A_183 masked %parallel_loop3A_228 : vector<16xf32>, vector<16xi1> -> vector<16xf32>
        %parallel_loop3A_230 = arith.constant true
        %parallel_loop3A_231 = vector.broadcast %parallel_loop3A_230 : i1 to vector<16xi1>
        %parallel_loop3A_232 = tpu.scan <sum>, %parallel_loop3A_190 masked %parallel_loop3A_231 : vector<16xf32>, vector<16xi1> -> vector<16xf32>
        %parallel_loop3A_233 = arith.constant true
        %parallel_loop3A_234 = vector.broadcast %parallel_loop3A_233 : i1 to vector<16xi1>
        %parallel_loop3A_235 = tpu.scan <sum>, %parallel_loop3A_197 masked %parallel_loop3A_234 : vector<16xf32>, vector<16xi1> -> vector<16xf32>
        %parallel_loop3A_236 = arith.constant true
        %parallel_loop3A_237 = vector.broadcast %parallel_loop3A_236 : i1 to vector<16xi1>
        %parallel_loop3A_238 = tpu.scan <sum>, %parallel_loop3A_204 masked %parallel_loop3A_237 : vector<16xf32>, vector<16xi1> -> vector<16xf32>
        %parallel_loop3A_239 = arith.constant true
        %parallel_loop3A_240 = vector.broadcast %parallel_loop3A_239 : i1 to vector<16xi1>
        %parallel_loop3A_241 = tpu.scan <sum>, %parallel_loop3A_217 masked %parallel_loop3A_240 : vector<16xf32>, vector<16xi1> -> vector<16xf32>
        %parallel_loop3A_242 = vector.shape_cast %parallel_loop3A_135 : vector<16xi32> to vector<16x1xi32>
        %parallel_loop3A_243 = vector.shape_cast %parallel_loop3A_242 : vector<16x1xi32> to vector<16xi32>
        %parallel_loop3A_244 = tpu.dynamic_gather %parallel_loop3A_220[%parallel_loop3A_243] in [0] : vector<16xf32>, vector<16xi32> -> vector<16xf32>
        %parallel_loop3A_245 = vector.shape_cast %parallel_loop3A_135 : vector<16xi32> to vector<16x1xi32>
        %parallel_loop3A_246 = vector.shape_cast %parallel_loop3A_245 : vector<16x1xi32> to vector<16xi32>
        %parallel_loop3A_247 = tpu.dynamic_gather %parallel_loop3A_223[%parallel_loop3A_246] in [0] : vector<16xf32>, vector<16xi32> -> vector<16xf32>
        %parallel_loop3A_248 = vector.shape_cast %parallel_loop3A_135 : vector<16xi32> to vector<16x1xi32>
        %parallel_loop3A_249 = vector.shape_cast %parallel_loop3A_248 : vector<16x1xi32> to vector<16xi32>
        %parallel_loop3A_250 = tpu.dynamic_gather %parallel_loop3A_226[%parallel_loop3A_249] in [0] : vector<16xf32>, vector<16xi32> -> vector<16xf32>
        %parallel_loop3A_251 = vector.shape_cast %parallel_loop3A_135 : vector<16xi32> to vector<16x1xi32>
        %parallel_loop3A_252 = vector.shape_cast %parallel_loop3A_251 : vector<16x1xi32> to vector<16xi32>
        %parallel_loop3A_253 = tpu.dynamic_gather %parallel_loop3A_229[%parallel_loop3A_252] in [0] : vector<16xf32>, vector<16xi32> -> vector<16xf32>
        %parallel_loop3A_254 = vector.shape_cast %parallel_loop3A_135 : vector<16xi32> to vector<16x1xi32>
        %parallel_loop3A_255 = vector.shape_cast %parallel_loop3A_254 : vector<16x1xi32> to vector<16xi32>
        %parallel_loop3A_256 = tpu.dynamic_gather %parallel_loop3A_232[%parallel_loop3A_255] in [0] : vector<16xf32>, vector<16xi32> -> vector<16xf32>
        %parallel_loop3A_257 = vector.shape_cast %parallel_loop3A_135 : vector<16xi32> to vector<16x1xi32>
        %parallel_loop3A_258 = vector.shape_cast %parallel_loop3A_257 : vector<16x1xi32> to vector<16xi32>
        %parallel_loop3A_259 = tpu.dynamic_gather %parallel_loop3A_235[%parallel_loop3A_258] in [0] : vector<16xf32>, vector<16xi32> -> vector<16xf32>
        %parallel_loop3A_260 = vector.shape_cast %parallel_loop3A_135 : vector<16xi32> to vector<16x1xi32>
        %parallel_loop3A_261 = vector.shape_cast %parallel_loop3A_260 : vector<16x1xi32> to vector<16xi32>
        %parallel_loop3A_262 = tpu.dynamic_gather %parallel_loop3A_238[%parallel_loop3A_261] in [0] : vector<16xf32>, vector<16xi32> -> vector<16xf32>
        %parallel_loop3A_263 = vector.shape_cast %parallel_loop3A_135 : vector<16xi32> to vector<16x1xi32>
        %parallel_loop3A_264 = vector.shape_cast %parallel_loop3A_263 : vector<16x1xi32> to vector<16xi32>
        %parallel_loop3A_265 = tpu.dynamic_gather %parallel_loop3A_241[%parallel_loop3A_264] in [0] : vector<16xf32>, vector<16xi32> -> vector<16xf32>
        %parallel_loop3A_266 = arith.addf %parallel_loop3A_133, %parallel_loop3A_244 : vector<16xf32>
        %parallel_loop3A_267 = arith.addf %parallel_loop3A_266, %parallel_loop3A_247 : vector<16xf32>
        %parallel_loop3A_268 = arith.addf %parallel_loop3A_267, %parallel_loop3A_250 : vector<16xf32>
        %parallel_loop3A_269 = arith.addf %parallel_loop3A_268, %parallel_loop3A_253 : vector<16xf32>
        %parallel_loop3A_270 = arith.addf %parallel_loop3A_269, %parallel_loop3A_256 : vector<16xf32>
        %parallel_loop3A_271 = arith.addf %parallel_loop3A_270, %parallel_loop3A_259 : vector<16xf32>
        %parallel_loop3A_272 = arith.addf %parallel_loop3A_271, %parallel_loop3A_262 : vector<16xf32>
        %parallel_loop3A_273 = arith.addf %parallel_loop3A_272, %parallel_loop3A_265 : vector<16xf32>
        %parallel_loop3A_274 = arith.constant 1.000000e+00 : f32
        %parallel_loop3A_275 = vector.broadcast %parallel_loop3A_274 : f32 to vector<16xf32>
        %parallel_loop3A_276 = arith.divf %parallel_loop3A_275, %parallel_loop3A_273 : vector<16xf32>
        %parallel_loop3A_277 = arith.constant 0 : i32
        %parallel_loop3A_278 = arith.addi %parallel_loop3A_153, %parallel_loop3A_277 : i32
        %parallel_loop3A_279 = arith.index_cast %parallel_loop3A_278 : i32 to index
        %parallel_loop3A_280 = tpu.vector_load %arg7[%parallel_loop3A_279] {strides = array<i32>} : memref<8192xf32, #tpu.memory_space<vmem>>, vector<16xf32>,
        %parallel_loop3A_281 = arith.constant 16 : i32
        %parallel_loop3A_282 = arith.addi %parallel_loop3A_153, %parallel_loop3A_281 : i32
        %parallel_loop3A_283 = arith.index_cast %parallel_loop3A_282 : i32 to index
        %parallel_loop3A_284 = tpu.vector_load %arg7[%parallel_loop3A_283] {strides = array<i32>} : memref<8192xf32, #tpu.memory_space<vmem>>, vector<16xf32>,
        %parallel_loop3A_285 = arith.constant 32 : i32
        %parallel_loop3A_286 = arith.addi %parallel_loop3A_153, %parallel_loop3A_285 : i32
        %parallel_loop3A_287 = arith.index_cast %parallel_loop3A_286 : i32 to index
        %parallel_loop3A_288 = tpu.vector_load %arg7[%parallel_loop3A_287] {strides = array<i32>} : memref<8192xf32, #tpu.memory_space<vmem>>, vector<16xf32>,
        %parallel_loop3A_289 = arith.constant 48 : i32
        %parallel_loop3A_290 = arith.addi %parallel_loop3A_153, %parallel_loop3A_289 : i32
        %parallel_loop3A_291 = arith.index_cast %parallel_loop3A_290 : i32 to index
        %parallel_loop3A_292 = tpu.vector_load %arg7[%parallel_loop3A_291] {strides = array<i32>} : memref<8192xf32, #tpu.memory_space<vmem>>, vector<16xf32>,
        %parallel_loop3A_293 = arith.constant 64 : i32
        %parallel_loop3A_294 = arith.addi %parallel_loop3A_153, %parallel_loop3A_293 : i32
        %parallel_loop3A_295 = arith.index_cast %parallel_loop3A_294 : i32 to index
        %parallel_loop3A_296 = tpu.vector_load %arg7[%parallel_loop3A_295] {strides = array<i32>} : memref<8192xf32, #tpu.memory_space<vmem>>, vector<16xf32>,
        %parallel_loop3A_297 = arith.constant 80 : i32
        %parallel_loop3A_298 = arith.addi %parallel_loop3A_153, %parallel_loop3A_297 : i32
        %parallel_loop3A_299 = arith.index_cast %parallel_loop3A_298 : i32 to index
        %parallel_loop3A_300 = tpu.vector_load %arg7[%parallel_loop3A_299] {strides = array<i32>} : memref<8192xf32, #tpu.memory_space<vmem>>, vector<16xf32>,
        %parallel_loop3A_301 = arith.constant 96 : i32
        %parallel_loop3A_302 = arith.addi %parallel_loop3A_153, %parallel_loop3A_301 : i32
        %parallel_loop3A_303 = arith.index_cast %parallel_loop3A_302 : i32 to index
        %parallel_loop3A_304 = tpu.vector_load %arg7[%parallel_loop3A_303] {strides = array<i32>} : memref<8192xf32, #tpu.memory_space<vmem>>, vector<16xf32>,
        %parallel_loop3A_305 = arith.constant 112 : i32
        %parallel_loop3A_306 = arith.addi %parallel_loop3A_153, %parallel_loop3A_305 : i32
        %parallel_loop3A_307 = arith.index_cast %parallel_loop3A_306 : i32 to index
        %parallel_loop3A_308 = tpu.vector_load %arg7[%parallel_loop3A_307] {strides = array<i32>} : memref<8192xf32, #tpu.memory_space<vmem>>, vector<16xf32>,
        %parallel_loop3A_309 = arith.constant 0 : i32
        %parallel_loop3A_310 = vector.broadcast %parallel_loop3A_309 : i32 to vector<16xi32>
        %parallel_loop3A_311 = arith.constant 0 : i32
        %parallel_loop3A_312 = arith.addi %parallel_loop3A_155, %parallel_loop3A_311 : i32
        %parallel_loop3A_313 = arith.index_cast %parallel_loop3A_312 : i32 to index
        %parallel_loop3A_314 = tpu.vector_load %arg13[%parallel_loop3A_313] {strides = array<i32>} : memref<9216xi32, #tpu.memory_space<vmem>>, vector<16xi32>,
        tpu.vector_store %arg13[%parallel_loop3A_313], %parallel_loop3A_310 {strides = array<i32>} : memref<9216xi32, #tpu.memory_space<vmem>>, vector<16xi32>,
        %parallel_loop3A_315 = arith.constant 16 : i32
        %parallel_loop3A_316 = arith.addi %parallel_loop3A_155, %parallel_loop3A_315 : i32
        %parallel_loop3A_317 = arith.index_cast %parallel_loop3A_316 : i32 to index
        %parallel_loop3A_318 = tpu.vector_load %arg13[%parallel_loop3A_317] {strides = array<i32>} : memref<9216xi32, #tpu.memory_space<vmem>>, vector<16xi32>,
        tpu.vector_store %arg13[%parallel_loop3A_317], %parallel_loop3A_310 {strides = array<i32>} : memref<9216xi32, #tpu.memory_space<vmem>>, vector<16xi32>,
        %parallel_loop3A_319 = arith.constant 32 : i32
        %parallel_loop3A_320 = arith.addi %parallel_loop3A_155, %parallel_loop3A_319 : i32
        %parallel_loop3A_321 = arith.index_cast %parallel_loop3A_320 : i32 to index
        %parallel_loop3A_322 = tpu.vector_load %arg13[%parallel_loop3A_321] {strides = array<i32>} : memref<9216xi32, #tpu.memory_space<vmem>>, vector<16xi32>,
        tpu.vector_store %arg13[%parallel_loop3A_321], %parallel_loop3A_310 {strides = array<i32>} : memref<9216xi32, #tpu.memory_space<vmem>>, vector<16xi32>,
        %parallel_loop3A_323 = arith.constant 48 : i32
        %parallel_loop3A_324 = arith.addi %parallel_loop3A_155, %parallel_loop3A_323 : i32
        %parallel_loop3A_325 = arith.index_cast %parallel_loop3A_324 : i32 to index
        %parallel_loop3A_326 = tpu.vector_load %arg13[%parallel_loop3A_325] {strides = array<i32>} : memref<9216xi32, #tpu.memory_space<vmem>>, vector<16xi32>,
        tpu.vector_store %arg13[%parallel_loop3A_325], %parallel_loop3A_310 {strides = array<i32>} : memref<9216xi32, #tpu.memory_space<vmem>>, vector<16xi32>,
        %parallel_loop3A_327 = arith.constant 64 : i32
        %parallel_loop3A_328 = arith.addi %parallel_loop3A_155, %parallel_loop3A_327 : i32
        %parallel_loop3A_329 = arith.index_cast %parallel_loop3A_328 : i32 to index
        %parallel_loop3A_330 = tpu.vector_load %arg13[%parallel_loop3A_329] {strides = array<i32>} : memref<9216xi32, #tpu.memory_space<vmem>>, vector<16xi32>,
        tpu.vector_store %arg13[%parallel_loop3A_329], %parallel_loop3A_310 {strides = array<i32>} : memref<9216xi32, #tpu.memory_space<vmem>>, vector<16xi32>,
        %parallel_loop3A_331 = arith.constant 80 : i32
        %parallel_loop3A_332 = arith.addi %parallel_loop3A_155, %parallel_loop3A_331 : i32
        %parallel_loop3A_333 = arith.index_cast %parallel_loop3A_332 : i32 to index
        %parallel_loop3A_334 = tpu.vector_load %arg13[%parallel_loop3A_333] {strides = array<i32>} : memref<9216xi32, #tpu.memory_space<vmem>>, vector<16xi32>,
        tpu.vector_store %arg13[%parallel_loop3A_333], %parallel_loop3A_310 {strides = array<i32>} : memref<9216xi32, #tpu.memory_space<vmem>>, vector<16xi32>,
        %parallel_loop3A_335 = arith.constant 96 : i32
        %parallel_loop3A_336 = arith.addi %parallel_loop3A_155, %parallel_loop3A_335 : i32
        %parallel_loop3A_337 = arith.index_cast %parallel_loop3A_336 : i32 to index
        %parallel_loop3A_338 = tpu.vector_load %arg13[%parallel_loop3A_337] {strides = array<i32>} : memref<9216xi32, #tpu.memory_space<vmem>>, vector<16xi32>,
        tpu.vector_store %arg13[%parallel_loop3A_337], %parallel_loop3A_310 {strides = array<i32>} : memref<9216xi32, #tpu.memory_space<vmem>>, vector<16xi32>,
        %parallel_loop3A_339 = arith.constant 112 : i32
        %parallel_loop3A_340 = arith.addi %parallel_loop3A_155, %parallel_loop3A_339 : i32
        %parallel_loop3A_341 = arith.index_cast %parallel_loop3A_340 : i32 to index
        %parallel_loop3A_342 = tpu.vector_load %arg13[%parallel_loop3A_341] {strides = array<i32>} : memref<9216xi32, #tpu.memory_space<vmem>>, vector<16xi32>,
        tpu.vector_store %arg13[%parallel_loop3A_341], %parallel_loop3A_310 {strides = array<i32>} : memref<9216xi32, #tpu.memory_space<vmem>>, vector<16xi32>,
        %parallel_loop3A_343 = arith.constant 128 : i32
        %parallel_loop3A_344 = arith.addi %parallel_loop3A_155, %parallel_loop3A_343 : i32
        %parallel_loop3A_345 = arith.index_cast %parallel_loop3A_344 : i32 to index
        %parallel_loop3A_346 = tpu.vector_load %arg13[%parallel_loop3A_345] {strides = array<i32>} : memref<9216xi32, #tpu.memory_space<vmem>>, vector<16xi32>,
        tpu.vector_store %arg13[%parallel_loop3A_345], %parallel_loop3A_310 {strides = array<i32>} : memref<9216xi32, #tpu.memory_space<vmem>>, vector<16xi32>,
        %parallel_loop3A_347 = arith.constant 1 : i32
        %parallel_loop3A_348 = vector.broadcast %parallel_loop3A_347 : i32 to vector<16xi32>
        %parallel_loop3A_349 = arith.addf %parallel_loop3A_220, %parallel_loop3A_133 : vector<16xf32>
        %parallel_loop3A_350 = arith.mulf %parallel_loop3A_349, %parallel_loop3A_276 : vector<16xf32>
        %parallel_loop3A_351 = arith.mulf %parallel_loop3A_133, %parallel_loop3A_276 : vector<16xf32>
        %parallel_loop3A_352 = arith.constant 0 : i32
        %parallel_loop3A_353 = vector.broadcast %parallel_loop3A_352 : i32 to vector<16xi32>
        %parallel_loop3A_354 = arith.cmpi eq, %parallel_loop3A_131, %parallel_loop3A_353 : vector<16xi32>
        %parallel_loop3A_355 = vector.shape_cast %parallel_loop3A_143 : vector<16xi32> to vector<16x1xi32>
        %parallel_loop3A_356 = vector.shape_cast %parallel_loop3A_355 : vector<16x1xi32> to vector<16xi32>
        %parallel_loop3A_357 = tpu.dynamic_gather %parallel_loop3A_350[%parallel_loop3A_356] in [0] : vector<16xf32>, vector<16xi32> -> vector<16xf32>
        %parallel_loop3A_358 = arith.select %parallel_loop3A_354, %parallel_loop3A_351, %parallel_loop3A_357 : vector<16xi1>, vector<16xf32>
        %parallel_loop3A_359 = vector.shape_cast %parallel_loop3A_149 : vector<16xi32> to vector<16x1xi32>
        %parallel_loop3A_360 = vector.shape_cast %parallel_loop3A_359 : vector<16x1xi32> to vector<16xi32>
        %parallel_loop3A_361 = tpu.dynamic_gather %parallel_loop3A_280[%parallel_loop3A_360] in [0] : vector<16xf32>, vector<16xi32> -> vector<16xf32>
        %parallel_loop3A_362 = arith.constant 15 : i32
        %parallel_loop3A_363 = vector.broadcast %parallel_loop3A_362 : i32 to vector<16xi32>
        %parallel_loop3A_364 = arith.cmpi eq, %parallel_loop3A_131, %parallel_loop3A_363 : vector<16xi32>
        %parallel_loop3A_365 = vector.shape_cast %parallel_loop3A_137 : vector<16xi32> to vector<16x1xi32>
        %parallel_loop3A_366 = vector.shape_cast %parallel_loop3A_365 : vector<16x1xi32> to vector<16xi32>
        %parallel_loop3A_367 = tpu.dynamic_gather %parallel_loop3A_284[%parallel_loop3A_366] in [0] : vector<16xf32>, vector<16xi32> -> vector<16xf32>
        %parallel_loop3A_368 = arith.select %parallel_loop3A_364, %parallel_loop3A_367, %parallel_loop3A_361 : vector<16xi1>, vector<16xf32>
        %parallel_loop3A_369 = arith.subf %parallel_loop3A_350, %parallel_loop3A_358 : vector<16xf32>
        %parallel_loop3A_370 = arith.subf %parallel_loop3A_368, %parallel_loop3A_280 : vector<16xf32>
        %parallel_loop3A_371 = arith.constant 9.99999974E-6 : f32
        %parallel_loop3A_372 = vector.broadcast %parallel_loop3A_371 : f32 to vector<16xf32>
        %parallel_loop3A_373 = arith.cmpf olt, %parallel_loop3A_369, %parallel_loop3A_372 : vector<16xf32>
        %parallel_loop3A_374 = arith.divf %parallel_loop3A_370, %parallel_loop3A_369 : vector<16xf32>
        %parallel_loop3A_375 = arith.select %parallel_loop3A_373, %parallel_loop3A_370, %parallel_loop3A_374 : vector<16xi1>, vector<16xf32>
        %parallel_loop3A_376 = arith.mulf %parallel_loop3A_358, %parallel_loop3A_375 : vector<16xf32>
        %parallel_loop3A_377 = arith.subf %parallel_loop3A_280, %parallel_loop3A_376 : vector<16xf32>
        %parallel_loop3A_378 = arith.constant 0 : i32
        %parallel_loop3A_379 = arith.addi %parallel_loop3A_153, %parallel_loop3A_378 : i32
        %parallel_loop3A_380 = arith.index_cast %parallel_loop3A_379 : i32 to index
        %parallel_loop3A_381 = tpu.vector_load %arg11[%parallel_loop3A_380] {strides = array<i32>} : memref<8192xf32, #tpu.memory_space<vmem>>, vector<16xf32>,
        tpu.vector_store %arg11[%parallel_loop3A_380], %parallel_loop3A_375 {strides = array<i32>} : memref<8192xf32, #tpu.memory_space<vmem>>, vector<16xf32>,
        %parallel_loop3A_382 = arith.constant 0 : i32
        %parallel_loop3A_383 = arith.addi %parallel_loop3A_153, %parallel_loop3A_382 : i32
        %parallel_loop3A_384 = arith.index_cast %parallel_loop3A_383 : i32 to index
        %parallel_loop3A_385 = tpu.vector_load %arg12[%parallel_loop3A_384] {strides = array<i32>} : memref<8192xf32, #tpu.memory_space<vmem>>, vector<16xf32>,
        tpu.vector_store %arg12[%parallel_loop3A_384], %parallel_loop3A_377 {strides = array<i32>} : memref<8192xf32, #tpu.memory_space<vmem>>, vector<16xf32>,
        %parallel_loop3A_386 = arith.constant 1.280000e+02 : f32
        %parallel_loop3A_387 = vector.broadcast %parallel_loop3A_386 : f32 to vector<16xf32>
        %parallel_loop3A_388 = arith.mulf %parallel_loop3A_350, %parallel_loop3A_387 : vector<16xf32>
        %parallel_loop3A_389 = arith.constant 0.49999997 : f32
        %parallel_loop3A_390 = vector.broadcast %parallel_loop3A_389 : f32 to vector<16xf32>
        %parallel_loop3A_391 = arith.addf %parallel_loop3A_388, %parallel_loop3A_390 : vector<16xf32>
        %parallel_loop3A_392 = arith.fptosi %parallel_loop3A_391 : vector<16xf32> to vector<16xi32>
        %parallel_loop3A_393 = tpu.memref_slice %arg13[%parallel_loop3A_155] : memref<9216xi32, #tpu.memory_space<vmem>> -> memref<144xi32, #tpu.memory_space<vmem>>
        tpu.vector_store_idx %parallel_loop3A_393[%parallel_loop3A_392], %parallel_loop3A_348 {add = true} : memref<144xi32, #tpu.memory_space<vmem>>[vector<16xi32>], vector<16xi32>,
        %parallel_loop3A_394 = arith.addf %parallel_loop3A_223, %parallel_loop3A_266 : vector<16xf32>
        %parallel_loop3A_395 = arith.mulf %parallel_loop3A_394, %parallel_loop3A_276 : vector<16xf32>
        %parallel_loop3A_396 = arith.mulf %parallel_loop3A_266, %parallel_loop3A_276 : vector<16xf32>
        %parallel_loop3A_397 = arith.constant 0 : i32
        %parallel_loop3A_398 = vector.broadcast %parallel_loop3A_397 : i32 to vector<16xi32>
        %parallel_loop3A_399 = arith.cmpi eq, %parallel_loop3A_131, %parallel_loop3A_398 : vector<16xi32>
        %parallel_loop3A_400 = vector.shape_cast %parallel_loop3A_143 : vector<16xi32> to vector<16x1xi32>
        %parallel_loop3A_401 = vector.shape_cast %parallel_loop3A_400 : vector<16x1xi32> to vector<16xi32>
        %parallel_loop3A_402 = tpu.dynamic_gather %parallel_loop3A_395[%parallel_loop3A_401] in [0] : vector<16xf32>, vector<16xi32> -> vector<16xf32>
        %parallel_loop3A_403 = arith.select %parallel_loop3A_399, %parallel_loop3A_396, %parallel_loop3A_402 : vector<16xi1>, vector<16xf32>
        %parallel_loop3A_404 = vector.shape_cast %parallel_loop3A_149 : vector<16xi32> to vector<16x1xi32>
        %parallel_loop3A_405 = vector.shape_cast %parallel_loop3A_404 : vector<16x1xi32> to vector<16xi32>
        %parallel_loop3A_406 = tpu.dynamic_gather %parallel_loop3A_284[%parallel_loop3A_405] in [0] : vector<16xf32>, vector<16xi32> -> vector<16xf32>
        %parallel_loop3A_407 = arith.constant 15 : i32
        %parallel_loop3A_408 = vector.broadcast %parallel_loop3A_407 : i32 to vector<16xi32>
        %parallel_loop3A_409 = arith.cmpi eq, %parallel_loop3A_131, %parallel_loop3A_408 : vector<16xi32>
        %parallel_loop3A_410 = vector.shape_cast %parallel_loop3A_137 : vector<16xi32> to vector<16x1xi32>
        %parallel_loop3A_411 = vector.shape_cast %parallel_loop3A_410 : vector<16x1xi32> to vector<16xi32>
        %parallel_loop3A_412 = tpu.dynamic_gather %parallel_loop3A_288[%parallel_loop3A_411] in [0] : vector<16xf32>, vector<16xi32> -> vector<16xf32>
        %parallel_loop3A_413 = arith.select %parallel_loop3A_409, %parallel_loop3A_412, %parallel_loop3A_406 : vector<16xi1>, vector<16xf32>
        %parallel_loop3A_414 = arith.subf %parallel_loop3A_395, %parallel_loop3A_403 : vector<16xf32>
        %parallel_loop3A_415 = arith.subf %parallel_loop3A_413, %parallel_loop3A_284 : vector<16xf32>
        %parallel_loop3A_416 = arith.constant 9.99999974E-6 : f32
        %parallel_loop3A_417 = vector.broadcast %parallel_loop3A_416 : f32 to vector<16xf32>
        %parallel_loop3A_418 = arith.cmpf olt, %parallel_loop3A_414, %parallel_loop3A_417 : vector<16xf32>
        %parallel_loop3A_419 = arith.divf %parallel_loop3A_415, %parallel_loop3A_414 : vector<16xf32>
        %parallel_loop3A_420 = arith.select %parallel_loop3A_418, %parallel_loop3A_415, %parallel_loop3A_419 : vector<16xi1>, vector<16xf32>
        %parallel_loop3A_421 = arith.mulf %parallel_loop3A_403, %parallel_loop3A_420 : vector<16xf32>
        %parallel_loop3A_422 = arith.subf %parallel_loop3A_284, %parallel_loop3A_421 : vector<16xf32>
        %parallel_loop3A_423 = arith.constant 16 : i32
        %parallel_loop3A_424 = arith.addi %parallel_loop3A_153, %parallel_loop3A_423 : i32
        %parallel_loop3A_425 = arith.index_cast %parallel_loop3A_424 : i32 to index
        %parallel_loop3A_426 = tpu.vector_load %arg11[%parallel_loop3A_425] {strides = array<i32>} : memref<8192xf32, #tpu.memory_space<vmem>>, vector<16xf32>,
        tpu.vector_store %arg11[%parallel_loop3A_425], %parallel_loop3A_420 {strides = array<i32>} : memref<8192xf32, #tpu.memory_space<vmem>>, vector<16xf32>,
        %parallel_loop3A_427 = arith.constant 16 : i32
        %parallel_loop3A_428 = arith.addi %parallel_loop3A_153, %parallel_loop3A_427 : i32
        %parallel_loop3A_429 = arith.index_cast %parallel_loop3A_428 : i32 to index
        %parallel_loop3A_430 = tpu.vector_load %arg12[%parallel_loop3A_429] {strides = array<i32>} : memref<8192xf32, #tpu.memory_space<vmem>>, vector<16xf32>,
        tpu.vector_store %arg12[%parallel_loop3A_429], %parallel_loop3A_422 {strides = array<i32>} : memref<8192xf32, #tpu.memory_space<vmem>>, vector<16xf32>,
        %parallel_loop3A_431 = arith.constant 1.280000e+02 : f32
        %parallel_loop3A_432 = vector.broadcast %parallel_loop3A_431 : f32 to vector<16xf32>
        %parallel_loop3A_433 = arith.mulf %parallel_loop3A_395, %parallel_loop3A_432 : vector<16xf32>
        %parallel_loop3A_434 = arith.constant 0.49999997 : f32
        %parallel_loop3A_435 = vector.broadcast %parallel_loop3A_434 : f32 to vector<16xf32>
        %parallel_loop3A_436 = arith.addf %parallel_loop3A_433, %parallel_loop3A_435 : vector<16xf32>
        %parallel_loop3A_437 = arith.fptosi %parallel_loop3A_436 : vector<16xf32> to vector<16xi32>
        %parallel_loop3A_438 = tpu.memref_slice %arg13[%parallel_loop3A_155] : memref<9216xi32, #tpu.memory_space<vmem>> -> memref<144xi32, #tpu.memory_space<vmem>>
        tpu.vector_store_idx %parallel_loop3A_438[%parallel_loop3A_437], %parallel_loop3A_348 {add = true} : memref<144xi32, #tpu.memory_space<vmem>>[vector<16xi32>], vector<16xi32>,
        %parallel_loop3A_439 = arith.addf %parallel_loop3A_226, %parallel_loop3A_267 : vector<16xf32>
        %parallel_loop3A_440 = arith.mulf %parallel_loop3A_439, %parallel_loop3A_276 : vector<16xf32>
        %parallel_loop3A_441 = arith.mulf %parallel_loop3A_267, %parallel_loop3A_276 : vector<16xf32>
        %parallel_loop3A_442 = arith.constant 0 : i32
        %parallel_loop3A_443 = vector.broadcast %parallel_loop3A_442 : i32 to vector<16xi32>
        %parallel_loop3A_444 = arith.cmpi eq, %parallel_loop3A_131, %parallel_loop3A_443 : vector<16xi32>
        %parallel_loop3A_445 = vector.shape_cast %parallel_loop3A_143 : vector<16xi32> to vector<16x1xi32>
        %parallel_loop3A_446 = vector.shape_cast %parallel_loop3A_445 : vector<16x1xi32> to vector<16xi32>
        %parallel_loop3A_447 = tpu.dynamic_gather %parallel_loop3A_440[%parallel_loop3A_446] in [0] : vector<16xf32>, vector<16xi32> -> vector<16xf32>
        %parallel_loop3A_448 = arith.select %parallel_loop3A_444, %parallel_loop3A_441, %parallel_loop3A_447 : vector<16xi1>, vector<16xf32>
        %parallel_loop3A_449 = vector.shape_cast %parallel_loop3A_149 : vector<16xi32> to vector<16x1xi32>
        %parallel_loop3A_450 = vector.shape_cast %parallel_loop3A_449 : vector<16x1xi32> to vector<16xi32>
        %parallel_loop3A_451 = tpu.dynamic_gather %parallel_loop3A_288[%parallel_loop3A_450] in [0] : vector<16xf32>, vector<16xi32> -> vector<16xf32>
        %parallel_loop3A_452 = arith.constant 15 : i32
        %parallel_loop3A_453 = vector.broadcast %parallel_loop3A_452 : i32 to vector<16xi32>
        %parallel_loop3A_454 = arith.cmpi eq, %parallel_loop3A_131, %parallel_loop3A_453 : vector<16xi32>
        %parallel_loop3A_455 = vector.shape_cast %parallel_loop3A_137 : vector<16xi32> to vector<16x1xi32>
        %parallel_loop3A_456 = vector.shape_cast %parallel_loop3A_455 : vector<16x1xi32> to vector<16xi32>
        %parallel_loop3A_457 = tpu.dynamic_gather %parallel_loop3A_292[%parallel_loop3A_456] in [0] : vector<16xf32>, vector<16xi32> -> vector<16xf32>
        %parallel_loop3A_458 = arith.select %parallel_loop3A_454, %parallel_loop3A_457, %parallel_loop3A_451 : vector<16xi1>, vector<16xf32>
        %parallel_loop3A_459 = arith.subf %parallel_loop3A_440, %parallel_loop3A_448 : vector<16xf32>
        %parallel_loop3A_460 = arith.subf %parallel_loop3A_458, %parallel_loop3A_288 : vector<16xf32>
        %parallel_loop3A_461 = arith.constant 9.99999974E-6 : f32
        %parallel_loop3A_462 = vector.broadcast %parallel_loop3A_461 : f32 to vector<16xf32>
        %parallel_loop3A_463 = arith.cmpf olt, %parallel_loop3A_459, %parallel_loop3A_462 : vector<16xf32>
        %parallel_loop3A_464 = arith.divf %parallel_loop3A_460, %parallel_loop3A_459 : vector<16xf32>
        %parallel_loop3A_465 = arith.select %parallel_loop3A_463, %parallel_loop3A_460, %parallel_loop3A_464 : vector<16xi1>, vector<16xf32>
        %parallel_loop3A_466 = arith.mulf %parallel_loop3A_448, %parallel_loop3A_465 : vector<16xf32>
        %parallel_loop3A_467 = arith.subf %parallel_loop3A_288, %parallel_loop3A_466 : vector<16xf32>
        %parallel_loop3A_468 = arith.constant 32 : i32
        %parallel_loop3A_469 = arith.addi %parallel_loop3A_153, %parallel_loop3A_468 : i32
        %parallel_loop3A_470 = arith.index_cast %parallel_loop3A_469 : i32 to index
        %parallel_loop3A_471 = tpu.vector_load %arg11[%parallel_loop3A_470] {strides = array<i32>} : memref<8192xf32, #tpu.memory_space<vmem>>, vector<16xf32>,
        tpu.vector_store %arg11[%parallel_loop3A_470], %parallel_loop3A_465 {strides = array<i32>} : memref<8192xf32, #tpu.memory_space<vmem>>, vector<16xf32>,
        %parallel_loop3A_472 = arith.constant 32 : i32
        %parallel_loop3A_473 = arith.addi %parallel_loop3A_153, %parallel_loop3A_472 : i32
        %parallel_loop3A_474 = arith.index_cast %parallel_loop3A_473 : i32 to index
        %parallel_loop3A_475 = tpu.vector_load %arg12[%parallel_loop3A_474] {strides = array<i32>} : memref<8192xf32, #tpu.memory_space<vmem>>, vector<16xf32>,
        tpu.vector_store %arg12[%parallel_loop3A_474], %parallel_loop3A_467 {strides = array<i32>} : memref<8192xf32, #tpu.memory_space<vmem>>, vector<16xf32>,
        %parallel_loop3A_476 = arith.constant 1.280000e+02 : f32
        %parallel_loop3A_477 = vector.broadcast %parallel_loop3A_476 : f32 to vector<16xf32>
        %parallel_loop3A_478 = arith.mulf %parallel_loop3A_440, %parallel_loop3A_477 : vector<16xf32>
        %parallel_loop3A_479 = arith.constant 0.49999997 : f32
        %parallel_loop3A_480 = vector.broadcast %parallel_loop3A_479 : f32 to vector<16xf32>
        %parallel_loop3A_481 = arith.addf %parallel_loop3A_478, %parallel_loop3A_480 : vector<16xf32>
        %parallel_loop3A_482 = arith.fptosi %parallel_loop3A_481 : vector<16xf32> to vector<16xi32>
        %parallel_loop3A_483 = tpu.memref_slice %arg13[%parallel_loop3A_155] : memref<9216xi32, #tpu.memory_space<vmem>> -> memref<144xi32, #tpu.memory_space<vmem>>
        tpu.vector_store_idx %parallel_loop3A_483[%parallel_loop3A_482], %parallel_loop3A_348 {add = true} : memref<144xi32, #tpu.memory_space<vmem>>[vector<16xi32>], vector<16xi32>,
        %parallel_loop3A_484 = arith.addf %parallel_loop3A_229, %parallel_loop3A_268 : vector<16xf32>
        %parallel_loop3A_485 = arith.mulf %parallel_loop3A_484, %parallel_loop3A_276 : vector<16xf32>
        %parallel_loop3A_486 = arith.mulf %parallel_loop3A_268, %parallel_loop3A_276 : vector<16xf32>
        %parallel_loop3A_487 = arith.constant 0 : i32
        %parallel_loop3A_488 = vector.broadcast %parallel_loop3A_487 : i32 to vector<16xi32>
        %parallel_loop3A_489 = arith.cmpi eq, %parallel_loop3A_131, %parallel_loop3A_488 : vector<16xi32>
        %parallel_loop3A_490 = vector.shape_cast %parallel_loop3A_143 : vector<16xi32> to vector<16x1xi32>
        %parallel_loop3A_491 = vector.shape_cast %parallel_loop3A_490 : vector<16x1xi32> to vector<16xi32>
        %parallel_loop3A_492 = tpu.dynamic_gather %parallel_loop3A_485[%parallel_loop3A_491] in [0] : vector<16xf32>, vector<16xi32> -> vector<16xf32>
        %parallel_loop3A_493 = arith.select %parallel_loop3A_489, %parallel_loop3A_486, %parallel_loop3A_492 : vector<16xi1>, vector<16xf32>
        %parallel_loop3A_494 = vector.shape_cast %parallel_loop3A_149 : vector<16xi32> to vector<16x1xi32>
        %parallel_loop3A_495 = vector.shape_cast %parallel_loop3A_494 : vector<16x1xi32> to vector<16xi32>
        %parallel_loop3A_496 = tpu.dynamic_gather %parallel_loop3A_292[%parallel_loop3A_495] in [0] : vector<16xf32>, vector<16xi32> -> vector<16xf32>
        %parallel_loop3A_497 = arith.constant 15 : i32
        %parallel_loop3A_498 = vector.broadcast %parallel_loop3A_497 : i32 to vector<16xi32>
        %parallel_loop3A_499 = arith.cmpi eq, %parallel_loop3A_131, %parallel_loop3A_498 : vector<16xi32>
        %parallel_loop3A_500 = vector.shape_cast %parallel_loop3A_137 : vector<16xi32> to vector<16x1xi32>
        %parallel_loop3A_501 = vector.shape_cast %parallel_loop3A_500 : vector<16x1xi32> to vector<16xi32>
        %parallel_loop3A_502 = tpu.dynamic_gather %parallel_loop3A_296[%parallel_loop3A_501] in [0] : vector<16xf32>, vector<16xi32> -> vector<16xf32>
        %parallel_loop3A_503 = arith.select %parallel_loop3A_499, %parallel_loop3A_502, %parallel_loop3A_496 : vector<16xi1>, vector<16xf32>
        %parallel_loop3A_504 = arith.subf %parallel_loop3A_485, %parallel_loop3A_493 : vector<16xf32>
        %parallel_loop3A_505 = arith.subf %parallel_loop3A_503, %parallel_loop3A_292 : vector<16xf32>
        %parallel_loop3A_506 = arith.constant 9.99999974E-6 : f32
        %parallel_loop3A_507 = vector.broadcast %parallel_loop3A_506 : f32 to vector<16xf32>
        %parallel_loop3A_508 = arith.cmpf olt, %parallel_loop3A_504, %parallel_loop3A_507 : vector<16xf32>
        %parallel_loop3A_509 = arith.divf %parallel_loop3A_505, %parallel_loop3A_504 : vector<16xf32>
        %parallel_loop3A_510 = arith.select %parallel_loop3A_508, %parallel_loop3A_505, %parallel_loop3A_509 : vector<16xi1>, vector<16xf32>
        %parallel_loop3A_511 = arith.mulf %parallel_loop3A_493, %parallel_loop3A_510 : vector<16xf32>
        %parallel_loop3A_512 = arith.subf %parallel_loop3A_292, %parallel_loop3A_511 : vector<16xf32>
        %parallel_loop3A_513 = arith.constant 48 : i32
        %parallel_loop3A_514 = arith.addi %parallel_loop3A_153, %parallel_loop3A_513 : i32
        %parallel_loop3A_515 = arith.index_cast %parallel_loop3A_514 : i32 to index
        %parallel_loop3A_516 = tpu.vector_load %arg11[%parallel_loop3A_515] {strides = array<i32>} : memref<8192xf32, #tpu.memory_space<vmem>>, vector<16xf32>,
        tpu.vector_store %arg11[%parallel_loop3A_515], %parallel_loop3A_510 {strides = array<i32>} : memref<8192xf32, #tpu.memory_space<vmem>>, vector<16xf32>,
        %parallel_loop3A_517 = arith.constant 48 : i32
        %parallel_loop3A_518 = arith.addi %parallel_loop3A_153, %parallel_loop3A_517 : i32
        %parallel_loop3A_519 = arith.index_cast %parallel_loop3A_518 : i32 to index
        %parallel_loop3A_520 = tpu.vector_load %arg12[%parallel_loop3A_519] {strides = array<i32>} : memref<8192xf32, #tpu.memory_space<vmem>>, vector<16xf32>,
        tpu.vector_store %arg12[%parallel_loop3A_519], %parallel_loop3A_512 {strides = array<i32>} : memref<8192xf32, #tpu.memory_space<vmem>>, vector<16xf32>,
        %parallel_loop3A_521 = arith.constant 1.280000e+02 : f32
        %parallel_loop3A_522 = vector.broadcast %parallel_loop3A_521 : f32 to vector<16xf32>
        %parallel_loop3A_523 = arith.mulf %parallel_loop3A_485, %parallel_loop3A_522 : vector<16xf32>
        %parallel_loop3A_524 = arith.constant 0.49999997 : f32
        %parallel_loop3A_525 = vector.broadcast %parallel_loop3A_524 : f32 to vector<16xf32>
        %parallel_loop3A_526 = arith.addf %parallel_loop3A_523, %parallel_loop3A_525 : vector<16xf32>
        %parallel_loop3A_527 = arith.fptosi %parallel_loop3A_526 : vector<16xf32> to vector<16xi32>
        %parallel_loop3A_528 = tpu.memref_slice %arg13[%parallel_loop3A_155] : memref<9216xi32, #tpu.memory_space<vmem>> -> memref<144xi32, #tpu.memory_space<vmem>>
        tpu.vector_store_idx %parallel_loop3A_528[%parallel_loop3A_527], %parallel_loop3A_348 {add = true} : memref<144xi32, #tpu.memory_space<vmem>>[vector<16xi32>], vector<16xi32>,
        %parallel_loop3A_529 = arith.addf %parallel_loop3A_232, %parallel_loop3A_269 : vector<16xf32>
        %parallel_loop3A_530 = arith.mulf %parallel_loop3A_529, %parallel_loop3A_276 : vector<16xf32>
        %parallel_loop3A_531 = arith.mulf %parallel_loop3A_269, %parallel_loop3A_276 : vector<16xf32>
        %parallel_loop3A_532 = arith.constant 0 : i32
        %parallel_loop3A_533 = vector.broadcast %parallel_loop3A_532 : i32 to vector<16xi32>
        %parallel_loop3A_534 = arith.cmpi eq, %parallel_loop3A_131, %parallel_loop3A_533 : vector<16xi32>
        %parallel_loop3A_535 = vector.shape_cast %parallel_loop3A_143 : vector<16xi32> to vector<16x1xi32>
        %parallel_loop3A_536 = vector.shape_cast %parallel_loop3A_535 : vector<16x1xi32> to vector<16xi32>
        %parallel_loop3A_537 = tpu.dynamic_gather %parallel_loop3A_530[%parallel_loop3A_536] in [0] : vector<16xf32>, vector<16xi32> -> vector<16xf32>
        %parallel_loop3A_538 = arith.select %parallel_loop3A_534, %parallel_loop3A_531, %parallel_loop3A_537 : vector<16xi1>, vector<16xf32>
        %parallel_loop3A_539 = vector.shape_cast %parallel_loop3A_149 : vector<16xi32> to vector<16x1xi32>
        %parallel_loop3A_540 = vector.shape_cast %parallel_loop3A_539 : vector<16x1xi32> to vector<16xi32>
        %parallel_loop3A_541 = tpu.dynamic_gather %parallel_loop3A_296[%parallel_loop3A_540] in [0] : vector<16xf32>, vector<16xi32> -> vector<16xf32>
        %parallel_loop3A_542 = arith.constant 15 : i32
        %parallel_loop3A_543 = vector.broadcast %parallel_loop3A_542 : i32 to vector<16xi32>
        %parallel_loop3A_544 = arith.cmpi eq, %parallel_loop3A_131, %parallel_loop3A_543 : vector<16xi32>
        %parallel_loop3A_545 = vector.shape_cast %parallel_loop3A_137 : vector<16xi32> to vector<16x1xi32>
        %parallel_loop3A_546 = vector.shape_cast %parallel_loop3A_545 : vector<16x1xi32> to vector<16xi32>
        %parallel_loop3A_547 = tpu.dynamic_gather %parallel_loop3A_300[%parallel_loop3A_546] in [0] : vector<16xf32>, vector<16xi32> -> vector<16xf32>
        %parallel_loop3A_548 = arith.select %parallel_loop3A_544, %parallel_loop3A_547, %parallel_loop3A_541 : vector<16xi1>, vector<16xf32>
        %parallel_loop3A_549 = arith.subf %parallel_loop3A_530, %parallel_loop3A_538 : vector<16xf32>
        %parallel_loop3A_550 = arith.subf %parallel_loop3A_548, %parallel_loop3A_296 : vector<16xf32>
        %parallel_loop3A_551 = arith.constant 9.99999974E-6 : f32
        %parallel_loop3A_552 = vector.broadcast %parallel_loop3A_551 : f32 to vector<16xf32>
        %parallel_loop3A_553 = arith.cmpf olt, %parallel_loop3A_549, %parallel_loop3A_552 : vector<16xf32>
        %parallel_loop3A_554 = arith.divf %parallel_loop3A_550, %parallel_loop3A_549 : vector<16xf32>
        %parallel_loop3A_555 = arith.select %parallel_loop3A_553, %parallel_loop3A_550, %parallel_loop3A_554 : vector<16xi1>, vector<16xf32>
        %parallel_loop3A_556 = arith.mulf %parallel_loop3A_538, %parallel_loop3A_555 : vector<16xf32>
        %parallel_loop3A_557 = arith.subf %parallel_loop3A_296, %parallel_loop3A_556 : vector<16xf32>
        %parallel_loop3A_558 = arith.constant 64 : i32
        %parallel_loop3A_559 = arith.addi %parallel_loop3A_153, %parallel_loop3A_558 : i32
        %parallel_loop3A_560 = arith.index_cast %parallel_loop3A_559 : i32 to index
        %parallel_loop3A_561 = tpu.vector_load %arg11[%parallel_loop3A_560] {strides = array<i32>} : memref<8192xf32, #tpu.memory_space<vmem>>, vector<16xf32>,
        tpu.vector_store %arg11[%parallel_loop3A_560], %parallel_loop3A_555 {strides = array<i32>} : memref<8192xf32, #tpu.memory_space<vmem>>, vector<16xf32>,
        %parallel_loop3A_562 = arith.constant 64 : i32
        %parallel_loop3A_563 = arith.addi %parallel_loop3A_153, %parallel_loop3A_562 : i32
        %parallel_loop3A_564 = arith.index_cast %parallel_loop3A_563 : i32 to index
        %parallel_loop3A_565 = tpu.vector_load %arg12[%parallel_loop3A_564] {strides = array<i32>} : memref<8192xf32, #tpu.memory_space<vmem>>, vector<16xf32>,
        tpu.vector_store %arg12[%parallel_loop3A_564], %parallel_loop3A_557 {strides = array<i32>} : memref<8192xf32, #tpu.memory_space<vmem>>, vector<16xf32>,
        %parallel_loop3A_566 = arith.constant 1.280000e+02 : f32
        %parallel_loop3A_567 = vector.broadcast %parallel_loop3A_566 : f32 to vector<16xf32>
        %parallel_loop3A_568 = arith.mulf %parallel_loop3A_530, %parallel_loop3A_567 : vector<16xf32>
        %parallel_loop3A_569 = arith.constant 0.49999997 : f32
        %parallel_loop3A_570 = vector.broadcast %parallel_loop3A_569 : f32 to vector<16xf32>
        %parallel_loop3A_571 = arith.addf %parallel_loop3A_568, %parallel_loop3A_570 : vector<16xf32>
        %parallel_loop3A_572 = arith.fptosi %parallel_loop3A_571 : vector<16xf32> to vector<16xi32>
        %parallel_loop3A_573 = tpu.memref_slice %arg13[%parallel_loop3A_155] : memref<9216xi32, #tpu.memory_space<vmem>> -> memref<144xi32, #tpu.memory_space<vmem>>
        tpu.vector_store_idx %parallel_loop3A_573[%parallel_loop3A_572], %parallel_loop3A_348 {add = true} : memref<144xi32, #tpu.memory_space<vmem>>[vector<16xi32>], vector<16xi32>,
        %parallel_loop3A_574 = arith.addf %parallel_loop3A_235, %parallel_loop3A_270 : vector<16xf32>
        %parallel_loop3A_575 = arith.mulf %parallel_loop3A_574, %parallel_loop3A_276 : vector<16xf32>
        %parallel_loop3A_576 = arith.mulf %parallel_loop3A_270, %parallel_loop3A_276 : vector<16xf32>
        %parallel_loop3A_577 = arith.constant 0 : i32
        %parallel_loop3A_578 = vector.broadcast %parallel_loop3A_577 : i32 to vector<16xi32>
        %parallel_loop3A_579 = arith.cmpi eq, %parallel_loop3A_131, %parallel_loop3A_578 : vector<16xi32>
        %parallel_loop3A_580 = vector.shape_cast %parallel_loop3A_143 : vector<16xi32> to vector<16x1xi32>
        %parallel_loop3A_581 = vector.shape_cast %parallel_loop3A_580 : vector<16x1xi32> to vector<16xi32>
        %parallel_loop3A_582 = tpu.dynamic_gather %parallel_loop3A_575[%parallel_loop3A_581] in [0] : vector<16xf32>, vector<16xi32> -> vector<16xf32>
        %parallel_loop3A_583 = arith.select %parallel_loop3A_579, %parallel_loop3A_576, %parallel_loop3A_582 : vector<16xi1>, vector<16xf32>
        %parallel_loop3A_584 = vector.shape_cast %parallel_loop3A_149 : vector<16xi32> to vector<16x1xi32>
        %parallel_loop3A_585 = vector.shape_cast %parallel_loop3A_584 : vector<16x1xi32> to vector<16xi32>
        %parallel_loop3A_586 = tpu.dynamic_gather %parallel_loop3A_300[%parallel_loop3A_585] in [0] : vector<16xf32>, vector<16xi32> -> vector<16xf32>
        %parallel_loop3A_587 = arith.constant 15 : i32
        %parallel_loop3A_588 = vector.broadcast %parallel_loop3A_587 : i32 to vector<16xi32>
        %parallel_loop3A_589 = arith.cmpi eq, %parallel_loop3A_131, %parallel_loop3A_588 : vector<16xi32>
        %parallel_loop3A_590 = vector.shape_cast %parallel_loop3A_137 : vector<16xi32> to vector<16x1xi32>
        %parallel_loop3A_591 = vector.shape_cast %parallel_loop3A_590 : vector<16x1xi32> to vector<16xi32>
        %parallel_loop3A_592 = tpu.dynamic_gather %parallel_loop3A_304[%parallel_loop3A_591] in [0] : vector<16xf32>, vector<16xi32> -> vector<16xf32>
        %parallel_loop3A_593 = arith.select %parallel_loop3A_589, %parallel_loop3A_592, %parallel_loop3A_586 : vector<16xi1>, vector<16xf32>
        %parallel_loop3A_594 = arith.subf %parallel_loop3A_575, %parallel_loop3A_583 : vector<16xf32>
        %parallel_loop3A_595 = arith.subf %parallel_loop3A_593, %parallel_loop3A_300 : vector<16xf32>
        %parallel_loop3A_596 = arith.constant 9.99999974E-6 : f32
        %parallel_loop3A_597 = vector.broadcast %parallel_loop3A_596 : f32 to vector<16xf32>
        %parallel_loop3A_598 = arith.cmpf olt, %parallel_loop3A_594, %parallel_loop3A_597 : vector<16xf32>
        %parallel_loop3A_599 = arith.divf %parallel_loop3A_595, %parallel_loop3A_594 : vector<16xf32>
        %parallel_loop3A_600 = arith.select %parallel_loop3A_598, %parallel_loop3A_595, %parallel_loop3A_599 : vector<16xi1>, vector<16xf32>
        %parallel_loop3A_601 = arith.mulf %parallel_loop3A_583, %parallel_loop3A_600 : vector<16xf32>
        %parallel_loop3A_602 = arith.subf %parallel_loop3A_300, %parallel_loop3A_601 : vector<16xf32>
        %parallel_loop3A_603 = arith.constant 80 : i32
        %parallel_loop3A_604 = arith.addi %parallel_loop3A_153, %parallel_loop3A_603 : i32
        %parallel_loop3A_605 = arith.index_cast %parallel_loop3A_604 : i32 to index
        %parallel_loop3A_606 = tpu.vector_load %arg11[%parallel_loop3A_605] {strides = array<i32>} : memref<8192xf32, #tpu.memory_space<vmem>>, vector<16xf32>,
        tpu.vector_store %arg11[%parallel_loop3A_605], %parallel_loop3A_600 {strides = array<i32>} : memref<8192xf32, #tpu.memory_space<vmem>>, vector<16xf32>,
        %parallel_loop3A_607 = arith.constant 80 : i32
        %parallel_loop3A_608 = arith.addi %parallel_loop3A_153, %parallel_loop3A_607 : i32
        %parallel_loop3A_609 = arith.index_cast %parallel_loop3A_608 : i32 to index
        %parallel_loop3A_610 = tpu.vector_load %arg12[%parallel_loop3A_609] {strides = array<i32>} : memref<8192xf32, #tpu.memory_space<vmem>>, vector<16xf32>,
        tpu.vector_store %arg12[%parallel_loop3A_609], %parallel_loop3A_602 {strides = array<i32>} : memref<8192xf32, #tpu.memory_space<vmem>>, vector<16xf32>,
        %parallel_loop3A_611 = arith.constant 1.280000e+02 : f32
        %parallel_loop3A_612 = vector.broadcast %parallel_loop3A_611 : f32 to vector<16xf32>
        %parallel_loop3A_613 = arith.mulf %parallel_loop3A_575, %parallel_loop3A_612 : vector<16xf32>
        %parallel_loop3A_614 = arith.constant 0.49999997 : f32
        %parallel_loop3A_615 = vector.broadcast %parallel_loop3A_614 : f32 to vector<16xf32>
        %parallel_loop3A_616 = arith.addf %parallel_loop3A_613, %parallel_loop3A_615 : vector<16xf32>
        %parallel_loop3A_617 = arith.fptosi %parallel_loop3A_616 : vector<16xf32> to vector<16xi32>
        %parallel_loop3A_618 = tpu.memref_slice %arg13[%parallel_loop3A_155] : memref<9216xi32, #tpu.memory_space<vmem>> -> memref<144xi32, #tpu.memory_space<vmem>>
        tpu.vector_store_idx %parallel_loop3A_618[%parallel_loop3A_617], %parallel_loop3A_348 {add = true} : memref<144xi32, #tpu.memory_space<vmem>>[vector<16xi32>], vector<16xi32>,
        %parallel_loop3A_619 = arith.addf %parallel_loop3A_238, %parallel_loop3A_271 : vector<16xf32>
        %parallel_loop3A_620 = arith.mulf %parallel_loop3A_619, %parallel_loop3A_276 : vector<16xf32>
        %parallel_loop3A_621 = arith.mulf %parallel_loop3A_271, %parallel_loop3A_276 : vector<16xf32>
        %parallel_loop3A_622 = arith.constant 0 : i32
        %parallel_loop3A_623 = vector.broadcast %parallel_loop3A_622 : i32 to vector<16xi32>
        %parallel_loop3A_624 = arith.cmpi eq, %parallel_loop3A_131, %parallel_loop3A_623 : vector<16xi32>
        %parallel_loop3A_625 = vector.shape_cast %parallel_loop3A_143 : vector<16xi32> to vector<16x1xi32>
        %parallel_loop3A_626 = vector.shape_cast %parallel_loop3A_625 : vector<16x1xi32> to vector<16xi32>
        %parallel_loop3A_627 = tpu.dynamic_gather %parallel_loop3A_620[%parallel_loop3A_626] in [0] : vector<16xf32>, vector<16xi32> -> vector<16xf32>
        %parallel_loop3A_628 = arith.select %parallel_loop3A_624, %parallel_loop3A_621, %parallel_loop3A_627 : vector<16xi1>, vector<16xf32>
        %parallel_loop3A_629 = vector.shape_cast %parallel_loop3A_149 : vector<16xi32> to vector<16x1xi32>
        %parallel_loop3A_630 = vector.shape_cast %parallel_loop3A_629 : vector<16x1xi32> to vector<16xi32>
        %parallel_loop3A_631 = tpu.dynamic_gather %parallel_loop3A_304[%parallel_loop3A_630] in [0] : vector<16xf32>, vector<16xi32> -> vector<16xf32>
        %parallel_loop3A_632 = arith.constant 15 : i32
        %parallel_loop3A_633 = vector.broadcast %parallel_loop3A_632 : i32 to vector<16xi32>
        %parallel_loop3A_634 = arith.cmpi eq, %parallel_loop3A_131, %parallel_loop3A_633 : vector<16xi32>
        %parallel_loop3A_635 = vector.shape_cast %parallel_loop3A_137 : vector<16xi32> to vector<16x1xi32>
        %parallel_loop3A_636 = vector.shape_cast %parallel_loop3A_635 : vector<16x1xi32> to vector<16xi32>
        %parallel_loop3A_637 = tpu.dynamic_gather %parallel_loop3A_308[%parallel_loop3A_636] in [0] : vector<16xf32>, vector<16xi32> -> vector<16xf32>
        %parallel_loop3A_638 = arith.select %parallel_loop3A_634, %parallel_loop3A_637, %parallel_loop3A_631 : vector<16xi1>, vector<16xf32>
        %parallel_loop3A_639 = arith.subf %parallel_loop3A_620, %parallel_loop3A_628 : vector<16xf32>
        %parallel_loop3A_640 = arith.subf %parallel_loop3A_638, %parallel_loop3A_304 : vector<16xf32>
        %parallel_loop3A_641 = arith.constant 9.99999974E-6 : f32
        %parallel_loop3A_642 = vector.broadcast %parallel_loop3A_641 : f32 to vector<16xf32>
        %parallel_loop3A_643 = arith.cmpf olt, %parallel_loop3A_639, %parallel_loop3A_642 : vector<16xf32>
        %parallel_loop3A_644 = arith.divf %parallel_loop3A_640, %parallel_loop3A_639 : vector<16xf32>
        %parallel_loop3A_645 = arith.select %parallel_loop3A_643, %parallel_loop3A_640, %parallel_loop3A_644 : vector<16xi1>, vector<16xf32>
        %parallel_loop3A_646 = arith.mulf %parallel_loop3A_628, %parallel_loop3A_645 : vector<16xf32>
        %parallel_loop3A_647 = arith.subf %parallel_loop3A_304, %parallel_loop3A_646 : vector<16xf32>
        %parallel_loop3A_648 = arith.constant 96 : i32
        %parallel_loop3A_649 = arith.addi %parallel_loop3A_153, %parallel_loop3A_648 : i32
        %parallel_loop3A_650 = arith.index_cast %parallel_loop3A_649 : i32 to index
        %parallel_loop3A_651 = tpu.vector_load %arg11[%parallel_loop3A_650] {strides = array<i32>} : memref<8192xf32, #tpu.memory_space<vmem>>, vector<16xf32>,
        tpu.vector_store %arg11[%parallel_loop3A_650], %parallel_loop3A_645 {strides = array<i32>} : memref<8192xf32, #tpu.memory_space<vmem>>, vector<16xf32>,
        %parallel_loop3A_652 = arith.constant 96 : i32
        %parallel_loop3A_653 = arith.addi %parallel_loop3A_153, %parallel_loop3A_652 : i32
        %parallel_loop3A_654 = arith.index_cast %parallel_loop3A_653 : i32 to index
        %parallel_loop3A_655 = tpu.vector_load %arg12[%parallel_loop3A_654] {strides = array<i32>} : memref<8192xf32, #tpu.memory_space<vmem>>, vector<16xf32>,
        tpu.vector_store %arg12[%parallel_loop3A_654], %parallel_loop3A_647 {strides = array<i32>} : memref<8192xf32, #tpu.memory_space<vmem>>, vector<16xf32>,
        %parallel_loop3A_656 = arith.constant 1.280000e+02 : f32
        %parallel_loop3A_657 = vector.broadcast %parallel_loop3A_656 : f32 to vector<16xf32>
        %parallel_loop3A_658 = arith.mulf %parallel_loop3A_620, %parallel_loop3A_657 : vector<16xf32>
        %parallel_loop3A_659 = arith.constant 0.49999997 : f32
        %parallel_loop3A_660 = vector.broadcast %parallel_loop3A_659 : f32 to vector<16xf32>
        %parallel_loop3A_661 = arith.addf %parallel_loop3A_658, %parallel_loop3A_660 : vector<16xf32>
        %parallel_loop3A_662 = arith.fptosi %parallel_loop3A_661 : vector<16xf32> to vector<16xi32>
        %parallel_loop3A_663 = tpu.memref_slice %arg13[%parallel_loop3A_155] : memref<9216xi32, #tpu.memory_space<vmem>> -> memref<144xi32, #tpu.memory_space<vmem>>
        tpu.vector_store_idx %parallel_loop3A_663[%parallel_loop3A_662], %parallel_loop3A_348 {add = true} : memref<144xi32, #tpu.memory_space<vmem>>[vector<16xi32>], vector<16xi32>,
        %parallel_loop3A_664 = arith.addf %parallel_loop3A_241, %parallel_loop3A_272 : vector<16xf32>
        %parallel_loop3A_665 = arith.mulf %parallel_loop3A_664, %parallel_loop3A_276 : vector<16xf32>
        %parallel_loop3A_666 = arith.mulf %parallel_loop3A_272, %parallel_loop3A_276 : vector<16xf32>
        %parallel_loop3A_667 = arith.constant 0 : i32
        %parallel_loop3A_668 = vector.broadcast %parallel_loop3A_667 : i32 to vector<16xi32>
        %parallel_loop3A_669 = arith.cmpi eq, %parallel_loop3A_131, %parallel_loop3A_668 : vector<16xi32>
        %parallel_loop3A_670 = vector.shape_cast %parallel_loop3A_143 : vector<16xi32> to vector<16x1xi32>
        %parallel_loop3A_671 = vector.shape_cast %parallel_loop3A_670 : vector<16x1xi32> to vector<16xi32>
        %parallel_loop3A_672 = tpu.dynamic_gather %parallel_loop3A_665[%parallel_loop3A_671] in [0] : vector<16xf32>, vector<16xi32> -> vector<16xf32>
        %parallel_loop3A_673 = arith.select %parallel_loop3A_669, %parallel_loop3A_666, %parallel_loop3A_672 : vector<16xi1>, vector<16xf32>
        %parallel_loop3A_674 = vector.shape_cast %parallel_loop3A_149 : vector<16xi32> to vector<16x1xi32>
        %parallel_loop3A_675 = vector.shape_cast %parallel_loop3A_674 : vector<16x1xi32> to vector<16xi32>
        %parallel_loop3A_676 = tpu.dynamic_gather %parallel_loop3A_308[%parallel_loop3A_675] in [0] : vector<16xf32>, vector<16xi32> -> vector<16xf32>
        %parallel_loop3A_677 = arith.subf %parallel_loop3A_665, %parallel_loop3A_673 : vector<16xf32>
        %parallel_loop3A_678 = arith.subf %parallel_loop3A_676, %parallel_loop3A_308 : vector<16xf32>
        %parallel_loop3A_679 = arith.constant 9.99999974E-6 : f32
        %parallel_loop3A_680 = vector.broadcast %parallel_loop3A_679 : f32 to vector<16xf32>
        %parallel_loop3A_681 = arith.cmpf olt, %parallel_loop3A_677, %parallel_loop3A_680 : vector<16xf32>
        %parallel_loop3A_682 = arith.divf %parallel_loop3A_678, %parallel_loop3A_677 : vector<16xf32>
        %parallel_loop3A_683 = arith.select %parallel_loop3A_681, %parallel_loop3A_678, %parallel_loop3A_682 : vector<16xi1>, vector<16xf32>
        %parallel_loop3A_684 = arith.mulf %parallel_loop3A_673, %parallel_loop3A_683 : vector<16xf32>
        %parallel_loop3A_685 = arith.subf %parallel_loop3A_308, %parallel_loop3A_684 : vector<16xf32>
        %parallel_loop3A_686 = arith.constant 112 : i32
        %parallel_loop3A_687 = arith.addi %parallel_loop3A_153, %parallel_loop3A_686 : i32
        %parallel_loop3A_688 = arith.index_cast %parallel_loop3A_687 : i32 to index
        %parallel_loop3A_689 = tpu.vector_load %arg11[%parallel_loop3A_688] {strides = array<i32>} : memref<8192xf32, #tpu.memory_space<vmem>>, vector<16xf32>,
        tpu.vector_store %arg11[%parallel_loop3A_688], %parallel_loop3A_683 {strides = array<i32>} : memref<8192xf32, #tpu.memory_space<vmem>>, vector<16xf32>,
        %parallel_loop3A_690 = arith.constant 112 : i32
        %parallel_loop3A_691 = arith.addi %parallel_loop3A_153, %parallel_loop3A_690 : i32
        %parallel_loop3A_692 = arith.index_cast %parallel_loop3A_691 : i32 to index
        %parallel_loop3A_693 = tpu.vector_load %arg12[%parallel_loop3A_692] {strides = array<i32>} : memref<8192xf32, #tpu.memory_space<vmem>>, vector<16xf32>,
        tpu.vector_store %arg12[%parallel_loop3A_692], %parallel_loop3A_685 {strides = array<i32>} : memref<8192xf32, #tpu.memory_space<vmem>>, vector<16xf32>,
        %parallel_loop3A_694 = arith.constant 1.280000e+02 : f32
        %parallel_loop3A_695 = vector.broadcast %parallel_loop3A_694 : f32 to vector<16xf32>
        %parallel_loop3A_696 = arith.mulf %parallel_loop3A_665, %parallel_loop3A_695 : vector<16xf32>
        %parallel_loop3A_697 = arith.constant 0.49999997 : f32
        %parallel_loop3A_698 = vector.broadcast %parallel_loop3A_697 : f32 to vector<16xf32>
        %parallel_loop3A_699 = arith.addf %parallel_loop3A_696, %parallel_loop3A_698 : vector<16xf32>
        %parallel_loop3A_700 = arith.fptosi %parallel_loop3A_699 : vector<16xf32> to vector<16xi32>
        %parallel_loop3A_701 = tpu.memref_slice %arg13[%parallel_loop3A_155] : memref<9216xi32, #tpu.memory_space<vmem>> -> memref<144xi32, #tpu.memory_space<vmem>>
        tpu.vector_store_idx %parallel_loop3A_701[%parallel_loop3A_700], %parallel_loop3A_348 {add = true} : memref<144xi32, #tpu.memory_space<vmem>>[vector<16xi32>], vector<16xi32>,
      } {sc.loop_unroll_factor = 5 : i64, sc.parallel_access}
      %parallel_loop3A_70 = arith.constant 0 : i32
      %parallel_loop3A_71 = arith.constant 64 : i32
      %parallel_loop3A_72 = arith.constant 1 : i32
      scf.for %parallel_loop3A_130 = %parallel_loop3A_70 to %parallel_loop3A_71 step %parallel_loop3A_72  : i32 {
        %parallel_loop3A_131 = tpu.iota {dimensions = array<i32: 0>} : vector<16xi32>
        %parallel_loop3A_132 = arith.sitofp %parallel_loop3A_131 : vector<16xi32> to vector<16xf32>
        %parallel_loop3A_133 = arith.constant 15 : i32
        %parallel_loop3A_134 = vector.broadcast %parallel_loop3A_133 : i32 to vector<16xi32>
        %parallel_loop3A_135 = arith.constant 128 : i32
        %parallel_loop3A_136 = arith.muli %parallel_loop3A_130, %parallel_loop3A_135 : i32
        %parallel_loop3A_137 = arith.constant 144 : i32
        %parallel_loop3A_138 = arith.muli %parallel_loop3A_130, %parallel_loop3A_137 : i32
        %parallel_loop3A_139 = arith.constant 0 : i32
        %parallel_loop3A_140 = arith.addi %parallel_loop3A_138, %parallel_loop3A_139 : i32
        %parallel_loop3A_141 = arith.index_cast %parallel_loop3A_140 : i32 to index
        %parallel_loop3A_142 = tpu.vector_load %arg13[%parallel_loop3A_141] {strides = array<i32>} : memref<9216xi32, #tpu.memory_space<vmem>>, vector<16xi32>,
        %parallel_loop3A_143 = arith.constant true
        %parallel_loop3A_144 = vector.broadcast %parallel_loop3A_143 : i1 to vector<16xi1>
        %parallel_loop3A_145 = tpu.scan <sum>, %parallel_loop3A_142 masked %parallel_loop3A_144 : vector<16xi32>, vector<16xi1> -> vector<16xi32>
        %parallel_loop3A_146 = arith.constant 16 : i32
        %parallel_loop3A_147 = arith.addi %parallel_loop3A_138, %parallel_loop3A_146 : i32
        %parallel_loop3A_148 = arith.index_cast %parallel_loop3A_147 : i32 to index
        %parallel_loop3A_149 = tpu.vector_load %arg13[%parallel_loop3A_148] {strides = array<i32>} : memref<9216xi32, #tpu.memory_space<vmem>>, vector<16xi32>,
        %parallel_loop3A_150 = arith.constant true
        %parallel_loop3A_151 = vector.broadcast %parallel_loop3A_150 : i1 to vector<16xi1>
        %parallel_loop3A_152 = tpu.scan <sum>, %parallel_loop3A_149 masked %parallel_loop3A_151 : vector<16xi32>, vector<16xi1> -> vector<16xi32>
        %parallel_loop3A_153 = arith.constant 32 : i32
        %parallel_loop3A_154 = arith.addi %parallel_loop3A_138, %parallel_loop3A_153 : i32
        %parallel_loop3A_155 = arith.index_cast %parallel_loop3A_154 : i32 to index
        %parallel_loop3A_156 = tpu.vector_load %arg13[%parallel_loop3A_155] {strides = array<i32>} : memref<9216xi32, #tpu.memory_space<vmem>>, vector<16xi32>,
        %parallel_loop3A_157 = arith.constant true
        %parallel_loop3A_158 = vector.broadcast %parallel_loop3A_157 : i1 to vector<16xi1>
        %parallel_loop3A_159 = tpu.scan <sum>, %parallel_loop3A_156 masked %parallel_loop3A_158 : vector<16xi32>, vector<16xi1> -> vector<16xi32>
        %parallel_loop3A_160 = arith.constant 48 : i32
        %parallel_loop3A_161 = arith.addi %parallel_loop3A_138, %parallel_loop3A_160 : i32
        %parallel_loop3A_162 = arith.index_cast %parallel_loop3A_161 : i32 to index
        %parallel_loop3A_163 = tpu.vector_load %arg13[%parallel_loop3A_162] {strides = array<i32>} : memref<9216xi32, #tpu.memory_space<vmem>>, vector<16xi32>,
        %parallel_loop3A_164 = arith.constant true
        %parallel_loop3A_165 = vector.broadcast %parallel_loop3A_164 : i1 to vector<16xi1>
        %parallel_loop3A_166 = tpu.scan <sum>, %parallel_loop3A_163 masked %parallel_loop3A_165 : vector<16xi32>, vector<16xi1> -> vector<16xi32>
        %parallel_loop3A_167 = arith.constant 64 : i32
        %parallel_loop3A_168 = arith.addi %parallel_loop3A_138, %parallel_loop3A_167 : i32
        %parallel_loop3A_169 = arith.index_cast %parallel_loop3A_168 : i32 to index
        %parallel_loop3A_170 = tpu.vector_load %arg13[%parallel_loop3A_169] {strides = array<i32>} : memref<9216xi32, #tpu.memory_space<vmem>>, vector<16xi32>,
        %parallel_loop3A_171 = arith.constant true
        %parallel_loop3A_172 = vector.broadcast %parallel_loop3A_171 : i1 to vector<16xi1>
        %parallel_loop3A_173 = tpu.scan <sum>, %parallel_loop3A_170 masked %parallel_loop3A_172 : vector<16xi32>, vector<16xi1> -> vector<16xi32>
        %parallel_loop3A_174 = arith.constant 80 : i32
        %parallel_loop3A_175 = arith.addi %parallel_loop3A_138, %parallel_loop3A_174 : i32
        %parallel_loop3A_176 = arith.index_cast %parallel_loop3A_175 : i32 to index
        %parallel_loop3A_177 = tpu.vector_load %arg13[%parallel_loop3A_176] {strides = array<i32>} : memref<9216xi32, #tpu.memory_space<vmem>>, vector<16xi32>,
        %parallel_loop3A_178 = arith.constant true
        %parallel_loop3A_179 = vector.broadcast %parallel_loop3A_178 : i1 to vector<16xi1>
        %parallel_loop3A_180 = tpu.scan <sum>, %parallel_loop3A_177 masked %parallel_loop3A_179 : vector<16xi32>, vector<16xi1> -> vector<16xi32>
        %parallel_loop3A_181 = arith.constant 96 : i32
        %parallel_loop3A_182 = arith.addi %parallel_loop3A_138, %parallel_loop3A_181 : i32
        %parallel_loop3A_183 = arith.index_cast %parallel_loop3A_182 : i32 to index
        %parallel_loop3A_184 = tpu.vector_load %arg13[%parallel_loop3A_183] {strides = array<i32>} : memref<9216xi32, #tpu.memory_space<vmem>>, vector<16xi32>,
        %parallel_loop3A_185 = arith.constant true
        %parallel_loop3A_186 = vector.broadcast %parallel_loop3A_185 : i1 to vector<16xi1>
        %parallel_loop3A_187 = tpu.scan <sum>, %parallel_loop3A_184 masked %parallel_loop3A_186 : vector<16xi32>, vector<16xi1> -> vector<16xi32>
        %parallel_loop3A_188 = arith.constant 112 : i32
        %parallel_loop3A_189 = arith.addi %parallel_loop3A_138, %parallel_loop3A_188 : i32
        %parallel_loop3A_190 = arith.index_cast %parallel_loop3A_189 : i32 to index
        %parallel_loop3A_191 = tpu.vector_load %arg13[%parallel_loop3A_190] {strides = array<i32>} : memref<9216xi32, #tpu.memory_space<vmem>>, vector<16xi32>,
        %parallel_loop3A_192 = arith.constant true
        %parallel_loop3A_193 = vector.broadcast %parallel_loop3A_192 : i1 to vector<16xi1>
        %parallel_loop3A_194 = tpu.scan <sum>, %parallel_loop3A_191 masked %parallel_loop3A_193 : vector<16xi32>, vector<16xi1> -> vector<16xi32>
        %parallel_loop3A_195 = vector.shape_cast %parallel_loop3A_134 : vector<16xi32> to vector<16x1xi32>
        %parallel_loop3A_196 = vector.shape_cast %parallel_loop3A_195 : vector<16x1xi32> to vector<16xi32>
        %parallel_loop3A_197 = tpu.dynamic_gather %parallel_loop3A_145[%parallel_loop3A_196] in [0] : vector<16xi32>, vector<16xi32> -> vector<16xi32>
        %parallel_loop3A_198 = vector.shape_cast %parallel_loop3A_134 : vector<16xi32> to vector<16x1xi32>
        %parallel_loop3A_199 = vector.shape_cast %parallel_loop3A_198 : vector<16x1xi32> to vector<16xi32>
        %parallel_loop3A_200 = tpu.dynamic_gather %parallel_loop3A_152[%parallel_loop3A_199] in [0] : vector<16xi32>, vector<16xi32> -> vector<16xi32>
        %parallel_loop3A_201 = vector.shape_cast %parallel_loop3A_134 : vector<16xi32> to vector<16x1xi32>
        %parallel_loop3A_202 = vector.shape_cast %parallel_loop3A_201 : vector<16x1xi32> to vector<16xi32>
        %parallel_loop3A_203 = tpu.dynamic_gather %parallel_loop3A_159[%parallel_loop3A_202] in [0] : vector<16xi32>, vector<16xi32> -> vector<16xi32>
        %parallel_loop3A_204 = vector.shape_cast %parallel_loop3A_134 : vector<16xi32> to vector<16x1xi32>
        %parallel_loop3A_205 = vector.shape_cast %parallel_loop3A_204 : vector<16x1xi32> to vector<16xi32>
        %parallel_loop3A_206 = tpu.dynamic_gather %parallel_loop3A_166[%parallel_loop3A_205] in [0] : vector<16xi32>, vector<16xi32> -> vector<16xi32>
        %parallel_loop3A_207 = vector.shape_cast %parallel_loop3A_134 : vector<16xi32> to vector<16x1xi32>
        %parallel_loop3A_208 = vector.shape_cast %parallel_loop3A_207 : vector<16x1xi32> to vector<16xi32>
        %parallel_loop3A_209 = tpu.dynamic_gather %parallel_loop3A_173[%parallel_loop3A_208] in [0] : vector<16xi32>, vector<16xi32> -> vector<16xi32>
        %parallel_loop3A_210 = vector.shape_cast %parallel_loop3A_134 : vector<16xi32> to vector<16x1xi32>
        %parallel_loop3A_211 = vector.shape_cast %parallel_loop3A_210 : vector<16x1xi32> to vector<16xi32>
        %parallel_loop3A_212 = tpu.dynamic_gather %parallel_loop3A_180[%parallel_loop3A_211] in [0] : vector<16xi32>, vector<16xi32> -> vector<16xi32>
        %parallel_loop3A_213 = vector.shape_cast %parallel_loop3A_134 : vector<16xi32> to vector<16x1xi32>
        %parallel_loop3A_214 = vector.shape_cast %parallel_loop3A_213 : vector<16x1xi32> to vector<16xi32>
        %parallel_loop3A_215 = tpu.dynamic_gather %parallel_loop3A_187[%parallel_loop3A_214] in [0] : vector<16xi32>, vector<16xi32> -> vector<16xi32>
        %parallel_loop3A_216 = vector.shape_cast %parallel_loop3A_134 : vector<16xi32> to vector<16x1xi32>
        %parallel_loop3A_217 = vector.shape_cast %parallel_loop3A_216 : vector<16x1xi32> to vector<16xi32>
        %parallel_loop3A_218 = tpu.dynamic_gather %parallel_loop3A_194[%parallel_loop3A_217] in [0] : vector<16xi32>, vector<16xi32> -> vector<16xi32>
        %parallel_loop3A_219 = arith.constant 0 : i32
        %parallel_loop3A_220 = vector.broadcast %parallel_loop3A_219 : i32 to vector<16xi32>
        %parallel_loop3A_221 = arith.addi %parallel_loop3A_220, %parallel_loop3A_197 : vector<16xi32>
        %parallel_loop3A_222 = arith.addi %parallel_loop3A_221, %parallel_loop3A_200 : vector<16xi32>
        %parallel_loop3A_223 = arith.addi %parallel_loop3A_222, %parallel_loop3A_203 : vector<16xi32>
        %parallel_loop3A_224 = arith.addi %parallel_loop3A_223, %parallel_loop3A_206 : vector<16xi32>
        %parallel_loop3A_225 = arith.addi %parallel_loop3A_224, %parallel_loop3A_209 : vector<16xi32>
        %parallel_loop3A_226 = arith.addi %parallel_loop3A_225, %parallel_loop3A_212 : vector<16xi32>
        %parallel_loop3A_227 = arith.addi %parallel_loop3A_226, %parallel_loop3A_215 : vector<16xi32>
        %parallel_loop3A_228 = arith.addi %parallel_loop3A_145, %parallel_loop3A_220 : vector<16xi32>
        %parallel_loop3A_229 = tpu.memref_slice %arg11[%parallel_loop3A_136] : memref<8192xf32, #tpu.memory_space<vmem>> -> memref<128xf32, #tpu.memory_space<vmem>>
        %parallel_loop3A_230 = tpu.vector_load_idx %parallel_loop3A_229[%parallel_loop3A_228] : memref<128xf32, #tpu.memory_space<vmem>>[vector<16xi32>], vector<16xf32>,
        %parallel_loop3A_231 = tpu.memref_slice %arg12[%parallel_loop3A_136] : memref<8192xf32, #tpu.memory_space<vmem>> -> memref<128xf32, #tpu.memory_space<vmem>>
        %parallel_loop3A_232 = tpu.vector_load_idx %parallel_loop3A_231[%parallel_loop3A_228] : memref<128xf32, #tpu.memory_space<vmem>>[vector<16xi32>], vector<16xf32>,
        %parallel_loop3A_233 = arith.constant 5.000000e-01 : f32
        %parallel_loop3A_234 = vector.broadcast %parallel_loop3A_233 : f32 to vector<16xf32>
        %parallel_loop3A_235 = arith.addf %parallel_loop3A_132, %parallel_loop3A_234 : vector<16xf32>
        %parallel_loop3A_236 = arith.constant 7.812500e-03 : f32
        %parallel_loop3A_237 = vector.broadcast %parallel_loop3A_236 : f32 to vector<16xf32>
        %parallel_loop3A_238 = arith.mulf %parallel_loop3A_235, %parallel_loop3A_237 : vector<16xf32>
        %parallel_loop3A_239 = arith.mulf %parallel_loop3A_238, %parallel_loop3A_230 : vector<16xf32>
        %parallel_loop3A_240 = arith.addf %parallel_loop3A_232, %parallel_loop3A_239 : vector<16xf32>
        %parallel_loop3A_241 = arith.constant 128 : i32
        %parallel_loop3A_242 = arith.muli %parallel_loop3A_130, %parallel_loop3A_241 : i32
        %parallel_loop3A_243 = arith.constant 0 : i32
        %parallel_loop3A_244 = arith.addi %parallel_loop3A_242, %parallel_loop3A_243 : i32
        %parallel_loop3A_245 = arith.index_cast %parallel_loop3A_244 : i32 to index
        %parallel_loop3A_246 = tpu.vector_load %arg9[%parallel_loop3A_245] {strides = array<i32>} : memref<8192xf32, #tpu.memory_space<vmem>>, vector<16xf32>,
        tpu.vector_store %arg9[%parallel_loop3A_245], %parallel_loop3A_240 {strides = array<i32>} : memref<8192xf32, #tpu.memory_space<vmem>>, vector<16xf32>,
        %parallel_loop3A_247 = arith.addi %parallel_loop3A_152, %parallel_loop3A_221 : vector<16xi32>
        %parallel_loop3A_248 = tpu.memref_slice %arg11[%parallel_loop3A_136] : memref<8192xf32, #tpu.memory_space<vmem>> -> memref<128xf32, #tpu.memory_space<vmem>>
        %parallel_loop3A_249 = tpu.vector_load_idx %parallel_loop3A_248[%parallel_loop3A_247] : memref<128xf32, #tpu.memory_space<vmem>>[vector<16xi32>], vector<16xf32>,
        %parallel_loop3A_250 = tpu.memref_slice %arg12[%parallel_loop3A_136] : memref<8192xf32, #tpu.memory_space<vmem>> -> memref<128xf32, #tpu.memory_space<vmem>>
        %parallel_loop3A_251 = tpu.vector_load_idx %parallel_loop3A_250[%parallel_loop3A_247] : memref<128xf32, #tpu.memory_space<vmem>>[vector<16xi32>], vector<16xf32>,
        %parallel_loop3A_252 = arith.constant 1.650000e+01 : f32
        %parallel_loop3A_253 = vector.broadcast %parallel_loop3A_252 : f32 to vector<16xf32>
        %parallel_loop3A_254 = arith.addf %parallel_loop3A_132, %parallel_loop3A_253 : vector<16xf32>
        %parallel_loop3A_255 = arith.constant 7.812500e-03 : f32
        %parallel_loop3A_256 = vector.broadcast %parallel_loop3A_255 : f32 to vector<16xf32>
        %parallel_loop3A_257 = arith.mulf %parallel_loop3A_254, %parallel_loop3A_256 : vector<16xf32>
        %parallel_loop3A_258 = arith.mulf %parallel_loop3A_257, %parallel_loop3A_249 : vector<16xf32>
        %parallel_loop3A_259 = arith.addf %parallel_loop3A_251, %parallel_loop3A_258 : vector<16xf32>
        %parallel_loop3A_260 = arith.constant 128 : i32
        %parallel_loop3A_261 = arith.muli %parallel_loop3A_130, %parallel_loop3A_260 : i32
        %parallel_loop3A_262 = arith.constant 16 : i32
        %parallel_loop3A_263 = arith.addi %parallel_loop3A_261, %parallel_loop3A_262 : i32
        %parallel_loop3A_264 = arith.index_cast %parallel_loop3A_263 : i32 to index
        %parallel_loop3A_265 = tpu.vector_load %arg9[%parallel_loop3A_264] {strides = array<i32>} : memref<8192xf32, #tpu.memory_space<vmem>>, vector<16xf32>,
        tpu.vector_store %arg9[%parallel_loop3A_264], %parallel_loop3A_259 {strides = array<i32>} : memref<8192xf32, #tpu.memory_space<vmem>>, vector<16xf32>,
        %parallel_loop3A_266 = arith.addi %parallel_loop3A_159, %parallel_loop3A_222 : vector<16xi32>
        %parallel_loop3A_267 = tpu.memref_slice %arg11[%parallel_loop3A_136] : memref<8192xf32, #tpu.memory_space<vmem>> -> memref<128xf32, #tpu.memory_space<vmem>>
        %parallel_loop3A_268 = tpu.vector_load_idx %parallel_loop3A_267[%parallel_loop3A_266] : memref<128xf32, #tpu.memory_space<vmem>>[vector<16xi32>], vector<16xf32>,
        %parallel_loop3A_269 = tpu.memref_slice %arg12[%parallel_loop3A_136] : memref<8192xf32, #tpu.memory_space<vmem>> -> memref<128xf32, #tpu.memory_space<vmem>>
        %parallel_loop3A_270 = tpu.vector_load_idx %parallel_loop3A_269[%parallel_loop3A_266] : memref<128xf32, #tpu.memory_space<vmem>>[vector<16xi32>], vector<16xf32>,
        %parallel_loop3A_271 = arith.constant 3.250000e+01 : f32
        %parallel_loop3A_272 = vector.broadcast %parallel_loop3A_271 : f32 to vector<16xf32>
        %parallel_loop3A_273 = arith.addf %parallel_loop3A_132, %parallel_loop3A_272 : vector<16xf32>
        %parallel_loop3A_274 = arith.constant 7.812500e-03 : f32
        %parallel_loop3A_275 = vector.broadcast %parallel_loop3A_274 : f32 to vector<16xf32>
        %parallel_loop3A_276 = arith.mulf %parallel_loop3A_273, %parallel_loop3A_275 : vector<16xf32>
        %parallel_loop3A_277 = arith.mulf %parallel_loop3A_276, %parallel_loop3A_268 : vector<16xf32>
        %parallel_loop3A_278 = arith.addf %parallel_loop3A_270, %parallel_loop3A_277 : vector<16xf32>
        %parallel_loop3A_279 = arith.constant 128 : i32
        %parallel_loop3A_280 = arith.muli %parallel_loop3A_130, %parallel_loop3A_279 : i32
        %parallel_loop3A_281 = arith.constant 32 : i32
        %parallel_loop3A_282 = arith.addi %parallel_loop3A_280, %parallel_loop3A_281 : i32
        %parallel_loop3A_283 = arith.index_cast %parallel_loop3A_282 : i32 to index
        %parallel_loop3A_284 = tpu.vector_load %arg9[%parallel_loop3A_283] {strides = array<i32>} : memref<8192xf32, #tpu.memory_space<vmem>>, vector<16xf32>,
        tpu.vector_store %arg9[%parallel_loop3A_283], %parallel_loop3A_278 {strides = array<i32>} : memref<8192xf32, #tpu.memory_space<vmem>>, vector<16xf32>,
        %parallel_loop3A_285 = arith.addi %parallel_loop3A_166, %parallel_loop3A_223 : vector<16xi32>
        %parallel_loop3A_286 = tpu.memref_slice %arg11[%parallel_loop3A_136] : memref<8192xf32, #tpu.memory_space<vmem>> -> memref<128xf32, #tpu.memory_space<vmem>>
        %parallel_loop3A_287 = tpu.vector_load_idx %parallel_loop3A_286[%parallel_loop3A_285] : memref<128xf32, #tpu.memory_space<vmem>>[vector<16xi32>], vector<16xf32>,
        %parallel_loop3A_288 = tpu.memref_slice %arg12[%parallel_loop3A_136] : memref<8192xf32, #tpu.memory_space<vmem>> -> memref<128xf32, #tpu.memory_space<vmem>>
        %parallel_loop3A_289 = tpu.vector_load_idx %parallel_loop3A_288[%parallel_loop3A_285] : memref<128xf32, #tpu.memory_space<vmem>>[vector<16xi32>], vector<16xf32>,
        %parallel_loop3A_290 = arith.constant 4.850000e+01 : f32
        %parallel_loop3A_291 = vector.broadcast %parallel_loop3A_290 : f32 to vector<16xf32>
        %parallel_loop3A_292 = arith.addf %parallel_loop3A_132, %parallel_loop3A_291 : vector<16xf32>
        %parallel_loop3A_293 = arith.constant 7.812500e-03 : f32
        %parallel_loop3A_294 = vector.broadcast %parallel_loop3A_293 : f32 to vector<16xf32>
        %parallel_loop3A_295 = arith.mulf %parallel_loop3A_292, %parallel_loop3A_294 : vector<16xf32>
        %parallel_loop3A_296 = arith.mulf %parallel_loop3A_295, %parallel_loop3A_287 : vector<16xf32>
        %parallel_loop3A_297 = arith.addf %parallel_loop3A_289, %parallel_loop3A_296 : vector<16xf32>
        %parallel_loop3A_298 = arith.constant 128 : i32
        %parallel_loop3A_299 = arith.muli %parallel_loop3A_130, %parallel_loop3A_298 : i32
        %parallel_loop3A_300 = arith.constant 48 : i32
        %parallel_loop3A_301 = arith.addi %parallel_loop3A_299, %parallel_loop3A_300 : i32
        %parallel_loop3A_302 = arith.index_cast %parallel_loop3A_301 : i32 to index
        %parallel_loop3A_303 = tpu.vector_load %arg9[%parallel_loop3A_302] {strides = array<i32>} : memref<8192xf32, #tpu.memory_space<vmem>>, vector<16xf32>,
        tpu.vector_store %arg9[%parallel_loop3A_302], %parallel_loop3A_297 {strides = array<i32>} : memref<8192xf32, #tpu.memory_space<vmem>>, vector<16xf32>,
        %parallel_loop3A_304 = arith.addi %parallel_loop3A_173, %parallel_loop3A_224 : vector<16xi32>
        %parallel_loop3A_305 = tpu.memref_slice %arg11[%parallel_loop3A_136] : memref<8192xf32, #tpu.memory_space<vmem>> -> memref<128xf32, #tpu.memory_space<vmem>>
        %parallel_loop3A_306 = tpu.vector_load_idx %parallel_loop3A_305[%parallel_loop3A_304] : memref<128xf32, #tpu.memory_space<vmem>>[vector<16xi32>], vector<16xf32>,
        %parallel_loop3A_307 = tpu.memref_slice %arg12[%parallel_loop3A_136] : memref<8192xf32, #tpu.memory_space<vmem>> -> memref<128xf32, #tpu.memory_space<vmem>>
        %parallel_loop3A_308 = tpu.vector_load_idx %parallel_loop3A_307[%parallel_loop3A_304] : memref<128xf32, #tpu.memory_space<vmem>>[vector<16xi32>], vector<16xf32>,
        %parallel_loop3A_309 = arith.constant 6.450000e+01 : f32
        %parallel_loop3A_310 = vector.broadcast %parallel_loop3A_309 : f32 to vector<16xf32>
        %parallel_loop3A_311 = arith.addf %parallel_loop3A_132, %parallel_loop3A_310 : vector<16xf32>
        %parallel_loop3A_312 = arith.constant 7.812500e-03 : f32
        %parallel_loop3A_313 = vector.broadcast %parallel_loop3A_312 : f32 to vector<16xf32>
        %parallel_loop3A_314 = arith.mulf %parallel_loop3A_311, %parallel_loop3A_313 : vector<16xf32>
        %parallel_loop3A_315 = arith.mulf %parallel_loop3A_314, %parallel_loop3A_306 : vector<16xf32>
        %parallel_loop3A_316 = arith.addf %parallel_loop3A_308, %parallel_loop3A_315 : vector<16xf32>
        %parallel_loop3A_317 = arith.constant 128 : i32
        %parallel_loop3A_318 = arith.muli %parallel_loop3A_130, %parallel_loop3A_317 : i32
        %parallel_loop3A_319 = arith.constant 64 : i32
        %parallel_loop3A_320 = arith.addi %parallel_loop3A_318, %parallel_loop3A_319 : i32
        %parallel_loop3A_321 = arith.index_cast %parallel_loop3A_320 : i32 to index
        %parallel_loop3A_322 = tpu.vector_load %arg9[%parallel_loop3A_321] {strides = array<i32>} : memref<8192xf32, #tpu.memory_space<vmem>>, vector<16xf32>,
        tpu.vector_store %arg9[%parallel_loop3A_321], %parallel_loop3A_316 {strides = array<i32>} : memref<8192xf32, #tpu.memory_space<vmem>>, vector<16xf32>,
        %parallel_loop3A_323 = arith.addi %parallel_loop3A_180, %parallel_loop3A_225 : vector<16xi32>
        %parallel_loop3A_324 = tpu.memref_slice %arg11[%parallel_loop3A_136] : memref<8192xf32, #tpu.memory_space<vmem>> -> memref<128xf32, #tpu.memory_space<vmem>>
        %parallel_loop3A_325 = tpu.vector_load_idx %parallel_loop3A_324[%parallel_loop3A_323] : memref<128xf32, #tpu.memory_space<vmem>>[vector<16xi32>], vector<16xf32>,
        %parallel_loop3A_326 = tpu.memref_slice %arg12[%parallel_loop3A_136] : memref<8192xf32, #tpu.memory_space<vmem>> -> memref<128xf32, #tpu.memory_space<vmem>>
        %parallel_loop3A_327 = tpu.vector_load_idx %parallel_loop3A_326[%parallel_loop3A_323] : memref<128xf32, #tpu.memory_space<vmem>>[vector<16xi32>], vector<16xf32>,
        %parallel_loop3A_328 = arith.constant 8.050000e+01 : f32
        %parallel_loop3A_329 = vector.broadcast %parallel_loop3A_328 : f32 to vector<16xf32>
        %parallel_loop3A_330 = arith.addf %parallel_loop3A_132, %parallel_loop3A_329 : vector<16xf32>
        %parallel_loop3A_331 = arith.constant 7.812500e-03 : f32
        %parallel_loop3A_332 = vector.broadcast %parallel_loop3A_331 : f32 to vector<16xf32>
        %parallel_loop3A_333 = arith.mulf %parallel_loop3A_330, %parallel_loop3A_332 : vector<16xf32>
        %parallel_loop3A_334 = arith.mulf %parallel_loop3A_333, %parallel_loop3A_325 : vector<16xf32>
        %parallel_loop3A_335 = arith.addf %parallel_loop3A_327, %parallel_loop3A_334 : vector<16xf32>
        %parallel_loop3A_336 = arith.constant 128 : i32
        %parallel_loop3A_337 = arith.muli %parallel_loop3A_130, %parallel_loop3A_336 : i32
        %parallel_loop3A_338 = arith.constant 80 : i32
        %parallel_loop3A_339 = arith.addi %parallel_loop3A_337, %parallel_loop3A_338 : i32
        %parallel_loop3A_340 = arith.index_cast %parallel_loop3A_339 : i32 to index
        %parallel_loop3A_341 = tpu.vector_load %arg9[%parallel_loop3A_340] {strides = array<i32>} : memref<8192xf32, #tpu.memory_space<vmem>>, vector<16xf32>,
        tpu.vector_store %arg9[%parallel_loop3A_340], %parallel_loop3A_335 {strides = array<i32>} : memref<8192xf32, #tpu.memory_space<vmem>>, vector<16xf32>,
        %parallel_loop3A_342 = arith.addi %parallel_loop3A_187, %parallel_loop3A_226 : vector<16xi32>
        %parallel_loop3A_343 = tpu.memref_slice %arg11[%parallel_loop3A_136] : memref<8192xf32, #tpu.memory_space<vmem>> -> memref<128xf32, #tpu.memory_space<vmem>>
        %parallel_loop3A_344 = tpu.vector_load_idx %parallel_loop3A_343[%parallel_loop3A_342] : memref<128xf32, #tpu.memory_space<vmem>>[vector<16xi32>], vector<16xf32>,
        %parallel_loop3A_345 = tpu.memref_slice %arg12[%parallel_loop3A_136] : memref<8192xf32, #tpu.memory_space<vmem>> -> memref<128xf32, #tpu.memory_space<vmem>>
        %parallel_loop3A_346 = tpu.vector_load_idx %parallel_loop3A_345[%parallel_loop3A_342] : memref<128xf32, #tpu.memory_space<vmem>>[vector<16xi32>], vector<16xf32>,
        %parallel_loop3A_347 = arith.constant 9.650000e+01 : f32
        %parallel_loop3A_348 = vector.broadcast %parallel_loop3A_347 : f32 to vector<16xf32>
        %parallel_loop3A_349 = arith.addf %parallel_loop3A_132, %parallel_loop3A_348 : vector<16xf32>
        %parallel_loop3A_350 = arith.constant 7.812500e-03 : f32
        %parallel_loop3A_351 = vector.broadcast %parallel_loop3A_350 : f32 to vector<16xf32>
        %parallel_loop3A_352 = arith.mulf %parallel_loop3A_349, %parallel_loop3A_351 : vector<16xf32>
        %parallel_loop3A_353 = arith.mulf %parallel_loop3A_352, %parallel_loop3A_344 : vector<16xf32>
        %parallel_loop3A_354 = arith.addf %parallel_loop3A_346, %parallel_loop3A_353 : vector<16xf32>
        %parallel_loop3A_355 = arith.constant 128 : i32
        %parallel_loop3A_356 = arith.muli %parallel_loop3A_130, %parallel_loop3A_355 : i32
        %parallel_loop3A_357 = arith.constant 96 : i32
        %parallel_loop3A_358 = arith.addi %parallel_loop3A_356, %parallel_loop3A_357 : i32
        %parallel_loop3A_359 = arith.index_cast %parallel_loop3A_358 : i32 to index
        %parallel_loop3A_360 = tpu.vector_load %arg9[%parallel_loop3A_359] {strides = array<i32>} : memref<8192xf32, #tpu.memory_space<vmem>>, vector<16xf32>,
        tpu.vector_store %arg9[%parallel_loop3A_359], %parallel_loop3A_354 {strides = array<i32>} : memref<8192xf32, #tpu.memory_space<vmem>>, vector<16xf32>,
        %parallel_loop3A_361 = arith.addi %parallel_loop3A_194, %parallel_loop3A_227 : vector<16xi32>
        %parallel_loop3A_362 = tpu.memref_slice %arg11[%parallel_loop3A_136] : memref<8192xf32, #tpu.memory_space<vmem>> -> memref<128xf32, #tpu.memory_space<vmem>>
        %parallel_loop3A_363 = tpu.vector_load_idx %parallel_loop3A_362[%parallel_loop3A_361] : memref<128xf32, #tpu.memory_space<vmem>>[vector<16xi32>], vector<16xf32>,
        %parallel_loop3A_364 = tpu.memref_slice %arg12[%parallel_loop3A_136] : memref<8192xf32, #tpu.memory_space<vmem>> -> memref<128xf32, #tpu.memory_space<vmem>>
        %parallel_loop3A_365 = tpu.vector_load_idx %parallel_loop3A_364[%parallel_loop3A_361] : memref<128xf32, #tpu.memory_space<vmem>>[vector<16xi32>], vector<16xf32>,
        %parallel_loop3A_366 = arith.constant 1.125000e+02 : f32
        %parallel_loop3A_367 = vector.broadcast %parallel_loop3A_366 : f32 to vector<16xf32>
        %parallel_loop3A_368 = arith.addf %parallel_loop3A_132, %parallel_loop3A_367 : vector<16xf32>
        %parallel_loop3A_369 = arith.constant 7.812500e-03 : f32
        %parallel_loop3A_370 = vector.broadcast %parallel_loop3A_369 : f32 to vector<16xf32>
        %parallel_loop3A_371 = arith.mulf %parallel_loop3A_368, %parallel_loop3A_370 : vector<16xf32>
        %parallel_loop3A_372 = arith.mulf %parallel_loop3A_371, %parallel_loop3A_363 : vector<16xf32>
        %parallel_loop3A_373 = arith.addf %parallel_loop3A_365, %parallel_loop3A_372 : vector<16xf32>
        %parallel_loop3A_374 = arith.constant 128 : i32
        %parallel_loop3A_375 = arith.muli %parallel_loop3A_130, %parallel_loop3A_374 : i32
        %parallel_loop3A_376 = arith.constant 112 : i32
        %parallel_loop3A_377 = arith.addi %parallel_loop3A_375, %parallel_loop3A_376 : i32
        %parallel_loop3A_378 = arith.index_cast %parallel_loop3A_377 : i32 to index
        %parallel_loop3A_379 = tpu.vector_load %arg9[%parallel_loop3A_378] {strides = array<i32>} : memref<8192xf32, #tpu.memory_space<vmem>>, vector<16xf32>,
        tpu.vector_store %arg9[%parallel_loop3A_378], %parallel_loop3A_373 {strides = array<i32>} : memref<8192xf32, #tpu.memory_space<vmem>>, vector<16xf32>,
      } {sc.loop_unroll_factor = 8 : i64, sc.parallel_access}
      %mul3A_73 = arith.constant 64 : i32
      %mul3A_74 = arith.muli %add3A_50, %mul3A_73 : i32
      %add3A_75 = arith.addi %mul3A_2, %mul3A_74 : i32
      %mul3A_76 = arith.constant 128 : i32
      %mul3A_77 = arith.muli %add3A_75, %mul3A_76 : i32
      %dma_start3A_78 = tpu.memref_slice %arg4[%mul3A_77] : memref<16777216xf32, #tpu.memory_space<hbm>> -> memref<8192xf32, #tpu.memory_space<hbm>>
      %dma_start3A_79 = tpu.memref_slice %arg4[%mul3A_77] : memref<16777216xf32, #tpu.memory_space<hbm>> -> memref<8192xf32, #tpu.memory_space<hbm>>
      tpu.enqueue_dma source(%arg9 : memref<8192xf32, #tpu.memory_space<vmem>>) target(%dma_start3A_79 : memref<8192xf32, #tpu.memory_space<hbm>>) target_semaphore(%arg16 : memref<!tpu.dma_semaphore, #tpu.memory_space<semaphore_mem>>)
      %add3A_80 = arith.constant 2 : i32
      %add3A_81 = arith.addi %add3A_50, %add3A_80 : i32
      %lt3A = arith.constant 64 : i32
      %lt3A_82 = arith.cmpi slt, %add3A_81, %lt3A : i32
      %convert_element_type3A_83 = arith.extui %lt3A_82 : i1 to i32
      %cond3A_84 = arith.constant 0 : i32
      %cond3A_85 = arith.cmpi ne, %convert_element_type3A_83, %cond3A_84 : i32
      scf.if %cond3A_85 {
        %add3A_130 = arith.constant 2 : i32
        %add3A_131 = arith.addi %add3A_50, %add3A_130 : i32
        %mul3A_132 = arith.constant 64 : i32
        %mul3A_133 = arith.muli %add3A_131, %mul3A_132 : i32
        %add3A_134 = arith.addi %mul3A_2, %mul3A_133 : i32
        %mul3A_135 = arith.constant 127 : i32
        %mul3A_136 = arith.muli %add3A_134, %mul3A_135 : i32
        %mul3A_137 = arith.constant 128 : i32
        %mul3A_138 = arith.muli %add3A_134, %mul3A_137 : i32
        %dma_start3A_139 = arith.constant 0 : i32
        %dma_start3A_140 = tpu.memref_slice %arg5[%dma_start3A_139] : memref<8144xf32, #tpu.memory_space<vmem>> -> memref<8128xf32, #tpu.memory_space<vmem>>
        %dma_start3A_141 = tpu.memref_slice %arg3[%mul3A_136] : memref<16646144xf32, #tpu.memory_space<hbm>> -> memref<8128xf32, #tpu.memory_space<hbm>>
        %dma_start3A_142 = arith.constant 0 : i32
        %dma_start3A_143 = tpu.memref_slice %arg5[%dma_start3A_142] : memref<8144xf32, #tpu.memory_space<vmem>> -> memref<8128xf32, #tpu.memory_space<vmem>>
        %dma_start3A_144 = tpu.memref_slice %arg3[%mul3A_136] : memref<16646144xf32, #tpu.memory_space<hbm>> -> memref<8128xf32, #tpu.memory_space<hbm>>
        tpu.enqueue_dma source(%dma_start3A_144 : memref<8128xf32, #tpu.memory_space<hbm>>) target(%dma_start3A_143 : memref<8128xf32, #tpu.memory_space<vmem>>) target_semaphore(%arg14 : memref<!tpu.dma_semaphore, #tpu.memory_space<semaphore_mem>>)
        %dma_start3A_145 = tpu.memref_slice %arg2[%mul3A_138] : memref<16777216xf32, #tpu.memory_space<hbm>> -> memref<8192xf32, #tpu.memory_space<hbm>>
        %dma_start3A_146 = tpu.memref_slice %arg2[%mul3A_138] : memref<16777216xf32, #tpu.memory_space<hbm>> -> memref<8192xf32, #tpu.memory_space<hbm>>
        tpu.enqueue_dma source(%dma_start3A_146 : memref<8192xf32, #tpu.memory_space<hbm>>) target(%arg7 : memref<8192xf32, #tpu.memory_space<vmem>>) target_semaphore(%arg14 : memref<!tpu.dma_semaphore, #tpu.memory_space<semaphore_mem>>)
      } else {
      }
      %mul3A_86 = arith.constant 2 : i32
      %mul3A_87 = arith.muli %mul3A_86, %scan3A_46 : i32
      %add3A_88 = arith.constant 1 : i32
      %add3A_89 = arith.addi %mul3A_87, %add3A_88 : i32
      %mul3A_90 = arith.constant 64 : i32
      %mul3A_91 = arith.muli %add3A_89, %mul3A_90 : i32
      %add3A_92 = arith.addi %mul3A_2, %mul3A_91 : i32
      %mul3A_93 = arith.constant 127 : i32
      %mul3A_94 = arith.muli %add3A_92, %mul3A_93 : i32
      %mul3A_95 = arith.constant 128 : i32
      %mul3A_96 = arith.muli %add3A_92, %mul3A_95 : i32
      %dma_wait3A_97 = arith.constant 0 : i32
      %dma_wait3A_98 = tpu.memref_slice %arg6[%dma_wait3A_97] : memref<8144xf32, #tpu.memory_space<vmem>> -> memref<8128xf32, #tpu.memory_space<vmem>>
      %dma_wait3A_99 = tpu.memref_slice %arg3[%mul3A_94] : memref<16646144xf32, #tpu.memory_space<hbm>> -> memref<8128xf32, #tpu.memory_space<hbm>>
      %dma_wait3A_100 = arith.constant 0 : i32
      %dma_wait3A_101 = tpu.memref_slice %arg6[%dma_wait3A_100] : memref<8144xf32, #tpu.memory_space<vmem>> -> memref<8128xf32, #tpu.memory_space<vmem>>
      %dma_wait3A_102 = tpu.memref_slice %arg3[%mul3A_94] : memref<16646144xf32, #tpu.memory_space<hbm>> -> memref<8128xf32, #tpu.memory_space<hbm>>
      tpu.wait_dma2 semaphore(%arg15 : memref<!tpu.dma_semaphore, #tpu.memory_space<semaphore_mem>>) src(%dma_wait3A_102 : memref<8128xf32, #tpu.memory_space<hbm>>) dst(%dma_wait3A_101 : memref<8128xf32, #tpu.memory_space<vmem>>)
      %dma_wait3A_103 = tpu.memref_slice %arg2[%mul3A_96] : memref<16777216xf32, #tpu.memory_space<hbm>> -> memref<8192xf32, #tpu.memory_space<hbm>>
      %dma_wait3A_104 = tpu.memref_slice %arg2[%mul3A_96] : memref<16777216xf32, #tpu.memory_space<hbm>> -> memref<8192xf32, #tpu.memory_space<hbm>>
      tpu.wait_dma2 semaphore(%arg15 : memref<!tpu.dma_semaphore, #tpu.memory_space<semaphore_mem>>) src(%dma_wait3A_104 : memref<8192xf32, #tpu.memory_space<hbm>>) dst(%arg8 : memref<8192xf32, #tpu.memory_space<vmem>>)
      %ge3A_105 = arith.constant 2 : i32
      %ge3A_106 = arith.cmpi sge, %add3A_89, %ge3A_105 : i32
      %convert_element_type3A_107 = arith.extui %ge3A_106 : i1 to i32
      %cond3A_108 = arith.constant 0 : i32
      %cond3A_109 = arith.cmpi ne, %convert_element_type3A_107, %cond3A_108 : i32
      scf.if %cond3A_109 {
        %sub3A = arith.constant 2 : i32
        %sub3A_130 = arith.subi %add3A_89, %sub3A : i32
        %mul3A_131 = arith.constant 64 : i32
        %mul3A_132 = arith.muli %sub3A_130, %mul3A_131 : i32
        %add3A_133 = arith.addi %mul3A_2, %mul3A_132 : i32
        %mul3A_134 = arith.constant 128 : i32
        %mul3A_135 = arith.muli %add3A_133, %mul3A_134 : i32
        %dma_wait3A_136 = tpu.memref_slice %arg4[%mul3A_135] : memref<16777216xf32, #tpu.memory_space<hbm>> -> memref<8192xf32, #tpu.memory_space<hbm>>
        %dma_wait3A_137 = tpu.memref_slice %arg4[%mul3A_135] : memref<16777216xf32, #tpu.memory_space<hbm>> -> memref<8192xf32, #tpu.memory_space<hbm>>
        tpu.wait_dma2 semaphore(%arg17 : memref<!tpu.dma_semaphore, #tpu.memory_space<semaphore_mem>>) src(%arg10 : memref<8192xf32, #tpu.memory_space<vmem>>) dst(%dma_wait3A_137 : memref<8192xf32, #tpu.memory_space<hbm>>)
      } else {
      }
      %parallel_loop3A_110 = arith.constant 0 : i32
      %parallel_loop3A_111 = arith.constant 64 : i32
      %parallel_loop3A_112 = arith.constant 1 : i32
      scf.for %parallel_loop3A_130 = %parallel_loop3A_110 to %parallel_loop3A_111 step %parallel_loop3A_112  : i32 {
        %parallel_loop3A_131 = tpu.iota {dimensions = array<i32: 0>} : vector<16xi32>
        %parallel_loop3A_132 = arith.constant 0.000000e+00 : f32
        %parallel_loop3A_133 = vector.broadcast %parallel_loop3A_132 : f32 to vector<16xf32>
        %parallel_loop3A_134 = arith.constant 15 : i32
        %parallel_loop3A_135 = vector.broadcast %parallel_loop3A_134 : i32 to vector<16xi32>
        %parallel_loop3A_136 = arith.constant 0 : i32
        %parallel_loop3A_137 = vector.broadcast %parallel_loop3A_136 : i32 to vector<16xi32>
        %parallel_loop3A_138 = arith.constant 1 : i32
        %parallel_loop3A_139 = vector.broadcast %parallel_loop3A_138 : i32 to vector<16xi32>
        %parallel_loop3A_140 = arith.subi %parallel_loop3A_131, %parallel_loop3A_139 : vector<16xi32>
        %parallel_loop3A_141 = arith.constant 0 : i32
        %parallel_loop3A_142 = vector.broadcast %parallel_loop3A_141 : i32 to vector<16xi32>
        %parallel_loop3A_143 = arith.maxsi %parallel_loop3A_140, %parallel_loop3A_142 : vector<16xi32>
        %parallel_loop3A_144 = arith.constant 1 : i32
        %parallel_loop3A_145 = vector.broadcast %parallel_loop3A_144 : i32 to vector<16xi32>
        %parallel_loop3A_146 = arith.addi %parallel_loop3A_131, %parallel_loop3A_145 : vector<16xi32>
        %parallel_loop3A_147 = arith.constant 15 : i32
        %parallel_loop3A_148 = vector.broadcast %parallel_loop3A_147 : i32 to vector<16xi32>
        %parallel_loop3A_149 = arith.minsi %parallel_loop3A_146, %parallel_loop3A_148 : vector<16xi32>
        %parallel_loop3A_150 = arith.constant 127 : i32
        %parallel_loop3A_151 = arith.muli %parallel_loop3A_130, %parallel_loop3A_150 : i32
        %parallel_loop3A_152 = arith.constant 128 : i32
        %parallel_loop3A_153 = arith.muli %parallel_loop3A_130, %parallel_loop3A_152 : i32
        %parallel_loop3A_154 = arith.constant 144 : i32
        %parallel_loop3A_155 = arith.muli %parallel_loop3A_130, %parallel_loop3A_154 : i32
        %parallel_loop3A_156 = arith.constant 0 : i32
        %parallel_loop3A_157 = arith.addi %parallel_loop3A_151, %parallel_loop3A_156 : i32
        %parallel_loop3A_158 = arith.index_cast %parallel_loop3A_157 : i32 to index
        %parallel_loop3A_159 = tpu.vector_load %arg6[%parallel_loop3A_158] {strides = array<i32>} : memref<8144xf32, #tpu.memory_space<vmem>>, vector<16xf32>,
        %parallel_loop3A_160 = arith.constant 9.99999974E-6 : f32
        %parallel_loop3A_161 = vector.broadcast %parallel_loop3A_160 : f32 to vector<16xf32>
        %parallel_loop3A_162 = arith.addf %parallel_loop3A_159, %parallel_loop3A_161 : vector<16xf32>
        %parallel_loop3A_163 = arith.constant 16 : i32
        %parallel_loop3A_164 = arith.addi %parallel_loop3A_151, %parallel_loop3A_163 : i32
        %parallel_loop3A_165 = arith.index_cast %parallel_loop3A_164 : i32 to index
        %parallel_loop3A_166 = tpu.vector_load %arg6[%parallel_loop3A_165] {strides = array<i32>} : memref<8144xf32, #tpu.memory_space<vmem>>, vector<16xf32>,
        %parallel_loop3A_167 = arith.constant 9.99999974E-6 : f32
        %parallel_loop3A_168 = vector.broadcast %parallel_loop3A_167 : f32 to vector<16xf32>
        %parallel_loop3A_169 = arith.addf %parallel_loop3A_166, %parallel_loop3A_168 : vector<16xf32>
        %parallel_loop3A_170 = arith.constant 32 : i32
        %parallel_loop3A_171 = arith.addi %parallel_loop3A_151, %parallel_loop3A_170 : i32
        %parallel_loop3A_172 = arith.index_cast %parallel_loop3A_171 : i32 to index
        %parallel_loop3A_173 = tpu.vector_load %arg6[%parallel_loop3A_172] {strides = array<i32>} : memref<8144xf32, #tpu.memory_space<vmem>>, vector<16xf32>,
        %parallel_loop3A_174 = arith.constant 9.99999974E-6 : f32
        %parallel_loop3A_175 = vector.broadcast %parallel_loop3A_174 : f32 to vector<16xf32>
        %parallel_loop3A_176 = arith.addf %parallel_loop3A_173, %parallel_loop3A_175 : vector<16xf32>
        %parallel_loop3A_177 = arith.constant 48 : i32
        %parallel_loop3A_178 = arith.addi %parallel_loop3A_151, %parallel_loop3A_177 : i32
        %parallel_loop3A_179 = arith.index_cast %parallel_loop3A_178 : i32 to index
        %parallel_loop3A_180 = tpu.vector_load %arg6[%parallel_loop3A_179] {strides = array<i32>} : memref<8144xf32, #tpu.memory_space<vmem>>, vector<16xf32>,
        %parallel_loop3A_181 = arith.constant 9.99999974E-6 : f32
        %parallel_loop3A_182 = vector.broadcast %parallel_loop3A_181 : f32 to vector<16xf32>
        %parallel_loop3A_183 = arith.addf %parallel_loop3A_180, %parallel_loop3A_182 : vector<16xf32>
        %parallel_loop3A_184 = arith.constant 64 : i32
        %parallel_loop3A_185 = arith.addi %parallel_loop3A_151, %parallel_loop3A_184 : i32
        %parallel_loop3A_186 = arith.index_cast %parallel_loop3A_185 : i32 to index
        %parallel_loop3A_187 = tpu.vector_load %arg6[%parallel_loop3A_186] {strides = array<i32>} : memref<8144xf32, #tpu.memory_space<vmem>>, vector<16xf32>,
        %parallel_loop3A_188 = arith.constant 9.99999974E-6 : f32
        %parallel_loop3A_189 = vector.broadcast %parallel_loop3A_188 : f32 to vector<16xf32>
        %parallel_loop3A_190 = arith.addf %parallel_loop3A_187, %parallel_loop3A_189 : vector<16xf32>
        %parallel_loop3A_191 = arith.constant 80 : i32
        %parallel_loop3A_192 = arith.addi %parallel_loop3A_151, %parallel_loop3A_191 : i32
        %parallel_loop3A_193 = arith.index_cast %parallel_loop3A_192 : i32 to index
        %parallel_loop3A_194 = tpu.vector_load %arg6[%parallel_loop3A_193] {strides = array<i32>} : memref<8144xf32, #tpu.memory_space<vmem>>, vector<16xf32>,
        %parallel_loop3A_195 = arith.constant 9.99999974E-6 : f32
        %parallel_loop3A_196 = vector.broadcast %parallel_loop3A_195 : f32 to vector<16xf32>
        %parallel_loop3A_197 = arith.addf %parallel_loop3A_194, %parallel_loop3A_196 : vector<16xf32>
        %parallel_loop3A_198 = arith.constant 96 : i32
        %parallel_loop3A_199 = arith.addi %parallel_loop3A_151, %parallel_loop3A_198 : i32
        %parallel_loop3A_200 = arith.index_cast %parallel_loop3A_199 : i32 to index
        %parallel_loop3A_201 = tpu.vector_load %arg6[%parallel_loop3A_200] {strides = array<i32>} : memref<8144xf32, #tpu.memory_space<vmem>>, vector<16xf32>,
        %parallel_loop3A_202 = arith.constant 9.99999974E-6 : f32
        %parallel_loop3A_203 = vector.broadcast %parallel_loop3A_202 : f32 to vector<16xf32>
        %parallel_loop3A_204 = arith.addf %parallel_loop3A_201, %parallel_loop3A_203 : vector<16xf32>
        %parallel_loop3A_205 = arith.constant 112 : i32
        %parallel_loop3A_206 = arith.addi %parallel_loop3A_151, %parallel_loop3A_205 : i32
        %parallel_loop3A_207 = arith.index_cast %parallel_loop3A_206 : i32 to index
        %parallel_loop3A_208 = tpu.vector_load %arg6[%parallel_loop3A_207] {strides = array<i32>} : memref<8144xf32, #tpu.memory_space<vmem>>, vector<16xf32>,
        %parallel_loop3A_209 = arith.constant 9.99999974E-6 : f32
        %parallel_loop3A_210 = vector.broadcast %parallel_loop3A_209 : f32 to vector<16xf32>
        %parallel_loop3A_211 = arith.addf %parallel_loop3A_208, %parallel_loop3A_210 : vector<16xf32>
        %parallel_loop3A_212 = arith.constant 15 : i32
        %parallel_loop3A_213 = vector.broadcast %parallel_loop3A_212 : i32 to vector<16xi32>
        %parallel_loop3A_214 = arith.cmpi slt, %parallel_loop3A_131, %parallel_loop3A_213 : vector<16xi32>
        %parallel_loop3A_215 = arith.constant 0.000000e+00 : f32
        %parallel_loop3A_216 = vector.broadcast %parallel_loop3A_215 : f32 to vector<16xf32>
        %parallel_loop3A_217 = arith.select %parallel_loop3A_214, %parallel_loop3A_211, %parallel_loop3A_216 : vector<16xi1>, vector<16xf32>
        %parallel_loop3A_218 = arith.constant true
        %parallel_loop3A_219 = vector.broadcast %parallel_loop3A_218 : i1 to vector<16xi1>
        %parallel_loop3A_220 = tpu.scan <sum>, %parallel_loop3A_162 masked %parallel_loop3A_219 : vector<16xf32>, vector<16xi1> -> vector<16xf32>
        %parallel_loop3A_221 = arith.constant true
        %parallel_loop3A_222 = vector.broadcast %parallel_loop3A_221 : i1 to vector<16xi1>
        %parallel_loop3A_223 = tpu.scan <sum>, %parallel_loop3A_169 masked %parallel_loop3A_222 : vector<16xf32>, vector<16xi1> -> vector<16xf32>
        %parallel_loop3A_224 = arith.constant true
        %parallel_loop3A_225 = vector.broadcast %parallel_loop3A_224 : i1 to vector<16xi1>
        %parallel_loop3A_226 = tpu.scan <sum>, %parallel_loop3A_176 masked %parallel_loop3A_225 : vector<16xf32>, vector<16xi1> -> vector<16xf32>
        %parallel_loop3A_227 = arith.constant true
        %parallel_loop3A_228 = vector.broadcast %parallel_loop3A_227 : i1 to vector<16xi1>
        %parallel_loop3A_229 = tpu.scan <sum>, %parallel_loop3A_183 masked %parallel_loop3A_228 : vector<16xf32>, vector<16xi1> -> vector<16xf32>
        %parallel_loop3A_230 = arith.constant true
        %parallel_loop3A_231 = vector.broadcast %parallel_loop3A_230 : i1 to vector<16xi1>
        %parallel_loop3A_232 = tpu.scan <sum>, %parallel_loop3A_190 masked %parallel_loop3A_231 : vector<16xf32>, vector<16xi1> -> vector<16xf32>
        %parallel_loop3A_233 = arith.constant true
        %parallel_loop3A_234 = vector.broadcast %parallel_loop3A_233 : i1 to vector<16xi1>
        %parallel_loop3A_235 = tpu.scan <sum>, %parallel_loop3A_197 masked %parallel_loop3A_234 : vector<16xf32>, vector<16xi1> -> vector<16xf32>
        %parallel_loop3A_236 = arith.constant true
        %parallel_loop3A_237 = vector.broadcast %parallel_loop3A_236 : i1 to vector<16xi1>
        %parallel_loop3A_238 = tpu.scan <sum>, %parallel_loop3A_204 masked %parallel_loop3A_237 : vector<16xf32>, vector<16xi1> -> vector<16xf32>
        %parallel_loop3A_239 = arith.constant true
        %parallel_loop3A_240 = vector.broadcast %parallel_loop3A_239 : i1 to vector<16xi1>
        %parallel_loop3A_241 = tpu.scan <sum>, %parallel_loop3A_217 masked %parallel_loop3A_240 : vector<16xf32>, vector<16xi1> -> vector<16xf32>
        %parallel_loop3A_242 = vector.shape_cast %parallel_loop3A_135 : vector<16xi32> to vector<16x1xi32>
        %parallel_loop3A_243 = vector.shape_cast %parallel_loop3A_242 : vector<16x1xi32> to vector<16xi32>
        %parallel_loop3A_244 = tpu.dynamic_gather %parallel_loop3A_220[%parallel_loop3A_243] in [0] : vector<16xf32>, vector<16xi32> -> vector<16xf32>
        %parallel_loop3A_245 = vector.shape_cast %parallel_loop3A_135 : vector<16xi32> to vector<16x1xi32>
        %parallel_loop3A_246 = vector.shape_cast %parallel_loop3A_245 : vector<16x1xi32> to vector<16xi32>
        %parallel_loop3A_247 = tpu.dynamic_gather %parallel_loop3A_223[%parallel_loop3A_246] in [0] : vector<16xf32>, vector<16xi32> -> vector<16xf32>
        %parallel_loop3A_248 = vector.shape_cast %parallel_loop3A_135 : vector<16xi32> to vector<16x1xi32>
        %parallel_loop3A_249 = vector.shape_cast %parallel_loop3A_248 : vector<16x1xi32> to vector<16xi32>
        %parallel_loop3A_250 = tpu.dynamic_gather %parallel_loop3A_226[%parallel_loop3A_249] in [0] : vector<16xf32>, vector<16xi32> -> vector<16xf32>
        %parallel_loop3A_251 = vector.shape_cast %parallel_loop3A_135 : vector<16xi32> to vector<16x1xi32>
        %parallel_loop3A_252 = vector.shape_cast %parallel_loop3A_251 : vector<16x1xi32> to vector<16xi32>
        %parallel_loop3A_253 = tpu.dynamic_gather %parallel_loop3A_229[%parallel_loop3A_252] in [0] : vector<16xf32>, vector<16xi32> -> vector<16xf32>
        %parallel_loop3A_254 = vector.shape_cast %parallel_loop3A_135 : vector<16xi32> to vector<16x1xi32>
        %parallel_loop3A_255 = vector.shape_cast %parallel_loop3A_254 : vector<16x1xi32> to vector<16xi32>
        %parallel_loop3A_256 = tpu.dynamic_gather %parallel_loop3A_232[%parallel_loop3A_255] in [0] : vector<16xf32>, vector<16xi32> -> vector<16xf32>
        %parallel_loop3A_257 = vector.shape_cast %parallel_loop3A_135 : vector<16xi32> to vector<16x1xi32>
        %parallel_loop3A_258 = vector.shape_cast %parallel_loop3A_257 : vector<16x1xi32> to vector<16xi32>
        %parallel_loop3A_259 = tpu.dynamic_gather %parallel_loop3A_235[%parallel_loop3A_258] in [0] : vector<16xf32>, vector<16xi32> -> vector<16xf32>
        %parallel_loop3A_260 = vector.shape_cast %parallel_loop3A_135 : vector<16xi32> to vector<16x1xi32>
        %parallel_loop3A_261 = vector.shape_cast %parallel_loop3A_260 : vector<16x1xi32> to vector<16xi32>
        %parallel_loop3A_262 = tpu.dynamic_gather %parallel_loop3A_238[%parallel_loop3A_261] in [0] : vector<16xf32>, vector<16xi32> -> vector<16xf32>
        %parallel_loop3A_263 = vector.shape_cast %parallel_loop3A_135 : vector<16xi32> to vector<16x1xi32>
        %parallel_loop3A_264 = vector.shape_cast %parallel_loop3A_263 : vector<16x1xi32> to vector<16xi32>
        %parallel_loop3A_265 = tpu.dynamic_gather %parallel_loop3A_241[%parallel_loop3A_264] in [0] : vector<16xf32>, vector<16xi32> -> vector<16xf32>
        %parallel_loop3A_266 = arith.addf %parallel_loop3A_133, %parallel_loop3A_244 : vector<16xf32>
        %parallel_loop3A_267 = arith.addf %parallel_loop3A_266, %parallel_loop3A_247 : vector<16xf32>
        %parallel_loop3A_268 = arith.addf %parallel_loop3A_267, %parallel_loop3A_250 : vector<16xf32>
        %parallel_loop3A_269 = arith.addf %parallel_loop3A_268, %parallel_loop3A_253 : vector<16xf32>
        %parallel_loop3A_270 = arith.addf %parallel_loop3A_269, %parallel_loop3A_256 : vector<16xf32>
        %parallel_loop3A_271 = arith.addf %parallel_loop3A_270, %parallel_loop3A_259 : vector<16xf32>
        %parallel_loop3A_272 = arith.addf %parallel_loop3A_271, %parallel_loop3A_262 : vector<16xf32>
        %parallel_loop3A_273 = arith.addf %parallel_loop3A_272, %parallel_loop3A_265 : vector<16xf32>
        %parallel_loop3A_274 = arith.constant 1.000000e+00 : f32
        %parallel_loop3A_275 = vector.broadcast %parallel_loop3A_274 : f32 to vector<16xf32>
        %parallel_loop3A_276 = arith.divf %parallel_loop3A_275, %parallel_loop3A_273 : vector<16xf32>
        %parallel_loop3A_277 = arith.constant 0 : i32
        %parallel_loop3A_278 = arith.addi %parallel_loop3A_153, %parallel_loop3A_277 : i32
        %parallel_loop3A_279 = arith.index_cast %parallel_loop3A_278 : i32 to index
        %parallel_loop3A_280 = tpu.vector_load %arg8[%parallel_loop3A_279] {strides = array<i32>} : memref<8192xf32, #tpu.memory_space<vmem>>, vector<16xf32>,
        %parallel_loop3A_281 = arith.constant 16 : i32
        %parallel_loop3A_282 = arith.addi %parallel_loop3A_153, %parallel_loop3A_281 : i32
        %parallel_loop3A_283 = arith.index_cast %parallel_loop3A_282 : i32 to index
        %parallel_loop3A_284 = tpu.vector_load %arg8[%parallel_loop3A_283] {strides = array<i32>} : memref<8192xf32, #tpu.memory_space<vmem>>, vector<16xf32>,
        %parallel_loop3A_285 = arith.constant 32 : i32
        %parallel_loop3A_286 = arith.addi %parallel_loop3A_153, %parallel_loop3A_285 : i32
        %parallel_loop3A_287 = arith.index_cast %parallel_loop3A_286 : i32 to index
        %parallel_loop3A_288 = tpu.vector_load %arg8[%parallel_loop3A_287] {strides = array<i32>} : memref<8192xf32, #tpu.memory_space<vmem>>, vector<16xf32>,
        %parallel_loop3A_289 = arith.constant 48 : i32
        %parallel_loop3A_290 = arith.addi %parallel_loop3A_153, %parallel_loop3A_289 : i32
        %parallel_loop3A_291 = arith.index_cast %parallel_loop3A_290 : i32 to index
        %parallel_loop3A_292 = tpu.vector_load %arg8[%parallel_loop3A_291] {strides = array<i32>} : memref<8192xf32, #tpu.memory_space<vmem>>, vector<16xf32>,
        %parallel_loop3A_293 = arith.constant 64 : i32
        %parallel_loop3A_294 = arith.addi %parallel_loop3A_153, %parallel_loop3A_293 : i32
        %parallel_loop3A_295 = arith.index_cast %parallel_loop3A_294 : i32 to index
        %parallel_loop3A_296 = tpu.vector_load %arg8[%parallel_loop3A_295] {strides = array<i32>} : memref<8192xf32, #tpu.memory_space<vmem>>, vector<16xf32>,
        %parallel_loop3A_297 = arith.constant 80 : i32
        %parallel_loop3A_298 = arith.addi %parallel_loop3A_153, %parallel_loop3A_297 : i32
        %parallel_loop3A_299 = arith.index_cast %parallel_loop3A_298 : i32 to index
        %parallel_loop3A_300 = tpu.vector_load %arg8[%parallel_loop3A_299] {strides = array<i32>} : memref<8192xf32, #tpu.memory_space<vmem>>, vector<16xf32>,
        %parallel_loop3A_301 = arith.constant 96 : i32
        %parallel_loop3A_302 = arith.addi %parallel_loop3A_153, %parallel_loop3A_301 : i32
        %parallel_loop3A_303 = arith.index_cast %parallel_loop3A_302 : i32 to index
        %parallel_loop3A_304 = tpu.vector_load %arg8[%parallel_loop3A_303] {strides = array<i32>} : memref<8192xf32, #tpu.memory_space<vmem>>, vector<16xf32>,
        %parallel_loop3A_305 = arith.constant 112 : i32
        %parallel_loop3A_306 = arith.addi %parallel_loop3A_153, %parallel_loop3A_305 : i32
        %parallel_loop3A_307 = arith.index_cast %parallel_loop3A_306 : i32 to index
        %parallel_loop3A_308 = tpu.vector_load %arg8[%parallel_loop3A_307] {strides = array<i32>} : memref<8192xf32, #tpu.memory_space<vmem>>, vector<16xf32>,
        %parallel_loop3A_309 = arith.constant 0 : i32
        %parallel_loop3A_310 = vector.broadcast %parallel_loop3A_309 : i32 to vector<16xi32>
        %parallel_loop3A_311 = arith.constant 0 : i32
        %parallel_loop3A_312 = arith.addi %parallel_loop3A_155, %parallel_loop3A_311 : i32
        %parallel_loop3A_313 = arith.index_cast %parallel_loop3A_312 : i32 to index
        %parallel_loop3A_314 = tpu.vector_load %arg13[%parallel_loop3A_313] {strides = array<i32>} : memref<9216xi32, #tpu.memory_space<vmem>>, vector<16xi32>,
        tpu.vector_store %arg13[%parallel_loop3A_313], %parallel_loop3A_310 {strides = array<i32>} : memref<9216xi32, #tpu.memory_space<vmem>>, vector<16xi32>,
        %parallel_loop3A_315 = arith.constant 16 : i32
        %parallel_loop3A_316 = arith.addi %parallel_loop3A_155, %parallel_loop3A_315 : i32
        %parallel_loop3A_317 = arith.index_cast %parallel_loop3A_316 : i32 to index
        %parallel_loop3A_318 = tpu.vector_load %arg13[%parallel_loop3A_317] {strides = array<i32>} : memref<9216xi32, #tpu.memory_space<vmem>>, vector<16xi32>,
        tpu.vector_store %arg13[%parallel_loop3A_317], %parallel_loop3A_310 {strides = array<i32>} : memref<9216xi32, #tpu.memory_space<vmem>>, vector<16xi32>,
        %parallel_loop3A_319 = arith.constant 32 : i32
        %parallel_loop3A_320 = arith.addi %parallel_loop3A_155, %parallel_loop3A_319 : i32
        %parallel_loop3A_321 = arith.index_cast %parallel_loop3A_320 : i32 to index
        %parallel_loop3A_322 = tpu.vector_load %arg13[%parallel_loop3A_321] {strides = array<i32>} : memref<9216xi32, #tpu.memory_space<vmem>>, vector<16xi32>,
        tpu.vector_store %arg13[%parallel_loop3A_321], %parallel_loop3A_310 {strides = array<i32>} : memref<9216xi32, #tpu.memory_space<vmem>>, vector<16xi32>,
        %parallel_loop3A_323 = arith.constant 48 : i32
        %parallel_loop3A_324 = arith.addi %parallel_loop3A_155, %parallel_loop3A_323 : i32
        %parallel_loop3A_325 = arith.index_cast %parallel_loop3A_324 : i32 to index
        %parallel_loop3A_326 = tpu.vector_load %arg13[%parallel_loop3A_325] {strides = array<i32>} : memref<9216xi32, #tpu.memory_space<vmem>>, vector<16xi32>,
        tpu.vector_store %arg13[%parallel_loop3A_325], %parallel_loop3A_310 {strides = array<i32>} : memref<9216xi32, #tpu.memory_space<vmem>>, vector<16xi32>,
        %parallel_loop3A_327 = arith.constant 64 : i32
        %parallel_loop3A_328 = arith.addi %parallel_loop3A_155, %parallel_loop3A_327 : i32
        %parallel_loop3A_329 = arith.index_cast %parallel_loop3A_328 : i32 to index
        %parallel_loop3A_330 = tpu.vector_load %arg13[%parallel_loop3A_329] {strides = array<i32>} : memref<9216xi32, #tpu.memory_space<vmem>>, vector<16xi32>,
        tpu.vector_store %arg13[%parallel_loop3A_329], %parallel_loop3A_310 {strides = array<i32>} : memref<9216xi32, #tpu.memory_space<vmem>>, vector<16xi32>,
        %parallel_loop3A_331 = arith.constant 80 : i32
        %parallel_loop3A_332 = arith.addi %parallel_loop3A_155, %parallel_loop3A_331 : i32
        %parallel_loop3A_333 = arith.index_cast %parallel_loop3A_332 : i32 to index
        %parallel_loop3A_334 = tpu.vector_load %arg13[%parallel_loop3A_333] {strides = array<i32>} : memref<9216xi32, #tpu.memory_space<vmem>>, vector<16xi32>,
        tpu.vector_store %arg13[%parallel_loop3A_333], %parallel_loop3A_310 {strides = array<i32>} : memref<9216xi32, #tpu.memory_space<vmem>>, vector<16xi32>,
        %parallel_loop3A_335 = arith.constant 96 : i32
        %parallel_loop3A_336 = arith.addi %parallel_loop3A_155, %parallel_loop3A_335 : i32
        %parallel_loop3A_337 = arith.index_cast %parallel_loop3A_336 : i32 to index
        %parallel_loop3A_338 = tpu.vector_load %arg13[%parallel_loop3A_337] {strides = array<i32>} : memref<9216xi32, #tpu.memory_space<vmem>>, vector<16xi32>,
        tpu.vector_store %arg13[%parallel_loop3A_337], %parallel_loop3A_310 {strides = array<i32>} : memref<9216xi32, #tpu.memory_space<vmem>>, vector<16xi32>,
        %parallel_loop3A_339 = arith.constant 112 : i32
        %parallel_loop3A_340 = arith.addi %parallel_loop3A_155, %parallel_loop3A_339 : i32
        %parallel_loop3A_341 = arith.index_cast %parallel_loop3A_340 : i32 to index
        %parallel_loop3A_342 = tpu.vector_load %arg13[%parallel_loop3A_341] {strides = array<i32>} : memref<9216xi32, #tpu.memory_space<vmem>>, vector<16xi32>,
        tpu.vector_store %arg13[%parallel_loop3A_341], %parallel_loop3A_310 {strides = array<i32>} : memref<9216xi32, #tpu.memory_space<vmem>>, vector<16xi32>,
        %parallel_loop3A_343 = arith.constant 128 : i32
        %parallel_loop3A_344 = arith.addi %parallel_loop3A_155, %parallel_loop3A_343 : i32
        %parallel_loop3A_345 = arith.index_cast %parallel_loop3A_344 : i32 to index
        %parallel_loop3A_346 = tpu.vector_load %arg13[%parallel_loop3A_345] {strides = array<i32>} : memref<9216xi32, #tpu.memory_space<vmem>>, vector<16xi32>,
        tpu.vector_store %arg13[%parallel_loop3A_345], %parallel_loop3A_310 {strides = array<i32>} : memref<9216xi32, #tpu.memory_space<vmem>>, vector<16xi32>,
        %parallel_loop3A_347 = arith.constant 1 : i32
        %parallel_loop3A_348 = vector.broadcast %parallel_loop3A_347 : i32 to vector<16xi32>
        %parallel_loop3A_349 = arith.addf %parallel_loop3A_220, %parallel_loop3A_133 : vector<16xf32>
        %parallel_loop3A_350 = arith.mulf %parallel_loop3A_349, %parallel_loop3A_276 : vector<16xf32>
        %parallel_loop3A_351 = arith.mulf %parallel_loop3A_133, %parallel_loop3A_276 : vector<16xf32>
        %parallel_loop3A_352 = arith.constant 0 : i32
        %parallel_loop3A_353 = vector.broadcast %parallel_loop3A_352 : i32 to vector<16xi32>
        %parallel_loop3A_354 = arith.cmpi eq, %parallel_loop3A_131, %parallel_loop3A_353 : vector<16xi32>
        %parallel_loop3A_355 = vector.shape_cast %parallel_loop3A_143 : vector<16xi32> to vector<16x1xi32>
        %parallel_loop3A_356 = vector.shape_cast %parallel_loop3A_355 : vector<16x1xi32> to vector<16xi32>
        %parallel_loop3A_357 = tpu.dynamic_gather %parallel_loop3A_350[%parallel_loop3A_356] in [0] : vector<16xf32>, vector<16xi32> -> vector<16xf32>
        %parallel_loop3A_358 = arith.select %parallel_loop3A_354, %parallel_loop3A_351, %parallel_loop3A_357 : vector<16xi1>, vector<16xf32>
        %parallel_loop3A_359 = vector.shape_cast %parallel_loop3A_149 : vector<16xi32> to vector<16x1xi32>
        %parallel_loop3A_360 = vector.shape_cast %parallel_loop3A_359 : vector<16x1xi32> to vector<16xi32>
        %parallel_loop3A_361 = tpu.dynamic_gather %parallel_loop3A_280[%parallel_loop3A_360] in [0] : vector<16xf32>, vector<16xi32> -> vector<16xf32>
        %parallel_loop3A_362 = arith.constant 15 : i32
        %parallel_loop3A_363 = vector.broadcast %parallel_loop3A_362 : i32 to vector<16xi32>
        %parallel_loop3A_364 = arith.cmpi eq, %parallel_loop3A_131, %parallel_loop3A_363 : vector<16xi32>
        %parallel_loop3A_365 = vector.shape_cast %parallel_loop3A_137 : vector<16xi32> to vector<16x1xi32>
        %parallel_loop3A_366 = vector.shape_cast %parallel_loop3A_365 : vector<16x1xi32> to vector<16xi32>
        %parallel_loop3A_367 = tpu.dynamic_gather %parallel_loop3A_284[%parallel_loop3A_366] in [0] : vector<16xf32>, vector<16xi32> -> vector<16xf32>
        %parallel_loop3A_368 = arith.select %parallel_loop3A_364, %parallel_loop3A_367, %parallel_loop3A_361 : vector<16xi1>, vector<16xf32>
        %parallel_loop3A_369 = arith.subf %parallel_loop3A_350, %parallel_loop3A_358 : vector<16xf32>
        %parallel_loop3A_370 = arith.subf %parallel_loop3A_368, %parallel_loop3A_280 : vector<16xf32>
        %parallel_loop3A_371 = arith.constant 9.99999974E-6 : f32
        %parallel_loop3A_372 = vector.broadcast %parallel_loop3A_371 : f32 to vector<16xf32>
        %parallel_loop3A_373 = arith.cmpf olt, %parallel_loop3A_369, %parallel_loop3A_372 : vector<16xf32>
        %parallel_loop3A_374 = arith.divf %parallel_loop3A_370, %parallel_loop3A_369 : vector<16xf32>
        %parallel_loop3A_375 = arith.select %parallel_loop3A_373, %parallel_loop3A_370, %parallel_loop3A_374 : vector<16xi1>, vector<16xf32>
        %parallel_loop3A_376 = arith.mulf %parallel_loop3A_358, %parallel_loop3A_375 : vector<16xf32>
        %parallel_loop3A_377 = arith.subf %parallel_loop3A_280, %parallel_loop3A_376 : vector<16xf32>
        %parallel_loop3A_378 = arith.constant 0 : i32
        %parallel_loop3A_379 = arith.addi %parallel_loop3A_153, %parallel_loop3A_378 : i32
        %parallel_loop3A_380 = arith.index_cast %parallel_loop3A_379 : i32 to index
        %parallel_loop3A_381 = tpu.vector_load %arg11[%parallel_loop3A_380] {strides = array<i32>} : memref<8192xf32, #tpu.memory_space<vmem>>, vector<16xf32>,
        tpu.vector_store %arg11[%parallel_loop3A_380], %parallel_loop3A_375 {strides = array<i32>} : memref<8192xf32, #tpu.memory_space<vmem>>, vector<16xf32>,
        %parallel_loop3A_382 = arith.constant 0 : i32
        %parallel_loop3A_383 = arith.addi %parallel_loop3A_153, %parallel_loop3A_382 : i32
        %parallel_loop3A_384 = arith.index_cast %parallel_loop3A_383 : i32 to index
        %parallel_loop3A_385 = tpu.vector_load %arg12[%parallel_loop3A_384] {strides = array<i32>} : memref<8192xf32, #tpu.memory_space<vmem>>, vector<16xf32>,
        tpu.vector_store %arg12[%parallel_loop3A_384], %parallel_loop3A_377 {strides = array<i32>} : memref<8192xf32, #tpu.memory_space<vmem>>, vector<16xf32>,
        %parallel_loop3A_386 = arith.constant 1.280000e+02 : f32
        %parallel_loop3A_387 = vector.broadcast %parallel_loop3A_386 : f32 to vector<16xf32>
        %parallel_loop3A_388 = arith.mulf %parallel_loop3A_350, %parallel_loop3A_387 : vector<16xf32>
        %parallel_loop3A_389 = arith.constant 0.49999997 : f32
        %parallel_loop3A_390 = vector.broadcast %parallel_loop3A_389 : f32 to vector<16xf32>
        %parallel_loop3A_391 = arith.addf %parallel_loop3A_388, %parallel_loop3A_390 : vector<16xf32>
        %parallel_loop3A_392 = arith.fptosi %parallel_loop3A_391 : vector<16xf32> to vector<16xi32>
        %parallel_loop3A_393 = tpu.memref_slice %arg13[%parallel_loop3A_155] : memref<9216xi32, #tpu.memory_space<vmem>> -> memref<144xi32, #tpu.memory_space<vmem>>
        tpu.vector_store_idx %parallel_loop3A_393[%parallel_loop3A_392], %parallel_loop3A_348 {add = true} : memref<144xi32, #tpu.memory_space<vmem>>[vector<16xi32>], vector<16xi32>,
        %parallel_loop3A_394 = arith.addf %parallel_loop3A_223, %parallel_loop3A_266 : vector<16xf32>
        %parallel_loop3A_395 = arith.mulf %parallel_loop3A_394, %parallel_loop3A_276 : vector<16xf32>
        %parallel_loop3A_396 = arith.mulf %parallel_loop3A_266, %parallel_loop3A_276 : vector<16xf32>
        %parallel_loop3A_397 = arith.constant 0 : i32
        %parallel_loop3A_398 = vector.broadcast %parallel_loop3A_397 : i32 to vector<16xi32>
        %parallel_loop3A_399 = arith.cmpi eq, %parallel_loop3A_131, %parallel_loop3A_398 : vector<16xi32>
        %parallel_loop3A_400 = vector.shape_cast %parallel_loop3A_143 : vector<16xi32> to vector<16x1xi32>
        %parallel_loop3A_401 = vector.shape_cast %parallel_loop3A_400 : vector<16x1xi32> to vector<16xi32>
        %parallel_loop3A_402 = tpu.dynamic_gather %parallel_loop3A_395[%parallel_loop3A_401] in [0] : vector<16xf32>, vector<16xi32> -> vector<16xf32>
        %parallel_loop3A_403 = arith.select %parallel_loop3A_399, %parallel_loop3A_396, %parallel_loop3A_402 : vector<16xi1>, vector<16xf32>
        %parallel_loop3A_404 = vector.shape_cast %parallel_loop3A_149 : vector<16xi32> to vector<16x1xi32>
        %parallel_loop3A_405 = vector.shape_cast %parallel_loop3A_404 : vector<16x1xi32> to vector<16xi32>
        %parallel_loop3A_406 = tpu.dynamic_gather %parallel_loop3A_284[%parallel_loop3A_405] in [0] : vector<16xf32>, vector<16xi32> -> vector<16xf32>
        %parallel_loop3A_407 = arith.constant 15 : i32
        %parallel_loop3A_408 = vector.broadcast %parallel_loop3A_407 : i32 to vector<16xi32>
        %parallel_loop3A_409 = arith.cmpi eq, %parallel_loop3A_131, %parallel_loop3A_408 : vector<16xi32>
        %parallel_loop3A_410 = vector.shape_cast %parallel_loop3A_137 : vector<16xi32> to vector<16x1xi32>
        %parallel_loop3A_411 = vector.shape_cast %parallel_loop3A_410 : vector<16x1xi32> to vector<16xi32>
        %parallel_loop3A_412 = tpu.dynamic_gather %parallel_loop3A_288[%parallel_loop3A_411] in [0] : vector<16xf32>, vector<16xi32> -> vector<16xf32>
        %parallel_loop3A_413 = arith.select %parallel_loop3A_409, %parallel_loop3A_412, %parallel_loop3A_406 : vector<16xi1>, vector<16xf32>
        %parallel_loop3A_414 = arith.subf %parallel_loop3A_395, %parallel_loop3A_403 : vector<16xf32>
        %parallel_loop3A_415 = arith.subf %parallel_loop3A_413, %parallel_loop3A_284 : vector<16xf32>
        %parallel_loop3A_416 = arith.constant 9.99999974E-6 : f32
        %parallel_loop3A_417 = vector.broadcast %parallel_loop3A_416 : f32 to vector<16xf32>
        %parallel_loop3A_418 = arith.cmpf olt, %parallel_loop3A_414, %parallel_loop3A_417 : vector<16xf32>
        %parallel_loop3A_419 = arith.divf %parallel_loop3A_415, %parallel_loop3A_414 : vector<16xf32>
        %parallel_loop3A_420 = arith.select %parallel_loop3A_418, %parallel_loop3A_415, %parallel_loop3A_419 : vector<16xi1>, vector<16xf32>
        %parallel_loop3A_421 = arith.mulf %parallel_loop3A_403, %parallel_loop3A_420 : vector<16xf32>
        %parallel_loop3A_422 = arith.subf %parallel_loop3A_284, %parallel_loop3A_421 : vector<16xf32>
        %parallel_loop3A_423 = arith.constant 16 : i32
        %parallel_loop3A_424 = arith.addi %parallel_loop3A_153, %parallel_loop3A_423 : i32
        %parallel_loop3A_425 = arith.index_cast %parallel_loop3A_424 : i32 to index
        %parallel_loop3A_426 = tpu.vector_load %arg11[%parallel_loop3A_425] {strides = array<i32>} : memref<8192xf32, #tpu.memory_space<vmem>>, vector<16xf32>,
        tpu.vector_store %arg11[%parallel_loop3A_425], %parallel_loop3A_420 {strides = array<i32>} : memref<8192xf32, #tpu.memory_space<vmem>>, vector<16xf32>,
        %parallel_loop3A_427 = arith.constant 16 : i32
        %parallel_loop3A_428 = arith.addi %parallel_loop3A_153, %parallel_loop3A_427 : i32
        %parallel_loop3A_429 = arith.index_cast %parallel_loop3A_428 : i32 to index
        %parallel_loop3A_430 = tpu.vector_load %arg12[%parallel_loop3A_429] {strides = array<i32>} : memref<8192xf32, #tpu.memory_space<vmem>>, vector<16xf32>,
        tpu.vector_store %arg12[%parallel_loop3A_429], %parallel_loop3A_422 {strides = array<i32>} : memref<8192xf32, #tpu.memory_space<vmem>>, vector<16xf32>,
        %parallel_loop3A_431 = arith.constant 1.280000e+02 : f32
        %parallel_loop3A_432 = vector.broadcast %parallel_loop3A_431 : f32 to vector<16xf32>
        %parallel_loop3A_433 = arith.mulf %parallel_loop3A_395, %parallel_loop3A_432 : vector<16xf32>
        %parallel_loop3A_434 = arith.constant 0.49999997 : f32
        %parallel_loop3A_435 = vector.broadcast %parallel_loop3A_434 : f32 to vector<16xf32>
        %parallel_loop3A_436 = arith.addf %parallel_loop3A_433, %parallel_loop3A_435 : vector<16xf32>
        %parallel_loop3A_437 = arith.fptosi %parallel_loop3A_436 : vector<16xf32> to vector<16xi32>
        %parallel_loop3A_438 = tpu.memref_slice %arg13[%parallel_loop3A_155] : memref<9216xi32, #tpu.memory_space<vmem>> -> memref<144xi32, #tpu.memory_space<vmem>>
        tpu.vector_store_idx %parallel_loop3A_438[%parallel_loop3A_437], %parallel_loop3A_348 {add = true} : memref<144xi32, #tpu.memory_space<vmem>>[vector<16xi32>], vector<16xi32>,
        %parallel_loop3A_439 = arith.addf %parallel_loop3A_226, %parallel_loop3A_267 : vector<16xf32>
        %parallel_loop3A_440 = arith.mulf %parallel_loop3A_439, %parallel_loop3A_276 : vector<16xf32>
        %parallel_loop3A_441 = arith.mulf %parallel_loop3A_267, %parallel_loop3A_276 : vector<16xf32>
        %parallel_loop3A_442 = arith.constant 0 : i32
        %parallel_loop3A_443 = vector.broadcast %parallel_loop3A_442 : i32 to vector<16xi32>
        %parallel_loop3A_444 = arith.cmpi eq, %parallel_loop3A_131, %parallel_loop3A_443 : vector<16xi32>
        %parallel_loop3A_445 = vector.shape_cast %parallel_loop3A_143 : vector<16xi32> to vector<16x1xi32>
        %parallel_loop3A_446 = vector.shape_cast %parallel_loop3A_445 : vector<16x1xi32> to vector<16xi32>
        %parallel_loop3A_447 = tpu.dynamic_gather %parallel_loop3A_440[%parallel_loop3A_446] in [0] : vector<16xf32>, vector<16xi32> -> vector<16xf32>
        %parallel_loop3A_448 = arith.select %parallel_loop3A_444, %parallel_loop3A_441, %parallel_loop3A_447 : vector<16xi1>, vector<16xf32>
        %parallel_loop3A_449 = vector.shape_cast %parallel_loop3A_149 : vector<16xi32> to vector<16x1xi32>
        %parallel_loop3A_450 = vector.shape_cast %parallel_loop3A_449 : vector<16x1xi32> to vector<16xi32>
        %parallel_loop3A_451 = tpu.dynamic_gather %parallel_loop3A_288[%parallel_loop3A_450] in [0] : vector<16xf32>, vector<16xi32> -> vector<16xf32>
        %parallel_loop3A_452 = arith.constant 15 : i32
        %parallel_loop3A_453 = vector.broadcast %parallel_loop3A_452 : i32 to vector<16xi32>
        %parallel_loop3A_454 = arith.cmpi eq, %parallel_loop3A_131, %parallel_loop3A_453 : vector<16xi32>
        %parallel_loop3A_455 = vector.shape_cast %parallel_loop3A_137 : vector<16xi32> to vector<16x1xi32>
        %parallel_loop3A_456 = vector.shape_cast %parallel_loop3A_455 : vector<16x1xi32> to vector<16xi32>
        %parallel_loop3A_457 = tpu.dynamic_gather %parallel_loop3A_292[%parallel_loop3A_456] in [0] : vector<16xf32>, vector<16xi32> -> vector<16xf32>
        %parallel_loop3A_458 = arith.select %parallel_loop3A_454, %parallel_loop3A_457, %parallel_loop3A_451 : vector<16xi1>, vector<16xf32>
        %parallel_loop3A_459 = arith.subf %parallel_loop3A_440, %parallel_loop3A_448 : vector<16xf32>
        %parallel_loop3A_460 = arith.subf %parallel_loop3A_458, %parallel_loop3A_288 : vector<16xf32>
        %parallel_loop3A_461 = arith.constant 9.99999974E-6 : f32
        %parallel_loop3A_462 = vector.broadcast %parallel_loop3A_461 : f32 to vector<16xf32>
        %parallel_loop3A_463 = arith.cmpf olt, %parallel_loop3A_459, %parallel_loop3A_462 : vector<16xf32>
        %parallel_loop3A_464 = arith.divf %parallel_loop3A_460, %parallel_loop3A_459 : vector<16xf32>
        %parallel_loop3A_465 = arith.select %parallel_loop3A_463, %parallel_loop3A_460, %parallel_loop3A_464 : vector<16xi1>, vector<16xf32>
        %parallel_loop3A_466 = arith.mulf %parallel_loop3A_448, %parallel_loop3A_465 : vector<16xf32>
        %parallel_loop3A_467 = arith.subf %parallel_loop3A_288, %parallel_loop3A_466 : vector<16xf32>
        %parallel_loop3A_468 = arith.constant 32 : i32
        %parallel_loop3A_469 = arith.addi %parallel_loop3A_153, %parallel_loop3A_468 : i32
        %parallel_loop3A_470 = arith.index_cast %parallel_loop3A_469 : i32 to index
        %parallel_loop3A_471 = tpu.vector_load %arg11[%parallel_loop3A_470] {strides = array<i32>} : memref<8192xf32, #tpu.memory_space<vmem>>, vector<16xf32>,
        tpu.vector_store %arg11[%parallel_loop3A_470], %parallel_loop3A_465 {strides = array<i32>} : memref<8192xf32, #tpu.memory_space<vmem>>, vector<16xf32>,
        %parallel_loop3A_472 = arith.constant 32 : i32
        %parallel_loop3A_473 = arith.addi %parallel_loop3A_153, %parallel_loop3A_472 : i32
        %parallel_loop3A_474 = arith.index_cast %parallel_loop3A_473 : i32 to index
        %parallel_loop3A_475 = tpu.vector_load %arg12[%parallel_loop3A_474] {strides = array<i32>} : memref<8192xf32, #tpu.memory_space<vmem>>, vector<16xf32>,
        tpu.vector_store %arg12[%parallel_loop3A_474], %parallel_loop3A_467 {strides = array<i32>} : memref<8192xf32, #tpu.memory_space<vmem>>, vector<16xf32>,
        %parallel_loop3A_476 = arith.constant 1.280000e+02 : f32
        %parallel_loop3A_477 = vector.broadcast %parallel_loop3A_476 : f32 to vector<16xf32>
        %parallel_loop3A_478 = arith.mulf %parallel_loop3A_440, %parallel_loop3A_477 : vector<16xf32>
        %parallel_loop3A_479 = arith.constant 0.49999997 : f32
        %parallel_loop3A_480 = vector.broadcast %parallel_loop3A_479 : f32 to vector<16xf32>
        %parallel_loop3A_481 = arith.addf %parallel_loop3A_478, %parallel_loop3A_480 : vector<16xf32>
        %parallel_loop3A_482 = arith.fptosi %parallel_loop3A_481 : vector<16xf32> to vector<16xi32>
        %parallel_loop3A_483 = tpu.memref_slice %arg13[%parallel_loop3A_155] : memref<9216xi32, #tpu.memory_space<vmem>> -> memref<144xi32, #tpu.memory_space<vmem>>
        tpu.vector_store_idx %parallel_loop3A_483[%parallel_loop3A_482], %parallel_loop3A_348 {add = true} : memref<144xi32, #tpu.memory_space<vmem>>[vector<16xi32>], vector<16xi32>,
        %parallel_loop3A_484 = arith.addf %parallel_loop3A_229, %parallel_loop3A_268 : vector<16xf32>
        %parallel_loop3A_485 = arith.mulf %parallel_loop3A_484, %parallel_loop3A_276 : vector<16xf32>
        %parallel_loop3A_486 = arith.mulf %parallel_loop3A_268, %parallel_loop3A_276 : vector<16xf32>
        %parallel_loop3A_487 = arith.constant 0 : i32
        %parallel_loop3A_488 = vector.broadcast %parallel_loop3A_487 : i32 to vector<16xi32>
        %parallel_loop3A_489 = arith.cmpi eq, %parallel_loop3A_131, %parallel_loop3A_488 : vector<16xi32>
        %parallel_loop3A_490 = vector.shape_cast %parallel_loop3A_143 : vector<16xi32> to vector<16x1xi32>
        %parallel_loop3A_491 = vector.shape_cast %parallel_loop3A_490 : vector<16x1xi32> to vector<16xi32>
        %parallel_loop3A_492 = tpu.dynamic_gather %parallel_loop3A_485[%parallel_loop3A_491] in [0] : vector<16xf32>, vector<16xi32> -> vector<16xf32>
        %parallel_loop3A_493 = arith.select %parallel_loop3A_489, %parallel_loop3A_486, %parallel_loop3A_492 : vector<16xi1>, vector<16xf32>
        %parallel_loop3A_494 = vector.shape_cast %parallel_loop3A_149 : vector<16xi32> to vector<16x1xi32>
        %parallel_loop3A_495 = vector.shape_cast %parallel_loop3A_494 : vector<16x1xi32> to vector<16xi32>
        %parallel_loop3A_496 = tpu.dynamic_gather %parallel_loop3A_292[%parallel_loop3A_495] in [0] : vector<16xf32>, vector<16xi32> -> vector<16xf32>
        %parallel_loop3A_497 = arith.constant 15 : i32
        %parallel_loop3A_498 = vector.broadcast %parallel_loop3A_497 : i32 to vector<16xi32>
        %parallel_loop3A_499 = arith.cmpi eq, %parallel_loop3A_131, %parallel_loop3A_498 : vector<16xi32>
        %parallel_loop3A_500 = vector.shape_cast %parallel_loop3A_137 : vector<16xi32> to vector<16x1xi32>
        %parallel_loop3A_501 = vector.shape_cast %parallel_loop3A_500 : vector<16x1xi32> to vector<16xi32>
        %parallel_loop3A_502 = tpu.dynamic_gather %parallel_loop3A_296[%parallel_loop3A_501] in [0] : vector<16xf32>, vector<16xi32> -> vector<16xf32>
        %parallel_loop3A_503 = arith.select %parallel_loop3A_499, %parallel_loop3A_502, %parallel_loop3A_496 : vector<16xi1>, vector<16xf32>
        %parallel_loop3A_504 = arith.subf %parallel_loop3A_485, %parallel_loop3A_493 : vector<16xf32>
        %parallel_loop3A_505 = arith.subf %parallel_loop3A_503, %parallel_loop3A_292 : vector<16xf32>
        %parallel_loop3A_506 = arith.constant 9.99999974E-6 : f32
        %parallel_loop3A_507 = vector.broadcast %parallel_loop3A_506 : f32 to vector<16xf32>
        %parallel_loop3A_508 = arith.cmpf olt, %parallel_loop3A_504, %parallel_loop3A_507 : vector<16xf32>
        %parallel_loop3A_509 = arith.divf %parallel_loop3A_505, %parallel_loop3A_504 : vector<16xf32>
        %parallel_loop3A_510 = arith.select %parallel_loop3A_508, %parallel_loop3A_505, %parallel_loop3A_509 : vector<16xi1>, vector<16xf32>
        %parallel_loop3A_511 = arith.mulf %parallel_loop3A_493, %parallel_loop3A_510 : vector<16xf32>
        %parallel_loop3A_512 = arith.subf %parallel_loop3A_292, %parallel_loop3A_511 : vector<16xf32>
        %parallel_loop3A_513 = arith.constant 48 : i32
        %parallel_loop3A_514 = arith.addi %parallel_loop3A_153, %parallel_loop3A_513 : i32
        %parallel_loop3A_515 = arith.index_cast %parallel_loop3A_514 : i32 to index
        %parallel_loop3A_516 = tpu.vector_load %arg11[%parallel_loop3A_515] {strides = array<i32>} : memref<8192xf32, #tpu.memory_space<vmem>>, vector<16xf32>,
        tpu.vector_store %arg11[%parallel_loop3A_515], %parallel_loop3A_510 {strides = array<i32>} : memref<8192xf32, #tpu.memory_space<vmem>>, vector<16xf32>,
        %parallel_loop3A_517 = arith.constant 48 : i32
        %parallel_loop3A_518 = arith.addi %parallel_loop3A_153, %parallel_loop3A_517 : i32
        %parallel_loop3A_519 = arith.index_cast %parallel_loop3A_518 : i32 to index
        %parallel_loop3A_520 = tpu.vector_load %arg12[%parallel_loop3A_519] {strides = array<i32>} : memref<8192xf32, #tpu.memory_space<vmem>>, vector<16xf32>,
        tpu.vector_store %arg12[%parallel_loop3A_519], %parallel_loop3A_512 {strides = array<i32>} : memref<8192xf32, #tpu.memory_space<vmem>>, vector<16xf32>,
        %parallel_loop3A_521 = arith.constant 1.280000e+02 : f32
        %parallel_loop3A_522 = vector.broadcast %parallel_loop3A_521 : f32 to vector<16xf32>
        %parallel_loop3A_523 = arith.mulf %parallel_loop3A_485, %parallel_loop3A_522 : vector<16xf32>
        %parallel_loop3A_524 = arith.constant 0.49999997 : f32
        %parallel_loop3A_525 = vector.broadcast %parallel_loop3A_524 : f32 to vector<16xf32>
        %parallel_loop3A_526 = arith.addf %parallel_loop3A_523, %parallel_loop3A_525 : vector<16xf32>
        %parallel_loop3A_527 = arith.fptosi %parallel_loop3A_526 : vector<16xf32> to vector<16xi32>
        %parallel_loop3A_528 = tpu.memref_slice %arg13[%parallel_loop3A_155] : memref<9216xi32, #tpu.memory_space<vmem>> -> memref<144xi32, #tpu.memory_space<vmem>>
        tpu.vector_store_idx %parallel_loop3A_528[%parallel_loop3A_527], %parallel_loop3A_348 {add = true} : memref<144xi32, #tpu.memory_space<vmem>>[vector<16xi32>], vector<16xi32>,
        %parallel_loop3A_529 = arith.addf %parallel_loop3A_232, %parallel_loop3A_269 : vector<16xf32>
        %parallel_loop3A_530 = arith.mulf %parallel_loop3A_529, %parallel_loop3A_276 : vector<16xf32>
        %parallel_loop3A_531 = arith.mulf %parallel_loop3A_269, %parallel_loop3A_276 : vector<16xf32>
        %parallel_loop3A_532 = arith.constant 0 : i32
        %parallel_loop3A_533 = vector.broadcast %parallel_loop3A_532 : i32 to vector<16xi32>
        %parallel_loop3A_534 = arith.cmpi eq, %parallel_loop3A_131, %parallel_loop3A_533 : vector<16xi32>
        %parallel_loop3A_535 = vector.shape_cast %parallel_loop3A_143 : vector<16xi32> to vector<16x1xi32>
        %parallel_loop3A_536 = vector.shape_cast %parallel_loop3A_535 : vector<16x1xi32> to vector<16xi32>
        %parallel_loop3A_537 = tpu.dynamic_gather %parallel_loop3A_530[%parallel_loop3A_536] in [0] : vector<16xf32>, vector<16xi32> -> vector<16xf32>
        %parallel_loop3A_538 = arith.select %parallel_loop3A_534, %parallel_loop3A_531, %parallel_loop3A_537 : vector<16xi1>, vector<16xf32>
        %parallel_loop3A_539 = vector.shape_cast %parallel_loop3A_149 : vector<16xi32> to vector<16x1xi32>
        %parallel_loop3A_540 = vector.shape_cast %parallel_loop3A_539 : vector<16x1xi32> to vector<16xi32>
        %parallel_loop3A_541 = tpu.dynamic_gather %parallel_loop3A_296[%parallel_loop3A_540] in [0] : vector<16xf32>, vector<16xi32> -> vector<16xf32>
        %parallel_loop3A_542 = arith.constant 15 : i32
        %parallel_loop3A_543 = vector.broadcast %parallel_loop3A_542 : i32 to vector<16xi32>
        %parallel_loop3A_544 = arith.cmpi eq, %parallel_loop3A_131, %parallel_loop3A_543 : vector<16xi32>
        %parallel_loop3A_545 = vector.shape_cast %parallel_loop3A_137 : vector<16xi32> to vector<16x1xi32>
        %parallel_loop3A_546 = vector.shape_cast %parallel_loop3A_545 : vector<16x1xi32> to vector<16xi32>
        %parallel_loop3A_547 = tpu.dynamic_gather %parallel_loop3A_300[%parallel_loop3A_546] in [0] : vector<16xf32>, vector<16xi32> -> vector<16xf32>
        %parallel_loop3A_548 = arith.select %parallel_loop3A_544, %parallel_loop3A_547, %parallel_loop3A_541 : vector<16xi1>, vector<16xf32>
        %parallel_loop3A_549 = arith.subf %parallel_loop3A_530, %parallel_loop3A_538 : vector<16xf32>
        %parallel_loop3A_550 = arith.subf %parallel_loop3A_548, %parallel_loop3A_296 : vector<16xf32>
        %parallel_loop3A_551 = arith.constant 9.99999974E-6 : f32
        %parallel_loop3A_552 = vector.broadcast %parallel_loop3A_551 : f32 to vector<16xf32>
        %parallel_loop3A_553 = arith.cmpf olt, %parallel_loop3A_549, %parallel_loop3A_552 : vector<16xf32>
        %parallel_loop3A_554 = arith.divf %parallel_loop3A_550, %parallel_loop3A_549 : vector<16xf32>
        %parallel_loop3A_555 = arith.select %parallel_loop3A_553, %parallel_loop3A_550, %parallel_loop3A_554 : vector<16xi1>, vector<16xf32>
        %parallel_loop3A_556 = arith.mulf %parallel_loop3A_538, %parallel_loop3A_555 : vector<16xf32>
        %parallel_loop3A_557 = arith.subf %parallel_loop3A_296, %parallel_loop3A_556 : vector<16xf32>
        %parallel_loop3A_558 = arith.constant 64 : i32
        %parallel_loop3A_559 = arith.addi %parallel_loop3A_153, %parallel_loop3A_558 : i32
        %parallel_loop3A_560 = arith.index_cast %parallel_loop3A_559 : i32 to index
        %parallel_loop3A_561 = tpu.vector_load %arg11[%parallel_loop3A_560] {strides = array<i32>} : memref<8192xf32, #tpu.memory_space<vmem>>, vector<16xf32>,
        tpu.vector_store %arg11[%parallel_loop3A_560], %parallel_loop3A_555 {strides = array<i32>} : memref<8192xf32, #tpu.memory_space<vmem>>, vector<16xf32>,
        %parallel_loop3A_562 = arith.constant 64 : i32
        %parallel_loop3A_563 = arith.addi %parallel_loop3A_153, %parallel_loop3A_562 : i32
        %parallel_loop3A_564 = arith.index_cast %parallel_loop3A_563 : i32 to index
        %parallel_loop3A_565 = tpu.vector_load %arg12[%parallel_loop3A_564] {strides = array<i32>} : memref<8192xf32, #tpu.memory_space<vmem>>, vector<16xf32>,
        tpu.vector_store %arg12[%parallel_loop3A_564], %parallel_loop3A_557 {strides = array<i32>} : memref<8192xf32, #tpu.memory_space<vmem>>, vector<16xf32>,
        %parallel_loop3A_566 = arith.constant 1.280000e+02 : f32
        %parallel_loop3A_567 = vector.broadcast %parallel_loop3A_566 : f32 to vector<16xf32>
        %parallel_loop3A_568 = arith.mulf %parallel_loop3A_530, %parallel_loop3A_567 : vector<16xf32>
        %parallel_loop3A_569 = arith.constant 0.49999997 : f32
        %parallel_loop3A_570 = vector.broadcast %parallel_loop3A_569 : f32 to vector<16xf32>
        %parallel_loop3A_571 = arith.addf %parallel_loop3A_568, %parallel_loop3A_570 : vector<16xf32>
        %parallel_loop3A_572 = arith.fptosi %parallel_loop3A_571 : vector<16xf32> to vector<16xi32>
        %parallel_loop3A_573 = tpu.memref_slice %arg13[%parallel_loop3A_155] : memref<9216xi32, #tpu.memory_space<vmem>> -> memref<144xi32, #tpu.memory_space<vmem>>
        tpu.vector_store_idx %parallel_loop3A_573[%parallel_loop3A_572], %parallel_loop3A_348 {add = true} : memref<144xi32, #tpu.memory_space<vmem>>[vector<16xi32>], vector<16xi32>,
        %parallel_loop3A_574 = arith.addf %parallel_loop3A_235, %parallel_loop3A_270 : vector<16xf32>
        %parallel_loop3A_575 = arith.mulf %parallel_loop3A_574, %parallel_loop3A_276 : vector<16xf32>
        %parallel_loop3A_576 = arith.mulf %parallel_loop3A_270, %parallel_loop3A_276 : vector<16xf32>
        %parallel_loop3A_577 = arith.constant 0 : i32
        %parallel_loop3A_578 = vector.broadcast %parallel_loop3A_577 : i32 to vector<16xi32>
        %parallel_loop3A_579 = arith.cmpi eq, %parallel_loop3A_131, %parallel_loop3A_578 : vector<16xi32>
        %parallel_loop3A_580 = vector.shape_cast %parallel_loop3A_143 : vector<16xi32> to vector<16x1xi32>
        %parallel_loop3A_581 = vector.shape_cast %parallel_loop3A_580 : vector<16x1xi32> to vector<16xi32>
        %parallel_loop3A_582 = tpu.dynamic_gather %parallel_loop3A_575[%parallel_loop3A_581] in [0] : vector<16xf32>, vector<16xi32> -> vector<16xf32>
        %parallel_loop3A_583 = arith.select %parallel_loop3A_579, %parallel_loop3A_576, %parallel_loop3A_582 : vector<16xi1>, vector<16xf32>
        %parallel_loop3A_584 = vector.shape_cast %parallel_loop3A_149 : vector<16xi32> to vector<16x1xi32>
        %parallel_loop3A_585 = vector.shape_cast %parallel_loop3A_584 : vector<16x1xi32> to vector<16xi32>
        %parallel_loop3A_586 = tpu.dynamic_gather %parallel_loop3A_300[%parallel_loop3A_585] in [0] : vector<16xf32>, vector<16xi32> -> vector<16xf32>
        %parallel_loop3A_587 = arith.constant 15 : i32
        %parallel_loop3A_588 = vector.broadcast %parallel_loop3A_587 : i32 to vector<16xi32>
        %parallel_loop3A_589 = arith.cmpi eq, %parallel_loop3A_131, %parallel_loop3A_588 : vector<16xi32>
        %parallel_loop3A_590 = vector.shape_cast %parallel_loop3A_137 : vector<16xi32> to vector<16x1xi32>
        %parallel_loop3A_591 = vector.shape_cast %parallel_loop3A_590 : vector<16x1xi32> to vector<16xi32>
        %parallel_loop3A_592 = tpu.dynamic_gather %parallel_loop3A_304[%parallel_loop3A_591] in [0] : vector<16xf32>, vector<16xi32> -> vector<16xf32>
        %parallel_loop3A_593 = arith.select %parallel_loop3A_589, %parallel_loop3A_592, %parallel_loop3A_586 : vector<16xi1>, vector<16xf32>
        %parallel_loop3A_594 = arith.subf %parallel_loop3A_575, %parallel_loop3A_583 : vector<16xf32>
        %parallel_loop3A_595 = arith.subf %parallel_loop3A_593, %parallel_loop3A_300 : vector<16xf32>
        %parallel_loop3A_596 = arith.constant 9.99999974E-6 : f32
        %parallel_loop3A_597 = vector.broadcast %parallel_loop3A_596 : f32 to vector<16xf32>
        %parallel_loop3A_598 = arith.cmpf olt, %parallel_loop3A_594, %parallel_loop3A_597 : vector<16xf32>
        %parallel_loop3A_599 = arith.divf %parallel_loop3A_595, %parallel_loop3A_594 : vector<16xf32>
        %parallel_loop3A_600 = arith.select %parallel_loop3A_598, %parallel_loop3A_595, %parallel_loop3A_599 : vector<16xi1>, vector<16xf32>
        %parallel_loop3A_601 = arith.mulf %parallel_loop3A_583, %parallel_loop3A_600 : vector<16xf32>
        %parallel_loop3A_602 = arith.subf %parallel_loop3A_300, %parallel_loop3A_601 : vector<16xf32>
        %parallel_loop3A_603 = arith.constant 80 : i32
        %parallel_loop3A_604 = arith.addi %parallel_loop3A_153, %parallel_loop3A_603 : i32
        %parallel_loop3A_605 = arith.index_cast %parallel_loop3A_604 : i32 to index
        %parallel_loop3A_606 = tpu.vector_load %arg11[%parallel_loop3A_605] {strides = array<i32>} : memref<8192xf32, #tpu.memory_space<vmem>>, vector<16xf32>,
        tpu.vector_store %arg11[%parallel_loop3A_605], %parallel_loop3A_600 {strides = array<i32>} : memref<8192xf32, #tpu.memory_space<vmem>>, vector<16xf32>,
        %parallel_loop3A_607 = arith.constant 80 : i32
        %parallel_loop3A_608 = arith.addi %parallel_loop3A_153, %parallel_loop3A_607 : i32
        %parallel_loop3A_609 = arith.index_cast %parallel_loop3A_608 : i32 to index
        %parallel_loop3A_610 = tpu.vector_load %arg12[%parallel_loop3A_609] {strides = array<i32>} : memref<8192xf32, #tpu.memory_space<vmem>>, vector<16xf32>,
        tpu.vector_store %arg12[%parallel_loop3A_609], %parallel_loop3A_602 {strides = array<i32>} : memref<8192xf32, #tpu.memory_space<vmem>>, vector<16xf32>,
        %parallel_loop3A_611 = arith.constant 1.280000e+02 : f32
        %parallel_loop3A_612 = vector.broadcast %parallel_loop3A_611 : f32 to vector<16xf32>
        %parallel_loop3A_613 = arith.mulf %parallel_loop3A_575, %parallel_loop3A_612 : vector<16xf32>
        %parallel_loop3A_614 = arith.constant 0.49999997 : f32
        %parallel_loop3A_615 = vector.broadcast %parallel_loop3A_614 : f32 to vector<16xf32>
        %parallel_loop3A_616 = arith.addf %parallel_loop3A_613, %parallel_loop3A_615 : vector<16xf32>
        %parallel_loop3A_617 = arith.fptosi %parallel_loop3A_616 : vector<16xf32> to vector<16xi32>
        %parallel_loop3A_618 = tpu.memref_slice %arg13[%parallel_loop3A_155] : memref<9216xi32, #tpu.memory_space<vmem>> -> memref<144xi32, #tpu.memory_space<vmem>>
        tpu.vector_store_idx %parallel_loop3A_618[%parallel_loop3A_617], %parallel_loop3A_348 {add = true} : memref<144xi32, #tpu.memory_space<vmem>>[vector<16xi32>], vector<16xi32>,
        %parallel_loop3A_619 = arith.addf %parallel_loop3A_238, %parallel_loop3A_271 : vector<16xf32>
        %parallel_loop3A_620 = arith.mulf %parallel_loop3A_619, %parallel_loop3A_276 : vector<16xf32>
        %parallel_loop3A_621 = arith.mulf %parallel_loop3A_271, %parallel_loop3A_276 : vector<16xf32>
        %parallel_loop3A_622 = arith.constant 0 : i32
        %parallel_loop3A_623 = vector.broadcast %parallel_loop3A_622 : i32 to vector<16xi32>
        %parallel_loop3A_624 = arith.cmpi eq, %parallel_loop3A_131, %parallel_loop3A_623 : vector<16xi32>
        %parallel_loop3A_625 = vector.shape_cast %parallel_loop3A_143 : vector<16xi32> to vector<16x1xi32>
        %parallel_loop3A_626 = vector.shape_cast %parallel_loop3A_625 : vector<16x1xi32> to vector<16xi32>
        %parallel_loop3A_627 = tpu.dynamic_gather %parallel_loop3A_620[%parallel_loop3A_626] in [0] : vector<16xf32>, vector<16xi32> -> vector<16xf32>
        %parallel_loop3A_628 = arith.select %parallel_loop3A_624, %parallel_loop3A_621, %parallel_loop3A_627 : vector<16xi1>, vector<16xf32>
        %parallel_loop3A_629 = vector.shape_cast %parallel_loop3A_149 : vector<16xi32> to vector<16x1xi32>
        %parallel_loop3A_630 = vector.shape_cast %parallel_loop3A_629 : vector<16x1xi32> to vector<16xi32>
        %parallel_loop3A_631 = tpu.dynamic_gather %parallel_loop3A_304[%parallel_loop3A_630] in [0] : vector<16xf32>, vector<16xi32> -> vector<16xf32>
        %parallel_loop3A_632 = arith.constant 15 : i32
        %parallel_loop3A_633 = vector.broadcast %parallel_loop3A_632 : i32 to vector<16xi32>
        %parallel_loop3A_634 = arith.cmpi eq, %parallel_loop3A_131, %parallel_loop3A_633 : vector<16xi32>
        %parallel_loop3A_635 = vector.shape_cast %parallel_loop3A_137 : vector<16xi32> to vector<16x1xi32>
        %parallel_loop3A_636 = vector.shape_cast %parallel_loop3A_635 : vector<16x1xi32> to vector<16xi32>
        %parallel_loop3A_637 = tpu.dynamic_gather %parallel_loop3A_308[%parallel_loop3A_636] in [0] : vector<16xf32>, vector<16xi32> -> vector<16xf32>
        %parallel_loop3A_638 = arith.select %parallel_loop3A_634, %parallel_loop3A_637, %parallel_loop3A_631 : vector<16xi1>, vector<16xf32>
        %parallel_loop3A_639 = arith.subf %parallel_loop3A_620, %parallel_loop3A_628 : vector<16xf32>
        %parallel_loop3A_640 = arith.subf %parallel_loop3A_638, %parallel_loop3A_304 : vector<16xf32>
        %parallel_loop3A_641 = arith.constant 9.99999974E-6 : f32
        %parallel_loop3A_642 = vector.broadcast %parallel_loop3A_641 : f32 to vector<16xf32>
        %parallel_loop3A_643 = arith.cmpf olt, %parallel_loop3A_639, %parallel_loop3A_642 : vector<16xf32>
        %parallel_loop3A_644 = arith.divf %parallel_loop3A_640, %parallel_loop3A_639 : vector<16xf32>
        %parallel_loop3A_645 = arith.select %parallel_loop3A_643, %parallel_loop3A_640, %parallel_loop3A_644 : vector<16xi1>, vector<16xf32>
        %parallel_loop3A_646 = arith.mulf %parallel_loop3A_628, %parallel_loop3A_645 : vector<16xf32>
        %parallel_loop3A_647 = arith.subf %parallel_loop3A_304, %parallel_loop3A_646 : vector<16xf32>
        %parallel_loop3A_648 = arith.constant 96 : i32
        %parallel_loop3A_649 = arith.addi %parallel_loop3A_153, %parallel_loop3A_648 : i32
        %parallel_loop3A_650 = arith.index_cast %parallel_loop3A_649 : i32 to index
        %parallel_loop3A_651 = tpu.vector_load %arg11[%parallel_loop3A_650] {strides = array<i32>} : memref<8192xf32, #tpu.memory_space<vmem>>, vector<16xf32>,
        tpu.vector_store %arg11[%parallel_loop3A_650], %parallel_loop3A_645 {strides = array<i32>} : memref<8192xf32, #tpu.memory_space<vmem>>, vector<16xf32>,
        %parallel_loop3A_652 = arith.constant 96 : i32
        %parallel_loop3A_653 = arith.addi %parallel_loop3A_153, %parallel_loop3A_652 : i32
        %parallel_loop3A_654 = arith.index_cast %parallel_loop3A_653 : i32 to index
        %parallel_loop3A_655 = tpu.vector_load %arg12[%parallel_loop3A_654] {strides = array<i32>} : memref<8192xf32, #tpu.memory_space<vmem>>, vector<16xf32>,
        tpu.vector_store %arg12[%parallel_loop3A_654], %parallel_loop3A_647 {strides = array<i32>} : memref<8192xf32, #tpu.memory_space<vmem>>, vector<16xf32>,
        %parallel_loop3A_656 = arith.constant 1.280000e+02 : f32
        %parallel_loop3A_657 = vector.broadcast %parallel_loop3A_656 : f32 to vector<16xf32>
        %parallel_loop3A_658 = arith.mulf %parallel_loop3A_620, %parallel_loop3A_657 : vector<16xf32>
        %parallel_loop3A_659 = arith.constant 0.49999997 : f32
        %parallel_loop3A_660 = vector.broadcast %parallel_loop3A_659 : f32 to vector<16xf32>
        %parallel_loop3A_661 = arith.addf %parallel_loop3A_658, %parallel_loop3A_660 : vector<16xf32>
        %parallel_loop3A_662 = arith.fptosi %parallel_loop3A_661 : vector<16xf32> to vector<16xi32>
        %parallel_loop3A_663 = tpu.memref_slice %arg13[%parallel_loop3A_155] : memref<9216xi32, #tpu.memory_space<vmem>> -> memref<144xi32, #tpu.memory_space<vmem>>
        tpu.vector_store_idx %parallel_loop3A_663[%parallel_loop3A_662], %parallel_loop3A_348 {add = true} : memref<144xi32, #tpu.memory_space<vmem>>[vector<16xi32>], vector<16xi32>,
        %parallel_loop3A_664 = arith.addf %parallel_loop3A_241, %parallel_loop3A_272 : vector<16xf32>
        %parallel_loop3A_665 = arith.mulf %parallel_loop3A_664, %parallel_loop3A_276 : vector<16xf32>
        %parallel_loop3A_666 = arith.mulf %parallel_loop3A_272, %parallel_loop3A_276 : vector<16xf32>
        %parallel_loop3A_667 = arith.constant 0 : i32
        %parallel_loop3A_668 = vector.broadcast %parallel_loop3A_667 : i32 to vector<16xi32>
        %parallel_loop3A_669 = arith.cmpi eq, %parallel_loop3A_131, %parallel_loop3A_668 : vector<16xi32>
        %parallel_loop3A_670 = vector.shape_cast %parallel_loop3A_143 : vector<16xi32> to vector<16x1xi32>
        %parallel_loop3A_671 = vector.shape_cast %parallel_loop3A_670 : vector<16x1xi32> to vector<16xi32>
        %parallel_loop3A_672 = tpu.dynamic_gather %parallel_loop3A_665[%parallel_loop3A_671] in [0] : vector<16xf32>, vector<16xi32> -> vector<16xf32>
        %parallel_loop3A_673 = arith.select %parallel_loop3A_669, %parallel_loop3A_666, %parallel_loop3A_672 : vector<16xi1>, vector<16xf32>
        %parallel_loop3A_674 = vector.shape_cast %parallel_loop3A_149 : vector<16xi32> to vector<16x1xi32>
        %parallel_loop3A_675 = vector.shape_cast %parallel_loop3A_674 : vector<16x1xi32> to vector<16xi32>
        %parallel_loop3A_676 = tpu.dynamic_gather %parallel_loop3A_308[%parallel_loop3A_675] in [0] : vector<16xf32>, vector<16xi32> -> vector<16xf32>
        %parallel_loop3A_677 = arith.subf %parallel_loop3A_665, %parallel_loop3A_673 : vector<16xf32>
        %parallel_loop3A_678 = arith.subf %parallel_loop3A_676, %parallel_loop3A_308 : vector<16xf32>
        %parallel_loop3A_679 = arith.constant 9.99999974E-6 : f32
        %parallel_loop3A_680 = vector.broadcast %parallel_loop3A_679 : f32 to vector<16xf32>
        %parallel_loop3A_681 = arith.cmpf olt, %parallel_loop3A_677, %parallel_loop3A_680 : vector<16xf32>
        %parallel_loop3A_682 = arith.divf %parallel_loop3A_678, %parallel_loop3A_677 : vector<16xf32>
        %parallel_loop3A_683 = arith.select %parallel_loop3A_681, %parallel_loop3A_678, %parallel_loop3A_682 : vector<16xi1>, vector<16xf32>
        %parallel_loop3A_684 = arith.mulf %parallel_loop3A_673, %parallel_loop3A_683 : vector<16xf32>
        %parallel_loop3A_685 = arith.subf %parallel_loop3A_308, %parallel_loop3A_684 : vector<16xf32>
        %parallel_loop3A_686 = arith.constant 112 : i32
        %parallel_loop3A_687 = arith.addi %parallel_loop3A_153, %parallel_loop3A_686 : i32
        %parallel_loop3A_688 = arith.index_cast %parallel_loop3A_687 : i32 to index
        %parallel_loop3A_689 = tpu.vector_load %arg11[%parallel_loop3A_688] {strides = array<i32>} : memref<8192xf32, #tpu.memory_space<vmem>>, vector<16xf32>,
        tpu.vector_store %arg11[%parallel_loop3A_688], %parallel_loop3A_683 {strides = array<i32>} : memref<8192xf32, #tpu.memory_space<vmem>>, vector<16xf32>,
        %parallel_loop3A_690 = arith.constant 112 : i32
        %parallel_loop3A_691 = arith.addi %parallel_loop3A_153, %parallel_loop3A_690 : i32
        %parallel_loop3A_692 = arith.index_cast %parallel_loop3A_691 : i32 to index
        %parallel_loop3A_693 = tpu.vector_load %arg12[%parallel_loop3A_692] {strides = array<i32>} : memref<8192xf32, #tpu.memory_space<vmem>>, vector<16xf32>,
        tpu.vector_store %arg12[%parallel_loop3A_692], %parallel_loop3A_685 {strides = array<i32>} : memref<8192xf32, #tpu.memory_space<vmem>>, vector<16xf32>,
        %parallel_loop3A_694 = arith.constant 1.280000e+02 : f32
        %parallel_loop3A_695 = vector.broadcast %parallel_loop3A_694 : f32 to vector<16xf32>
        %parallel_loop3A_696 = arith.mulf %parallel_loop3A_665, %parallel_loop3A_695 : vector<16xf32>
        %parallel_loop3A_697 = arith.constant 0.49999997 : f32
        %parallel_loop3A_698 = vector.broadcast %parallel_loop3A_697 : f32 to vector<16xf32>
        %parallel_loop3A_699 = arith.addf %parallel_loop3A_696, %parallel_loop3A_698 : vector<16xf32>
        %parallel_loop3A_700 = arith.fptosi %parallel_loop3A_699 : vector<16xf32> to vector<16xi32>
        %parallel_loop3A_701 = tpu.memref_slice %arg13[%parallel_loop3A_155] : memref<9216xi32, #tpu.memory_space<vmem>> -> memref<144xi32, #tpu.memory_space<vmem>>
        tpu.vector_store_idx %parallel_loop3A_701[%parallel_loop3A_700], %parallel_loop3A_348 {add = true} : memref<144xi32, #tpu.memory_space<vmem>>[vector<16xi32>], vector<16xi32>,
      } {sc.loop_unroll_factor = 5 : i64, sc.parallel_access}
      %parallel_loop3A_113 = arith.constant 0 : i32
      %parallel_loop3A_114 = arith.constant 64 : i32
      %parallel_loop3A_115 = arith.constant 1 : i32
      scf.for %parallel_loop3A_130 = %parallel_loop3A_113 to %parallel_loop3A_114 step %parallel_loop3A_115  : i32 {
        %parallel_loop3A_131 = tpu.iota {dimensions = array<i32: 0>} : vector<16xi32>
        %parallel_loop3A_132 = arith.sitofp %parallel_loop3A_131 : vector<16xi32> to vector<16xf32>
        %parallel_loop3A_133 = arith.constant 15 : i32
        %parallel_loop3A_134 = vector.broadcast %parallel_loop3A_133 : i32 to vector<16xi32>
        %parallel_loop3A_135 = arith.constant 128 : i32
        %parallel_loop3A_136 = arith.muli %parallel_loop3A_130, %parallel_loop3A_135 : i32
        %parallel_loop3A_137 = arith.constant 144 : i32
        %parallel_loop3A_138 = arith.muli %parallel_loop3A_130, %parallel_loop3A_137 : i32
        %parallel_loop3A_139 = arith.constant 0 : i32
        %parallel_loop3A_140 = arith.addi %parallel_loop3A_138, %parallel_loop3A_139 : i32
        %parallel_loop3A_141 = arith.index_cast %parallel_loop3A_140 : i32 to index
        %parallel_loop3A_142 = tpu.vector_load %arg13[%parallel_loop3A_141] {strides = array<i32>} : memref<9216xi32, #tpu.memory_space<vmem>>, vector<16xi32>,
        %parallel_loop3A_143 = arith.constant true
        %parallel_loop3A_144 = vector.broadcast %parallel_loop3A_143 : i1 to vector<16xi1>
        %parallel_loop3A_145 = tpu.scan <sum>, %parallel_loop3A_142 masked %parallel_loop3A_144 : vector<16xi32>, vector<16xi1> -> vector<16xi32>
        %parallel_loop3A_146 = arith.constant 16 : i32
        %parallel_loop3A_147 = arith.addi %parallel_loop3A_138, %parallel_loop3A_146 : i32
        %parallel_loop3A_148 = arith.index_cast %parallel_loop3A_147 : i32 to index
        %parallel_loop3A_149 = tpu.vector_load %arg13[%parallel_loop3A_148] {strides = array<i32>} : memref<9216xi32, #tpu.memory_space<vmem>>, vector<16xi32>,
        %parallel_loop3A_150 = arith.constant true
        %parallel_loop3A_151 = vector.broadcast %parallel_loop3A_150 : i1 to vector<16xi1>
        %parallel_loop3A_152 = tpu.scan <sum>, %parallel_loop3A_149 masked %parallel_loop3A_151 : vector<16xi32>, vector<16xi1> -> vector<16xi32>
        %parallel_loop3A_153 = arith.constant 32 : i32
        %parallel_loop3A_154 = arith.addi %parallel_loop3A_138, %parallel_loop3A_153 : i32
        %parallel_loop3A_155 = arith.index_cast %parallel_loop3A_154 : i32 to index
        %parallel_loop3A_156 = tpu.vector_load %arg13[%parallel_loop3A_155] {strides = array<i32>} : memref<9216xi32, #tpu.memory_space<vmem>>, vector<16xi32>,
        %parallel_loop3A_157 = arith.constant true
        %parallel_loop3A_158 = vector.broadcast %parallel_loop3A_157 : i1 to vector<16xi1>
        %parallel_loop3A_159 = tpu.scan <sum>, %parallel_loop3A_156 masked %parallel_loop3A_158 : vector<16xi32>, vector<16xi1> -> vector<16xi32>
        %parallel_loop3A_160 = arith.constant 48 : i32
        %parallel_loop3A_161 = arith.addi %parallel_loop3A_138, %parallel_loop3A_160 : i32
        %parallel_loop3A_162 = arith.index_cast %parallel_loop3A_161 : i32 to index
        %parallel_loop3A_163 = tpu.vector_load %arg13[%parallel_loop3A_162] {strides = array<i32>} : memref<9216xi32, #tpu.memory_space<vmem>>, vector<16xi32>,
        %parallel_loop3A_164 = arith.constant true
        %parallel_loop3A_165 = vector.broadcast %parallel_loop3A_164 : i1 to vector<16xi1>
        %parallel_loop3A_166 = tpu.scan <sum>, %parallel_loop3A_163 masked %parallel_loop3A_165 : vector<16xi32>, vector<16xi1> -> vector<16xi32>
        %parallel_loop3A_167 = arith.constant 64 : i32
        %parallel_loop3A_168 = arith.addi %parallel_loop3A_138, %parallel_loop3A_167 : i32
        %parallel_loop3A_169 = arith.index_cast %parallel_loop3A_168 : i32 to index
        %parallel_loop3A_170 = tpu.vector_load %arg13[%parallel_loop3A_169] {strides = array<i32>} : memref<9216xi32, #tpu.memory_space<vmem>>, vector<16xi32>,
        %parallel_loop3A_171 = arith.constant true
        %parallel_loop3A_172 = vector.broadcast %parallel_loop3A_171 : i1 to vector<16xi1>
        %parallel_loop3A_173 = tpu.scan <sum>, %parallel_loop3A_170 masked %parallel_loop3A_172 : vector<16xi32>, vector<16xi1> -> vector<16xi32>
        %parallel_loop3A_174 = arith.constant 80 : i32
        %parallel_loop3A_175 = arith.addi %parallel_loop3A_138, %parallel_loop3A_174 : i32
        %parallel_loop3A_176 = arith.index_cast %parallel_loop3A_175 : i32 to index
        %parallel_loop3A_177 = tpu.vector_load %arg13[%parallel_loop3A_176] {strides = array<i32>} : memref<9216xi32, #tpu.memory_space<vmem>>, vector<16xi32>,
        %parallel_loop3A_178 = arith.constant true
        %parallel_loop3A_179 = vector.broadcast %parallel_loop3A_178 : i1 to vector<16xi1>
        %parallel_loop3A_180 = tpu.scan <sum>, %parallel_loop3A_177 masked %parallel_loop3A_179 : vector<16xi32>, vector<16xi1> -> vector<16xi32>
        %parallel_loop3A_181 = arith.constant 96 : i32
        %parallel_loop3A_182 = arith.addi %parallel_loop3A_138, %parallel_loop3A_181 : i32
        %parallel_loop3A_183 = arith.index_cast %parallel_loop3A_182 : i32 to index
        %parallel_loop3A_184 = tpu.vector_load %arg13[%parallel_loop3A_183] {strides = array<i32>} : memref<9216xi32, #tpu.memory_space<vmem>>, vector<16xi32>,
        %parallel_loop3A_185 = arith.constant true
        %parallel_loop3A_186 = vector.broadcast %parallel_loop3A_185 : i1 to vector<16xi1>
        %parallel_loop3A_187 = tpu.scan <sum>, %parallel_loop3A_184 masked %parallel_loop3A_186 : vector<16xi32>, vector<16xi1> -> vector<16xi32>
        %parallel_loop3A_188 = arith.constant 112 : i32
        %parallel_loop3A_189 = arith.addi %parallel_loop3A_138, %parallel_loop3A_188 : i32
        %parallel_loop3A_190 = arith.index_cast %parallel_loop3A_189 : i32 to index
        %parallel_loop3A_191 = tpu.vector_load %arg13[%parallel_loop3A_190] {strides = array<i32>} : memref<9216xi32, #tpu.memory_space<vmem>>, vector<16xi32>,
        %parallel_loop3A_192 = arith.constant true
        %parallel_loop3A_193 = vector.broadcast %parallel_loop3A_192 : i1 to vector<16xi1>
        %parallel_loop3A_194 = tpu.scan <sum>, %parallel_loop3A_191 masked %parallel_loop3A_193 : vector<16xi32>, vector<16xi1> -> vector<16xi32>
        %parallel_loop3A_195 = vector.shape_cast %parallel_loop3A_134 : vector<16xi32> to vector<16x1xi32>
        %parallel_loop3A_196 = vector.shape_cast %parallel_loop3A_195 : vector<16x1xi32> to vector<16xi32>
        %parallel_loop3A_197 = tpu.dynamic_gather %parallel_loop3A_145[%parallel_loop3A_196] in [0] : vector<16xi32>, vector<16xi32> -> vector<16xi32>
        %parallel_loop3A_198 = vector.shape_cast %parallel_loop3A_134 : vector<16xi32> to vector<16x1xi32>
        %parallel_loop3A_199 = vector.shape_cast %parallel_loop3A_198 : vector<16x1xi32> to vector<16xi32>
        %parallel_loop3A_200 = tpu.dynamic_gather %parallel_loop3A_152[%parallel_loop3A_199] in [0] : vector<16xi32>, vector<16xi32> -> vector<16xi32>
        %parallel_loop3A_201 = vector.shape_cast %parallel_loop3A_134 : vector<16xi32> to vector<16x1xi32>
        %parallel_loop3A_202 = vector.shape_cast %parallel_loop3A_201 : vector<16x1xi32> to vector<16xi32>
        %parallel_loop3A_203 = tpu.dynamic_gather %parallel_loop3A_159[%parallel_loop3A_202] in [0] : vector<16xi32>, vector<16xi32> -> vector<16xi32>
        %parallel_loop3A_204 = vector.shape_cast %parallel_loop3A_134 : vector<16xi32> to vector<16x1xi32>
        %parallel_loop3A_205 = vector.shape_cast %parallel_loop3A_204 : vector<16x1xi32> to vector<16xi32>
        %parallel_loop3A_206 = tpu.dynamic_gather %parallel_loop3A_166[%parallel_loop3A_205] in [0] : vector<16xi32>, vector<16xi32> -> vector<16xi32>
        %parallel_loop3A_207 = vector.shape_cast %parallel_loop3A_134 : vector<16xi32> to vector<16x1xi32>
        %parallel_loop3A_208 = vector.shape_cast %parallel_loop3A_207 : vector<16x1xi32> to vector<16xi32>
        %parallel_loop3A_209 = tpu.dynamic_gather %parallel_loop3A_173[%parallel_loop3A_208] in [0] : vector<16xi32>, vector<16xi32> -> vector<16xi32>
        %parallel_loop3A_210 = vector.shape_cast %parallel_loop3A_134 : vector<16xi32> to vector<16x1xi32>
        %parallel_loop3A_211 = vector.shape_cast %parallel_loop3A_210 : vector<16x1xi32> to vector<16xi32>
        %parallel_loop3A_212 = tpu.dynamic_gather %parallel_loop3A_180[%parallel_loop3A_211] in [0] : vector<16xi32>, vector<16xi32> -> vector<16xi32>
        %parallel_loop3A_213 = vector.shape_cast %parallel_loop3A_134 : vector<16xi32> to vector<16x1xi32>
        %parallel_loop3A_214 = vector.shape_cast %parallel_loop3A_213 : vector<16x1xi32> to vector<16xi32>
        %parallel_loop3A_215 = tpu.dynamic_gather %parallel_loop3A_187[%parallel_loop3A_214] in [0] : vector<16xi32>, vector<16xi32> -> vector<16xi32>
        %parallel_loop3A_216 = vector.shape_cast %parallel_loop3A_134 : vector<16xi32> to vector<16x1xi32>
        %parallel_loop3A_217 = vector.shape_cast %parallel_loop3A_216 : vector<16x1xi32> to vector<16xi32>
        %parallel_loop3A_218 = tpu.dynamic_gather %parallel_loop3A_194[%parallel_loop3A_217] in [0] : vector<16xi32>, vector<16xi32> -> vector<16xi32>
        %parallel_loop3A_219 = arith.constant 0 : i32
        %parallel_loop3A_220 = vector.broadcast %parallel_loop3A_219 : i32 to vector<16xi32>
        %parallel_loop3A_221 = arith.addi %parallel_loop3A_220, %parallel_loop3A_197 : vector<16xi32>
        %parallel_loop3A_222 = arith.addi %parallel_loop3A_221, %parallel_loop3A_200 : vector<16xi32>
        %parallel_loop3A_223 = arith.addi %parallel_loop3A_222, %parallel_loop3A_203 : vector<16xi32>
        %parallel_loop3A_224 = arith.addi %parallel_loop3A_223, %parallel_loop3A_206 : vector<16xi32>
        %parallel_loop3A_225 = arith.addi %parallel_loop3A_224, %parallel_loop3A_209 : vector<16xi32>
        %parallel_loop3A_226 = arith.addi %parallel_loop3A_225, %parallel_loop3A_212 : vector<16xi32>
        %parallel_loop3A_227 = arith.addi %parallel_loop3A_226, %parallel_loop3A_215 : vector<16xi32>
        %parallel_loop3A_228 = arith.addi %parallel_loop3A_145, %parallel_loop3A_220 : vector<16xi32>
        %parallel_loop3A_229 = tpu.memref_slice %arg11[%parallel_loop3A_136] : memref<8192xf32, #tpu.memory_space<vmem>> -> memref<128xf32, #tpu.memory_space<vmem>>
        %parallel_loop3A_230 = tpu.vector_load_idx %parallel_loop3A_229[%parallel_loop3A_228] : memref<128xf32, #tpu.memory_space<vmem>>[vector<16xi32>], vector<16xf32>,
        %parallel_loop3A_231 = tpu.memref_slice %arg12[%parallel_loop3A_136] : memref<8192xf32, #tpu.memory_space<vmem>> -> memref<128xf32, #tpu.memory_space<vmem>>
        %parallel_loop3A_232 = tpu.vector_load_idx %parallel_loop3A_231[%parallel_loop3A_228] : memref<128xf32, #tpu.memory_space<vmem>>[vector<16xi32>], vector<16xf32>,
        %parallel_loop3A_233 = arith.constant 5.000000e-01 : f32
        %parallel_loop3A_234 = vector.broadcast %parallel_loop3A_233 : f32 to vector<16xf32>
        %parallel_loop3A_235 = arith.addf %parallel_loop3A_132, %parallel_loop3A_234 : vector<16xf32>
        %parallel_loop3A_236 = arith.constant 7.812500e-03 : f32
        %parallel_loop3A_237 = vector.broadcast %parallel_loop3A_236 : f32 to vector<16xf32>
        %parallel_loop3A_238 = arith.mulf %parallel_loop3A_235, %parallel_loop3A_237 : vector<16xf32>
        %parallel_loop3A_239 = arith.mulf %parallel_loop3A_238, %parallel_loop3A_230 : vector<16xf32>
        %parallel_loop3A_240 = arith.addf %parallel_loop3A_232, %parallel_loop3A_239 : vector<16xf32>
        %parallel_loop3A_241 = arith.constant 128 : i32
        %parallel_loop3A_242 = arith.muli %parallel_loop3A_130, %parallel_loop3A_241 : i32
        %parallel_loop3A_243 = arith.constant 0 : i32
        %parallel_loop3A_244 = arith.addi %parallel_loop3A_242, %parallel_loop3A_243 : i32
        %parallel_loop3A_245 = arith.index_cast %parallel_loop3A_244 : i32 to index
        %parallel_loop3A_246 = tpu.vector_load %arg10[%parallel_loop3A_245] {strides = array<i32>} : memref<8192xf32, #tpu.memory_space<vmem>>, vector<16xf32>,
        tpu.vector_store %arg10[%parallel_loop3A_245], %parallel_loop3A_240 {strides = array<i32>} : memref<8192xf32, #tpu.memory_space<vmem>>, vector<16xf32>,
        %parallel_loop3A_247 = arith.addi %parallel_loop3A_152, %parallel_loop3A_221 : vector<16xi32>
        %parallel_loop3A_248 = tpu.memref_slice %arg11[%parallel_loop3A_136] : memref<8192xf32, #tpu.memory_space<vmem>> -> memref<128xf32, #tpu.memory_space<vmem>>
        %parallel_loop3A_249 = tpu.vector_load_idx %parallel_loop3A_248[%parallel_loop3A_247] : memref<128xf32, #tpu.memory_space<vmem>>[vector<16xi32>], vector<16xf32>,
        %parallel_loop3A_250 = tpu.memref_slice %arg12[%parallel_loop3A_136] : memref<8192xf32, #tpu.memory_space<vmem>> -> memref<128xf32, #tpu.memory_space<vmem>>
        %parallel_loop3A_251 = tpu.vector_load_idx %parallel_loop3A_250[%parallel_loop3A_247] : memref<128xf32, #tpu.memory_space<vmem>>[vector<16xi32>], vector<16xf32>,
        %parallel_loop3A_252 = arith.constant 1.650000e+01 : f32
        %parallel_loop3A_253 = vector.broadcast %parallel_loop3A_252 : f32 to vector<16xf32>
        %parallel_loop3A_254 = arith.addf %parallel_loop3A_132, %parallel_loop3A_253 : vector<16xf32>
        %parallel_loop3A_255 = arith.constant 7.812500e-03 : f32
        %parallel_loop3A_256 = vector.broadcast %parallel_loop3A_255 : f32 to vector<16xf32>
        %parallel_loop3A_257 = arith.mulf %parallel_loop3A_254, %parallel_loop3A_256 : vector<16xf32>
        %parallel_loop3A_258 = arith.mulf %parallel_loop3A_257, %parallel_loop3A_249 : vector<16xf32>
        %parallel_loop3A_259 = arith.addf %parallel_loop3A_251, %parallel_loop3A_258 : vector<16xf32>
        %parallel_loop3A_260 = arith.constant 128 : i32
        %parallel_loop3A_261 = arith.muli %parallel_loop3A_130, %parallel_loop3A_260 : i32
        %parallel_loop3A_262 = arith.constant 16 : i32
        %parallel_loop3A_263 = arith.addi %parallel_loop3A_261, %parallel_loop3A_262 : i32
        %parallel_loop3A_264 = arith.index_cast %parallel_loop3A_263 : i32 to index
        %parallel_loop3A_265 = tpu.vector_load %arg10[%parallel_loop3A_264] {strides = array<i32>} : memref<8192xf32, #tpu.memory_space<vmem>>, vector<16xf32>,
        tpu.vector_store %arg10[%parallel_loop3A_264], %parallel_loop3A_259 {strides = array<i32>} : memref<8192xf32, #tpu.memory_space<vmem>>, vector<16xf32>,
        %parallel_loop3A_266 = arith.addi %parallel_loop3A_159, %parallel_loop3A_222 : vector<16xi32>
        %parallel_loop3A_267 = tpu.memref_slice %arg11[%parallel_loop3A_136] : memref<8192xf32, #tpu.memory_space<vmem>> -> memref<128xf32, #tpu.memory_space<vmem>>
        %parallel_loop3A_268 = tpu.vector_load_idx %parallel_loop3A_267[%parallel_loop3A_266] : memref<128xf32, #tpu.memory_space<vmem>>[vector<16xi32>], vector<16xf32>,
        %parallel_loop3A_269 = tpu.memref_slice %arg12[%parallel_loop3A_136] : memref<8192xf32, #tpu.memory_space<vmem>> -> memref<128xf32, #tpu.memory_space<vmem>>
        %parallel_loop3A_270 = tpu.vector_load_idx %parallel_loop3A_269[%parallel_loop3A_266] : memref<128xf32, #tpu.memory_space<vmem>>[vector<16xi32>], vector<16xf32>,
        %parallel_loop3A_271 = arith.constant 3.250000e+01 : f32
        %parallel_loop3A_272 = vector.broadcast %parallel_loop3A_271 : f32 to vector<16xf32>
        %parallel_loop3A_273 = arith.addf %parallel_loop3A_132, %parallel_loop3A_272 : vector<16xf32>
        %parallel_loop3A_274 = arith.constant 7.812500e-03 : f32
        %parallel_loop3A_275 = vector.broadcast %parallel_loop3A_274 : f32 to vector<16xf32>
        %parallel_loop3A_276 = arith.mulf %parallel_loop3A_273, %parallel_loop3A_275 : vector<16xf32>
        %parallel_loop3A_277 = arith.mulf %parallel_loop3A_276, %parallel_loop3A_268 : vector<16xf32>
        %parallel_loop3A_278 = arith.addf %parallel_loop3A_270, %parallel_loop3A_277 : vector<16xf32>
        %parallel_loop3A_279 = arith.constant 128 : i32
        %parallel_loop3A_280 = arith.muli %parallel_loop3A_130, %parallel_loop3A_279 : i32
        %parallel_loop3A_281 = arith.constant 32 : i32
        %parallel_loop3A_282 = arith.addi %parallel_loop3A_280, %parallel_loop3A_281 : i32
        %parallel_loop3A_283 = arith.index_cast %parallel_loop3A_282 : i32 to index
        %parallel_loop3A_284 = tpu.vector_load %arg10[%parallel_loop3A_283] {strides = array<i32>} : memref<8192xf32, #tpu.memory_space<vmem>>, vector<16xf32>,
        tpu.vector_store %arg10[%parallel_loop3A_283], %parallel_loop3A_278 {strides = array<i32>} : memref<8192xf32, #tpu.memory_space<vmem>>, vector<16xf32>,
        %parallel_loop3A_285 = arith.addi %parallel_loop3A_166, %parallel_loop3A_223 : vector<16xi32>
        %parallel_loop3A_286 = tpu.memref_slice %arg11[%parallel_loop3A_136] : memref<8192xf32, #tpu.memory_space<vmem>> -> memref<128xf32, #tpu.memory_space<vmem>>
        %parallel_loop3A_287 = tpu.vector_load_idx %parallel_loop3A_286[%parallel_loop3A_285] : memref<128xf32, #tpu.memory_space<vmem>>[vector<16xi32>], vector<16xf32>,
        %parallel_loop3A_288 = tpu.memref_slice %arg12[%parallel_loop3A_136] : memref<8192xf32, #tpu.memory_space<vmem>> -> memref<128xf32, #tpu.memory_space<vmem>>
        %parallel_loop3A_289 = tpu.vector_load_idx %parallel_loop3A_288[%parallel_loop3A_285] : memref<128xf32, #tpu.memory_space<vmem>>[vector<16xi32>], vector<16xf32>,
        %parallel_loop3A_290 = arith.constant 4.850000e+01 : f32
        %parallel_loop3A_291 = vector.broadcast %parallel_loop3A_290 : f32 to vector<16xf32>
        %parallel_loop3A_292 = arith.addf %parallel_loop3A_132, %parallel_loop3A_291 : vector<16xf32>
        %parallel_loop3A_293 = arith.constant 7.812500e-03 : f32
        %parallel_loop3A_294 = vector.broadcast %parallel_loop3A_293 : f32 to vector<16xf32>
        %parallel_loop3A_295 = arith.mulf %parallel_loop3A_292, %parallel_loop3A_294 : vector<16xf32>
        %parallel_loop3A_296 = arith.mulf %parallel_loop3A_295, %parallel_loop3A_287 : vector<16xf32>
        %parallel_loop3A_297 = arith.addf %parallel_loop3A_289, %parallel_loop3A_296 : vector<16xf32>
        %parallel_loop3A_298 = arith.constant 128 : i32
        %parallel_loop3A_299 = arith.muli %parallel_loop3A_130, %parallel_loop3A_298 : i32
        %parallel_loop3A_300 = arith.constant 48 : i32
        %parallel_loop3A_301 = arith.addi %parallel_loop3A_299, %parallel_loop3A_300 : i32
        %parallel_loop3A_302 = arith.index_cast %parallel_loop3A_301 : i32 to index
        %parallel_loop3A_303 = tpu.vector_load %arg10[%parallel_loop3A_302] {strides = array<i32>} : memref<8192xf32, #tpu.memory_space<vmem>>, vector<16xf32>,
        tpu.vector_store %arg10[%parallel_loop3A_302], %parallel_loop3A_297 {strides = array<i32>} : memref<8192xf32, #tpu.memory_space<vmem>>, vector<16xf32>,
        %parallel_loop3A_304 = arith.addi %parallel_loop3A_173, %parallel_loop3A_224 : vector<16xi32>
        %parallel_loop3A_305 = tpu.memref_slice %arg11[%parallel_loop3A_136] : memref<8192xf32, #tpu.memory_space<vmem>> -> memref<128xf32, #tpu.memory_space<vmem>>
        %parallel_loop3A_306 = tpu.vector_load_idx %parallel_loop3A_305[%parallel_loop3A_304] : memref<128xf32, #tpu.memory_space<vmem>>[vector<16xi32>], vector<16xf32>,
        %parallel_loop3A_307 = tpu.memref_slice %arg12[%parallel_loop3A_136] : memref<8192xf32, #tpu.memory_space<vmem>> -> memref<128xf32, #tpu.memory_space<vmem>>
        %parallel_loop3A_308 = tpu.vector_load_idx %parallel_loop3A_307[%parallel_loop3A_304] : memref<128xf32, #tpu.memory_space<vmem>>[vector<16xi32>], vector<16xf32>,
        %parallel_loop3A_309 = arith.constant 6.450000e+01 : f32
        %parallel_loop3A_310 = vector.broadcast %parallel_loop3A_309 : f32 to vector<16xf32>
        %parallel_loop3A_311 = arith.addf %parallel_loop3A_132, %parallel_loop3A_310 : vector<16xf32>
        %parallel_loop3A_312 = arith.constant 7.812500e-03 : f32
        %parallel_loop3A_313 = vector.broadcast %parallel_loop3A_312 : f32 to vector<16xf32>
        %parallel_loop3A_314 = arith.mulf %parallel_loop3A_311, %parallel_loop3A_313 : vector<16xf32>
        %parallel_loop3A_315 = arith.mulf %parallel_loop3A_314, %parallel_loop3A_306 : vector<16xf32>
        %parallel_loop3A_316 = arith.addf %parallel_loop3A_308, %parallel_loop3A_315 : vector<16xf32>
        %parallel_loop3A_317 = arith.constant 128 : i32
        %parallel_loop3A_318 = arith.muli %parallel_loop3A_130, %parallel_loop3A_317 : i32
        %parallel_loop3A_319 = arith.constant 64 : i32
        %parallel_loop3A_320 = arith.addi %parallel_loop3A_318, %parallel_loop3A_319 : i32
        %parallel_loop3A_321 = arith.index_cast %parallel_loop3A_320 : i32 to index
        %parallel_loop3A_322 = tpu.vector_load %arg10[%parallel_loop3A_321] {strides = array<i32>} : memref<8192xf32, #tpu.memory_space<vmem>>, vector<16xf32>,
        tpu.vector_store %arg10[%parallel_loop3A_321], %parallel_loop3A_316 {strides = array<i32>} : memref<8192xf32, #tpu.memory_space<vmem>>, vector<16xf32>,
        %parallel_loop3A_323 = arith.addi %parallel_loop3A_180, %parallel_loop3A_225 : vector<16xi32>
        %parallel_loop3A_324 = tpu.memref_slice %arg11[%parallel_loop3A_136] : memref<8192xf32, #tpu.memory_space<vmem>> -> memref<128xf32, #tpu.memory_space<vmem>>
        %parallel_loop3A_325 = tpu.vector_load_idx %parallel_loop3A_324[%parallel_loop3A_323] : memref<128xf32, #tpu.memory_space<vmem>>[vector<16xi32>], vector<16xf32>,
        %parallel_loop3A_326 = tpu.memref_slice %arg12[%parallel_loop3A_136] : memref<8192xf32, #tpu.memory_space<vmem>> -> memref<128xf32, #tpu.memory_space<vmem>>
        %parallel_loop3A_327 = tpu.vector_load_idx %parallel_loop3A_326[%parallel_loop3A_323] : memref<128xf32, #tpu.memory_space<vmem>>[vector<16xi32>], vector<16xf32>,
        %parallel_loop3A_328 = arith.constant 8.050000e+01 : f32
        %parallel_loop3A_329 = vector.broadcast %parallel_loop3A_328 : f32 to vector<16xf32>
        %parallel_loop3A_330 = arith.addf %parallel_loop3A_132, %parallel_loop3A_329 : vector<16xf32>
        %parallel_loop3A_331 = arith.constant 7.812500e-03 : f32
        %parallel_loop3A_332 = vector.broadcast %parallel_loop3A_331 : f32 to vector<16xf32>
        %parallel_loop3A_333 = arith.mulf %parallel_loop3A_330, %parallel_loop3A_332 : vector<16xf32>
        %parallel_loop3A_334 = arith.mulf %parallel_loop3A_333, %parallel_loop3A_325 : vector<16xf32>
        %parallel_loop3A_335 = arith.addf %parallel_loop3A_327, %parallel_loop3A_334 : vector<16xf32>
        %parallel_loop3A_336 = arith.constant 128 : i32
        %parallel_loop3A_337 = arith.muli %parallel_loop3A_130, %parallel_loop3A_336 : i32
        %parallel_loop3A_338 = arith.constant 80 : i32
        %parallel_loop3A_339 = arith.addi %parallel_loop3A_337, %parallel_loop3A_338 : i32
        %parallel_loop3A_340 = arith.index_cast %parallel_loop3A_339 : i32 to index
        %parallel_loop3A_341 = tpu.vector_load %arg10[%parallel_loop3A_340] {strides = array<i32>} : memref<8192xf32, #tpu.memory_space<vmem>>, vector<16xf32>,
        tpu.vector_store %arg10[%parallel_loop3A_340], %parallel_loop3A_335 {strides = array<i32>} : memref<8192xf32, #tpu.memory_space<vmem>>, vector<16xf32>,
        %parallel_loop3A_342 = arith.addi %parallel_loop3A_187, %parallel_loop3A_226 : vector<16xi32>
        %parallel_loop3A_343 = tpu.memref_slice %arg11[%parallel_loop3A_136] : memref<8192xf32, #tpu.memory_space<vmem>> -> memref<128xf32, #tpu.memory_space<vmem>>
        %parallel_loop3A_344 = tpu.vector_load_idx %parallel_loop3A_343[%parallel_loop3A_342] : memref<128xf32, #tpu.memory_space<vmem>>[vector<16xi32>], vector<16xf32>,
        %parallel_loop3A_345 = tpu.memref_slice %arg12[%parallel_loop3A_136] : memref<8192xf32, #tpu.memory_space<vmem>> -> memref<128xf32, #tpu.memory_space<vmem>>
        %parallel_loop3A_346 = tpu.vector_load_idx %parallel_loop3A_345[%parallel_loop3A_342] : memref<128xf32, #tpu.memory_space<vmem>>[vector<16xi32>], vector<16xf32>,
        %parallel_loop3A_347 = arith.constant 9.650000e+01 : f32
        %parallel_loop3A_348 = vector.broadcast %parallel_loop3A_347 : f32 to vector<16xf32>
        %parallel_loop3A_349 = arith.addf %parallel_loop3A_132, %parallel_loop3A_348 : vector<16xf32>
        %parallel_loop3A_350 = arith.constant 7.812500e-03 : f32
        %parallel_loop3A_351 = vector.broadcast %parallel_loop3A_350 : f32 to vector<16xf32>
        %parallel_loop3A_352 = arith.mulf %parallel_loop3A_349, %parallel_loop3A_351 : vector<16xf32>
        %parallel_loop3A_353 = arith.mulf %parallel_loop3A_352, %parallel_loop3A_344 : vector<16xf32>
        %parallel_loop3A_354 = arith.addf %parallel_loop3A_346, %parallel_loop3A_353 : vector<16xf32>
        %parallel_loop3A_355 = arith.constant 128 : i32
        %parallel_loop3A_356 = arith.muli %parallel_loop3A_130, %parallel_loop3A_355 : i32
        %parallel_loop3A_357 = arith.constant 96 : i32
        %parallel_loop3A_358 = arith.addi %parallel_loop3A_356, %parallel_loop3A_357 : i32
        %parallel_loop3A_359 = arith.index_cast %parallel_loop3A_358 : i32 to index
        %parallel_loop3A_360 = tpu.vector_load %arg10[%parallel_loop3A_359] {strides = array<i32>} : memref<8192xf32, #tpu.memory_space<vmem>>, vector<16xf32>,
        tpu.vector_store %arg10[%parallel_loop3A_359], %parallel_loop3A_354 {strides = array<i32>} : memref<8192xf32, #tpu.memory_space<vmem>>, vector<16xf32>,
        %parallel_loop3A_361 = arith.addi %parallel_loop3A_194, %parallel_loop3A_227 : vector<16xi32>
        %parallel_loop3A_362 = tpu.memref_slice %arg11[%parallel_loop3A_136] : memref<8192xf32, #tpu.memory_space<vmem>> -> memref<128xf32, #tpu.memory_space<vmem>>
        %parallel_loop3A_363 = tpu.vector_load_idx %parallel_loop3A_362[%parallel_loop3A_361] : memref<128xf32, #tpu.memory_space<vmem>>[vector<16xi32>], vector<16xf32>,
        %parallel_loop3A_364 = tpu.memref_slice %arg12[%parallel_loop3A_136] : memref<8192xf32, #tpu.memory_space<vmem>> -> memref<128xf32, #tpu.memory_space<vmem>>
        %parallel_loop3A_365 = tpu.vector_load_idx %parallel_loop3A_364[%parallel_loop3A_361] : memref<128xf32, #tpu.memory_space<vmem>>[vector<16xi32>], vector<16xf32>,
        %parallel_loop3A_366 = arith.constant 1.125000e+02 : f32
        %parallel_loop3A_367 = vector.broadcast %parallel_loop3A_366 : f32 to vector<16xf32>
        %parallel_loop3A_368 = arith.addf %parallel_loop3A_132, %parallel_loop3A_367 : vector<16xf32>
        %parallel_loop3A_369 = arith.constant 7.812500e-03 : f32
        %parallel_loop3A_370 = vector.broadcast %parallel_loop3A_369 : f32 to vector<16xf32>
        %parallel_loop3A_371 = arith.mulf %parallel_loop3A_368, %parallel_loop3A_370 : vector<16xf32>
        %parallel_loop3A_372 = arith.mulf %parallel_loop3A_371, %parallel_loop3A_363 : vector<16xf32>
        %parallel_loop3A_373 = arith.addf %parallel_loop3A_365, %parallel_loop3A_372 : vector<16xf32>
        %parallel_loop3A_374 = arith.constant 128 : i32
        %parallel_loop3A_375 = arith.muli %parallel_loop3A_130, %parallel_loop3A_374 : i32
        %parallel_loop3A_376 = arith.constant 112 : i32
        %parallel_loop3A_377 = arith.addi %parallel_loop3A_375, %parallel_loop3A_376 : i32
        %parallel_loop3A_378 = arith.index_cast %parallel_loop3A_377 : i32 to index
        %parallel_loop3A_379 = tpu.vector_load %arg10[%parallel_loop3A_378] {strides = array<i32>} : memref<8192xf32, #tpu.memory_space<vmem>>, vector<16xf32>,
        tpu.vector_store %arg10[%parallel_loop3A_378], %parallel_loop3A_373 {strides = array<i32>} : memref<8192xf32, #tpu.memory_space<vmem>>, vector<16xf32>,
      } {sc.loop_unroll_factor = 8 : i64, sc.parallel_access}
      %mul3A_116 = arith.constant 64 : i32
      %mul3A_117 = arith.muli %add3A_89, %mul3A_116 : i32
      %add3A_118 = arith.addi %mul3A_2, %mul3A_117 : i32
      %mul3A_119 = arith.constant 128 : i32
      %mul3A_120 = arith.muli %add3A_118, %mul3A_119 : i32
      %dma_start3A_121 = tpu.memref_slice %arg4[%mul3A_120] : memref<16777216xf32, #tpu.memory_space<hbm>> -> memref<8192xf32, #tpu.memory_space<hbm>>
      %dma_start3A_122 = tpu.memref_slice %arg4[%mul3A_120] : memref<16777216xf32, #tpu.memory_space<hbm>> -> memref<8192xf32, #tpu.memory_space<hbm>>
      tpu.enqueue_dma source(%arg10 : memref<8192xf32, #tpu.memory_space<vmem>>) target(%dma_start3A_122 : memref<8192xf32, #tpu.memory_space<hbm>>) target_semaphore(%arg17 : memref<!tpu.dma_semaphore, #tpu.memory_space<semaphore_mem>>)
      %add3A_123 = arith.constant 2 : i32
      %add3A_124 = arith.addi %add3A_89, %add3A_123 : i32
      %lt3A_125 = arith.constant 64 : i32
      %lt3A_126 = arith.cmpi slt, %add3A_124, %lt3A_125 : i32
      %convert_element_type3A_127 = arith.extui %lt3A_126 : i1 to i32
      %cond3A_128 = arith.constant 0 : i32
      %cond3A_129 = arith.cmpi ne, %convert_element_type3A_127, %cond3A_128 : i32
      scf.if %cond3A_129 {
        %add3A_130 = arith.constant 2 : i32
        %add3A_131 = arith.addi %add3A_89, %add3A_130 : i32
        %mul3A_132 = arith.constant 64 : i32
        %mul3A_133 = arith.muli %add3A_131, %mul3A_132 : i32
        %add3A_134 = arith.addi %mul3A_2, %mul3A_133 : i32
        %mul3A_135 = arith.constant 127 : i32
        %mul3A_136 = arith.muli %add3A_134, %mul3A_135 : i32
        %mul3A_137 = arith.constant 128 : i32
        %mul3A_138 = arith.muli %add3A_134, %mul3A_137 : i32
        %dma_start3A_139 = arith.constant 0 : i32
        %dma_start3A_140 = tpu.memref_slice %arg6[%dma_start3A_139] : memref<8144xf32, #tpu.memory_space<vmem>> -> memref<8128xf32, #tpu.memory_space<vmem>>
        %dma_start3A_141 = tpu.memref_slice %arg3[%mul3A_136] : memref<16646144xf32, #tpu.memory_space<hbm>> -> memref<8128xf32, #tpu.memory_space<hbm>>
        %dma_start3A_142 = arith.constant 0 : i32
        %dma_start3A_143 = tpu.memref_slice %arg6[%dma_start3A_142] : memref<8144xf32, #tpu.memory_space<vmem>> -> memref<8128xf32, #tpu.memory_space<vmem>>
        %dma_start3A_144 = tpu.memref_slice %arg3[%mul3A_136] : memref<16646144xf32, #tpu.memory_space<hbm>> -> memref<8128xf32, #tpu.memory_space<hbm>>
        tpu.enqueue_dma source(%dma_start3A_144 : memref<8128xf32, #tpu.memory_space<hbm>>) target(%dma_start3A_143 : memref<8128xf32, #tpu.memory_space<vmem>>) target_semaphore(%arg15 : memref<!tpu.dma_semaphore, #tpu.memory_space<semaphore_mem>>)
        %dma_start3A_145 = tpu.memref_slice %arg2[%mul3A_138] : memref<16777216xf32, #tpu.memory_space<hbm>> -> memref<8192xf32, #tpu.memory_space<hbm>>
        %dma_start3A_146 = tpu.memref_slice %arg2[%mul3A_138] : memref<16777216xf32, #tpu.memory_space<hbm>> -> memref<8192xf32, #tpu.memory_space<hbm>>
        tpu.enqueue_dma source(%dma_start3A_146 : memref<8192xf32, #tpu.memory_space<hbm>>) target(%arg8 : memref<8192xf32, #tpu.memory_space<vmem>>) target_semaphore(%arg15 : memref<!tpu.dma_semaphore, #tpu.memory_space<semaphore_mem>>)
      } else {
      }
    }
    %scan3A_34 = arith.constant 32 : i32
    %add3A_35 = arith.constant 3968 : i32
    %add3A_36 = arith.addi %mul3A_2, %add3A_35 : i32
    %mul3A_37 = arith.constant 128 : i32
    %mul3A_38 = arith.muli %add3A_36, %mul3A_37 : i32
    %dma_wait3A = tpu.memref_slice %arg4[%mul3A_38] : memref<16777216xf32, #tpu.memory_space<hbm>> -> memref<8192xf32, #tpu.memory_space<hbm>>
    %dma_wait3A_39 = tpu.memref_slice %arg4[%mul3A_38] : memref<16777216xf32, #tpu.memory_space<hbm>> -> memref<8192xf32, #tpu.memory_space<hbm>>
    tpu.wait_dma2 semaphore(%arg16 : memref<!tpu.dma_semaphore, #tpu.memory_space<semaphore_mem>>) src(%arg9 : memref<8192xf32, #tpu.memory_space<vmem>>) dst(%dma_wait3A_39 : memref<8192xf32, #tpu.memory_space<hbm>>)
    %add3A_40 = arith.constant 4032 : i32
    %add3A_41 = arith.addi %mul3A_2, %add3A_40 : i32
    %mul3A_42 = arith.constant 128 : i32
    %mul3A_43 = arith.muli %add3A_41, %mul3A_42 : i32
    %dma_wait3A_44 = tpu.memref_slice %arg4[%mul3A_43] : memref<16777216xf32, #tpu.memory_space<hbm>> -> memref<8192xf32, #tpu.memory_space<hbm>>
    %dma_wait3A_45 = tpu.memref_slice %arg4[%mul3A_43] : memref<16777216xf32, #tpu.memory_space<hbm>> -> memref<8192xf32, #tpu.memory_space<hbm>>
    tpu.wait_dma2 semaphore(%arg17 : memref<!tpu.dma_semaphore, #tpu.memory_space<semaphore_mem>>) src(%arg10 : memref<8192xf32, #tpu.memory_space<vmem>>) dst(%dma_wait3A_45 : memref<8192xf32, #tpu.memory_space<hbm>>)
    return
  }
}

</mosaic_0001>

<sc_bundles>
// kernel: kernel.3.cloned.1.call-start
scs
__scs_entry_jumppad:
0x0: {  	(pc) =	sbr.rel $0x88, $3  }
0x1: {  	(tag) =	ssettag $0x0;
	lr =	simm.s32 $0x1  }
0x2: {  	[smem:$0x3F9F] =	sst lr;
	_ =	strace $0xD0000000  }
0x3: {  	_ = 	snop  }
0x4: {  	_ = 	snop  }
0x5: {  	_ = 	snop  }
0x6: {  	_ = 	snop  }
0x7: {  	_ = 	snop  }
__scs_overlays_trampoline_lowered:
0x8: {  	[smem:$0x3FAE] =	sst s0  }
0x9: {  	[smem:$0x3FAF] =	sst s1  }
0xa: {  	[smem:$0x3FB0] =	sst s2  }
0xb: {  	[smem:$0x3FB1] =	sst s3  }
0xc: {  	[smem:$0x3FB2] =	sst s4  }
0xd: {  	[smem:$0x3FB3] =	sst s5  }
0xe: {  	[smem:$0x3FB4] =	sst s6  }
0xf: {  	[smem:$0x3FB5] =	sst s7  }
0x10: {  	[smem:$0x3FB6] =	sst s8  }
0x11: {  	[smem:$0x3FB7] =	sst s9;
	s0 =	simm.s32 @!p0 $0x0  }
0x12: {  	s1 =	sld [smem:$0x3F9D];
	s0 =	simm.s32 @p0 $0x1  }
0x13: {  	[smem:$0x3FB8] =	sst s0;
	s0 =	simm.s32 @!p1 $0x0  }
0x14: {  	s2 =	sld [smem:$0x3F9C];
	s0 =	simm.s32 @p1 $0x1  }
0x15: {  	[smem:$0x3FB9] =	sst s0;
	s0 =	simm.s32 @!p2 $0x0  }
0x16: {  	s3 =	sld [smem:$0x3FDB];
	s0 =	simm.s32 @p2 $0x1  }
0x17: {  	s4 =	simm.s32 $0x1BF5;
	[smem:$0x3FBB] =	sst s0  }
0x18: {  	s0 =	sld [smem:$0x3F9E];
	_ =	swait.ge [sflag:s4], $0x0  }
0x19: {  	s7 =	sld [smem:$0x3F9F]  }
0x1a: {  	s8 =	sadd.s32 $0xFFFFE003, lr  }
0x1b: {  	s9 =	sadd.s32 $0xFFFFFEF7, lr;
	s5 =	simm.s32 $0xFFFFFFFF;
	p2 =	slt.u32 s8, $0xFFFFF086  }
0x1c: {  	p1 =	slt.u32 s9, $0xF7A;
	s5 =	simm.s32 @!p2 $0x0  }
0x1d: {  	s5 =	simm.s32 @p1 $0x1;
	p0 =	seq.s32 s7, s2  }
0x1e: {  	s7 =	smul.u32 @!p0 $0xF7A, s2;
	p2 =	seq.s32 @!p0 s5, $0x0  }
0x1f: {  	s9 =	smul.u32 $0xF7A, s1;
	s8 =	simm.s32 @!p0 $0x1BF5;
	p2 =	por !p2, p0  }
0x20: {  	[sflag:s8] =	ssyncset.s32 @!p0 $0xFFFFF086;
	s6 =	sadd.s32 @!p0 s3, s7;
	s7 =	simm.s32 @!p0 $0x108  }
0x21: {  	s3 =	sadd.s32 s3, s9;
	s6 =	sadd.s32 @!p0 $0x88, s6;
	s7 =	simm.s32 @p2 $0x1082  }
0x22: {  	[simem:s7], [sflag:s8] =	dma.local @!p0 [hbm:s6], $0xF7A  }
0x23: {  	s9 =	sor.u32 $0xD0000000, s2;
	s6 =	simm.s32 $0x108;
	_ =	swait.ge @!p0 [sflag:s8], $0x0  }
0x24: {  	s3 =	sadd.s32 $0x88, s3;
	s6 =	simm.s32 @!p1 $0x1082;
	[sflag:s4] =	ssyncset.s32 $0xFFFFF086  }
0x25: {  	[simem:s6], [sflag:s4] =	dma.local [hbm:s3], $0xF7A  }
0x26: {  	[smem:$0x3F9F] =	sst s1;
	(tag) =	ssettag s2;
	_ =	strace s9  }
0x27: {  	s1 =	sld [smem:$0x3FAF]  }
0x28: {  	s2 =	sld [smem:$0x3FB0]  }
0x29: {  	s4 =	sld [smem:$0x3FB2]  }
0x2a: {  	p0 =	seq.s32 s5, $0x0;
	s5 =	sld [smem:$0x3FB3]  }
0x2b: {  	s6 =	sld [smem:$0x3FB4]  }
0x2c: {  	s7 =	sld [smem:$0x3FB5]  }
0x2d: {  	s3 =	simm.s32 $0x108;
	s8 =	sld [smem:$0x3FB6]  }
0x2e: {  	s3 =	simm.s32 @!p0 $0x1082;
	s9 =	sld [smem:$0x3FB7]  }
0x2f: {  	lr =	sadd.s32 s0, s3;
	s0 =	sld [smem:$0x3FAE]  }
0x30: {  	s3 =	sld [smem:$0x3FB1]  }
0x31: {  	[smem:$0x3FBA] =	sst s10  }
0x32: {  	s10 =	sld [smem:$0x3FB8];
	_ =	sdelay $0x3  }
0x33: {  	p0 =	seq.s32 s10, $0x1;
	s10 =	sld [smem:$0x3FBA];
	_ =	sdelay $0x3  }
0x34: {  	[smem:$0x3FBA] =	sst s10  }
0x35: {  	s10 =	sld [smem:$0x3FB9];
	_ =	sdelay $0x3  }
0x36: {  	p1 =	seq.s32 s10, $0x1;
	s10 =	sld [smem:$0x3FBA];
	_ =	sdelay $0x3  }
0x37: {  	[smem:$0x3FBA] =	sst s10  }
0x38: {  	s10 =	sld [smem:$0x3FBB]  }
0x39: {  	_ = 	snop;
	(pc) =	sbr.ind lr, $3  }
0x3a: {  	_ = 	snop  }
0x3b: {  	_ = 	snop  }
0x3c: {  	p2 =	seq.s32 s10, $0x1;
	s10 =	sld [smem:$0x3FBA]  }
0x3d: {  	_ =	shalt  }
0x3e: {  	_ =	shalt  }
0x3f: {  	_ =	shalt  }
0x40: {  	_ =	shalt  }
0x41: {  	_ =	shalt  }
0x42: {  	_ =	shalt  }
0x43: {  	_ =	shalt  }
0x44: {  	_ =	shalt  }
0x45: {  	_ =	shalt  }
0x46: {  	_ =	shalt  }
0x47: {  	_ =	shalt  }
0x48: {  	_ =	shalt  }
0x49: {  	_ =	shalt  }
0x4a: {  	_ =	shalt  }
0x4b: {  	_ =	shalt  }
0x4c: {  	_ =	shalt  }
0x4d: {  	_ =	shalt  }
0x4e: {  	_ =	shalt  }
0x4f: {  	_ =	shalt  }
0x50: {  	_ =	shalt  }
0x51: {  	_ =	shalt  }
0x52: {  	_ =	shalt  }
0x53: {  	_ =	shalt  }
0x54: {  	_ =	shalt  }
0x55: {  	_ =	shalt  }
0x56: {  	_ =	shalt  }
0x57: {  	_ =	shalt  }
0x58: {  	_ =	shalt  }
0x59: {  	_ =	shalt  }
0x5a: {  	_ =	shalt  }
0x5b: {  	_ =	shalt  }
0x5c: {  	_ =	shalt  }
0x5d: {  	_ =	shalt  }
0x5e: {  	_ =	shalt  }
0x5f: {  	_ =	shalt  }
0x60: {  	_ =	shalt  }
0x61: {  	_ =	shalt  }
0x62: {  	_ =	shalt  }
0x63: {  	_ =	shalt  }
0x64: {  	_ =	shalt  }
0x65: {  	_ =	shalt  }
0x66: {  	_ =	shalt  }
0x67: {  	_ =	shalt  }
0x68: {  	_ =	shalt  }
0x69: {  	_ =	shalt  }
0x6a: {  	_ =	shalt  }
0x6b: {  	_ =	shalt  }
0x6c: {  	_ =	shalt  }
0x6d: {  	_ =	shalt  }
0x6e: {  	_ =	shalt  }
0x6f: {  	_ =	shalt  }
0x70: {  	_ =	shalt  }
0x71: {  	_ =	shalt  }
0x72: {  	_ =	shalt  }
0x73: {  	_ =	shalt  }
0x74: {  	_ =	shalt  }
0x75: {  	_ =	shalt  }
0x76: {  	_ =	shalt  }
0x77: {  	_ =	shalt  }
0x78: {  	_ =	shalt  }
0x79: {  	_ =	shalt  }
0x7a: {  	_ =	shalt  }
0x7b: {  	_ =	shalt  }
0x7c: {  	_ =	shalt  }
0x7d: {  	_ =	shalt  }
0x7e: {  	_ =	shalt  }
0x7f: {  	_ =	shalt  }
0x80: {  	_ =	shalt  }
0x81: {  	_ =	shalt  }
0x82: {  	_ =	shalt  }
0x83: {  	_ =	shalt  }
0x84: {  	_ =	shalt  }
0x85: {  	_ =	shalt  }
0x86: {  	_ =	shalt  }
0x87: {  	_ =	shalt  }
.Lfunc_end0:
.L_simem_size_0:
called_computation_lowered:
.L_overlay_start_0:
0x88: {  	s2 =	sld [smem:$0x3FD9]  }
0x89: {  	s3 =	sld [smem:$0x3FFE];
	_ =	sdelay $0x1  }
0x8a: {  	s1 =	srdreg.scid  }
0x8b: {  	s0 =	sand.u32 $0x1, s1  }
0x8c: {  	s17 =	sshll.u32 s0, $0xA;
	s2 =	sadd.s32 s3, s2  }
0x8d: {  	s2 =	sadd.s32 s2, s17  }
0x8e: {  	[smem:$0x3FC6] =	sst s2  }
0x8f: {  	_ = 	snop  }
0x90: {  	s2 =	sld [smem:$0x3FC9]  }
0x91: {  	s18 =	sld [smem:$0x3FD0];
	(tm) =	ssettm $0x1  }
0x92: {  	s4 =	sld [smem:$0x3FFB];
	_ =	sdelay $0x3  }
0x93: {  	_ =	strace s4  }
0x94: {  	s4 =	sld [smem:$0x3FFC];
	_ =	sdelay $0x3  }
0x95: {  	_ =	strace s4  }
0x96: {  	s4 =	sld [smem:$0x3FFD];
	_ =	sdelay $0x3  }
0x97: {  	_ =	strace s4  }
0x98: {  	_ =	strace $0x8FFFFFFF  }
0x99: {  	s19 =	sld [smem:$0x3FDB];
	_ =	sdelay $0x1  }
0x9a: {  	s5 =	simm.s32 $_scs_section_size  }
0x9b: {  	s6 =	simm.s32 $_size__tile_overlayer_lowered;
	s7 =	simm.s32 $_tile_overlayer_lowered  }
0x9c: {  	s22 =	simm.s32 $0x1BFF;
	s21 =	sshll.u32 s7, $0x1;
	s4 =	sadd.s32 s5, s19  }
0x9d: {  	s8 =	simm.s32 $0x0;
	s20 =	sshll.u32 s6, $0x1;
	s6 =	sadd.s32 s21, s4  }
0x9e: {  	[timem:s8], [sflag:s22] =	dma.local [hbm:s6], s20  }
0x9f: {  	_ =	swait.ge [sflag:s22], s20  }
0xa0: {  	s5 =	ssub.s32 $0x0, s20;
	[sflag:s22] =	ssyncset.done $0x0  }
0xa1: {  	[sflag:s22] =	ssyncadd.s32 s5;
	_ =	sdelay $0x1  }
0xa2: {  	s23 =	simm.s32 $0x1B8B  }
0xa3: {  	_ =	swait.ge [sflag:s23], $0x1  }
0xa4: {  	[sflag:s23] =	ssyncset.done $0x0  }
0xa5: {  	s25 =	simm.s32 $0x1B8E;
	s24 =	sld [smem:$0x3FFE];
	[sflag:s23] =	ssyncadd.s32 $0xFFFFFFFF  }
0xa6: {  	s26 =	simm.s32 $execute0_lowered;
	[smem:$0x3FD2] =	sst s25  }
0xa7: {  	s6 =	sshll.u32 s26, $0x1;
	_ =	strace $0x80000046;
	[dreg:$0x1] =	wrdreg $0xFFFFFFFF  }
0xa8: {  	s28 =	simm.s32 $_size_execute0_lowered;
	s4 =	sadd.s32 s4, s6;
	[dreg:$0x0] =	wrdreg $0x0  }
0xa9: {  	s6 =	sshll.u32 s28, $0x1;
	[dreg:$0x2] =	wrdreg s4  }
0xaa: {  	[dreg:$0x3] =	wrdreg s6  }
0xab: {  	[dreg:$0x4] =	wrdreg $0xC0  }
0xac: {  	_ =	task [dreg:s8], $0x5FFFF  }
0xad: {  	[dreg:$0x1] =	wrdreg $0xFFFFFFFF  }
0xae: {  	[dreg:$0x0] =	wrdreg $0x60  }
0xaf: {  	[dreg:$0x2] =	wrdreg s2  }
0xb0: {  	[dreg:$0x3] =	wrdreg s24  }
0xb1: {  	[dreg:$0x4] =	wrdreg s18  }
0xb2: {  	[dreg:$0x5] =	wrdreg $0x9  }
0xb3: {  	_ =	task.clear_ibuf [dreg:s8], $0x6FFFF;
	_ =	strace $0x90000046  }
0xb4: {  	s29 =	simm.s32 $0x9;
	_ =	strace $0x80000048  }
0xb5: {  	_ =	swait.ge [sflag:s29], $0x1  }
0xb6: {  	[sflag:s29] =	ssyncadd.s32 $0xFFFFFFFF  }
0xb7: {  	_ =	strace $0x90000048  }
0xb8: {  	_ =	sfence  }
0xb9: {  	s30 =	sld [smem:$0x0];
	_ =	sdelay $0x2  }
0xba: {  	s31 =	sshll.u32 s1, $0xD;
	s1 =	sshrl.u32 s1, $0x2  }
0xbb: {  	s3 =	sand.u32 $0x4000, s31;
	s1 =	sadd.s32 s1, s30  }
0xbc: {  	s0 =	sor.u32 s3, s0;
	s1 =	sshll.u32 s1, $0x11  }
0xbd: {  	s0 =	sor.u32 s1, s0  }
0xbe: {  	s0 =	sadd.s32 $0x8F2B, s0  }
0xbf: {  	[sflag:s0] =	ssyncadd.remote.s32 $0x1  }
0xc0: {  	_ =	sfence.sel $0xFFFF  }
0xc1: {  	[dreg:$0x0] =	wrdreg $0xFFFFFFFF;
	(pc) =	sbr.abs _section_cstart, $3  }
0xc2: {  	[dreg:$0x1] =	wrdreg $0xFFFFFFFF  }
0xc3: {  	_ =	task.clear_ibuf [dreg:s8], $0x2FFFF;
	_ =	strace $0x9FFFFFFF  }
0xc4: {  	(tm) =	ssettm $0x7FFFFFFF  }
0xc5: {  	_ =	shalt  }
tec
execute0_lowered:
.L_overlay_start_1:
0x0: {  	(tag) =	ssettag $0x1  }
0x1: {  	v0 =	vimm.s32 $0xEDCBA987;
	v1 =	vimm.s32 $0x65432100  }
0x2: {  	vm0 =	vcmask $0x300;
	vm1 =	vcmask $0x704;
	v6 =	vimm.f32 $2.460937500e-01  }
0x3: {  	v7 =	vimm.f32 $3.710937500e-01;
	v8 =	vimm.f32 $4.960937500e-01;
	v9 =	vimm.f32 $6.210937500e-01  }
0x4: {  	v10 =	vimm.f32 $7.460937500e-01;
	v11 =	vimm.f32 $8.710937500e-01;
	v12 =	vimm.f32 $9.960937500e-01  }
0x5: {  	vm2 =	vcmask $0x3B38;
	v0 =	vunpack.c.l.s4.s8 v0;
	v1 =	vunpack.c.l.s4.s8 v1  }
0x6: {  	v6 =	vsel vm0, $0x3E040000, v6;
	v7 =	vsel vm0, $0x3E820000, v7;
	v8 =	vsel vm0, $0x3EC20000, v8  }
0x7: {  	v9 =	vsel vm0, $0x3F010000, v9;
	v10 =	vsel vm0, $0x3F210000, v10;
	v11 =	vsel vm0, $0x3F410000, v11  }
0x8: {  	v12 =	vsel vm0, $0x3F610000, v12;
	v6 =	vsel vm1, $0x3E0C0000, v6;
	v7 =	vsel vm1, $0x3E860000, v7  }
0x9: {  	v8 =	vsel vm1, $0x3EC60000, v8;
	v9 =	vsel vm1, $0x3F030000, v9;
	v10 =	vsel vm1, $0x3F230000, v10  }
0xa: {  	v11 =	vsel vm1, $0x3F430000, v11;
	v2 =	vunpack.c.0.s8.s32 v0;
	v0 =	vimm.s32 $0xFFEDCBA9  }
0xb: {  	v3 =	vunpack.c.0.s8.s32 v1;
	v1 =	vimm.s32 $0x87654321;
	v4 =	vunpack.c.l.s4.s8 v0  }
0xc: {  	v12 =	vsel vm1, $0x3F630000, v12;
	v5 =	vunpack.c.l.s4.s8 v1;
	v2 =	vand.u32 $0xF, v2  }
0xd: {  	v57 =	vcombine.low v3, v2;
	v4 =	vunpack.c.0.s8.s32 v4;
	v3 =	vimm.f32 $1.210937500e-01  }
0xe: {  	v5 =	vunpack.c.0.s8.s32 v5;
	v3 =	vsel vm0, $0x3B800000, v3;
	vm0 =	vcmask $0xB08  }
0xf: {  	v3 =	vsel vm1, $0x3C400000, v3;
	vm1 =	vcmask $0xF0C;
	v6 =	vsel vm0, $0x3E140000, v6  }
0x10: {  	v7 =	vsel vm0, $0x3E8A0000, v7;
	v8 =	vsel vm0, $0x3ECA0000, v8;
	v9 =	vsel vm0, $0x3F050000, v9  }
0x11: {  	v10 =	vsel vm0, $0x3F250000, v10;
	v11 =	vsel vm0, $0x3F450000, v11;
	v12 =	vsel vm0, $0x3F650000, v12  }
0x12: {  	v3 =	vsel vm0, $0x3CA00000, v3;
	vm0 =	vcmask $0x1310;
	v6 =	vsel vm1, $0x3E1C0000, v6  }
0x13: {  	v7 =	vsel vm1, $0x3E8E0000, v7;
	v8 =	vsel vm1, $0x3ECE0000, v8;
	v9 =	vsel vm1, $0x3F070000, v9  }
0x14: {  	v10 =	vsel vm1, $0x3F270000, v10;
	v11 =	vsel vm1, $0x3F470000, v11;
	v12 =	vsel vm1, $0x3F670000, v12  }
0x15: {  	v3 =	vsel vm1, $0x3CE00000, v3;
	vm1 =	vcmask $0x1714;
	v6 =	vsel vm0, $0x3E240000, v6  }
0x16: {  	v7 =	vsel vm0, $0x3E920000, v7;
	v8 =	vsel vm0, $0x3ED20000, v8;
	v9 =	vsel vm0, $0x3F090000, v9  }
0x17: {  	v10 =	vsel vm0, $0x3F290000, v10;
	v11 =	vsel vm0, $0x3F490000, v11;
	v12 =	vsel vm0, $0x3F690000, v12  }
0x18: {  	v3 =	vsel vm0, $0x3D100000, v3;
	vm0 =	vcmask $0x1B18;
	v6 =	vsel vm1, $0x3E2C0000, v6  }
0x19: {  	v7 =	vsel vm1, $0x3E960000, v7;
	v8 =	vsel vm1, $0x3ED60000, v8;
	v9 =	vsel vm1, $0x3F0B0000, v9  }
0x1a: {  	v10 =	vsel vm1, $0x3F2B0000, v10;
	v11 =	vsel vm1, $0x3F4B0000, v11;
	v12 =	vsel vm1, $0x3F6B0000, v12  }
0x1b: {  	v3 =	vsel vm1, $0x3D300000, v3;
	vm1 =	vcmask $0x1F1C;
	v6 =	vsel vm0, $0x3E340000, v6  }
0x1c: {  	v7 =	vsel vm0, $0x3E9A0000, v7;
	v8 =	vsel vm0, $0x3EDA0000, v8;
	v9 =	vsel vm0, $0x3F0D0000, v9  }
0x1d: {  	v10 =	vsel vm0, $0x3F2D0000, v10;
	v11 =	vsel vm0, $0x3F4D0000, v11;
	v12 =	vsel vm0, $0x3F6D0000, v12  }
0x1e: {  	v3 =	vsel vm0, $0x3D500000, v3;
	vm0 =	vcmask $0x2320;
	v6 =	vsel vm1, $0x3E3C0000, v6  }
0x1f: {  	v7 =	vsel vm1, $0x3E9E0000, v7;
	v8 =	vsel vm1, $0x3EDE0000, v8;
	v9 =	vsel vm1, $0x3F0F0000, v9  }
0x20: {  	v10 =	vsel vm1, $0x3F2F0000, v10;
	v11 =	vsel vm1, $0x3F4F0000, v11;
	v12 =	vsel vm1, $0x3F6F0000, v12  }
0x21: {  	v3 =	vsel vm1, $0x3D700000, v3;
	vm1 =	vcmask $0x2724;
	v6 =	vsel vm0, $0x3E440000, v6  }
0x22: {  	v7 =	vsel vm0, $0x3EA20000, v7;
	v8 =	vsel vm0, $0x3EE20000, v8;
	v9 =	vsel vm0, $0x3F110000, v9  }
0x23: {  	v10 =	vsel vm0, $0x3F310000, v10;
	v11 =	vsel vm0, $0x3F510000, v11;
	v12 =	vsel vm0, $0x3F710000, v12  }
0x24: {  	v3 =	vsel vm0, $0x3D880000, v3;
	vm0 =	vcmask $0x2B28;
	v6 =	vsel vm1, $0x3E4C0000, v6  }
0x25: {  	v7 =	vsel vm1, $0x3EA60000, v7;
	v8 =	vsel vm1, $0x3EE60000, v8;
	v9 =	vsel vm1, $0x3F130000, v9  }
0x26: {  	v10 =	vsel vm1, $0x3F330000, v10;
	v11 =	vsel vm1, $0x3F530000, v11;
	v12 =	vsel vm1, $0x3F730000, v12  }
0x27: {  	v3 =	vsel vm1, $0x3D980000, v3;
	vm1 =	vcmask $0x2F2C;
	v6 =	vsel vm0, $0x3E540000, v6  }
0x28: {  	v7 =	vsel vm0, $0x3EAA0000, v7;
	v8 =	vsel vm0, $0x3EEA0000, v8;
	v9 =	vsel vm0, $0x3F150000, v9  }
0x29: {  	s0 =	rddreg [dreg:$0x0];
	s1 =	srdreg.scid;
	v10 =	vsel vm0, $0x3F350000, v10;
	v11 =	vsel vm0, $0x3F550000, v11;
	v12 =	vsel vm0, $0x3F750000, v12  }
0x2a: {  	s3 =	stileid.u32;
	s2 =	rddreg [dreg:$0x1];
	v3 =	vsel vm0, $0x3DA80000, v3;
	vm0 =	vcmask $0x3330;
	v6 =	vsel vm1, $0x3E5C0000, v6  }
0x2b: {  	s16 =	simm.s32 $0x2000;
	s17 =	simm.s32 $0x6000;
	s18 =	simm.s32 $0x1;
	v7 =	vsel vm1, $0x3EAE0000, v7;
	v8 =	vsel vm1, $0x3EEE0000, v8;
	v9 =	vsel vm1, $0x3F170000, v9  }
0x2c: {  	s19 =	simm.s32 $0x8000;
	s1 =	sand.u32 $0x1, s1;
	s4 =	sshll.u32 s3, $0x1;
	v10 =	vsel vm1, $0x3F370000, v10;
	v11 =	vsel vm1, $0x3F570000, v11;
	v12 =	vsel vm1, $0x3F770000, v12  }
0x2d: {  	s20 =	simm.s32 $0x2;
	s6 =	sor.u32 s1, s4;
	s4 =	simm.s32 $0x0;
	v3 =	vsel vm1, $0x3DB80000, v3;
	vm1 =	vcmask $0x3734;
	v6 =	vsel vm0, $0x3E640000, v6  }
0x2e: {  	s21 =	simm.s32 $0xA000;
	s5 =	sadd.s32 $0x400, s2;
	[smem:$0x7FF] =	sst s4;
	v4 =	vcombine.low v5, v4;
	v7 =	vsel vm0, $0x3EB20000, v7;
	v6 =	vsel vm1, $0x3E6C0000, v6  }
0x2f: {  	s3 =	rddreg [dreg:$0x2];
	s1 =	ssub.s32 $0x2, s1;
	_ =	strace $0x80000047;
	[tilespmem:$0x1FF70] =	vst v57;
	v8 =	vsel vm0, $0x3EF20000, v8;
	v7 =	vsel vm1, $0x3EB60000, v7;
	v50 =	vsel vm2, $0x3E740000, v6  }
0x30: {  	s8 =	sshll.u32 s6, $0xC;
	s7 =	smul.u32 $0xFE00, s6;
	s10 =	sshrl.u32 s1, $0x1;
	v9 =	vsel vm0, $0x3F190000, v9;
	v8 =	vsel vm1, $0x3EF60000, v8;
	v60 =	vsel vm2, $0x3EBA0000, v7;
	[tilespmem:$0x1FF90] =	vst v50  }
0x31: {  	s12 =	sadd.s32 $0x400, s3;
	s9 =	sor.u32 $0x40, s8;
	s1 =	ssub.s32 s1, s10;
	v10 =	vsel vm0, $0x3F390000, v10;
	v9 =	vsel vm1, $0x3F1B0000, v9;
	v61 =	vsel vm2, $0x3EFA0000, v8;
	[tilespmem:$0x1FFA0] =	vst v60  }
0x32: {  	s11 =	smul.u32 $0x7F, s9;
	s2 =	sadd.s32 s5, s7;
	s7 =	sshll.u32 s6, $0x10;
	v11 =	vsel vm0, $0x3F590000, v11;
	v10 =	vsel vm1, $0x3F3B0000, v10;
	v62 =	vsel vm2, $0x3F1D0000, v9;
	[tilespmem:$0x1FFB0] =	vst v61  }
.Ltmp0:
0x33: {  	s1 =	smax.u32 s1, $0x1;
	[dreg:$0x4] =	wrdreg s2;
	v12 =	vsel vm0, $0x3F790000, v12;
	v11 =	vsel vm1, $0x3F5B0000, v11;
	v31 =	vsel vm2, $0x3F3D0000, v10;
	[tilespmem:$0x1FFC0] =	vst v62;
	(pc) =	sbr.rel .LBB2_1-.Ltmp0, $4  }
0x34: {  	s6 =	sadd.s32 s0, s7;
	[dreg:$0x8] =	wrdreg s1;
	s30 =	sshrl.u32 s11, $0x3;
	v13 =	vsel vm0, $0x3DC80000, v3;
	v12 =	vsel vm1, $0x3F7B0000, v12;
	v63 =	vsel vm2, $0x3F5D0000, v11;
	[tilespmem:$0x1FFD0] =	vst v31  }
0x35: {  	v1 =	vimm.s32 $0xF;
	s31 =	sshll.u32 s9, $0x4;
	[dreg:$0x5] =	wrdreg s6;
	s2 =	sadd.s32 s5, s30;
	v5 =	vsel vm1, $0x3DD80000, v13;
	v0 =	vsel vm2, $0x3F7D0000, v12;
	[tilespmem:$0x1FFE0] =	vst v63  }
0x36: {  	s13 =	sor.u32 $0xC0, s8;
	v2 =	vlaneseq.u32;
	[dreg:$0x6] =	wrdreg s2;
	s2 =	sadd.s32 s0, s31;
	v4 =	vand.u32 $0xF, v4;
	v58 =	vsel vm2, $0x3DE80000, v5;
	[tilespmem:$0x1FFF0] =	vst v0  }
0x37: {  	s11 =	sor.u32 $0x80, s8;
	s6 =	simm.s32 $0x0;
	[dreg:$0x7] =	wrdreg s2;
	v3 =	vimm.s32 $0x0;
	vm0 =	vmmov $0x1;
	vm1 =	vmmov $0x7fff;
	[tilespmem:$0x1FF80] =	vst v58  }
.LBB2_14:
0x38: {  	s1 =	simm.s32 $0x3  }
0x39: {  	_ =	swait.ge [sflag:s1], $0x2000  }
0x3a: {  	[sflag:s1] =	ssyncset.done $0x0  }
0x3b: {  	s2 =	simm.s32 $0x4;
	[sflag:s1] =	ssyncadd.s32 $0xFFFFE000  }
0x3c: {  	_ =	swait.ge [sflag:s2], $0x2000  }
0x3d: {  	s6 =	rddreg [dreg:$0x9]  }
0x3e: {  	s31 =	rddreg [dreg:$0x8];
	s6 =	sadd.s32 $0x1, s6  }
0x3f: {  	p0 =	sne.s32 s6, s31  }
.Ltmp1:
0x40: {  	_ = 	snop;
	(pc) =	sbr.rel @!p0 .LBB2_15-.Ltmp1, $3  }
0x41: {  	_ =	sdelay $0x1  }
0x42: {  	[sflag:s2] =	ssyncset.done $0x0  }
0x43: {  	v2 =	vlaneseq.u32;
	[sflag:s2] =	ssyncadd.s32 $0xFFFFE000  }
.LBB2_1:
0x44: {  	[dreg:$0x9] =	wrdreg s6  }
0x45: {  	s1 =	rddreg [dreg:$0x4]  }
0x46: {  	[tilespmem:s4], [sflag:$0x1] =	stream.linear.gather [hbm4b:s1+s4], $0x1FC0, $0x38;
	[tilespmem:$0x12400] =	vst v63  }
0x47: {  	s29 =	rddreg [dreg:$0x5];
	s2 =	simm.s32 $0x4000  }
0x48: {  	[tilespmem:s2], [sflag:$0x1] =	stream.linear.gather [hbm4b:s29+s4], $0x2000, $0x38;
	[tilespmem:$0x12400] =	vst v63  }
0x49: {  	s30 =	rddreg [dreg:$0x6]  }
0x4a: {  	[tilespmem:s16], [sflag:$0x2] =	stream.linear.gather [hbm4b:s30+s4], $0x1FC0, $0x38;
	[tilespmem:$0x12400] =	vst v63  }
0x4b: {  	s31 =	rddreg [dreg:$0x7];
	s25 =	simm.s32 $0x0  }
0x4c: {  	[tilespmem:s17], [sflag:$0x2] =	stream.linear.gather [hbm4b:s31+s4], $0x2000, $0x38;
	[tilespmem:$0x12400] =	vst v63  }
.LBB2_2:
0x4d: {  	_ =	swait.ge [sflag:s18], $0x1FC0  }
0x4e: {  	[sflag:s18] =	ssyncset.done $0x0  }
0x4f: {  	[sflag:s18] =	ssyncadd.s32 $0xFFFFE040  }
0x50: {  	_ =	swait.ge [sflag:s18], $0x2000  }
0x51: {  	p0 =	seq.s32 s25, $0x0;
	[sflag:s18] =	ssyncset.done $0x0  }
0x52: {  	s1 =	simm.s32 @!p0 $0x3;
	[sflag:s18] =	ssyncadd.s32 $0xFFFFE000  }
0x53: {  	s2 =	sshll.u32 s25, $0xB;
	_ =	swait.ge @!p0 [sflag:s1], $0x2000  }
0x54: {  	s26 =	sshll.u32 s25, $0x7;
	s29 =	simm.s32 $0x0;
	[sflag:s1] =	ssyncset.done @!p0 $0x0  }
0x55: {  	s30 =	simm.s32 $0x0;
	s28 =	sadd.s32 s7, s2;
	[sflag:s1] =	ssyncadd.s32 @!p0 $0xFFFFE000  }
.LBB2_3:
0x56: {  	s1 =	smul.u32 $0x1FC, s30;
	_ =	sdelay $0x1  }
0x57: {  	s2 =	sshra.s32 s1, $0x2  }
0x58: {  	v14 =	vld [tilespmem:s2+$0x0];
	_ =	sdelay $0x1  }
0x59: {  	v15 =	vld [tilespmem:s2+$0x10];
	_ =	sdelay $0x1  }
0x5a: {  	v16 =	vld [tilespmem:s2+$0x20]  }
0x5b: {  	v14 =	vadd.f32 $9.999999740e-06, v14  }
0x5c: {  	v17 =	vld [tilespmem:s2+$0x30]  }
0x5d: {  	v15 =	vadd.f32 $9.999999740e-06, v15;
	(xrf2) =	vadd.scan.msk.f32 $0xffff, v14  }
0x5e: {  	v60 =	vld [tilespmem:s2+$0x40]  }
0x5f: {  	v16 =	vadd.f32 $9.999999740e-06, v16;
	(xrf2) =	vadd.scan.msk.f32 $0xffff, v15  }
0x60: {  	v61 =	vld [tilespmem:s2+$0x50]  }
0x61: {  	v17 =	vadd.f32 $9.999999740e-06, v17;
	(xrf2) =	vadd.scan.msk.f32 $0xffff, v16  }
0x62: {  	v62 =	vld [tilespmem:s2+$0x60]  }
0x63: {  	v18 =	vld [tilespmem:s2+$0x70];
	v14 =	vadd.f32 $9.999999740e-06, v60;
	(xrf2) =	vadd.scan.msk.f32 $0xffff, v17;
	_ =	sdelay $0x1  }
0x64: {  	v15 =	vadd.f32 $9.999999740e-06, v61;
	(xrf2) =	vadd.scan.msk.f32 $0xffff, v14;
	_ =	sdelay $0x1  }
0x65: {  	v63 =	vadd.f32 $9.999999740e-06, v62;
	v8, _, _ =	vpop (xrf2);
	(xrf2) =	vadd.scan.msk.f32 $0xffff, v15  }
0x66: {  	v9 =	vadd.f32 $9.999999740e-06, v18;
	v10 =	vperm.xlane v8, v1  }
0x67: {  	vm2 =	veq.s32 v2, $0xF;
	v11, _, _ =	vpop (xrf2);
	(xrf2) =	vadd.scan.msk.f32 $0xffff, v63  }
0x68: {  	v33 =	vsel vm2, $0x0, v9;
	v34 =	vperm.xlane v11, v1;
	v17 =	vadd.f32 $0.0e+00, v10  }
0x69: {  	v25, _, _ =	vpop (xrf2);
	(xrf2) =	vadd.scan.msk.f32 $0xffff, v33  }
0x6a: {  	v35 =	vperm.xlane v25, v1;
	v26 =	vadd.f32 v34, v17  }
0x6b: {  	v28, _, _ =	vpop (xrf2)  }
0x6c: {  	v36 =	vperm.xlane v28, v1;
	v31 =	vadd.f32 v35, v26  }
0x6d: {  	v30, _, _ =	vpop (xrf2)  }
0x6e: {  	v37 =	vperm.xlane v30, v1;
	v32 =	vadd.f32 v36, v31  }
0x6f: {  	v34, _, _ =	vpop (xrf2)  }
0x70: {  	v38 =	vperm.xlane v34, v1;
	v23 =	vadd.f32 v37, v32  }
0x71: {  	v24, _, _ =	vpop (xrf2)  }
0x72: {  	v39 =	vperm.xlane v24, v1;
	v21 =	vadd.f32 v38, v23  }
0x73: {  	v22, _, _ =	vpop (xrf2)  }
0x74: {  	v40 =	vperm.xlane v22, v1;
	v19 =	vadd.f32 v39, v21;
	_ =	sdelay $0x1  }
0x75: {  	v14 =	vadd.f32 v40, v19;
	_ =	sdelay $0x1  }
0x76: {  	(erf) = vrcp.f32 v14  }
0x77: {  	s6 =	sadd.s32 $0x1FC, s1  }
0x78: {  	s2 =	sshra.s32 s6, $0x2  }
0x79: {  	v59 =	vld [tilespmem:s2+$0x40]  }
0x7a: {  	v58 =	vld [tilespmem:s2+$0x30]  }
0x7b: {  	s31 =	sshll.u32 s30, $0x7;
	v10 =	vld [tilespmem:s2+$0x60]  }
0x7c: {  	v27 =	vld [tilespmem:s31+$0x4000];
	_ =	sdelay $0x1  }
0x7d: {  	v12 =	vadd.f32 $9.999999740e-06, v59;
	v41 =	vadd.f32 $0.0e+00, v8  }
0x7e: {  	v2 =	vimm.s32 $0x1;
	v9 =	vadd.f32 $9.999999740e-06, v58;
	v42 =	vadd.f32 v17, v11;
	v14 =	vld [tilespmem:s31+$0x4010];
	v20 =	vpop (erf)  }
0x7f: {  	v47 =	vadd.f32 v26, v25;
	v59 =	vadd.f32 $9.999999740e-06, v10;
	v16 =	vmul.f32 v20, v41  }
0x80: {  	v15 =	vld [tilespmem:s31+$0x4020];
	v62 =	vadd.f32 v31, v28;
	v37 =	vperm.xlane v27, v4;
	v29 =	vmul.f32 v20, v42  }
0x81: {  	v34 =	vadd.f32 v23, v34;
	v43 =	vmul.f32 $0.0e+00, v20;
	v44 =	vperm.xlane v16, v57  }
0x82: {  	v51 =	vld [tilespmem:s2+$0x0];
	v22 =	vadd.f32 v19, v22;
	v45 =	vmul.f32 v20, v17;
	v46 =	vperm.xlane v29, v57  }
0x83: {  	v38 =	vperm.xlane v14, v3;
	v40 =	vperm.xlane v14, v4;
	v18 =	vsel vm0, v43, v44  }
0x84: {  	v52 =	vld [tilespmem:s2+$0x20];
	v35 =	vmul.f32 v20, v47;
	v17 =	vsel vm0, v45, v46;
	v33 =	vsub.f32 v16, v18  }
0x85: {  	v26 =	vmul.f32 v20, v26;
	v41 =	vperm.xlane v15, v3;
	v48 =	vsub.f32 v29, v17  }
0x86: {  	v49 =	vsel vm1, v37, v38;
	v23 =	vmul.f32 v20, v23;
	v43 =	vld [tilespmem:s2+$0x10];
	(erf) = vrcp.f32 v33  }
0x87: {  	v38 =	vadd.f32 $9.999999740e-06, v51;
	v19 =	vmul.f32 v20, v19;
	(erf) = vrcp.f32 v48  }
0x88: {  	v11 =	vadd.f32 v32, v30;
	v36 =	vperm.xlane v35, v57;
	v50 =	vmul.f32 $1.280000000e+02, v16  }
0x89: {  	(xrf2) =	vadd.scan.msk.f32 $0xffff, v38;
	v40 =	vsel vm1, v40, v41;
	v41 =	vadd.f32 $9.999999740e-06, v52;
	v52 =	vmul.f32 v20, v31;
	v16 =	vld [tilespmem:s31+$0x4030]  }
0x8a: {  	v40 =	vsub.f32 v40, v14;
	v36 =	vsel vm0, v26, v36;
	v37 =	vadd.f32 $4.999999700e-01, v50  }
0x8b: {  	v39 =	vsub.f32 v35, v36;
	v29 =	vmul.f32 $1.280000000e+02, v29;
	v43 =	vadd.f32 $9.999999740e-06, v43  }
0x8c: {  	v26 =	vsub.f32 v49, v27;
	v44 =	vperm.xlane v15, v4;
	v35 =	vmul.f32 $1.280000000e+02, v35  }
0x8d: {  	v13 =	vld [tilespmem:s2+$0x70];
	v53 =	vtrunc.f32 v37;
	v56 =	vadd.f32 $4.999999700e-01, v29;
	(erf) = vrcp.f32 v39;
	(xrf2) =	vadd.scan.msk.f32 $0xffff, v43  }
0x8e: {  	v63 =	vld [tilespmem:s2+$0x50];
	vm3 =	vlt.f32 v33, $9.999999740e-06;
	v38 =	vcvt.f32.s32 v53;
	v45 =	vperm.xlane v16, v3  }
0x8f: {  	v35 =	vadd.f32 $4.999999700e-01, v35;
	v60 =	vtrunc.f32 v56;
	v56 =	vmul.f32 v20, v32;
	(xrf2) =	vadd.scan.msk.f32 $0xffff, v41;
	v42 =	vpop (erf)  }
0x90: {  	v28 =	vcvt.f32.s32 v60;
	v61 =	vsel vm1, v44, v45;
	v42 =	vmul.f32 v26, v42;
	v54 =	vpop (erf)  }
0x91: {  	v30 =	vld [tilespmem:s31+$0x4040];
	v41 =	vmul.f32 v20, v62;
	v37 =	vsub.f32 v61, v15;
	(xrf2) =	vadd.scan.msk.f32 $0xffff, v9;
	v55 =	vmul.f32 v40, v54  }
0x92: {  	v61 =	vadd.f32 $9.999999740e-06, v13;
	v33 =	vsel vm3, v26, v42;
	vm3 =	vlt.f32 v48, $9.999999740e-06  }
0x93: {  	v43, _, _ =	vpop (xrf2);
	v53 =	vperm.xlane v41, v57;
	(xrf2) =	vadd.scan.msk.f32 $0xffff, v12;
	v26 =	vsel vm3, v40, v55;
	v55 =	vadd.f32 $9.999999740e-06, v63  }
0x94: {  	v24 =	vadd.f32 v21, v24;
	v60 =	vperm.xlane v16, v4;
	v62 =	vperm.xlane v43, v1  }
0x95: {  	v9 =	vsel vm2, $0x0, v61;
	v25 =	vsel vm0, v52, v53;
	v54 =	vtrunc.f32 v35;
	(xrf2) =	vadd.scan.msk.f32 $0xffff, v55  }
0x96: {  	v52 =	vadd.f32 $0.0e+00, v62;
	v8 =	vpop (erf);
	v29 =	vmul.f32 v33, v18;
	v63 =	vperm.xlane v30, v3  }
0x97: {  	vm3 =	vlt.f32 v39, $9.999999740e-06;
	v40 =	vmul.f32 v26, v17;
	v17 =	vmul.f32 v37, v8;
	v32, _, _ =	vpop (xrf2);
	(xrf2) =	vadd.scan.msk.f32 $0xffff, v59  }
0x98: {  	v8 =	vsub.f32 v41, v25;
	v10 =	vperm.xlane v32, v1;
	v35 =	vsel vm1, v60, v63  }
0x99: {  	v53, _, _ =	vpop (xrf2);
	v55 =	vmul.f32 v20, v24;
	v60 =	vmul.f32 v20, v21;
	v18 =	vsel vm3, v37, v17;
	(xrf2) =	vadd.scan.msk.f32 $0xffff, v9  }
0x9a: {  	v37 =	vmul.f32 v20, v11;
	v11 =	vperm.xlane v53, v1;
	v46 =	vadd.f32 v10, v52  }
0x9b: {  	v7 =	vadd.f32 $0.0e+00, v43;
	v17 =	vcvt.f32.s32 v54;
	(erf) = vrcp.f32 v8;
	v39, _, _ =	vpop (xrf2)  }
0x9c: {  	v54 =	vmul.f32 v20, v34;
	v12 =	vperm.xlane v39, v1;
	v34 =	vadd.f32 v11, v46  }
0x9d: {  	v0 =	vld [tilespmem:$0x1FF70];
	v13 =	vsub.f32 v35, v16;
	vm3 =	vlt.f32 v8, $9.999999740e-06;
	v42, _, _ =	vpop (xrf2);
	v58 =	vperm.xlane v37, v57  }
0x9e: {  	v48 =	vmul.f32 v18, v36;
	v50 =	vperm.xlane v42, v1;
	v35 =	vadd.f32 v12, v34  }
0x9f: {  	v61 =	vperm.xlane v55, v57;
	v49 =	vperm.xlane v54, v57;
	v31 =	vsel vm0, v56, v58;
	v24, _, _ =	vpop (xrf2)  }
0xa0: {  	v56 =	vmul.f32 v20, v22;
	v21 =	vadd.f32 v50, v35;
	v62 =	vperm.xlane v24, v1  }
0xa1: {  	v45 =	vsel vm0, v60, v61;
	v57 =	vsel vm0, v23, v49;
	v47 =	vsub.f32 v37, v31;
	v23, _, _ =	vpop (xrf2)  }
0xa2: {  	v8 =	vperm.xlane v56, v0;
	v51 =	vperm.xlane v23, v1;
	v20 =	vadd.f32 v62, v21  }
0xa3: {  	v59 =	vsub.f32 v55, v45;
	v58 =	vsub.f32 v54, v57;
	(erf) = vrcp.f32 v47;
	v50 =	vld [tilespmem:s31+$0x4050];
	v22, _, _ =	vpop (xrf2)  }
0xa4: {  	v60 =	vsel vm0, v19, v8;
	v61 =	vperm.xlane v22, v1;
	v19 =	vadd.f32 v51, v20  }
0xa5: {  	v9 =	vperm.xlane v30, v4;
	(erf) = vrcp.f32 v58;
	v62 =	vsub.f32 v56, v60  }
0xa6: {  	v10 =	vmul.f32 $1.280000000e+02, v41;
	v63 =	vpop (erf);
	(erf) = vrcp.f32 v59;
	v61 =	vadd.f32 v61, v19  }
0xa7: {  	v32 =	vadd.f32 v52, v32;
	v49 =	vld [tilespmem:s31+$0x4060];
	v44 =	vmul.f32 v13, v63;
	(erf) = vrcp.f32 v62  }
0xa8: {  	v36 =	vadd.f32 $4.999999700e-01, v10;
	v63 =	vperm.xlane v50, v3;
	(erf) = vrcp.f32 v61  }
0xa9: {  	v14 =	vsub.f32 v14, v40;
	v55 =	vmul.f32 $1.280000000e+02, v55;
	v37 =	vmul.f32 $1.280000000e+02, v37;
	v51 =	vld [tilespmem:s31+$0x4070]  }
0xaa: {  	v36 =	vtrunc.f32 v36;
	v44 =	vsel vm3, v13, v44;
	v11 =	vsel vm1, v9, v63  }
0xab: {  	v37 =	vadd.f32 $4.999999700e-01, v37;
	v0 =	vmul.f32 v44, v25;
	v25 =	vsub.f32 v11, v30  }
0xac: {  	v8 =	vperm.xlane v49, v3;
	v13 =	vperm.xlane v50, v4;
	vm3 =	vlt.f32 v47, $9.999999740e-06;
	v12 =	vpop (erf)  }
0xad: {  	v47 =	vcvt.f32.s32 v36;
	v63 =	vsub.f32 v27, v29;
	v41 =	vmul.f32 v25, v12  }
0xae: {  	s8 =	smul.u32 $0x90, s30;
	v9 =	vpop (erf);
	v61 =	vsel vm1, v13, v8;
	v13 =	vperm.xlane v49, v4;
	v5 =	vperm.xlane v51, v3  }
0xaf: {  	v11 =	vmul.f32 $1.280000000e+02, v54;
	v12 =	vpop (erf);
	v8 =	vld [tilespmem:$0x1FF70];
	v25 =	vsel vm3, v25, v41;
	v36 =	vsub.f32 v61, v50  }
0xb0: {  	[tilespmem:s8+$0x10000] =	vst v3;
	v61 =	vmul.f32 v25, v31;
	v31 =	vtrunc.f32 v37;
	v5 =	vsel vm1, v13, v5;
	v6 =	vpop (erf)  }
0xb1: {  	[tilespmem:s8+$0x10010] =	vst v3;
	v37 =	vadd.f32 $4.999999700e-01, v11;
	v10 =	vmul.f32 v36, v9;
	v5 =	vsub.f32 v5, v49;
	v43 =	vpop (erf)  }
0xb2: {  	[tilespmem:s8+$0x10020] =	vst v3;
	vm3 =	vlt.f32 v58, $9.999999740e-06;
	v27 =	vcvt.f32.s32 v31;
	v7 =	vmul.f32 v43, v7  }
0xb3: {  	[tilespmem:s8+$0x10030] =	vst v3;
	v31 =	vtrunc.f32 v37;
	v37 =	vadd.f32 $4.999999700e-01, v55;
	v41 =	vmul.f32 v5, v12;
	v12 =	vld [tilespmem:$0x1FF70]  }
0xb4: {  	v40 =	vld [tilespmem:s31+$0x40B0];
	[tilespmem:s8+$0x10040] =	vst v3;
	v29 =	vsel vm3, v36, v10;
	v58 =	vmul.f32 $0.0e+00, v43;
	v11 =	vperm.xlane v7, v8  }
0xb5: {  	[tilespmem:s8+$0x10050] =	vst v3;
	vm3 =	vlt.f32 v59, $9.999999740e-06;
	v10 =	vadd.f32 v46, v53;
	v54 =	vmul.f32 v29, v57  }
0xb6: {  	[tilespmem:s8+$0x10060] =	vst v3;
	v52 =	vmul.f32 v43, v52;
	v57 =	vsel vm0, v58, v11;
	v58 =	vmul.f32 v43, v32  }
0xb7: {  	s6 =	sand.u32 $0x3FF0, s8;
	[tilespmem:s8+$0x10070] =	vst v3;
	v32 =	vsel vm3, v5, v41;
	v5 =	vperm.xlane v51, v4;
	v41 =	vld [tilespmem:s31+$0x4080];
	v59 =	vsub.f32 v7, v57  }
0xb8: {  	[tilespmem:s6+$0x10080] =	vst v3;
	vm3 =	vlt.f32 v62, $9.999999740e-06;
	v62 =	vmul.f32 v43, v10;
	v10 =	vld [tilespmem:$0x1FF70];
	v13 =	vperm.xlane v58, v12  }
0xb9: {  	[tilespmem:s31+$0xE000] =	vst v63;
	v63 =	vperm.xlane v40, v3;
	v36 =	vld [tilespmem:s31+$0x4090];
	v5 =	vsub.f32 v5, v51;
	(erf) = vrcp.f32 v59  }
0xba: {  	v9 =	vtrunc.f32 v37;
	v8 =	vmul.f32 v32, v45;
	v45 =	vld [tilespmem:s31+$0x40A0];
	v52 =	vsel vm0, v52, v13  }
0xbb: {  	v11 =	vmul.f32 $1.280000000e+02, v56;
	v6 =	vmul.f32 v6, v5;
	v55 =	vsub.f32 v58, v52  }
0xbc: {  	s10 =	sadd.s32 $0x3F8, s1;
	v15 =	vsub.f32 v15, v48;
	[tilespmem:s31+$0xC000] =	vst v33;
	v13 =	vmul.f32 v43, v46;
	v12 =	vperm.xlane v41, v4  }
0xbd: {  	v39 =	vadd.f32 v34, v39;
	s6 =	sshra.s32 s10, $0x2;
	[tilespmem:v38+s8+$0x10000] =	vst.idx.add.s32.msk $0xffff, v2;
	v10 =	vperm.xlane v62, v10;
	(erf) = vrcp.f32 v55  }
0xbe: {  	v37 =	vsel vm3, v5, v6;
	v5 =	vperm.xlane v36, v3;
	v6 =	vadd.f32 $4.999999700e-01, v11;
	v11 =	vld [tilespmem:s6+$0x0]  }
0xbf: {  	v38 =	vperm.xlane v36, v4;
	v56 =	vperm.xlane v45, v3;
	v10 =	vsel vm0, v13, v10  }
0xc0: {  	v7 =	vmul.f32 $1.280000000e+02, v7;
	v5 =	vsel vm1, v12, v5;
	v53 =	vsub.f32 v62, v10  }
0xc1: {  	v46 =	vcvt.f32.s32 v9;
	v12 =	vsel vm1, v38, v56;
	v56 =	vld [tilespmem:s6+$0x10];
	v5 =	vsub.f32 v5, v41  }
0xc2: {  	[tilespmem:s31+$0xE010] =	vst v14;
	v14 =	vld [tilespmem:s6+$0x20];
	v7 =	vadd.f32 $4.999999700e-01, v7;
	v9 =	vmul.f32 v37, v60;
	(erf) = vrcp.f32 v53;
	v33 =	vpop (erf)  }
0xc3: {  	[tilespmem:s31+$0xC010] =	vst v26;
	v6 =	vtrunc.f32 v6;
	v60 =	vadd.f32 $9.999999740e-06, v11;
	v11 =	vld [tilespmem:s6+$0x30];
	v33 =	vmul.f32 v5, v33  }
0xc4: {  	[tilespmem:v28+s8+$0x10000] =	vst.idx.add.s32.msk $0xffff, v2;
	vm3 =	vlt.f32 v59, $9.999999740e-06;
	v13 =	vmul.f32 $1.280000000e+02, v58;
	v38 =	vcvt.f32.s32 v6  }
0xc5: {  	[tilespmem:s31+$0xC020] =	vst v18;
	v6 =	vtrunc.f32 v7;
	v26 =	vsel vm3, v5, v33;
	v5 =	vsub.f32 v12, v36  }
0xc6: {  	(xrf2) =	vadd.scan.msk.f32 $0xffff, v60;
	v33 =	vcvt.f32.s32 v6;
	v6 =	vadd.f32 $9.999999740e-06, v56;
	v48 =	vmul.f32 v26, v57;
	v7 =	vpop (erf)  }
0xc7: {  	[tilespmem:s31+$0xE020] =	vst v15;
	v57 =	vsub.f32 v30, v61;
	v61 =	vperm.xlane v45, v4;
	v7 =	vmul.f32 v5, v7  }
0xc8: {  	[tilespmem:v17+s8+$0x10000] =	vst.idx.add.s32.msk $0xffff, v2;
	v14 =	vadd.f32 $9.999999740e-06, v14;
	vm3 =	vlt.f32 v55, $9.999999740e-06;
	v11 =	vadd.f32 $9.999999740e-06, v11  }
0xc9: {  	v60 =	vld [tilespmem:s6+$0x40];
	(xrf2) =	vadd.scan.msk.f32 $0xffff, v6;
	v28 =	vsel vm3, v5, v7;
	v5 =	vadd.f32 $4.999999700e-01, v13;
	v7 =	vsel vm1, v61, v63  }
0xca: {  	v17 =	vperm.xlane v40, v4;
	v58 =	vmul.f32 v43, v39;
	(xrf2) =	vadd.scan.msk.f32 $0xffff, v14;
	v63 =	vld [tilespmem:s6+$0x50];
	v7 =	vsub.f32 v7, v45  }
0xcb: {  	v62 =	vmul.f32 $1.280000000e+02, v62;
	(xrf2) =	vadd.scan.msk.f32 $0xffff, v11;
	v11 =	vld [tilespmem:$0x1FF70];
	v61 =	vpop (erf);
	v5 =	vtrunc.f32 v5  }
0xcc: {  	v0 =	vsub.f32 v16, v0;
	v56 =	vld [tilespmem:s6+$0x60];
	v30 =	vcvt.f32.s32 v5;
	v5 =	vmul.f32 v7, v61  }
0xcd: {  	[tilespmem:s31+$0xC030] =	vst v44;
	vm3 =	vlt.f32 v53, $9.999999740e-06;
	v55 =	vmul.f32 v28, v52;
	v52 =	vadd.f32 $4.999999700e-01, v62;
	v62 =	vld [tilespmem:$0x1FF70]  }
0xce: {  	[tilespmem:s31+$0xE030] =	vst v0;
	v14 =	vsel vm3, v7, v5;
	v5 =	vadd.f32 v35, v42;
	v7 =	vadd.f32 $9.999999740e-06, v60;
	v60 =	vld [tilespmem:s6+$0x70]  }
0xcf: {  	[tilespmem:v47+s8+$0x10000] =	vst.idx.add.s32.msk $0xffff, v2;
	v8 =	vsub.f32 v49, v8;
	v49 =	vmul.f32 v43, v34;
	v61 =	vadd.f32 $9.999999740e-06, v63  }
0xd0: {  	v6 =	vsub.f32 v50, v54;
	v54, _, _ =	vpop (xrf2);
	v50 =	vperm.xlane v58, v11;
	v5 =	vmul.f32 v43, v5;
	(xrf2) =	vadd.scan.msk.f32 $0xffff, v7  }
0xd1: {  	v39 =	vadd.f32 v20, v23;
	v53 =	vld [tilespmem:s31+$0x40C0];
	v42 =	vadd.f32 $9.999999740e-06, v56;
	(xrf2) =	vadd.scan.msk.f32 $0xffff, v61;
	v61 =	vperm.xlane v54, v1  }
0xd2: {  	v7 =	vsub.f32 v51, v9;
	v51 =	vmul.f32 v43, v35;
	v63 =	vperm.xlane v5, v62  }
0xd3: {  	v31 =	vcvt.f32.s32 v31;
	[tilespmem:s31+$0xC040] =	vst v25;
	v60 =	vadd.f32 $9.999999740e-06, v60;
	v44 =	vadd.f32 $0.0e+00, v61;
	v61 =	vld [tilespmem:$0x1FF70]  }
0xd4: {  	v9 =	vsel vm0, v49, v50;
	v50, _, _ =	vpop (xrf2);
	(xrf2) =	vadd.scan.msk.f32 $0xffff, v42;
	v35 =	vsel vm0, v51, v63;
	v63 =	vadd.f32 v21, v24  }
0xd5: {  	v12 =	vld [tilespmem:$0x1FF70];
	[tilespmem:s31+$0xE040] =	vst v57;
	v59 =	vtrunc.f32 v52;
	v62 =	vperm.xlane v50, v1;
	v15 =	vsel vm2, $0x0, v60  }
0xd6: {  	[tilespmem:v27+s8+$0x10000] =	vst.idx.add.s32.msk $0xffff, v2;
	v0 =	vperm.xlane v53, v3;
	v49, _, _ =	vpop (xrf2);
	(xrf2) =	vadd.scan.msk.f32 $0xffff, v15;
	v60 =	vmul.f32 v43, v63  }
0xd7: {  	[tilespmem:s31+$0xC050] =	vst v29;
	v56 =	vsub.f32 v58, v9;
	v11 =	vperm.xlane v49, v1;
	v42 =	vadd.f32 v62, v44  }
0xd8: {  	[tilespmem:s31+$0xE050] =	vst v6;
	v51, _, _ =	vpop (xrf2);
	v15 =	vperm.xlane v60, v61;
	v61 =	vmul.f32 v43, v39  }
0xd9: {  	[tilespmem:v31+s8+$0x10000] =	vst.idx.add.s32.msk $0xffff, v2;
	(erf) = vrcp.f32 v56;
	v52 =	vperm.xlane v51, v1;
	v47 =	vadd.f32 v11, v42  }
0xda: {  	v20 =	vmul.f32 v43, v20;
	v0 =	vsel vm1, v17, v0;
	v23, _, _ =	vpop (xrf2);
	v13 =	vperm.xlane v61, v12;
	v12 =	vld [tilespmem:$0x1FF70]  }
0xdb: {  	v62 =	vadd.f32 v19, v22;
	v17 =	vadd.f32 v52, v47;
	v63 =	vperm.xlane v23, v1  }
0xdc: {  	v0 =	vsub.f32 v0, v40;
	v24 =	vmul.f32 v43, v21;
	v34 =	vsub.f32 v5, v35;
	v21, _, _ =	vpop (xrf2)  }
0xdd: {  	v39 =	vmul.f32 v43, v62;
	v16 =	vperm.xlane v21, v1;
	v18 =	vadd.f32 v63, v17  }
0xde: {  	[tilespmem:s31+$0xC060] =	vst v32;
	v62 =	vsel vm0, v24, v15;
	v15 =	vmul.f32 v43, v19;
	v19, _, _ =	vpop (xrf2);
	v63 =	vsel vm0, v20, v13  }
0xdf: {  	[tilespmem:s31+$0xE060] =	vst v8;
	v24 =	vperm.xlane v19, v1;
	v52 =	vperm.xlane v39, v12;
	v16 =	vadd.f32 v16, v18  }
0xe0: {  	[tilespmem:v46+s8+$0x10000] =	vst.idx.add.s32.msk $0xffff, v2;
	(erf) = vrcp.f32 v34;
	v13 =	vsub.f32 v61, v63;
	v12 =	vsub.f32 v60, v62;
	v20, _, _ =	vpop (xrf2)  }
0xe1: {  	v52 =	vsel vm0, v15, v52;
	v22 =	vperm.xlane v20, v1;
	v15 =	vadd.f32 v24, v16  }
0xe2: {  	v11 =	vld [tilespmem:s31+$0x40D0];
	v43 =	vpop (erf);
	v24 =	vmul.f32 $1.280000000e+02, v58;
	(erf) = vrcp.f32 v12;
	v58 =	vsub.f32 v39, v52  }
0xe3: {  	v57 =	vld [tilespmem:s31+$0x40E0];
	[tilespmem:s31+$0xC070] =	vst v37;
	v43 =	vmul.f32 v0, v43;
	(erf) = vrcp.f32 v13;
	v22 =	vadd.f32 v22, v15  }
0xe4: {  	[tilespmem:s31+$0xE070] =	vst v7;
	vm3 =	vlt.f32 v56, $9.999999740e-06;
	v56 =	vadd.f32 $4.999999700e-01, v24;
	(erf) = vrcp.f32 v58  }
0xe5: {  	[tilespmem:v38+s8+$0x10000] =	vst.idx.add.s32.msk $0xffff, v2;
	(erf) = vrcp.f32 v22;
	v22 =	vsel vm3, v0, v43  }
0xe6: {  	v6 =	vmul.f32 v22, v9;
	v9 =	vtrunc.f32 v56;
	v56 =	vsub.f32 v36, v55;
	v55 =	vld [tilespmem:s31+$0x40F0];
	[tilespmem:s8+$0x10090] =	vst v3  }
0xe7: {  	v41 =	vsub.f32 v41, v48;
	v25 =	vperm.xlane v53, v4;
	v48 =	vperm.xlane v11, v3;
	[tilespmem:s8+$0x100A0] =	vst v3  }
0xe8: {  	v37 =	vperm.xlane v57, v4;
	[tilespmem:s8+$0x100B0] =	vst v3  }
0xe9: {  	v10 =	vmul.f32 v14, v10;
	v5 =	vmul.f32 $1.280000000e+02, v5;
	v0 =	vsel vm1, v25, v48;
	[tilespmem:s8+$0x100C0] =	vst v3  }
0xea: {  	v46 =	vmul.f32 $1.280000000e+02, v60;
	v24 =	vcvt.f32.s32 v59;
	v0 =	vsub.f32 v0, v53;
	[tilespmem:s8+$0x100D0] =	vst v3  }
0xeb: {  	v23 =	vadd.f32 v17, v23;
	v59 =	vperm.xlane v57, v3;
	v43 =	vperm.xlane v11, v4;
	v36 =	vpop (erf);
	[tilespmem:s8+$0x100E0] =	vst v3  }
0xec: {  	s14 =	sadd.s32 $0x90, s8;
	v48 =	vsub.f32 v45, v10;
	vm3 =	vlt.f32 v34, $9.999999740e-06;
	[tilespmem:s8+$0x100F0] =	vst v3;
	v36 =	vmul.f32 v0, v36  }
0xed: {  	s6 =	sand.u32 $0x7FF0, s14;
	v10 =	vld [tilespmem:s31+$0x4100];
	[tilespmem:s8+$0x10100] =	vst v3;
	v25 =	vcvt.f32.s32 v9;
	v43 =	vsel vm1, v43, v59;
	v9 =	vadd.f32 $4.999999700e-01, v46  }
0xee: {  	[tilespmem:s6+$0x10080] =	vst v3;
	v27 =	vsel vm3, v0, v36;
	v0 =	vadd.f32 $4.999999700e-01, v5;
	v5 =	vsub.f32 v43, v11  }
0xef: {  	v34 =	vsub.f32 v40, v6;
	[tilespmem:s31+$0xC080] =	vst v26;
	v45 =	vpop (erf);
	v6 =	vmul.f32 v27, v35;
	v38 =	vperm.xlane v55, v3  }
0xf0: {  	v40 =	vld [tilespmem:$0x1FF70];
	[tilespmem:s31+$0xE080] =	vst v41;
	v36 =	vadd.f32 $0.0e+00, v54;
	v46 =	vperm.xlane v55, v4;
	v7 =	vmul.f32 v5, v45  }
0xf1: {  	[tilespmem:v33+s8+$0x10090] =	vst.idx.add.s32.msk $0xffff, v2;
	vm3 =	vlt.f32 v12, $9.999999740e-06;
	v59 =	vpop (erf);
	v0 =	vtrunc.f32 v0;
	v45 =	vmul.f32 $1.280000000e+02, v61  }
0xf2: {  	v61 =	vperm.xlane v10, v4;
	v60 =	vpop (erf);
	v31 =	vsel vm3, v5, v7;
	v5 =	vsel vm1, v37, v38  }
0xf3: {  	[tilespmem:s31+$0xC090] =	vst v28;
	v29 =	vcvt.f32.s32 v0;
	v0 =	vtrunc.f32 v9;
	v43 =	vpop (erf);
	v5 =	vsub.f32 v5, v57  }
0xf4: {  	[tilespmem:s31+$0xE090] =	vst v56;
	v37 =	vsub.f32 v53, v6;
	v32 =	vcvt.f32.s32 v0;
	v12 =	vmul.f32 v43, v36  }
0xf5: {  	[tilespmem:v30+s8+$0x10090] =	vst.idx.add.s32.msk $0xffff, v2;
	vm3 =	vlt.f32 v13, $9.999999740e-06;
	v7 =	vmul.f32 $0.0e+00, v43;
	v0 =	vmul.f32 v5, v59  }
0xf6: {  	s15 =	sadd.s32 $0x5F4, s1;
	v53 =	vadd.f32 v44, v50;
	v6 =	vmul.f32 v31, v62;
	v9 =	vperm.xlane v12, v40  }
0xf7: {  	s6 =	sshra.s32 s15, $0x2;
	[tilespmem:s31+$0xC0A0] =	vst v14;
	v62 =	vadd.f32 v47, v51;
	v35 =	vsel vm3, v5, v0;
	v5 =	vadd.f32 $4.999999700e-01, v45;
	v45 =	vld [tilespmem:s31+$0x4110]  }
0xf8: {  	v33 =	vld [tilespmem:s6+$0x50];
	[tilespmem:s31+$0xE0A0] =	vst v48;
	v7 =	vsel vm0, v7, v9;
	v9 =	vsub.f32 v46, v55;
	v0 =	vsub.f32 v11, v6  }
0xf9: {  	[tilespmem:v24+s8+$0x10090] =	vst.idx.add.s32.msk $0xffff, v2;
	v13 =	vsub.f32 v12, v7;
	v54 =	vmul.f32 v35, v63;
	v5 =	vtrunc.f32 v5  }
0xfa: {  	[tilespmem:s31+$0xC0B0] =	vst v22;
	v6 =	vadd.f32 v42, v49;
	v36 =	vcvt.f32.s32 v5;
	v5 =	vmul.f32 v60, v9;
	v60 =	vld [tilespmem:$0x1FF70]  }
0xfb: {  	[tilespmem:s31+$0xE0B0] =	vst v34;
	v50 =	vmul.f32 v43, v53;
	(erf) = vrcp.f32 v13;
	v38 =	vsub.f32 v57, v54;
	v54 =	vld [tilespmem:$0x1FF70]  }
0xfc: {  	[tilespmem:v25+s8+$0x10090] =	vst.idx.add.s32.msk $0xffff, v2;
	v49 =	vmul.f32 v43, v6;
	v6 =	vperm.xlane v45, v3  }
0xfd: {  	v59 =	vmul.f32 v43, v44;
	vm3 =	vlt.f32 v58, $9.999999740e-06;
	v63 =	vld [tilespmem:s6+$0x0];
	v12 =	vmul.f32 $1.280000000e+02, v12  }
0xfe: {  	v46 =	vmul.f32 v43, v42;
	v42 =	vsel vm3, v9, v5;
	v5 =	vsel vm1, v61, v6;
	v6 =	vld [tilespmem:s6+$0x10]  }
0xff: {  	v53 =	vmul.f32 v43, v62;
	v12 =	vadd.f32 $4.999999700e-01, v12;
	v11 =	vperm.xlane v50, v60;
	v60 =	vld [tilespmem:$0x1FF70]  }
0x100: {  	v33 =	vadd.f32 $9.999999740e-06, v33;
	v44 =	vld [tilespmem:s31+$0x4120];
	v62 =	vperm.xlane v45, v4;
	v40 =	vperm.xlane v49, v54  }
0x101: {  	v12 =	vtrunc.f32 v12;
	v52 =	vmul.f32 v42, v52;
	v61 =	vld [tilespmem:s6+$0x20];
	v58 =	vsel vm0, v59, v11  }
0x102: {  	[tilespmem:s31+$0xC0C0] =	vst v27;
	v5 =	vsub.f32 v5, v10;
	v51 =	vsel vm0, v46, v40;
	v28 =	vsub.f32 v50, v58  }
0x103: {  	v56 =	vld [tilespmem:s6+$0x30];
	[tilespmem:s31+$0xE0C0] =	vst v37;
	v59 =	vmul.f32 v43, v47;
	v11 =	vadd.f32 $9.999999740e-06, v63;
	v9 =	vsub.f32 v49, v51  }
0x104: {  	[tilespmem:v29+s8+$0x10090] =	vst.idx.add.s32.msk $0xffff, v2;
	v57 =	vpop (erf);
	v6 =	vadd.f32 $9.999999740e-06, v6;
	(erf) = vrcp.f32 v28;
	v30 =	vperm.xlane v53, v60  }
0x105: {  	vm3 =	vlt.f32 v13, $9.999999740e-06;
	v46 =	vld [tilespmem:s31+$0x4130];
	(xrf2) =	vadd.scan.msk.f32 $0xffff, v11;
	v8 =	vmul.f32 v5, v57;
	(erf) = vrcp.f32 v9  }
0x106: {  	v13 =	vld [tilespmem:s6+$0x70];
	v12 =	vcvt.f32.s32 v12;
	v63 =	vperm.xlane v44, v3;
	v60 =	vadd.f32 $9.999999740e-06, v61;
	(xrf2) =	vadd.scan.msk.f32 $0xffff, v6  }
0x107: {  	v57 =	vmul.f32 $1.280000000e+02, v39;
	v54 =	vsel vm0, v59, v30;
	v26 =	vsel vm3, v5, v8;
	v5 =	vld [tilespmem:s6+$0x40]  }
0x108: {  	v52 =	vsub.f32 v55, v52;
	v61 =	vperm.xlane v44, v4;
	(xrf2) =	vadd.scan.msk.f32 $0xffff, v60;
	v41 =	vsub.f32 v53, v54  }
0x109: {  	v39 =	vld [tilespmem:s31+$0x4140];
	v59 =	vsel vm1, v62, v63;
	v6 =	vadd.f32 $4.999999700e-01, v57;
	v7 =	vmul.f32 v26, v7  }
0x10a: {  	[tilespmem:s31+$0xC0D0] =	vst v31;
	v62 =	vperm.xlane v46, v3;
	v63 =	vadd.f32 $9.999999740e-06, v56;
	v57 =	vld [tilespmem:s6+$0x60];
	(erf) = vrcp.f32 v41  }
0x10b: {  	[tilespmem:s31+$0xE0D0] =	vst v0;
	v55 =	vmul.f32 v43, v17;
	v13 =	vadd.f32 $9.999999740e-06, v13;
	v60 =	vperm.xlane v46, v4  }
0x10c: {  	v8 =	vsub.f32 v59, v45;
	v59 =	vsel vm1, v61, v62;
	(xrf2) =	vadd.scan.msk.f32 $0xffff, v63;
	v5 =	vadd.f32 $9.999999740e-06, v5  }
0x10d: {  	[tilespmem:v32+s8+$0x10090] =	vst.idx.add.s32.msk $0xffff, v2;
	v6 =	vtrunc.f32 v6;
	v30 =	vsub.f32 v10, v7;
	v11 =	vsub.f32 v59, v44;
	v7 =	vpop (erf)  }
0x10e: {  	vm3 =	vlt.f32 v28, $9.999999740e-06;
	v61 =	vperm.xlane v39, v3;
	(xrf2) =	vadd.scan.msk.f32 $0xffff, v5;
	v7 =	vmul.f32 v8, v7;
	v62 =	vpop (erf)  }
0x10f: {  	v6 =	vcvt.f32.s32 v6;
	v63 =	vadd.f32 $9.999999740e-06, v57;
	v59, _, _ =	vpop (xrf2);
	(xrf2) =	vadd.scan.msk.f32 $0xffff, v33;
	v5 =	vmul.f32 v11, v62  }
0x110: {  	v14 =	vperm.xlane v59, v1;
	v56, _, _ =	vpop (xrf2);
	v62 =	vadd.f32 v16, v19;
	v40 =	vsel vm3, v8, v7  }
0x111: {  	[tilespmem:s31+$0xC0E0] =	vst v35;
	v7 =	vsel vm1, v60, v61;
	vm3 =	vlt.f32 v9, $9.999999740e-06;
	v47 =	vperm.xlane v56, v1  }
0x112: {  	[tilespmem:s31+$0xE0E0] =	vst v38;
	v48 =	vadd.f32 $0.0e+00, v14;
	v57, _, _ =	vpop (xrf2);
	v14 =	vmul.f32 v43, v15;
	v7 =	vsub.f32 v7, v46  }
0x113: {  	(xrf2) =	vadd.scan.msk.f32 $0xffff, v63;
	v61 =	vld [tilespmem:$0x1FF70];
	v33 =	vsel vm3, v11, v5;
	vm3 =	vlt.f32 v41, $9.999999740e-06;
	v60 =	vperm.xlane v57, v1;
	v5 =	vpop (erf)  }
0x114: {  	[tilespmem:v36+s8+$0x10090] =	vst.idx.add.s32.msk $0xffff, v2;
	v41 =	vsel vm2, $0x0, v13;
	v13 =	vmul.f32 v43, v18;
	v5 =	vmul.f32 v7, v5  }
0x115: {  	v10 =	vmul.f32 v43, v62;
	v22 =	vmul.f32 v40, v58;
	(xrf2) =	vadd.scan.msk.f32 $0xffff, v41;
	v47 =	vadd.f32 v47, v48;
	v41 =	vld [tilespmem:$0x1FF70]  }
0x116: {  	v62 =	vld [tilespmem:$0x1FF70];
	v24, _, _ =	vpop (xrf2);
	v28 =	vsel vm3, v7, v5;
	v5 =	vmul.f32 v43, v23;
	v7 =	vadd.f32 v18, v21  }
0x117: {  	v63 =	vperm.xlane v24, v1;
	v45 =	vsub.f32 v45, v22;
	v22 =	vperm.xlane v39, v4  }
0x118: {  	[tilespmem:s31+$0xE0F0] =	vst v52;
	v52 =	vadd.f32 v48, v56;
	v23, _, _ =	vpop (xrf2);
	v9 =	vperm.xlane v5, v61;
	v7 =	vmul.f32 v43, v7  }
0x119: {  	v21 =	vadd.f32 v60, v47;
	v60 =	vperm.xlane v23, v1;
	v61 =	vmul.f32 v43, v16;
	v19, _, _ =	vpop (xrf2)  }
0x11a: {  	v11 =	vperm.xlane v19, v1;
	v8 =	vsel vm0, v55, v9;
	v9 =	vperm.xlane v7, v41  }
0x11b: {  	[tilespmem:s31+$0xC0F0] =	vst v42;
	v55 =	vadd.f32 v15, v20;
	v20 =	vadd.f32 v63, v21;
	v63 =	vperm.xlane v10, v62  }
0x11c: {  	[tilespmem:v6+s8+$0x10090] =	vst.idx.add.s32.msk $0xffff, v2;
	v6 =	vmul.f32 $1.280000000e+02, v7;
	v41 =	vsub.f32 v5, v8;
	v5 =	vmul.f32 $1.280000000e+02, v5  }
0x11d: {  	v18, _, _ =	vpop (xrf2);
	v55 =	vmul.f32 v43, v55;
	v16 =	vadd.f32 v60, v20;
	v9 =	vsel vm0, v13, v9;
	v43 =	vld [tilespmem:$0x1FF70]  }
0x11e: {  	v13 =	vsel vm0, v61, v63;
	v60 =	vperm.xlane v18, v1;
	v6 =	vadd.f32 $4.999999700e-01, v6  }
0x11f: {  	v17, _, _ =	vpop (xrf2);
	v23 =	vadd.f32 v20, v23;
	(erf) = vrcp.f32 v41;
	v61 =	vsub.f32 v7, v9  }
0x120: {  	v62 =	vsub.f32 v10, v13;
	v63 =	vperm.xlane v17, v1;
	vm3 =	vlt.f32 v41, $9.999999740e-06  }
0x121: {  	v5 =	vadd.f32 $4.999999700e-01, v5;
	v10 =	vmul.f32 $1.280000000e+02, v10;
	v6 =	vtrunc.f32 v6  }
0x122: {  	v15 =	vadd.f32 v11, v16;
	v11 =	vld [tilespmem:s31+$0x4150];
	(erf) = vrcp.f32 v61;
	v43 =	vperm.xlane v55, v43  }
0x123: {  	v19 =	vadd.f32 v16, v19;
	v5 =	vtrunc.f32 v5;
	v34 =	vcvt.f32.s32 v6  }
0x124: {  	v10 =	vadd.f32 $4.999999700e-01, v10;
	v43 =	vsel vm0, v14, v43;
	v14 =	vadd.f32 v60, v15  }
0x125: {  	v37 =	vld [tilespmem:s31+$0x4160];
	(erf) = vrcp.f32 v62;
	v60 =	vmul.f32 $1.280000000e+02, v50;
	v58 =	vsub.f32 v55, v43  }
0x126: {  	v31 =	vld [tilespmem:s31+$0x4170];
	v38 =	vcvt.f32.s32 v5;
	v10 =	vtrunc.f32 v10;
	v63 =	vadd.f32 v63, v14  }
0x127: {  	[tilespmem:s8+$0x10120] =	vst v3;
	v50 =	vperm.xlane v11, v3;
	v60 =	vadd.f32 $4.999999700e-01, v60;
	(erf) = vrcp.f32 v58  }
0x128: {  	[tilespmem:s8+$0x10130] =	vst v3;
	v18 =	vadd.f32 v15, v18;
	(erf) = vrcp.f32 v63;
	v63 =	vmul.f32 $1.280000000e+02, v49  }
0x129: {  	[tilespmem:s8+$0x10140] =	vst v3;
	v22 =	vsel vm1, v22, v50;
	v49 =	vmul.f32 $1.280000000e+02, v53;
	v27 =	vtrunc.f32 v60  }
0x12a: {  	[tilespmem:s8+$0x10150] =	vst v3;
	v53 =	vmul.f32 v33, v51;
	v60 =	vmul.f32 v28, v54;
	v50 =	vadd.f32 $4.999999700e-01, v63  }
0x12b: {  	[tilespmem:s8+$0x10160] =	vst v3;
	v51 =	vperm.xlane v37, v3;
	v54 =	vperm.xlane v31, v3;
	v25 =	vadd.f32 $4.999999700e-01, v49  }
0x12c: {  	[tilespmem:s8+$0x10170] =	vst v3;
	v22 =	vsub.f32 v22, v39;
	v0 =	vcvt.f32.s32 v27;
	v29 =	vtrunc.f32 v50  }
0x12d: {  	s22 =	sadd.s32 $0x120, s8;
	[tilespmem:s8+$0x10180] =	vst v3;
	v27 =	vsub.f32 v44, v53;
	v63 =	vtrunc.f32 v25;
	v49 =	vpop (erf);
	v50 =	vperm.xlane v11, v4  }
0x12e: {  	s6 =	sand.u32 $0x7FF0, s22;
	[tilespmem:s8+$0x10190] =	vst v3;
	v46 =	vsub.f32 v46, v60;
	v53 =	vperm.xlane v37, v4;
	v25 =	vmul.f32 v22, v49  }
0x12f: {  	[tilespmem:s6+$0x10080] =	vst v3;
	v44 =	vcvt.f32.s32 v29;
	v42 =	vcvt.f32.s32 v63;
	v60 =	vsel vm1, v50, v51  }
0x130: {  	[tilespmem:s31+$0xC100] =	vst v26;
	v25 =	vsel vm3, v22, v25;
	v29 =	vsub.f32 v60, v11;
	v63 =	vpop (erf);
	v22 =	vsel vm1, v53, v54  }
0x131: {  	[tilespmem:s31+$0xE100] =	vst v30;
	v30 =	vld [tilespmem:s31+$0x41A0];
	v10 =	vcvt.f32.s32 v10;
	v53 =	vimm.s32 $0x1;
	v7 =	vsub.f32 v22, v37;
	v41 =	vpop (erf)  }
0x132: {  	v49 =	vadd.f32 $0.0e+00, v59;
	vm3 =	vlt.f32 v61, $9.999999740e-06;
	[tilespmem:v12+s8+$0x10120] =	vst.idx.add.s32.msk $0xffff, v53;
	v5 =	vmul.f32 v29, v63;
	v35 =	vpop (erf)  }
0x133: {  	v51 =	vld [tilespmem:$0x1FF70];
	v54 =	vadd.f32 v47, v57;
	v8 =	vmul.f32 v25, v8;
	[tilespmem:s31+$0xC110] =	vst v40;
	v50 =	vmul.f32 v7, v41;
	v22 =	vpop (erf)  }
0x134: {  	v57 =	vld [tilespmem:$0x1FF70];
	[tilespmem:s31+$0xE110] =	vst v45;
	v41 =	vsel vm3, v29, v5;
	v5 =	vmul.f32 v22, v49;
	v60 =	vmul.f32 v22, v48  }
0x135: {  	[tilespmem:v0+s8+$0x10120] =	vst.idx.add.s32.msk $0xffff, v53;
	vm3 =	vlt.f32 v62, $9.999999740e-06;
	v49 =	vmul.f32 v22, v54;
	v62 =	vperm.xlane v31, v4  }
0x136: {  	v17 =	vadd.f32 v14, v17;
	v63 =	vmul.f32 v22, v47;
	[tilespmem:s31+$0xC120] =	vst v33;
	v20 =	vmul.f32 v22, v20  }
0x137: {  	s1 =	sadd.s32 $0x7F0, s1;
	v8 =	vsub.f32 v39, v8;
	[tilespmem:s31+$0xE120] =	vst v27;
	v14 =	vmul.f32 v22, v14;
	v9 =	vmul.f32 v41, v9  }
0x138: {  	s1 =	sshra.s32 s1, $0x2;
	v32 =	vsel vm3, v7, v50;
	v7 =	vmul.f32 $0.0e+00, v22;
	[tilespmem:v44+s8+$0x10120] =	vst.idx.add.s32.msk $0xffff, v53;
	v29 =	vperm.xlane v5, v51  }
0x139: {  	v59 =	vld [tilespmem:s1+$0x0];
	vm3 =	vlt.f32 v58, $9.999999740e-06;
	v6 =	vmul.f32 v32, v13;
	v13 =	vmul.f32 v22, v52;
	[tilespmem:s31+$0xC130] =	vst v28  }
0x13a: {  	v50 =	vld [tilespmem:s31+$0x4190];
	v47 =	vperm.xlane v49, v57;
	v51 =	vsub.f32 v62, v31;
	v62 =	vperm.xlane v30, v3;
	[tilespmem:s31+$0xE130] =	vst v46  }
0x13b: {  	v52 =	vmul.f32 $1.280000000e+02, v55;
	v9 =	vsub.f32 v11, v9;
	[tilespmem:v42+s8+$0x10120] =	vst.idx.add.s32.msk $0xffff, v53;
	v7 =	vsel vm0, v7, v29  }
0x13c: {  	v11 =	vld [tilespmem:s31+$0x4180];
	v61 =	vperm.xlane v13, v57;
	v40 =	vsel vm0, v63, v47;
	v54 =	vmul.f32 v35, v51  }
0x13d: {  	v0 =	vadd.f32 $4.999999700e-01, v52;
	v63 =	vld [tilespmem:s1+$0x10];
	v47 =	vperm.xlane v30, v4;
	[tilespmem:s31+$0xC140] =	vst v25;
	v39 =	vsub.f32 v5, v7  }
0x13e: {  	v29 =	vld [tilespmem:s31+$0x41B0];
	[tilespmem:s31+$0xE140] =	vst v8;
	v5 =	vmul.f32 $1.280000000e+02, v5;
	v35 =	vsel vm3, v51, v54;
	v54 =	vadd.f32 $9.999999740e-06, v59  }
0x13f: {  	v45 =	vsub.f32 v49, v40;
	[tilespmem:v38+s8+$0x10120] =	vst.idx.add.s32.msk $0xffff, v53;
	v56 =	vperm.xlane v50, v3;
	(erf) = vrcp.f32 v39  }
0x140: {  	v48 =	vsel vm0, v60, v61;
	v0 =	vtrunc.f32 v0;
	v61 =	vperm.xlane v50, v4;
	(xrf2) =	vadd.scan.msk.f32 $0xffff, v54  }
0x141: {  	[tilespmem:s31+$0xC150] =	vst v41;
	v26 =	vsub.f32 v13, v48;
	v12 =	vmul.f32 v35, v43;
	v36 =	vcvt.f32.s32 v0  }
0x142: {  	v52 =	vld [tilespmem:s1+$0x20];
	[tilespmem:s31+$0xE150] =	vst v9;
	v5 =	vadd.f32 $4.999999700e-01, v5;
	v55 =	vperm.xlane v11, v4;
	v59 =	vadd.f32 $9.999999740e-06, v63  }
0x143: {  	v6 =	vsub.f32 v37, v6;
	[tilespmem:v34+s8+$0x10120] =	vst.idx.add.s32.msk $0xffff, v53;
	(erf) = vrcp.f32 v26;
	v51 =	vperm.xlane v29, v3  }
0x144: {  	v46 =	vsel vm1, v61, v62;
	v61 =	vld [tilespmem:s1+$0x40];
	v5 =	vtrunc.f32 v5;
	(erf) = vrcp.f32 v45;
	(xrf2) =	vadd.scan.msk.f32 $0xffff, v59  }
0x145: {  	vm3 =	vlt.f32 v39, $9.999999740e-06;
	v63 =	vld [tilespmem:s1+$0x50];
	v28 =	vcvt.f32.s32 v5;
	v5 =	vmul.f32 $1.280000000e+02, v13  }
0x146: {  	v43 =	vmul.f32 v22, v18;
	[tilespmem:s31+$0xE160] =	vst v6;
	v6 =	vmul.f32 v22, v16;
	v58 =	vsel vm1, v55, v56  }
0x147: {  	v0 =	vsub.f32 v58, v11;
	v37 =	vsel vm1, v47, v51;
	v5 =	vadd.f32 $4.999999700e-01, v5  }
0x148: {  	v62 =	vadd.f32 $9.999999740e-06, v52;
	v54 =	vperm.xlane v29, v4;
	v58 =	vsub.f32 v37, v30;
	v37 =	vld [tilespmem:s31+$0x41C0];
	v60 =	vpop (erf)  }
0x149: {  	v8 =	vsub.f32 v31, v12;
	v5 =	vtrunc.f32 v5;
	v27 =	vmul.f32 v0, v60  }
0x14a: {  	v47 =	vadd.f32 $9.999999740e-06, v61;
	v52 =	vadd.f32 $9.999999740e-06, v63;
	v5 =	vcvt.f32.s32 v5;
	v42, _, _ =	vpop (xrf2)  }
0x14b: {  	v56 =	vld [tilespmem:s1+$0x30];
	v27 =	vsel vm3, v0, v27;
	v0 =	vsub.f32 v46, v50;
	v59 =	vperm.xlane v42, v1  }
0x14c: {  	v55 =	vpop (erf);
	vm3 =	vlt.f32 v26, $9.999999740e-06;
	v42 =	vadd.f32 $0.0e+00, v42;
	v7 =	vmul.f32 v27, v7  }
0x14d: {  	v60 =	vpop (erf);
	v46 =	vld [tilespmem:s1+$0x60];
	v33 =	vmul.f32 v0, v55;
	v55 =	vperm.xlane v37, v3;
	v39 =	vadd.f32 $0.0e+00, v59  }
0x14e: {  	[tilespmem:s31+$0xC160] =	vst v32;
	v44, _, _ =	vpop (xrf2);
	v38 =	vsub.f32 v11, v7;
	v7 =	vmul.f32 $1.280000000e+02, v49;
	v49 =	vmul.f32 v22, v21  }
0x14f: {  	v32 =	vld [tilespmem:s31+$0x41E0];
	(xrf2) =	vadd.scan.msk.f32 $0xffff, v62;
	v62 =	vperm.xlane v44, v1;
	v26 =	vsel vm3, v0, v33;
	v0 =	vmul.f32 v58, v60  }
0x150: {  	[tilespmem:v10+s8+$0x10120] =	vst.idx.add.s32.msk $0xffff, v53;
	vm3 =	vlt.f32 v45, $9.999999740e-06;
	v45 =	vadd.f32 $9.999999740e-06, v56;
	v60 =	vsel vm1, v54, v55  }
0x151: {  	v54 =	vmul.f32 v22, v15;
	v25 =	vsel vm3, v58, v0;
	v0 =	vadd.f32 v21, v24  }
0x152: {  	v55 =	vperm.xlane v43, v57;
	v33 =	vmul.f32 v26, v48;
	v48 =	vld [tilespmem:s1+$0x70];
	v13 =	vadd.f32 $9.999999740e-06, v46;
	(xrf2) =	vadd.scan.msk.f32 $0xffff, v45  }
0x153: {  	v63 =	vsub.f32 v60, v29;
	v46 =	vmul.f32 v22, v17;
	v0 =	vmul.f32 v22, v0  }
0x154: {  	v7 =	vadd.f32 $4.999999700e-01, v7;
	v24 =	vadd.f32 v62, v39;
	v62 =	vperm.xlane v37, v4;
	(xrf2) =	vadd.scan.msk.f32 $0xffff, v47  }
0x155: {  	v10 =	vsel vm0, v54, v55;
	v55 =	vperm.xlane v32, v3;
	v51 =	vperm.xlane v0, v57  }
0x156: {  	v12 =	vmul.f32 v25, v40;
	v40 =	vmul.f32 v22, v23;
	v31 =	vsub.f32 v50, v33;
	(xrf2) =	vadd.scan.msk.f32 $0xffff, v52  }
0x157: {  	v47 =	vld [tilespmem:s31+$0x41D0];
	v59 =	vperm.xlane v46, v57;
	v58 =	vadd.f32 $9.999999740e-06, v48;
	v9 =	vsel vm0, v49, v51  }
0x158: {  	v7 =	vtrunc.f32 v7;
	v56 =	vperm.xlane v40, v57;
	(xrf2) =	vadd.scan.msk.f32 $0xffff, v13;
	v61 =	vsub.f32 v0, v9  }
0x159: {  	[tilespmem:s31+$0xC170] =	vst v35;
	v34, _, _ =	vpop (xrf2);
	v7 =	vcvt.f32.s32 v7;
	v13 =	vmul.f32 v22, v19;
	v11 =	vsel vm2, $0x0, v58  }
0x15a: {  	v41 =	vsel vm0, v20, v56;
	v49 =	vperm.xlane v34, v1;
	(xrf2) =	vadd.scan.msk.f32 $0xffff, v11;
	(erf) = vrcp.f32 v61  }
0x15b: {  	[tilespmem:s31+$0xE170] =	vst v8;
	v8 =	vsub.f32 v30, v12;
	v45 =	vsub.f32 v40, v41;
	v51 =	vperm.xlane v13, v57  }
0x15c: {  	[tilespmem:v36+s8+$0x10120] =	vst.idx.add.s32.msk $0xffff, v53;
	v54 =	vperm.xlane v47, v4;
	v0 =	vmul.f32 $1.280000000e+02, v0;
	v23 =	vadd.f32 v49, v24;
	v33, _, _ =	vpop (xrf2)  }
0x15d: {  	v6 =	vsel vm0, v6, v51;
	v51 =	vsub.f32 v43, v10;
	v50 =	vperm.xlane v33, v1  }
0x15e: {  	v30 =	vld [tilespmem:s31+$0x41F0];
	[tilespmem:s8+$0x101B0] =	vst v3;
	v49 =	vsel vm0, v14, v59;
	v12 =	vsel vm1, v54, v55;
	v59 =	vmul.f32 $1.280000000e+02, v40;
	v21, _, _ =	vpop (xrf2)  }
0x15f: {  	[tilespmem:s8+$0x101C0] =	vst v3;
	v55 =	vadd.f32 v39, v44;
	v52 =	vperm.xlane v21, v1;
	v20 =	vadd.f32 v50, v23  }
0x160: {  	[tilespmem:s8+$0x101D0] =	vst v3;
	vm3 =	vlt.f32 v61, $9.999999740e-06;
	v48 =	vsub.f32 v13, v6;
	v12 =	vsub.f32 v12, v47;
	v19, _, _ =	vpop (xrf2)  }
0x161: {  	[tilespmem:s8+$0x101E0] =	vst v3;
	(erf) = vrcp.f32 v45;
	v56 =	vperm.xlane v19, v1;
	v18 =	vadd.f32 v52, v20  }
0x162: {  	[tilespmem:s8+$0x101F0] =	vst v3;
	v0 =	vadd.f32 $4.999999700e-01, v0;
	v13 =	vmul.f32 $1.280000000e+02, v13;
	(erf) = vrcp.f32 v48;
	v17, _, _ =	vpop (xrf2)  }
0x163: {  	[tilespmem:s8+$0x10200] =	vst v3;
	v36 =	vadd.f32 $4.999999700e-01, v59;
	v60 =	vperm.xlane v17, v1;
	v15 =	vadd.f32 v56, v18;
	v58 =	vpop (erf)  }
0x164: {  	s23 =	sadd.s32 $0x1B0, s8;
	[tilespmem:s8+$0x10210] =	vst v3;
	v59 =	vmul.f32 $1.280000000e+02, v43;
	v50 =	vsub.f32 v46, v49;
	v16, _, _ =	vpop (xrf2);
	v22 =	vmul.f32 v63, v58  }
0x165: {  	s1 =	sand.u32 $0x7FF0, s23;
	[tilespmem:s8+$0x10220] =	vst v3;
	(erf) = vrcp.f32 v51;
	v61 =	vperm.xlane v16, v1;
	v14 =	vadd.f32 v60, v15  }
0x166: {  	[tilespmem:s1+$0x10080] =	vst v3;
	(erf) = vrcp.f32 v50;
	v11 =	vsel vm3, v63, v22;
	v63 =	vperm.xlane v47, v3  }
0x167: {  	[tilespmem:s31+$0xC180] =	vst v27;
	v0 =	vtrunc.f32 v0;
	v13 =	vadd.f32 $4.999999700e-01, v13;
	v52 =	vadd.f32 v61, v14  }
0x168: {  	[tilespmem:s31+$0xE180] =	vst v38;
	v0 =	vcvt.f32.s32 v0;
	v36 =	vtrunc.f32 v36;
	v22 =	vsel vm1, v62, v63  }
0x169: {  	[tilespmem:v28+s8+$0x101B0] =	vst.idx.add.s32.msk $0xffff, v53;
	v36 =	vcvt.f32.s32 v36;
	(erf) = vrcp.f32 v52;
	v22 =	vsub.f32 v22, v37  }
0x16a: {  	[tilespmem:s31+$0xC190] =	vst v26;
	v26 =	vld [tilespmem:s31+$0x4220];
	v33 =	vadd.f32 v23, v33;
	v13 =	vtrunc.f32 v13;
	v56 =	vpop (erf);
	v9 =	vmul.f32 v11, v9  }
0x16b: {  	v13 =	vcvt.f32.s32 v13;
	v58 =	vpop (erf);
	vm3 =	vlt.f32 v45, $9.999999740e-06;
	v35 =	vmul.f32 v22, v56  }
0x16c: {  	v9 =	vsub.f32 v29, v9;
	v29 =	vmul.f32 v12, v58;
	v58 =	vperm.xlane v30, v4  }
0x16d: {  	v61 =	vperm.xlane v32, v4;
	v62 =	vperm.xlane v30, v3;
	v35 =	vsel vm3, v22, v35  }
0x16e: {  	v60 =	vpop (erf);
	v40 =	vsub.f32 v58, v30;
	vm3 =	vlt.f32 v48, $9.999999740e-06;
	v22 =	vmul.f32 v35, v41  }
0x16f: {  	v63 =	vpop (erf);
	v58 =	vperm.xlane v26, v3;
	v12 =	vsel vm3, v12, v29;
	v29 =	vsel vm1, v61, v62  }
0x170: {  	v44 =	vld [tilespmem:s31+$0x4210];
	v61 =	vadd.f32 $4.999999700e-01, v59;
	v62 =	vmul.f32 v63, v40;
	v48 =	vsub.f32 v29, v32  }
0x171: {  	[tilespmem:s31+$0xE190] =	vst v31;
	v21 =	vadd.f32 v20, v21;
	v63 =	vmul.f32 $1.280000000e+02, v46;
	v6 =	vmul.f32 v12, v6  }
0x172: {  	[tilespmem:v5+s8+$0x101B0] =	vst.idx.add.s32.msk $0xffff, v53;
	v37 =	vsub.f32 v37, v22;
	v5 =	vtrunc.f32 v61;
	v56 =	vmul.f32 v48, v60;
	v22 =	vpop (erf)  }
0x173: {  	[tilespmem:s31+$0xC1A0] =	vst v25;
	vm3 =	vlt.f32 v51, $9.999999740e-06;
	v5 =	vcvt.f32.s32 v5;
	v41 =	vmul.f32 v22, v42  }
0x174: {  	[tilespmem:s31+$0xE1A0] =	vst v8;
	v52 =	vmul.f32 $0.0e+00, v22;
	v38 =	vmul.f32 v22, v55;
	v27 =	vsel vm3, v48, v56  }
0x175: {  	[tilespmem:v7+s8+$0x101B0] =	vst.idx.add.s32.msk $0xffff, v53;
	v39 =	vmul.f32 v22, v39;
	vm3 =	vlt.f32 v50, $9.999999740e-06;
	v50 =	vperm.xlane v44, v3  }
0x176: {  	v19 =	vadd.f32 v18, v19;
	v55 =	vperm.xlane v44, v4;
	v33 =	vmul.f32 v22, v33  }
0x177: {  	v17 =	vadd.f32 v15, v17;
	v23 =	vmul.f32 v22, v23;
	v21 =	vmul.f32 v22, v21  }
0x178: {  	v16 =	vadd.f32 v14, v16;
	[tilespmem:s31+$0xC1B0] =	vst v11;
	v20 =	vmul.f32 v22, v20;
	v19 =	vmul.f32 v22, v19  }
0x179: {  	[tilespmem:s31+$0xE1B0] =	vst v9;
	v18 =	vmul.f32 v22, v18;
	v17 =	vmul.f32 v22, v17  }
0x17a: {  	[tilespmem:v0+s8+$0x101B0] =	vst.idx.add.s32.msk $0xffff, v53;
	v15 =	vmul.f32 v22, v15;
	v16 =	vmul.f32 v22, v16  }
0x17b: {  	v6 =	vsub.f32 v47, v6;
	v14 =	vmul.f32 v22, v14;
	v54 =	vperm.xlane v41, v57  }
0x17c: {  	v31 =	vsel vm3, v40, v62;
	v51 =	vmul.f32 v27, v10;
	v60 =	vperm.xlane v38, v57  }
0x17d: {  	[tilespmem:s31+$0xE1C0] =	vst v37;
	v37 =	vld [tilespmem:s31+$0x4240];
	v7 =	vmul.f32 v31, v49;
	v0 =	vsel vm1, v55, v58;
	v29 =	vsel vm0, v52, v54  }
0x17e: {  	v42 =	vld [tilespmem:s31+$0x4200];
	v62 =	vperm.xlane v33, v57;
	v40 =	vmul.f32 $1.280000000e+02, v41;
	v43 =	vsub.f32 v41, v29  }
0x17f: {  	v47 =	vmul.f32 $1.280000000e+02, v38;
	v8 =	vsub.f32 v32, v51;
	v0 =	vsub.f32 v0, v44  }
0x180: {  	v28 =	vsel vm0, v39, v60;
	v52 =	vadd.f32 v24, v34;
	(erf) = vrcp.f32 v43  }
0x181: {  	v54 =	vadd.f32 $4.999999700e-01, v63;
	v24 =	vmul.f32 v22, v24;
	v39 =	vsub.f32 v38, v28  }
0x182: {  	[tilespmem:s31+$0xC1C0] =	vst v35;
	v23 =	vsel vm0, v23, v62;
	v51 =	vperm.xlane v37, v3;
	v10 =	vmul.f32 v22, v52  }
0x183: {  	[tilespmem:v36+s8+$0x101B0] =	vst.idx.add.s32.msk $0xffff, v53;
	v11 =	vadd.f32 $4.999999700e-01, v40;
	v48 =	vperm.xlane v42, v4;
	(erf) = vrcp.f32 v39  }
0x184: {  	[tilespmem:s31+$0xC1D0] =	vst v12;
	v7 =	vsub.f32 v30, v7;
	v62 =	vperm.xlane v17, v57;
	v60 =	vperm.xlane v10, v57  }
0x185: {  	[tilespmem:s31+$0xE1D0] =	vst v6;
	v32 =	vld [tilespmem:s31+$0x4230];
	v61 =	vtrunc.f32 v54;
	v6 =	vtrunc.f32 v11;
	v25 =	vsel vm1, v48, v50  }
0x186: {  	[tilespmem:v13+s8+$0x101B0] =	vst.idx.add.s32.msk $0xffff, v53;
	v56 =	vsub.f32 v25, v42;
	v25 =	vcvt.f32.s32 v61;
	v24 =	vsel vm0, v24, v60  }
0x187: {  	[tilespmem:s31+$0xC1E0] =	vst v27;
	v54 =	vperm.xlane v21, v57;
	v15 =	vsel vm0, v15, v62;
	v63 =	vsub.f32 v10, v24  }
0x188: {  	[tilespmem:s31+$0xE1E0] =	vst v8;
	vm3 =	vlt.f32 v43, $9.999999740e-06;
	v43 =	vsub.f32 v33, v23;
	v48 =	vperm.xlane v26, v4  }
0x189: {  	[tilespmem:v5+s8+$0x101B0] =	vst.idx.add.s32.msk $0xffff, v53;
	v5 =	vcvt.f32.s32 v6;
	v6 =	vadd.f32 $4.999999700e-01, v47;
	v59 =	vpop (erf);
	(erf) = vrcp.f32 v63  }
0x18a: {  	[tilespmem:s31+$0xC1F0] =	vst v31;
	v34 =	vsub.f32 v17, v15;
	v17 =	vmul.f32 $1.280000000e+02, v17;
	v49 =	vperm.xlane v32, v3  }
0x18b: {  	[tilespmem:s31+$0xE1F0] =	vst v7;
	v7 =	vld [tilespmem:s31+$0x4250];
	v50 =	vperm.xlane v32, v4;
	v20 =	vsel vm0, v20, v54;
	v9 =	vmul.f32 v56, v59  }
0x18c: {  	v6 =	vtrunc.f32 v6;
	v54 =	vadd.f32 $4.999999700e-01, v17;
	[tilespmem:v25+s8+$0x101B0] =	vst.idx.add.s32.msk $0xffff, v53;
	v41 =	vpop (erf);
	(erf) = vrcp.f32 v43  }
0x18d: {  	v52 =	vsel vm1, v48, v49;
	v25 =	vld [tilespmem:s31+$0x4270];
	v35 =	vmul.f32 v0, v41;
	v9 =	vsel vm3, v56, v9  }
0x18e: {  	v27 =	vsel vm1, v50, v51;
	vm3 =	vlt.f32 v39, $9.999999740e-06;
	v45 =	vmul.f32 v9, v29;
	v29 =	vld [tilespmem:s31+$0x4260];
	[tilespmem:s8+$0x10240] =	vst v3  }
0x18f: {  	v60 =	vperm.xlane v37, v4;
	v10 =	vmul.f32 $1.280000000e+02, v10;
	v0 =	vsel vm3, v0, v35;
	[tilespmem:s8+$0x10250] =	vst v3  }
0x190: {  	v59 =	vperm.xlane v19, v57;
	[tilespmem:s8+$0x10260] =	vst v3;
	v46 =	vmul.f32 v0, v28;
	v28 =	vsub.f32 v21, v20  }
0x191: {  	v6 =	vcvt.f32.s32 v6;
	v8 =	vsub.f32 v52, v26;
	v10 =	vadd.f32 $4.999999700e-01, v10;
	[tilespmem:s8+$0x10270] =	vst v3  }
0x192: {  	v61 =	vperm.xlane v7, v3;
	v18 =	vsel vm0, v18, v59;
	[tilespmem:s8+$0x10280] =	vst v3;
	v55 =	vpop (erf);
	(erf) = vrcp.f32 v28  }
0x193: {  	v38 =	vperm.xlane v7, v4;
	v10 =	vtrunc.f32 v10;
	v30 =	vsub.f32 v19, v18;
	[tilespmem:s8+$0x10290] =	vst v3  }
0x194: {  	s24 =	sadd.s32 $0x240, s8;
	v10 =	vcvt.f32.s32 v10;
	vm3 =	vlt.f32 v63, $9.999999740e-06;
	[tilespmem:s8+$0x102A0] =	vst v3;
	v63 =	vmul.f32 $1.280000000e+02, v33  }
0x195: {  	s1 =	sand.u32 $0x7FF0, s24;
	v27 =	vsub.f32 v27, v32;
	[tilespmem:s8+$0x102B0] =	vst v3;
	v19 =	vmul.f32 $1.280000000e+02, v19;
	v56 =	vpop (erf);
	(erf) = vrcp.f32 v30  }
0x196: {  	v48 =	vperm.xlane v25, v3;
	[tilespmem:s1+$0x10080] =	vst v3;
	v12 =	vsub.f32 v42, v45;
	v31 =	vadd.f32 $4.999999700e-01, v63  }
0x197: {  	v35 =	vperm.xlane v16, v57;
	v21 =	vmul.f32 $1.280000000e+02, v21;
	[tilespmem:s31+$0xC200] =	vst v9;
	v49 =	vadd.f32 $4.999999700e-01, v19  }
0x198: {  	v11 =	vsub.f32 v44, v46;
	[tilespmem:s31+$0xE200] =	vst v12;
	v40 =	vtrunc.f32 v31;
	v39 =	vperm.xlane v29, v3  }
0x199: {  	[tilespmem:v5+s8+$0x10240] =	vst.idx.add.s32.msk $0xffff, v53;
	v5 =	vsel vm0, v14, v35;
	v42 =	vcvt.f32.s32 v40;
	v13 =	vmul.f32 v8, v55  }
0x19a: {  	v47 =	vperm.xlane v29, v4;
	v22 =	vsub.f32 v16, v5;
	v58 =	vmul.f32 v27, v56  }
0x19b: {  	v8 =	vsel vm3, v8, v13;
	vm3 =	vlt.f32 v43, $9.999999740e-06;
	v33 =	vpop (erf);
	(erf) = vrcp.f32 v34  }
0x19c: {  	[tilespmem:s31+$0xC210] =	vst v0;
	v13 =	vsel vm3, v27, v58;
	v27 =	vsel vm1, v60, v61;
	v24 =	vmul.f32 v8, v24  }
0x19d: {  	v0 =	vadd.f32 $4.999999700e-01, v21;
	[tilespmem:s31+$0xE210] =	vst v11;
	v55 =	vperm.xlane v25, v4;
	v27 =	vsub.f32 v27, v37  }
0x19e: {  	v41 =	vsel vm1, v38, v39;
	[tilespmem:v6+s8+$0x10240] =	vst.idx.add.s32.msk $0xffff, v53;
	v6 =	vsub.f32 v26, v24;
	v45 =	vpop (erf);
	(erf) = vrcp.f32 v22  }
0x19f: {  	vm3 =	vlt.f32 v28, $9.999999740e-06;
	[tilespmem:s31+$0xC220] =	vst v8;
	v23 =	vmul.f32 v13, v23;
	v28 =	vmul.f32 v27, v33  }
0x1a0: {  	v14 =	vsel vm1, v47, v48;
	v44 =	vsub.f32 v41, v7;
	v0 =	vtrunc.f32 v0;
	[tilespmem:s31+$0xE220] =	vst v6  }
0x1a1: {  	v0 =	vcvt.f32.s32 v0;
	v46 =	vsub.f32 v32, v23;
	[tilespmem:v10+s8+$0x10240] =	vst.idx.add.s32.msk $0xffff, v53;
	v36 =	vsel vm3, v27, v28  }
0x1a2: {  	v14 =	vsub.f32 v14, v29;
	[tilespmem:s31+$0xC230] =	vst v13;
	v21 =	vmul.f32 v44, v45;
	v43 =	vmul.f32 v36, v20  }
0x1a3: {  	v58 =	vmul.f32 $1.280000000e+02, v16;
	v10 =	vtrunc.f32 v49;
	[tilespmem:s31+$0xE230] =	vst v46;
	vm3 =	vlt.f32 v30, $9.999999740e-06  }
0x1a4: {  	v10 =	vcvt.f32.s32 v10;
	[tilespmem:v42+s8+$0x10240] =	vst.idx.add.s32.msk $0xffff, v53;
	v50 =	vsel vm3, v44, v21;
	v6 =	vsub.f32 v37, v43;
	v52 =	vpop (erf)  }
0x1a5: {  	v59 =	vsub.f32 v55, v25;
	[tilespmem:s31+$0xC240] =	vst v36;
	v51 =	vmul.f32 v50, v18;
	v56 =	vmul.f32 v14, v52  }
0x1a6: {  	v61 =	vadd.f32 $4.999999700e-01, v58;
	vm3 =	vlt.f32 v34, $9.999999740e-06;
	[tilespmem:s31+$0xE240] =	vst v6;
	v6 =	vtrunc.f32 v54  }
0x1a7: {  	v7 =	vsub.f32 v7, v51;
	[tilespmem:v0+s8+$0x10240] =	vst.idx.add.s32.msk $0xffff, v53;
	v6 =	vcvt.f32.s32 v6;
	v60 =	vpop (erf);
	v0 =	vsel vm3, v14, v56  }
0x1a8: {  	[tilespmem:s31+$0xC250] =	vst v50;
	v8 =	vmul.f32 v60, v59;
	v62 =	vmul.f32 v0, v15  }
0x1a9: {  	[tilespmem:s31+$0xE250] =	vst v7;
	v7 =	vtrunc.f32 v61;
	vm3 =	vlt.f32 v22, $9.999999740e-06  }
0x1aa: {  	[tilespmem:v10+s8+$0x10240] =	vst.idx.add.s32.msk $0xffff, v53;
	v7 =	vcvt.f32.s32 v7;
	v8 =	vsel vm3, v59, v8;
	v63 =	vsub.f32 v29, v62  }
0x1ab: {  	p1 =	slt.u32 s30, $0x37;
	[tilespmem:s31+$0xC260] =	vst v0;
	v0 =	vmul.f32 v8, v5  }
.Ltmp2:
0x1ac: {  	[tilespmem:s31+$0xE260] =	vst v63;
	(pc) =	sbr.rel @p1 .LBB2_3-.Ltmp2, $4  }
0x1ad: {  	v0 =	vsub.f32 v25, v0;
	[tilespmem:v6+s8+$0x10240] =	vst.idx.add.s32.msk $0xffff, v53  }
0x1ae: {  	s9 =	sadd.s32 $0x5, s30;
	[tilespmem:s31+$0xC270] =	vst v8  }
0x1af: {  	s30 =	smov.u32 s9;
	s2 =	simm.s32 $0x121C0;
	[tilespmem:s31+$0xE270] =	vst v0  }
0x1b0: {  	v2 =	vlaneseq.u32;
	s6 =	simm.s32 $0x100C0;
	s1 =	simm.s32 $0x1E34;
	[tilespmem:v7+s8+$0x10240] =	vst.idx.add.s32.msk $0xffff, v53;
	s8 =	simm.s32 $0x21C0  }
.LBB2_4:
0x1b1: {  	v0 =	vld [tilespmem:s1+$0xFFFFFF90];
	_ =	sdelay $0x1  }
0x1b2: {  	v5 =	vld [tilespmem:s1+$0xFFFFFFA0];
	_ =	sdelay $0x1  }
0x1b3: {  	v6 =	vld [tilespmem:s1+$0xFFFFFFB0]  }
0x1b4: {  	v0 =	vadd.f32 $9.999999740e-06, v0  }
0x1b5: {  	v7 =	vld [tilespmem:s1+$0xFFFFFFC0]  }
0x1b6: {  	v5 =	vadd.f32 $9.999999740e-06, v5;
	(xrf2) =	vadd.scan.msk.f32 $0xffff, v0  }
0x1b7: {  	v0 =	vld [tilespmem:s1+$0xFFFFFFD0]  }
0x1b8: {  	v6 =	vadd.f32 $9.999999740e-06, v6;
	(xrf2) =	vadd.scan.msk.f32 $0xffff, v5  }
0x1b9: {  	v5 =	vld [tilespmem:s1+$0xFFFFFFE0]  }
0x1ba: {  	v7 =	vadd.f32 $9.999999740e-06, v7;
	(xrf2) =	vadd.scan.msk.f32 $0xffff, v6  }
0x1bb: {  	v6 =	vld [tilespmem:s1+$0xFFFFFFF0]  }
0x1bc: {  	v8 =	vld [tilespmem:s1+$0x0];
	(xrf2) =	vadd.scan.msk.f32 $0xffff, v7;
	v0 =	vadd.f32 $9.999999740e-06, v0;
	_ =	sdelay $0x1  }
0x1bd: {  	v5 =	vadd.f32 $9.999999740e-06, v5;
	(xrf2) =	vadd.scan.msk.f32 $0xffff, v0;
	_ =	sdelay $0x1  }
0x1be: {  	v0 =	vadd.f32 $9.999999740e-06, v6;
	v6, _, _ =	vpop (xrf2);
	(xrf2) =	vadd.scan.msk.f32 $0xffff, v5  }
0x1bf: {  	v5 =	vadd.f32 $9.999999740e-06, v8;
	v7 =	vperm.xlane v6, v1  }
0x1c0: {  	v42, _, _ =	vpop (xrf2);
	(xrf2) =	vadd.scan.msk.f32 $0xffff, v0  }
0x1c1: {  	v0 =	vsel vm2, $0x0, v5;
	v5 =	vperm.xlane v42, v1;
	v7 =	vadd.f32 $0.0e+00, v7  }
0x1c2: {  	v9, _, _ =	vpop (xrf2);
	(xrf2) =	vadd.scan.msk.f32 $0xffff, v0  }
0x1c3: {  	v0 =	vperm.xlane v9, v1;
	v5 =	vadd.f32 v5, v7  }
0x1c4: {  	v10, _, _ =	vpop (xrf2)  }
0x1c5: {  	v11 =	vperm.xlane v10, v1;
	v0 =	vadd.f32 v0, v5  }
0x1c6: {  	v12, _, _ =	vpop (xrf2)  }
0x1c7: {  	v13 =	vperm.xlane v12, v1;
	v11 =	vadd.f32 v11, v0  }
0x1c8: {  	v17, _, _ =	vpop (xrf2)  }
0x1c9: {  	v14 =	vperm.xlane v17, v1;
	v13 =	vadd.f32 v13, v11  }
0x1ca: {  	v18, _, _ =	vpop (xrf2)  }
0x1cb: {  	v15 =	vperm.xlane v18, v1;
	v19 =	vadd.f32 v14, v13  }
0x1cc: {  	v20, _, _ =	vpop (xrf2)  }
0x1cd: {  	v16 =	vperm.xlane v20, v1;
	v14 =	vadd.f32 v15, v19;
	_ =	sdelay $0x1  }
0x1ce: {  	v15 =	vadd.f32 v16, v14;
	_ =	sdelay $0x1  }
0x1cf: {  	(erf) = vrcp.f32 v15  }
0x1d0: {  	s9 =	sshra.s32 s29, $0x2  }
0x1d1: {  	v23 =	vld [tilespmem:s9+$0x5E00]  }
0x1d2: {  	v24 =	vld [tilespmem:s9+$0x5E10]  }
0x1d3: {  	v49 =	vld [tilespmem:s9+$0x5E30];
	_ =	sdelay $0x1  }
0x1d4: {  	v32 =	vld [tilespmem:s9+$0x5E40];
	_ =	sdelay $0x1  }
0x1d5: {  	v33 =	vld [tilespmem:s9+$0x5E60];
	v26 =	vperm.xlane v23, v4;
	v27 =	vperm.xlane v24, v3;
	v6 =	vadd.f32 $0.0e+00, v6  }
0x1d6: {  	v28 =	vperm.xlane v24, v4;
	v51 =	vperm.xlane v49, v3;
	v15 =	vld [tilespmem:s9+$0x5E20];
	v43 =	vpop (erf)  }
0x1d7: {  	v52 =	vperm.xlane v49, v4;
	v6 =	vmul.f32 v43, v6  }
0x1d8: {  	v54 =	vperm.xlane v32, v3;
	v63 =	vperm.xlane v32, v4;
	v26 =	vsel vm1, v26, v27  }
0x1d9: {  	v8 =	vadd.f32 v7, v42;
	v44 =	vmul.f32 $0.0e+00, v43;
	v21 =	vperm.xlane v6, v57  }
0x1da: {  	v42 =	vperm.xlane v33, v3;
	v9 =	vadd.f32 v5, v9;
	v10 =	vadd.f32 v0, v10  }
0x1db: {  	v29 =	vperm.xlane v15, v3;
	v50 =	vperm.xlane v15, v4;
	v21 =	vsel vm0, v44, v21  }
0x1dc: {  	v8 =	vmul.f32 v43, v8;
	v7 =	vmul.f32 v43, v7;
	v25 =	vsub.f32 v6, v21  }
0x1dd: {  	v12 =	vadd.f32 v11, v12;
	v9 =	vmul.f32 v43, v9;
	v5 =	vmul.f32 v43, v5  }
0x1de: {  	v17 =	vadd.f32 v13, v17;
	v22 =	vperm.xlane v8, v57;
	(erf) = vrcp.f32 v25  }
0x1df: {  	v18 =	vadd.f32 v19, v18;
	v10 =	vmul.f32 v43, v10;
	v0 =	vmul.f32 v43, v0  }
0x1e0: {  	v12 =	vmul.f32 v43, v12;
	v11 =	vmul.f32 v43, v11;
	v7 =	vsel vm0, v7, v22  }
0x1e1: {  	v17 =	vmul.f32 v43, v17;
	v13 =	vmul.f32 v43, v13;
	v22 =	vsub.f32 v8, v7  }
0x1e2: {  	v20 =	vadd.f32 v14, v20;
	v18 =	vmul.f32 v43, v18;
	v45 =	vperm.xlane v9, v57  }
0x1e3: {  	v26 =	vsub.f32 v26, v23;
	v19 =	vmul.f32 v43, v19;
	(erf) = vrcp.f32 v22  }
0x1e4: {  	v20 =	vmul.f32 v43, v20;
	v14 =	vmul.f32 v43, v14;
	v5 =	vsel vm0, v5, v45  }
0x1e5: {  	v46 =	vperm.xlane v10, v57;
	v55 =	vperm.xlane v12, v57;
	v48 =	vsub.f32 v9, v5  }
0x1e6: {  	v28 =	vsel vm1, v28, v29;
	v62 =	vperm.xlane v17, v57;
	v36 =	vperm.xlane v18, v57  }
0x1e7: {  	v28 =	vsub.f32 v28, v24;
	v39 =	vperm.xlane v20, v57;
	v47 =	vpop (erf);
	(erf) = vrcp.f32 v48  }
0x1e8: {  	v0 =	vsel vm0, v0, v46;
	v11 =	vsel vm0, v11, v55;
	v13 =	vsel vm0, v13, v62  }
0x1e9: {  	v6 =	vmul.f32 $1.280000000e+02, v6;
	vm3 =	vlt.f32 v25, $9.999999740e-06;
	v25 =	vmul.f32 v26, v47  }
0x1ea: {  	v31 =	vsub.f32 v10, v0;
	v8 =	vmul.f32 $1.280000000e+02, v8;
	v59 =	vsub.f32 v12, v11  }
0x1eb: {  	v9 =	vmul.f32 $1.280000000e+02, v9;
	v10 =	vmul.f32 $1.280000000e+02, v10;
	v25 =	vsel vm3, v26, v25  }
0x1ec: {  	v6 =	vadd.f32 $4.999999700e-01, v6;
	v30 =	vpop (erf);
	(erf) = vrcp.f32 v31;
	v21 =	vmul.f32 v25, v21  }
0x1ed: {  	v12 =	vmul.f32 $1.280000000e+02, v12;
	v8 =	vadd.f32 $4.999999700e-01, v8;
	v9 =	vadd.f32 $4.999999700e-01, v9  }
0x1ee: {  	v29 =	vld [tilespmem:s9+$0x5E70];
	v10 =	vadd.f32 $4.999999700e-01, v10;
	v21 =	vsub.f32 v23, v21;
	v23 =	vsel vm1, v50, v51  }
0x1ef: {  	v6 =	vtrunc.f32 v6;
	v8 =	vtrunc.f32 v8;
	v26 =	vld [tilespmem:s9+$0x5E50];
	[tilespmem:s2+$0x0] =	vst v3;
	v23 =	vsub.f32 v23, v15  }
0x1f0: {  	v12 =	vadd.f32 $4.999999700e-01, v12;
	v9 =	vtrunc.f32 v9;
	v30 =	vmul.f32 v28, v30;
	[tilespmem:s2+$0x10] =	vst v3;
	v56 =	vpop (erf)  }
0x1f1: {  	v10 =	vtrunc.f32 v10;
	vm3 =	vlt.f32 v22, $9.999999740e-06;
	[tilespmem:s2+$0x20] =	vst v3;
	v58 =	vmul.f32 v23, v56  }
0x1f2: {  	[tilespmem:s2+$0x30] =	vst v3;
	v22 =	vsel vm3, v28, v30;
	vm3 =	vlt.f32 v48, $9.999999740e-06;
	(erf) = vrcp.f32 v59  }
0x1f3: {  	[tilespmem:s2+$0x40] =	vst v3;
	v23 =	vsel vm3, v23, v58;
	vm3 =	vlt.f32 v31, $9.999999740e-06;
	v31 =	vsub.f32 v17, v13  }
0x1f4: {  	v46 =	vtrunc.f32 v12;
	v6 =	vcvt.f32.s32 v6;
	[tilespmem:s2+$0x50] =	vst v3  }
0x1f5: {  	s10 =	sand.u32 $0x3FFFFF80, s8;
	v8 =	vcvt.f32.s32 v8;
	[tilespmem:s2+$0x60] =	vst v3;
	v60 =	vpop (erf);
	(erf) = vrcp.f32 v31  }
0x1f6: {  	s10 =	sadd.s32 s10, s6;
	v19 =	vsel vm0, v19, v36;
	v9 =	vcvt.f32.s32 v9;
	[tilespmem:s2+$0x70] =	vst v3;
	v7 =	vmul.f32 v22, v7  }
0x1f7: {  	v38 =	vsub.f32 v18, v19;
	[tilespmem:s10+$0x0] =	vst v3;
	v48 =	vmul.f32 $1.280000000e+02, v17;
	v50 =	vperm.xlane v29, v3  }
0x1f8: {  	[tilespmem:s9+$0xDE00] =	vst v25;
	v7 =	vsub.f32 v24, v7;
	v24 =	vsel vm1, v52, v54;
	v52 =	vmul.f32 $1.280000000e+02, v18  }
0x1f9: {  	v51 =	vadd.f32 $4.999999700e-01, v48;
	v24 =	vsub.f32 v24, v49;
	v34 =	vperm.xlane v26, v3;
	[tilespmem:s9+$0xFE00] =	vst v21  }
0x1fa: {  	v41 =	vperm.xlane v26, v4;
	[tilespmem:v6+s2+$0x0] =	vst.idx.add.s32.msk $0xffff, v53;
	v6 =	vsel vm0, v14, v39;
	v55 =	vadd.f32 $4.999999700e-01, v52  }
0x1fb: {  	v28 =	vsel vm1, v63, v34;
	v61 =	vmul.f32 v24, v60;
	v37 =	vpop (erf);
	(erf) = vrcp.f32 v38  }
0x1fc: {  	[tilespmem:s9+$0xDE10] =	vst v22;
	v43 =	vsel vm1, v41, v42;
	v16 =	vsub.f32 v20, v6;
	v5 =	vmul.f32 v23, v5  }
0x1fd: {  	[tilespmem:s9+$0xFE10] =	vst v7;
	v7 =	vcvt.f32.s32 v10;
	v28 =	vsub.f32 v28, v32;
	v24 =	vsel vm3, v24, v61  }
0x1fe: {  	[tilespmem:v8+s2+$0x0] =	vst.idx.add.s32.msk $0xffff, v53;
	v0 =	vmul.f32 v24, v0;
	v5 =	vsub.f32 v15, v5;
	v47 =	vpop (erf);
	(erf) = vrcp.f32 v16  }
0x1ff: {  	v56 =	vperm.xlane v29, v4;
	v45 =	vsub.f32 v43, v26;
	[tilespmem:s9+$0xDE20] =	vst v23;
	v30 =	vmul.f32 v28, v37  }
0x200: {  	vm3 =	vlt.f32 v59, $9.999999740e-06;
	v0 =	vsub.f32 v49, v0;
	v49 =	vperm.xlane v33, v4;
	[tilespmem:s9+$0xFE20] =	vst v5  }
0x201: {  	v8 =	vcvt.f32.s32 v46;
	v58 =	vmul.f32 $1.280000000e+02, v20;
	[tilespmem:v9+s2+$0x0] =	vst.idx.add.s32.msk $0xffff, v53;
	v40 =	vsel vm3, v28, v30  }
0x202: {  	v10 =	vsel vm1, v49, v50;
	[tilespmem:s9+$0xDE30] =	vst v24;
	v44 =	vmul.f32 v40, v11;
	v12 =	vmul.f32 v45, v47  }
0x203: {  	v9 =	vtrunc.f32 v51;
	[tilespmem:s9+$0xFE30] =	vst v0;
	v10 =	vsub.f32 v10, v33;
	vm3 =	vlt.f32 v31, $9.999999740e-06  }
0x204: {  	[tilespmem:v7+s2+$0x0] =	vst.idx.add.s32.msk $0xffff, v53;
	v7 =	vcvt.f32.s32 v9;
	v5 =	vsub.f32 v32, v44;
	v11 =	vsel vm3, v45, v12;
	v54 =	vpop (erf)  }
0x205: {  	v59 =	vsub.f32 v56, v29;
	[tilespmem:s9+$0xDE40] =	vst v40;
	v0 =	vmul.f32 v11, v13;
	v13 =	vmul.f32 v10, v54  }
0x206: {  	v62 =	vadd.f32 $4.999999700e-01, v58;
	[tilespmem:s9+$0xFE40] =	vst v5;
	vm3 =	vlt.f32 v38, $9.999999740e-06;
	v5 =	vtrunc.f32 v55  }
0x207: {  	[tilespmem:v8+s2+$0x0] =	vst.idx.add.s32.msk $0xffff, v53;
	v5 =	vcvt.f32.s32 v5;
	v0 =	vsub.f32 v26, v0;
	v60 =	vsel vm3, v10, v13;
	v61 =	vpop (erf)  }
0x208: {  	[tilespmem:s9+$0xDE50] =	vst v11;
	v63 =	vmul.f32 v60, v19;
	v10 =	vmul.f32 v61, v59  }
0x209: {  	vm3 =	vlt.f32 v16, $9.999999740e-06;
	[tilespmem:s9+$0xFE50] =	vst v0;
	v0 =	vtrunc.f32 v62  }
0x20a: {  	[tilespmem:v7+s2+$0x0] =	vst.idx.add.s32.msk $0xffff, v53;
	v0 =	vcvt.f32.s32 v0;
	v7 =	vsub.f32 v33, v63;
	v9 =	vsel vm3, v59, v10  }
0x20b: {  	p1 =	sne.s32 s29, $0x600;
	[tilespmem:s9+$0xDE60] =	vst v60;
	v6 =	vmul.f32 v9, v6  }
.Ltmp3:
0x20c: {  	[tilespmem:s9+$0xFE60] =	vst v7;
	(pc) =	sbr.rel @p1 .LBB2_4-.Ltmp3, $4  }
0x20d: {  	[tilespmem:v5+s2+$0x0] =	vst.idx.add.s32.msk $0xffff, v53;
	v5 =	vsub.f32 v29, v6  }
0x20e: {  	[tilespmem:s9+$0xDE70] =	vst v9  }
0x20f: {  	s8 =	sadd.s32 $0x90, s8;
	s29 =	sadd.s32 $0x200, s29;
	[tilespmem:s9+$0xFE70] =	vst v5  }
0x210: {  	s6 =	sadd.s32 $0x10, s6;
	s1 =	sadd.s32 $0x7F, s1;
	[tilespmem:v0+s2+$0x0] =	vst.idx.add.s32.msk $0xffff, v53;
	s2 =	sadd.s32 $0x90, s2  }
0x211: {  	v59 =	vld [tilespmem:$0x1FF90]  }
0x212: {  	v60 =	vld [tilespmem:$0x1FFA0]  }
0x213: {  	v61 =	vld [tilespmem:$0x1FFB0]  }
0x214: {  	v62 =	vld [tilespmem:$0x1FFC0]  }
0x215: {  	v63 =	vld [tilespmem:$0x1FFD0]  }
0x216: {  	v2 =	vld [tilespmem:$0x1FFE0]  }
0x217: {  	s1 =	simm.s32 $0x0;
	v58 =	vld [tilespmem:$0x1FFF0]  }
.LBB2_6:
0x218: {  	s2 =	smul.u32 $0x240, s1;
	_ =	sdelay $0x1  }
0x219: {  	s2 =	sshra.s32 s2, $0x2  }
0x21a: {  	v0 =	vld [tilespmem:s2+$0x10000];
	_ =	sdelay $0x4  }
0x21b: {  	(xrf0) =	vadd.scan.msk.s32 $0xffff, v0  }
0x21c: {  	v55 =	vld [tilespmem:$0x1FF80]  }
0x21d: {  	v0 =	vld [tilespmem:s2+$0x10010]  }
0x21e: {  	v5 =	vld [tilespmem:s2+$0x10020]  }
0x21f: {  	v6 =	vld [tilespmem:s2+$0x10030]  }
0x220: {  	v8 =	vld [tilespmem:s2+$0x10040]  }
0x221: {  	s8 =	sor.u32 $0x1, s1;
	v9 =	vld [tilespmem:s2+$0x10050];
	v7, _, _ =	vpop (xrf0)  }
0x222: {  	s23 =	smul.u32 $0x90, s8;
	(xrf0) =	vadd.scan.msk.s32 $0xffff, v0;
	v0 =	vld [tilespmem:s2+$0x10060]  }
0x223: {  	v10 =	vld [tilespmem:s2+$0x10070];
	(xrf0) =	vadd.scan.msk.s32 $0xffff, v5  }
0x224: {  	s6 =	sshll.u32 s1, $0x7;
	(xrf0) =	vadd.scan.msk.s32 $0xffff, v6;
	v6 =	vld [tilespmem:s23+$0x10000]  }
0x225: {  	(xrf0) =	vadd.scan.msk.s32 $0xffff, v8;
	v5 =	vld.idx.msk [tilespmem:v7+s6+$0xC000], $0xffff  }
0x226: {  	(xrf0) =	vadd.scan.msk.s32 $0xffff, v9  }
0x227: {  	v28 =	vld.idx.msk [tilespmem:v7+s6+$0xE000], $0xffff;
	(xrf0) =	vadd.scan.msk.s32 $0xffff, v0  }
0x228: {  	v29, _, _ =	vpop (xrf0);
	(xrf0) =	vadd.scan.msk.s32 $0xffff, v10  }
0x229: {  	v30, _, _ =	vpop (xrf0);
	(xrf0) =	vadd.scan.msk.s32 $0xffff, v6  }
0x22a: {  	v6, _, _ =	vpop (xrf0);
	v0 =	vmul.f32 v55, v5  }
0x22b: {  	v8, _, _ =	vpop (xrf0)  }
0x22c: {  	v18, _, _ =	vpop (xrf0);
	v0 =	vadd.f32 v0, v28  }
0x22d: {  	v15, _, _ =	vpop (xrf0)  }
0x22e: {  	v14, _, _ =	vpop (xrf0);
	[tilespmem:s6+$0x8000] =	vst v0;
	v0 =	vld [tilespmem:s23+$0x10010]  }
0x22f: {  	v12, _, _ =	vpop (xrf0)  }
0x230: {  	v16 =	vld [tilespmem:s23+$0x10030]  }
0x231: {  	s9 =	sor.u32 $0x30, s23;
	v17 =	vld [tilespmem:s23+$0x10050]  }
0x232: {  	v13 =	vld [tilespmem:s9+$0x10000];
	s9 =	sshll.u32 s8, $0x7;
	v7 =	vperm.xlane v7, v1  }
0x233: {  	s24 =	sor.u32 $0x50, s23;
	v19 =	vld.idx.msk [tilespmem:v12+s9+$0xC000], $0xffff;
	(xrf0) =	vadd.scan.msk.s32 $0xffff, v0  }
0x234: {  	v5 =	vadd.s32 v29, v7;
	v0 =	vld [tilespmem:s24+$0x10000]  }
0x235: {  	s30 =	sor.u32 $0x2, s1;
	v32 =	vld [tilespmem:s23+$0x10070]  }
0x236: {  	s10 =	smul.u32 $0x90, s30;
	s29 =	sor.u32 $0x70, s23;
	v21 =	vld.idx.msk [tilespmem:v12+s9+$0xE000], $0xffff  }
0x237: {  	v31 =	vld [tilespmem:s29+$0x10000];
	(xrf0) =	vadd.scan.msk.s32 $0xffff, v13  }
0x238: {  	v34 =	vld [tilespmem:s10+$0x10000];
	(xrf0) =	vadd.scan.msk.s32 $0xffff, v16  }
0x239: {  	v11 =	vld.idx.msk [tilespmem:v5+s6+$0xC000], $0xffff;
	v33, _, _ =	vpop (xrf0);
	(xrf0) =	vadd.scan.msk.s32 $0xffff, v0;
	v0 =	vmul.f32 v55, v19;
	_ =	sdelay $0x1  }
0x23a: {  	v9 =	vperm.xlane v29, v1;
	v5 =	vld.idx.msk [tilespmem:v5+s6+$0xE000], $0xffff;
	(xrf0) =	vadd.scan.msk.s32 $0xffff, v17;
	v0 =	vadd.f32 v0, v21  }
0x23b: {  	(xrf0) =	vadd.scan.msk.s32 $0xffff, v31  }
0x23c: {  	v7 =	vadd.s32 v7, v9;
	v12 =	vperm.xlane v12, v1;
	(xrf0) =	vadd.scan.msk.s32 $0xffff, v32  }
0x23d: {  	v20 =	vadd.s32 v30, v7;
	v11 =	vmul.f32 v59, v11;
	v38, _, _ =	vpop (xrf0);
	(xrf0) =	vadd.scan.msk.s32 $0xffff, v34  }
0x23e: {  	v35 =	vadd.s32 v33, v12;
	[tilespmem:s9+$0x8000] =	vst v0;
	v0, _, _ =	vpop (xrf0)  }
0x23f: {  	s14 =	sor.u32 $0x30, s10;
	v5 =	vadd.f32 v11, v5;
	v40, _, _ =	vpop (xrf0)  }
0x240: {  	v23 =	vld [tilespmem:s14+$0x10000];
	s2 =	sand.u32 $0x3FFFFF80, s6;
	v19, _, _ =	vpop (xrf0)  }
0x241: {  	[tilespmem:s2+$0x8010] =	vst v5;
	v17, _, _ =	vpop (xrf0)  }
0x242: {  	v5 =	vld.idx.msk [tilespmem:v20+s6+$0xC000], $0xffff;
	v16, _, _ =	vpop (xrf0)  }
0x243: {  	v39 =	vld.idx.msk [tilespmem:v35+s9+$0xC000], $0xffff;
	v44, _, _ =	vpop (xrf0)  }
0x244: {  	v37 =	vld.idx.msk [tilespmem:v20+s6+$0xE000], $0xffff  }
0x245: {  	v36 =	vperm.xlane v30, v1;
	v41 =	vld.idx.msk [tilespmem:v35+s9+$0xE000], $0xffff;
	(xrf0) =	vadd.scan.msk.s32 $0xffff, v23  }
0x246: {  	s8 =	sshll.u32 s30, $0x7  }
0x247: {  	v7 =	vadd.s32 v36, v7;
	v5 =	vmul.f32 v60, v5;
	v46 =	vld.idx.msk [tilespmem:v44+s8+$0xC000], $0xffff  }
0x248: {  	v24 =	vld [tilespmem:s10+$0x10020];
	v22 =	vadd.s32 v6, v7;
	v11 =	vperm.xlane v33, v1;
	v43 =	vmul.f32 v59, v39  }
0x249: {  	v5 =	vadd.f32 v5, v37;
	v48 =	vld.idx.msk [tilespmem:v44+s8+$0xE000], $0xffff  }
0x24a: {  	s31 =	sadd.s32 $0x20, s10;
	s15 =	sor.u32 $0x60, s10;
	v49 =	vld [tilespmem:s10+$0x10070];
	v42 =	vadd.s32 v12, v11;
	v20 =	vperm.xlane v44, v1;
	v11 =	vadd.f32 v43, v41  }
0x24b: {  	s14 =	sor.u32 $0x50, s31;
	v27 =	vld [tilespmem:s15+$0x10000];
	s29 =	sand.u32 $0x3FFFFF80, s9;
	[tilespmem:s2+$0x8020] =	vst v5;
	v25, _, _ =	vpop (xrf0)  }
0x24c: {  	v26 =	vld [tilespmem:s14+$0x10000];
	[tilespmem:s29+$0x8010] =	vst v11;
	v28 =	vadd.s32 v25, v20;
	v11 =	vmul.f32 v55, v46  }
0x24d: {  	s22 =	sor.u32 $0x70, s10;
	v5 =	vld.idx.msk [tilespmem:v22+s6+$0xC000], $0xffff  }
0x24e: {  	v29 =	vld [tilespmem:s22+$0x10000];
	v11 =	vadd.f32 v11, v48  }
0x24f: {  	v6 =	vperm.xlane v6, v1;
	v12 =	vadd.s32 v38, v42;
	(xrf0) =	vadd.scan.msk.s32 $0xffff, v24;
	v45 =	vld.idx.msk [tilespmem:v22+s6+$0xE000], $0xffff  }
0x250: {  	v30 =	vld [tilespmem:s10+$0x10060];
	[tilespmem:s8+$0x8000] =	vst v11  }
0x251: {  	v6 =	vadd.s32 v6, v7;
	v7 =	vld.idx.msk [tilespmem:v28+s8+$0xC000], $0xffff  }
0x252: {  	v5 =	vmul.f32 v61, v5  }
0x253: {  	v53 =	vperm.xlane v25, v1;
	v54 =	vld.idx.msk [tilespmem:v28+s8+$0xE000], $0xffff  }
0x254: {  	v50 =	vadd.s32 v8, v6;
	v47 =	vld.idx.msk [tilespmem:v12+s9+$0xC000], $0xffff;
	v5 =	vadd.f32 v5, v45  }
0x255: {  	s23 =	sor.u32 $0x3, s1;
	v13 =	vperm.xlane v38, v1;
	v56, _, _ =	vpop (xrf0);
	v20 =	vadd.s32 v20, v53  }
0x256: {  	s24 =	smul.u32 $0x90, s23;
	v12 =	vld.idx.msk [tilespmem:v12+s9+$0xE000], $0xffff;
	[tilespmem:s2+$0x8030] =	vst v5;
	v5 =	vmul.f32 v59, v7;
	v7 =	vadd.s32 v56, v20;
	_ =	sdelay $0x1  }
0x257: {  	v8 =	vperm.xlane v8, v1;
	v10 =	vadd.s32 v13, v42;
	v42 =	vld [tilespmem:s24+$0x10010];
	v5 =	vadd.f32 v5, v54  }
0x258: {  	s30 =	sand.u32 $0x3FFFFF80, s8;
	v52 =	vadd.s32 v0, v10;
	(xrf0) =	vadd.scan.msk.s32 $0xffff, v26;
	v24 =	vld.idx.msk [tilespmem:v50+s6+$0xC000], $0xffff;
	v51 =	vmul.f32 v60, v47  }
0x259: {  	v11 =	vld.idx.msk [tilespmem:v50+s6+$0xE000], $0xffff;
	[tilespmem:s30+$0x8010] =	vst v5  }
0x25a: {  	v12 =	vadd.f32 v51, v12;
	v5 =	vadd.s32 v8, v6;
	v6 =	vld.idx.msk [tilespmem:v7+s8+$0xC000], $0xffff  }
0x25b: {  	v35 =	vld [tilespmem:s24+$0x10000]  }
0x25c: {  	v13 =	vperm.xlane v56, v1;
	[tilespmem:s29+$0x8020] =	vst v12;
	v7 =	vld.idx.msk [tilespmem:v7+s8+$0xE000], $0xffff  }
0x25d: {  	v28 =	vmul.f32 v62, v24;
	v12 =	vld.idx.msk [tilespmem:v52+s9+$0xC000], $0xffff;
	v31 =	vadd.s32 v18, v5  }
0x25e: {  	v0 =	vperm.xlane v0, v1;
	(xrf0) =	vadd.scan.msk.s32 $0xffff, v27;
	v34, _, _ =	vpop (xrf0);
	v53 =	vld [tilespmem:s24+$0x10050];
	v13 =	vadd.s32 v13, v20  }
0x25f: {  	v36 =	vadd.s32 v34, v13;
	v22 =	vld.idx.msk [tilespmem:v52+s9+$0xE000], $0xffff;
	v8 =	vadd.f32 v28, v11;
	v6 =	vmul.f32 v60, v6  }
0x260: {  	s15 =	sor.u32 $0x70, s24;
	(xrf0) =	vadd.scan.msk.s32 $0xffff, v29;
	v48 =	vld [tilespmem:s24+$0x10020]  }
0x261: {  	v0 =	vadd.s32 v0, v10;
	(xrf0) =	vadd.scan.msk.s32 $0xffff, v30;
	v51 =	vld [tilespmem:s15+$0x10000];
	[tilespmem:s2+$0x8040] =	vst v8;
	v6 =	vadd.f32 v6, v7  }
0x262: {  	v33 =	vadd.s32 v40, v0;
	(xrf0) =	vadd.scan.msk.s32 $0xffff, v49;
	v32 =	vmul.f32 v61, v12;
	v37 =	vld.idx.msk [tilespmem:v31+s6+$0xC000], $0xffff  }
0x263: {  	(xrf0) =	vadd.scan.msk.s32 $0xffff, v35;
	v38 =	vld.idx.msk [tilespmem:v31+s6+$0xE000], $0xffff;
	[tilespmem:s30+$0x8020] =	vst v6  }
0x264: {  	v10 =	vadd.f32 v32, v22;
	v7 =	vperm.xlane v18, v1;
	v6 =	vld.idx.msk [tilespmem:v36+s8+$0xC000], $0xffff  }
0x265: {  	v9 =	vperm.xlane v40, v1;
	v40, _, _ =	vpop (xrf0);
	v50 =	vld [tilespmem:s24+$0x10030]  }
0x266: {  	v24, _, _ =	vpop (xrf0);
	[tilespmem:s29+$0x8030] =	vst v10;
	v5 =	vadd.s32 v7, v5;
	v8 =	vld.idx.msk [tilespmem:v36+s8+$0xE000], $0xffff  }
0x267: {  	s10 =	sor.u32 $0x4, s1;
	v22, _, _ =	vpop (xrf0);
	v10 =	vld.idx.msk [tilespmem:v33+s9+$0xC000], $0xffff;
	v7 =	vmul.f32 v63, v37;
	v39 =	vadd.s32 v15, v5  }
0x268: {  	s22 =	smul.u32 $0x90, s10;
	v54 =	vld [tilespmem:s24+$0x10070];
	v11 =	vperm.xlane v34, v1;
	v21, _, _ =	vpop (xrf0)  }
0x269: {  	(xrf0) =	vadd.scan.msk.s32 $0xffff, v42;
	v43, _, _ =	vpop (xrf0);
	v12 =	vld.idx.msk [tilespmem:v33+s9+$0xE000], $0xffff;
	v7 =	vadd.f32 v7, v38;
	v6 =	vmul.f32 v61, v6  }
0x26a: {  	s31 =	sshll.u32 s23, $0x7;
	s23 =	sor.u32 $0x50, s22;
	v0 =	vadd.s32 v9, v0;
	(xrf0) =	vadd.scan.msk.s32 $0xffff, v48;
	v28 =	vld [tilespmem:s22+$0x10070];
	v11 =	vadd.s32 v11, v13  }
0x26b: {  	(xrf0) =	vadd.scan.msk.s32 $0xffff, v50;
	v50 =	vld [tilespmem:s23+$0x10000];
	[tilespmem:s2+$0x8050] =	vst v7;
	v7 =	vadd.s32 v40, v11;
	v6 =	vadd.f32 v6, v8  }
0x26c: {  	v41 =	vadd.s32 v19, v0;
	v10 =	vmul.f32 v62, v10;
	v44 =	vld.idx.msk [tilespmem:v39+s6+$0xC000], $0xffff  }
0x26d: {  	[tilespmem:s30+$0x8030] =	vst v6;
	v6 =	vld.idx.msk [tilespmem:v43+s31+$0xC000], $0xffff  }
0x26e: {  	v10 =	vadd.f32 v10, v12;
	v20 =	vld.idx.msk [tilespmem:v39+s6+$0xE000], $0xffff  }
0x26f: {  	v47 =	vld.idx.msk [tilespmem:v43+s31+$0xE000], $0xffff;
	v15 =	vperm.xlane v15, v1  }
0x270: {  	[tilespmem:s29+$0x8040] =	vst v10;
	v46 =	vld.idx.msk [tilespmem:v7+s8+$0xC000], $0xffff  }
0x271: {  	v12 =	vperm.xlane v43, v1;
	v10 =	vld.idx.msk [tilespmem:v41+s9+$0xC000], $0xffff;
	v14 =	vadd.s32 v14, v15;
	v13 =	vmul.f32 v2, v44  }
0x272: {  	v9 =	vperm.xlane v40, v1;
	v49, _, _ =	vpop (xrf0);
	v5 =	vadd.s32 v5, v14;
	v7 =	vld.idx.msk [tilespmem:v7+s8+$0xE000], $0xffff;
	v6 =	vmul.f32 v55, v6  }
0x273: {  	(xrf0) =	vadd.scan.msk.s32 $0xffff, v51;
	v52 =	vadd.s32 v49, v12;
	v45 =	vld.idx.msk [tilespmem:v41+s9+$0xE000], $0xffff;
	v13 =	vadd.f32 v13, v20  }
0x274: {  	v19 =	vperm.xlane v19, v1;
	v33 =	vadd.s32 v9, v11;
	(xrf0) =	vadd.scan.msk.s32 $0xffff, v53;
	v53 =	vld [tilespmem:s22+$0x10040];
	v6 =	vadd.f32 v6, v47  }
0x275: {  	v31 =	vld [tilespmem:s24+$0x10060];
	s24 =	sor.u32 $0x60, s22;
	v36 =	vadd.s32 v24, v33;
	[tilespmem:s2+$0x8060] =	vst v13;
	v18 =	vmul.f32 v62, v46  }
0x276: {  	v0 =	vadd.s32 v19, v0;
	v51 =	vld [tilespmem:s24+$0x10000];
	[tilespmem:s31+$0x8000] =	vst v6;
	v6 =	vmul.f32 v63, v10  }
0x277: {  	v56 =	vadd.s32 v17, v0;
	v14 =	vld.idx.msk [tilespmem:v5+s6+$0xC000], $0xffff;
	v7 =	vadd.f32 v18, v7  }
0x278: {  	v32 =	vld.idx.msk [tilespmem:v52+s31+$0xC000], $0xffff;
	v6 =	vadd.f32 v6, v45  }
0x279: {  	v35 =	vld.idx.msk [tilespmem:v52+s31+$0xE000], $0xffff;
	[tilespmem:s30+$0x8040] =	vst v7  }
0x27a: {  	v34 =	vperm.xlane v49, v1;
	v41 =	vld.idx.msk [tilespmem:v36+s8+$0xC000], $0xffff  }
0x27b: {  	v42 =	vld.idx.msk [tilespmem:v36+s8+$0xE000], $0xffff;
	[tilespmem:s29+$0x8050] =	vst v6  }
0x27c: {  	v9 =	vadd.s32 v12, v34;
	v40 =	vperm.xlane v17, v1;
	v43 =	vperm.xlane v24, v1;
	v37 =	vld.idx.msk [tilespmem:v56+s9+$0xC000], $0xffff;
	v6, _, _ =	vpop (xrf0)  }
0x27d: {  	v15 =	vld.idx.msk [tilespmem:v5+s6+$0xE000], $0xffff;
	v38 =	vmul.f32 v59, v32;
	v39 =	vadd.s32 v6, v9  }
0x27e: {  	v11 =	vadd.s32 v16, v40;
	v8 =	vadd.s32 v43, v33;
	v10 =	vld.idx.msk [tilespmem:v56+s9+$0xE000], $0xffff  }
0x27f: {  	v46 =	vadd.s32 v22, v8;
	v47 =	vld [tilespmem:s22+$0x10000];
	v5 =	vmul.f32 v63, v41;
	v7 =	vadd.f32 v38, v35  }
0x280: {  	s15 =	sand.u32 $0x3FFFFF80, s31;
	(xrf0) =	vadd.scan.msk.s32 $0xffff, v31;
	v0 =	vadd.s32 v0, v11;
	v56 =	vld [tilespmem:s22+$0x10060]  }
0x281: {  	(xrf0) =	vadd.scan.msk.s32 $0xffff, v54;
	v54 =	vld [tilespmem:s22+$0x10050];
	v5 =	vadd.f32 v5, v42;
	[tilespmem:s15+$0x8010] =	vst v7;
	v7 =	vmul.f32 v2, v37  }
0x282: {  	v44 =	vld.idx.msk [tilespmem:v39+s31+$0xC000], $0xffff  }
0x283: {  	[tilespmem:s30+$0x8050] =	vst v5;
	v7 =	vadd.f32 v7, v10;
	v45 =	vld.idx.msk [tilespmem:v39+s31+$0xE000], $0xffff  }
0x284: {  	v5 =	vld.idx.msk [tilespmem:v46+s8+$0xC000], $0xffff  }
0x285: {  	v10 =	vld.idx.msk [tilespmem:v46+s8+$0xE000], $0xffff;
	[tilespmem:s29+$0x8060] =	vst v7  }
0x286: {  	s6 =	sshll.u32 s10, $0x7;
	s10 =	sor.u32 $0x6, s1;
	v17 =	vld.idx.msk [tilespmem:v0+s9+$0xC000], $0xffff  }
0x287: {  	s23 =	smul.u32 $0x90, s10;
	v16 =	vld.idx.msk [tilespmem:v0+s9+$0xE000], $0xffff;
	s9 =	sor.u32 $0x70, s22  }
0x288: {  	v7, _, _ =	vpop (xrf0);
	(xrf0) =	vadd.scan.msk.s32 $0xffff, v47;
	v52 =	vld [tilespmem:s9+$0x10000];
	s9 =	sor.u32 $0x5, s1  }
0x289: {  	(xrf0) =	vadd.scan.msk.s32 $0xffff, v50;
	s22 =	smul.u32 $0x90, s9;
	v50 =	vld [tilespmem:s23+$0x10020]  }
0x28a: {  	v35, _, _ =	vpop (xrf0);
	(xrf0) =	vadd.scan.msk.s32 $0xffff, v51;
	v51 =	vld [tilespmem:s23+$0x10030]  }
0x28b: {  	v29 =	vld [tilespmem:s22+$0x10000]  }
0x28c: {  	v30 =	vld [tilespmem:s22+$0x10010]  }
0x28d: {  	v6 =	vperm.xlane v6, v1;
	v48 =	vmul.f32 v60, v44;
	v43 =	vld [tilespmem:s22+$0x10030]  }
0x28e: {  	v31, _, _ =	vpop (xrf0);
	v44 =	vld [tilespmem:s22+$0x10040];
	(xrf0) =	vadd.scan.msk.s32 $0xffff, v52  }
0x28f: {  	v6 =	vadd.s32 v6, v9;
	v0 =	vadd.f32 v48, v45;
	v23, _, _ =	vpop (xrf0);
	s24 =	sor.u32 $0x70, s22;
	v45 =	vld [tilespmem:s22+$0x10050];
	(xrf0) =	vadd.scan.msk.s32 $0xffff, v53  }
0x290: {  	v49 =	vadd.s32 v7, v6;
	v20, _, _ =	vpop (xrf0);
	v42 =	vld [tilespmem:s24+$0x10000];
	(xrf0) =	vadd.scan.msk.s32 $0xffff, v54  }
0x291: {  	v46 =	vld [tilespmem:s22+$0x10060];
	v27, _, _ =	vpop (xrf0);
	(xrf0) =	vadd.scan.msk.s32 $0xffff, v56  }
0x292: {  	v47 =	vld [tilespmem:s22+$0x10070];
	v39, _, _ =	vpop (xrf0);
	(xrf0) =	vadd.scan.msk.s32 $0xffff, v28  }
0x293: {  	v48 =	vld [tilespmem:s23+$0x10000];
	v38, _, _ =	vpop (xrf0);
	(xrf0) =	vadd.scan.msk.s32 $0xffff, v29  }
0x294: {  	[tilespmem:s15+$0x8020] =	vst v0;
	v52 =	vld [tilespmem:s23+$0x10040];
	v34, _, _ =	vpop (xrf0);
	(xrf0) =	vadd.scan.msk.s32 $0xffff, v30  }
0x295: {  	v0 =	vld.idx.msk [tilespmem:v49+s31+$0xC000], $0xffff;
	v30, _, _ =	vpop (xrf0);
	(xrf0) =	vadd.scan.msk.s32 $0xffff, v42  }
0x296: {  	s22 =	sor.u32 $0x70, s23;
	v9 =	vld.idx.msk [tilespmem:v49+s31+$0xE000], $0xffff;
	v26, _, _ =	vpop (xrf0);
	(xrf0) =	vadd.scan.msk.s32 $0xffff, v43  }
0x297: {  	s24 =	sor.u32 $0x30, s23;
	v49 =	vld [tilespmem:s22+$0x10000];
	v19, _, _ =	vpop (xrf0);
	(xrf0) =	vadd.scan.msk.s32 $0xffff, v44  }
0x298: {  	s14 =	sadd.s32 $0x60, s23;
	s22 =	sor.u32 $0x7, s1;
	v53 =	vld [tilespmem:s24+$0x10040];
	v18, _, _ =	vpop (xrf0);
	(xrf0) =	vadd.scan.msk.s32 $0xffff, v45  }
0x299: {  	s14 =	sor.u32 $0x50, s14;
	s24 =	smul.u32 $0x240, s22;
	v54 =	vld [tilespmem:s23+$0x10060];
	v32, _, _ =	vpop (xrf0);
	(xrf0) =	vadd.scan.msk.s32 $0xffff, v46  }
0x29a: {  	v56 =	vld [tilespmem:s14+$0x10000];
	v42, _, _ =	vpop (xrf0);
	(xrf0) =	vadd.scan.msk.s32 $0xffff, v47  }
0x29b: {  	v22 =	vperm.xlane v22, v1;
	v7 =	vperm.xlane v7, v1;
	s24 =	sshra.s32 s24, $0x2;
	v12 =	vld.idx.msk [tilespmem:v27+s6+$0xC000], $0xffff;
	v41, _, _ =	vpop (xrf0);
	(xrf0) =	vadd.scan.msk.s32 $0xffff, v48  }
0x29c: {  	v5 =	vmul.f32 v2, v5;
	v36 =	vld [tilespmem:s24+$0x10000];
	v37, _, _ =	vpop (xrf0);
	(xrf0) =	vadd.scan.msk.s32 $0xffff, v49  }
0x29d: {  	v21 =	vadd.s32 v21, v22;
	s9 =	sshll.u32 s9, $0x7;
	v6 =	vadd.s32 v7, v6;
	v7 =	vld.idx.msk [tilespmem:v27+s6+$0xE000], $0xffff;
	v33, _, _ =	vpop (xrf0);
	(xrf0) =	vadd.scan.msk.s32 $0xffff, v50  }
0x29e: {  	v8 =	vadd.s32 v8, v21;
	v5 =	vadd.f32 v5, v10;
	v48 =	vld.idx.msk [tilespmem:v32+s9+$0xC000], $0xffff;
	v29, _, _ =	vpop (xrf0);
	(xrf0) =	vadd.scan.msk.s32 $0xffff, v51  }
0x29f: {  	v24, _, _ =	vpop (xrf0);
	(xrf0) =	vadd.scan.msk.s32 $0xffff, v52  }
0x2a0: {  	[tilespmem:s30+$0x8060] =	vst v5;
	v49 =	vld.idx.msk [tilespmem:v32+s9+$0xE000], $0xffff;
	v25, _, _ =	vpop (xrf0);
	(xrf0) =	vadd.scan.msk.s32 $0xffff, v53  }
0x2a1: {  	v5 =	vadd.s32 v35, v6;
	v35 =	vperm.xlane v35, v1;
	v12 =	vmul.f32 v55, v12;
	v44, _, _ =	vpop (xrf0);
	(xrf0) =	vadd.scan.msk.s32 $0xffff, v54  }
0x2a2: {  	v0 =	vmul.f32 v61, v0;
	v43 =	vperm.xlane v27, v1;
	v11, _, _ =	vpop (xrf0);
	(xrf0) =	vadd.scan.msk.s32 $0xffff, v56  }
0x2a3: {  	v21 =	vld.idx.msk [tilespmem:v8+s8+$0xC000], $0xffff;
	v7 =	vadd.f32 v12, v7;
	v51 =	vmul.f32 v55, v48;
	v46, _, _ =	vpop (xrf0);
	(xrf0) =	vadd.scan.msk.s32 $0xffff, v36  }
0x2a4: {  	v22 =	vld.idx.msk [tilespmem:v8+s8+$0xE000], $0xffff;
	v0 =	vadd.f32 v0, v9;
	v50 =	vadd.s32 v39, v43;
	v40, _, _ =	vpop (xrf0)  }
0x2a5: {  	v6 =	vadd.s32 v35, v6;
	v35 =	vld [tilespmem:s24+$0x10070];
	[tilespmem:s6+$0x8000] =	vst v7;
	v7 =	vadd.f32 v51, v49;
	v36, _, _ =	vpop (xrf0)  }
0x2a6: {  	[tilespmem:s15+$0x8030] =	vst v0;
	v45 =	vperm.xlane v32, v1;
	v53 =	vld [tilespmem:s24+$0x10010];
	v32, _, _ =	vpop (xrf0)  }
0x2a7: {  	v0 =	vld.idx.msk [tilespmem:v5+s31+$0xC000], $0xffff;
	v28, _, _ =	vpop (xrf0)  }
0x2a8: {  	v5 =	vld.idx.msk [tilespmem:v5+s31+$0xE000], $0xffff;
	v27, _, _ =	vpop (xrf0)  }
0x2a9: {  	v8 =	vld.idx.msk [tilespmem:v50+s6+$0xC000], $0xffff;
	[tilespmem:s9+$0x8000] =	vst v7;
	v7, _, _ =	vpop (xrf0)  }
0x2aa: {  	v9 =	vld.idx.msk [tilespmem:v50+s6+$0xE000], $0xffff  }
0x2ab: {  	s10 =	sshll.u32 s10, $0x7;
	v52 =	vadd.s32 v42, v45;
	v50 =	vld [tilespmem:s24+$0x10020];
	(xrf0) =	vadd.scan.msk.s32 $0xffff, v53  }
0x2ac: {  	s8 =	sshll.u32 s22, $0x7;
	v54 =	vld.idx.msk [tilespmem:v44+s10+$0xC000], $0xffff  }
0x2ad: {  	v47 =	vld.idx.msk [tilespmem:v7+s8+$0xC000], $0xffff  }
0x2ae: {  	v48 =	vld.idx.msk [tilespmem:v44+s10+$0xE000], $0xffff  }
0x2af: {  	v44 =	vperm.xlane v44, v1;
	v49 =	vld.idx.msk [tilespmem:v7+s8+$0xE000], $0xffff  }
0x2b0: {  	v13 =	vld.idx.msk [tilespmem:v52+s9+$0xC000], $0xffff;
	v7 =	vperm.xlane v7, v1  }
0x2b1: {  	v0 =	vmul.f32 v62, v0;
	v10 =	vld.idx.msk [tilespmem:v52+s9+$0xE000], $0xffff;
	v51 =	vadd.s32 v11, v44;
	v12 =	vmul.f32 v55, v54;
	v52, _, _ =	vpop (xrf0)  }
0x2b2: {  	v56 =	vperm.xlane v39, v1;
	v39 =	vld [tilespmem:s24+$0x10060];
	v47 =	vmul.f32 v55, v47;
	v55 =	vadd.s32 v52, v7  }
0x2b3: {  	v42 =	vperm.xlane v42, v1;
	v53 =	vld [tilespmem:s24+$0x10030];
	v12 =	vadd.f32 v12, v48  }
0x2b4: {  	v0 =	vadd.f32 v0, v5;
	v54 =	vld [tilespmem:s24+$0x10040];
	v47 =	vadd.f32 v47, v49  }
0x2b5: {  	v42 =	vadd.s32 v45, v42;
	v5 =	vadd.s32 v43, v56;
	(xrf0) =	vadd.scan.msk.s32 $0xffff, v50;
	v48 =	vld [tilespmem:s24+$0x10050];
	[tilespmem:s10+$0x8000] =	vst v12  }
0x2b6: {  	v8 =	vmul.f32 v59, v8;
	v12 =	vadd.s32 v31, v6;
	v43 =	vld.idx.msk [tilespmem:v51+s10+$0xC000], $0xffff;
	[tilespmem:s8+$0x8000] =	vst v47  }
0x2b7: {  	[tilespmem:s15+$0x8040] =	vst v0;
	v11 =	vperm.xlane v11, v1;
	v47 =	vadd.s32 v38, v5;
	v56 =	vld.idx.msk [tilespmem:v55+s8+$0xC000], $0xffff  }
0x2b8: {  	v0 =	vadd.f32 v8, v9;
	v13 =	vmul.f32 v59, v13;
	v50 =	vld.idx.msk [tilespmem:v51+s10+$0xE000], $0xffff;
	v49 =	vadd.s32 v41, v42  }
0x2b9: {  	s14 =	sand.u32 $0x3FFFFF80, s6;
	v52 =	vperm.xlane v52, v1;
	v55 =	vld.idx.msk [tilespmem:v55+s8+$0xE000], $0xffff  }
0x2ba: {  	v11 =	vadd.s32 v44, v11;
	[tilespmem:s14+$0x8010] =	vst v0;
	v10 =	vadd.f32 v13, v10  }
0x2bb: {  	s22 =	sand.u32 $0x3FFFFF80, s9;
	v44, _, _ =	vpop (xrf0);
	v13 =	vld.idx.msk [tilespmem:v12+s31+$0xC000], $0xffff;
	v0 =	vmul.f32 v59, v43;
	v43 =	vadd.s32 v46, v11;
	v7 =	vadd.s32 v7, v52  }
0x2bc: {  	[tilespmem:s22+$0x8010] =	vst v10;
	v45 =	vadd.s32 v44, v7;
	v8 =	vld.idx.msk [tilespmem:v47+s6+$0xC000], $0xffff;
	v56 =	vmul.f32 v59, v56  }
0x2bd: {  	v0 =	vadd.f32 v0, v50;
	v50 =	vld.idx.msk [tilespmem:v49+s9+$0xC000], $0xffff  }
0x2be: {  	s23 =	sand.u32 $0x3FFFFF80, s10;
	v52 =	vperm.xlane v38, v1;
	v9 =	vadd.f32 v56, v55;
	v55 =	vld.idx.msk [tilespmem:v47+s6+$0xE000], $0xffff  }
0x2bf: {  	s24 =	sand.u32 $0x3FFFFF80, s8;
	(xrf0) =	vadd.scan.msk.s32 $0xffff, v53;
	[tilespmem:s23+$0x8010] =	vst v0;
	v0 =	vperm.xlane v41, v1;
	v41 =	vld.idx.msk [tilespmem:v49+s9+$0xE000], $0xffff  }
0x2c0: {  	v5 =	vadd.s32 v52, v5;
	v56 =	vld.idx.msk [tilespmem:v43+s10+$0xC000], $0xffff;
	[tilespmem:s24+$0x8010] =	vst v9  }
0x2c1: {  	v0 =	vadd.s32 v0, v42;
	v8 =	vmul.f32 v60, v8;
	v9 =	vadd.s32 v34, v5;
	v42 =	vld.idx.msk [tilespmem:v45+s8+$0xC000], $0xffff  }
0x2c2: {  	v46 =	vperm.xlane v46, v1;
	v49 =	vadd.s32 v37, v0;
	v52 =	vmul.f32 v60, v50;
	v43 =	vld.idx.msk [tilespmem:v43+s10+$0xE000], $0xffff  }
0x2c3: {  	v53 =	vperm.xlane v44, v1;
	v8 =	vadd.f32 v8, v55;
	v55 =	vld.idx.msk [tilespmem:v45+s8+$0xE000], $0xffff  }
0x2c4: {  	v31 =	vperm.xlane v31, v1;
	v12 =	vld.idx.msk [tilespmem:v12+s31+$0xE000], $0xffff;
	v11 =	vadd.s32 v46, v11;
	v41 =	vadd.f32 v52, v41  }
0x2c5: {  	v7 =	vadd.s32 v53, v7;
	v10 =	vadd.s32 v40, v11;
	v56 =	vmul.f32 v60, v56;
	v45, _, _ =	vpop (xrf0);
	[tilespmem:s14+$0x8020] =	vst v8  }
0x2c6: {  	[tilespmem:s22+$0x8020] =	vst v41;
	v52 =	vadd.s32 v45, v7;
	v50 =	vld.idx.msk [tilespmem:v9+s6+$0xC000], $0xffff;
	v51 =	vmul.f32 v60, v42  }
0x2c7: {  	v6 =	vadd.s32 v31, v6;
	v13 =	vmul.f32 v63, v13;
	v53 =	vld.idx.msk [tilespmem:v49+s9+$0xC000], $0xffff;
	v8 =	vadd.f32 v56, v43  }
0x2c8: {  	v40 =	vperm.xlane v40, v1;
	v34 =	vperm.xlane v34, v1;
	v9 =	vld.idx.msk [tilespmem:v9+s6+$0xE000], $0xffff;
	v41 =	vadd.f32 v51, v55  }
0x2c9: {  	v12 =	vadd.f32 v13, v12;
	v37 =	vperm.xlane v37, v1;
	(xrf0) =	vadd.scan.msk.s32 $0xffff, v54;
	[tilespmem:s23+$0x8020] =	vst v8;
	v55 =	vld.idx.msk [tilespmem:v49+s9+$0xE000], $0xffff  }
0x2ca: {  	v5 =	vadd.s32 v34, v5;
	v8 =	vadd.s32 v23, v6;
	v56 =	vld.idx.msk [tilespmem:v10+s10+$0xC000], $0xffff;
	[tilespmem:s24+$0x8020] =	vst v41  }
0x2cb: {  	v0 =	vadd.s32 v37, v0;
	v38 =	vadd.s32 v30, v5;
	v44 =	vmul.f32 v61, v50;
	v46 =	vld.idx.msk [tilespmem:v52+s8+$0xC000], $0xffff  }
0x2cc: {  	v47 =	vadd.s32 v33, v0;
	v31 =	vmul.f32 v61, v53;
	v10 =	vld.idx.msk [tilespmem:v10+s10+$0xE000], $0xffff;
	v49 =	vperm.xlane v45, v1  }
0x2cd: {  	v50 =	vld.idx.msk [tilespmem:v52+s8+$0xE000], $0xffff;
	v9 =	vadd.f32 v44, v9  }
0x2ce: {  	v11 =	vadd.s32 v40, v11;
	[tilespmem:s15+$0x8050] =	vst v12;
	v7 =	vadd.s32 v49, v7;
	v31 =	vadd.f32 v31, v55  }
0x2cf: {  	v53, _, _ =	vpop (xrf0);
	v52 =	vadd.s32 v36, v11;
	v42 =	vld.idx.msk [tilespmem:v8+s31+$0xC000], $0xffff;
	v51 =	vmul.f32 v61, v56;
	[tilespmem:s14+$0x8030] =	vst v9  }
0x2d0: {  	v56 =	vadd.s32 v53, v7;
	[tilespmem:s22+$0x8030] =	vst v31;
	v54 =	vld.idx.msk [tilespmem:v38+s6+$0xC000], $0xffff;
	v55 =	vmul.f32 v61, v46  }
0x2d1: {  	v9 =	vadd.f32 v51, v10;
	v43 =	vld.idx.msk [tilespmem:v47+s9+$0xC000], $0xffff  }
0x2d2: {  	v30 =	vperm.xlane v30, v1;
	v44 =	vld.idx.msk [tilespmem:v38+s6+$0xE000], $0xffff;
	v31 =	vadd.f32 v55, v50  }
0x2d3: {  	v45 =	vperm.xlane v33, v1;
	(xrf0) =	vadd.scan.msk.s32 $0xffff, v48;
	v46 =	vld.idx.msk [tilespmem:v47+s9+$0xE000], $0xffff;
	[tilespmem:s23+$0x8030] =	vst v9  }
0x2d4: {  	v5 =	vadd.s32 v30, v5;
	v47 =	vld.idx.msk [tilespmem:v52+s10+$0xC000], $0xffff;
	[tilespmem:s24+$0x8030] =	vst v31  }
0x2d5: {  	v48 =	vadd.s32 v26, v5;
	v0 =	vadd.s32 v45, v0;
	v12 =	vmul.f32 v62, v54;
	v49 =	vld.idx.msk [tilespmem:v56+s8+$0xC000], $0xffff  }
0x2d6: {  	v36 =	vperm.xlane v36, v1;
	v50 =	vadd.s32 v29, v0;
	v13 =	vld.idx.msk [tilespmem:v52+s10+$0xE000], $0xffff;
	v10 =	vmul.f32 v62, v43  }
0x2d7: {  	v51 =	vperm.xlane v53, v1;
	v37 =	vld.idx.msk [tilespmem:v56+s8+$0xE000], $0xffff;
	v12 =	vadd.f32 v12, v44  }
0x2d8: {  	v23 =	vperm.xlane v23, v1;
	v8 =	vld.idx.msk [tilespmem:v8+s31+$0xE000], $0xffff;
	v11 =	vadd.s32 v36, v11;
	v10 =	vadd.f32 v10, v46  }
0x2d9: {  	v53 =	vadd.s32 v32, v11;
	v7 =	vadd.s32 v51, v7;
	v54, _, _ =	vpop (xrf0);
	v52 =	vmul.f32 v62, v47;
	[tilespmem:s14+$0x8040] =	vst v12  }
0x2da: {  	v56 =	vadd.s32 v54, v7;
	[tilespmem:s22+$0x8040] =	vst v10;
	v55 =	vld.idx.msk [tilespmem:v48+s6+$0xC000], $0xffff;
	v9 =	vmul.f32 v62, v49  }
0x2db: {  	v20 =	vadd.s32 v20, v23;
	v26 =	vperm.xlane v26, v1;
	v12 =	vadd.f32 v52, v13;
	v36 =	vld.idx.msk [tilespmem:v50+s9+$0xC000], $0xffff  }
0x2dc: {  	v6 =	vadd.s32 v6, v20;
	v41 =	vperm.xlane v29, v1;
	v31 =	vld.idx.msk [tilespmem:v48+s6+$0xE000], $0xffff;
	v9 =	vadd.f32 v9, v37  }
0x2dd: {  	v5 =	vadd.s32 v26, v5;
	v40 =	vmul.f32 v2, v42;
	(xrf0) =	vadd.scan.msk.s32 $0xffff, v39;
	v42 =	vld.idx.msk [tilespmem:v50+s9+$0xE000], $0xffff;
	[tilespmem:s23+$0x8040] =	vst v12  }
0x2de: {  	v26 =	vadd.s32 v19, v5;
	v43 =	vld.idx.msk [tilespmem:v53+s10+$0xC000], $0xffff;
	[tilespmem:s24+$0x8040] =	vst v9  }
0x2df: {  	v0 =	vadd.s32 v41, v0;
	v8 =	vadd.f32 v40, v8;
	v44 =	vmul.f32 v63, v55;
	v45 =	vld.idx.msk [tilespmem:v56+s8+$0xC000], $0xffff  }
0x2e0: {  	v32 =	vperm.xlane v32, v1;
	v46 =	vadd.s32 v24, v0;
	v30 =	vld.idx.msk [tilespmem:v53+s10+$0xE000], $0xffff;
	v13 =	vmul.f32 v63, v36  }
0x2e1: {  	[tilespmem:s15+$0x8060] =	vst v8;
	v48 =	vperm.xlane v54, v1;
	v10 =	vld.idx.msk [tilespmem:v56+s8+$0xE000], $0xffff;
	v47 =	vadd.f32 v44, v31  }
0x2e2: {  	v11 =	vadd.s32 v32, v11;
	v20 =	vld.idx.msk [tilespmem:v6+s31+$0xC000], $0xffff;
	v13 =	vadd.f32 v13, v42  }
0x2e3: {  	v50 =	vadd.s32 v28, v11;
	v51, _, _ =	vpop (xrf0);
	v7 =	vadd.s32 v48, v7;
	v49 =	vmul.f32 v63, v43;
	[tilespmem:s14+$0x8050] =	vst v47  }
0x2e4: {  	v53 =	vadd.s32 v51, v7;
	[tilespmem:s22+$0x8050] =	vst v13;
	v52 =	vld.idx.msk [tilespmem:v26+s6+$0xC000], $0xffff;
	v12 =	vmul.f32 v63, v45  }
0x2e5: {  	v8 =	vadd.f32 v49, v30;
	v54 =	vld.idx.msk [tilespmem:v46+s9+$0xC000], $0xffff  }
0x2e6: {  	(xrf0) =	vadd.scan.msk.s32 $0xffff, v35;
	v55 =	vperm.xlane v19, v1;
	v56 =	vld.idx.msk [tilespmem:v26+s6+$0xE000], $0xffff;
	v10 =	vadd.f32 v12, v10  }
0x2e7: {  	v33 =	vperm.xlane v24, v1;
	v32 =	vld.idx.msk [tilespmem:v46+s9+$0xE000], $0xffff;
	[tilespmem:s23+$0x8050] =	vst v8  }
0x2e8: {  	v37 =	vperm.xlane v28, v1;
	v12 =	vadd.s32 v18, v55;
	v34 =	vld.idx.msk [tilespmem:v50+s10+$0xC000], $0xffff;
	[tilespmem:s24+$0x8050] =	vst v10  }
0x2e9: {  	v5 =	vadd.s32 v5, v12;
	v9 =	vmul.f32 v2, v52;
	v35 =	vld.idx.msk [tilespmem:v53+s8+$0xC000], $0xffff  }
0x2ea: {  	v38 =	vperm.xlane v51, v1;
	v39 =	vadd.s32 v27, v37;
	v18 =	vadd.s32 v25, v33;
	v23 =	vld.idx.msk [tilespmem:v50+s10+$0xE000], $0xffff  }
0x2eb: {  	v0 =	vadd.s32 v0, v18;
	v36 =	vmul.f32 v2, v54;
	v13 =	vld.idx.msk [tilespmem:v53+s8+$0xE000], $0xffff;
	v9 =	vadd.f32 v9, v56  }
0x2ec: {  	v6 =	vld.idx.msk [tilespmem:v6+s31+$0xE000], $0xffff;
	v41 =	vadd.s32 v11, v39;
	v40, _, _ =	vpop (xrf0)  }
0x2ed: {  	v42 =	vadd.s32 v40, v38;
	v8 =	vadd.f32 v36, v32;
	v10 =	vmul.f32 v2, v34;
	[tilespmem:s14+$0x8060] =	vst v9  }
0x2ee: {  	v7 =	vadd.s32 v7, v42;
	v43 =	vld.idx.msk [tilespmem:v5+s6+$0xC000], $0xffff;
	v12 =	vmul.f32 v2, v35  }
0x2ef: {  	[tilespmem:s22+$0x8060] =	vst v8;
	v44 =	vadd.f32 v10, v23;
	v5 =	vld.idx.msk [tilespmem:v5+s6+$0xE000], $0xffff  }
0x2f0: {  	v46 =	vld.idx.msk [tilespmem:v0+s9+$0xC000], $0xffff;
	v45 =	vadd.f32 v12, v13  }
0x2f1: {  	v47 =	vmul.f32 v58, v14;
	v0 =	vld.idx.msk [tilespmem:v0+s9+$0xE000], $0xffff;
	[tilespmem:s23+$0x8060] =	vst v44  }
0x2f2: {  	v51 =	vmul.f32 v58, v21;
	v49 =	vld.idx.msk [tilespmem:v41+s10+$0xC000], $0xffff;
	[tilespmem:s24+$0x8060] =	vst v45  }
0x2f3: {  	v50 =	vadd.f32 v47, v15;
	v53 =	vmul.f32 v58, v20;
	v52 =	vld.idx.msk [tilespmem:v7+s8+$0xC000], $0xffff  }
0x2f4: {  	v48 =	vmul.f32 v58, v17;
	v54 =	vadd.f32 v51, v22;
	v9 =	vld.idx.msk [tilespmem:v41+s10+$0xE000], $0xffff  }
0x2f5: {  	[tilespmem:s2+$0x8070] =	vst v50;
	v6 =	vadd.f32 v53, v6;
	v7 =	vld.idx.msk [tilespmem:v7+s8+$0xE000], $0xffff;
	v11 =	vmul.f32 v58, v43  }
0x2f6: {  	[tilespmem:s30+$0x8070] =	vst v54;
	v8 =	vadd.f32 v48, v16;
	v55 =	vmul.f32 v58, v46  }
0x2f7: {  	p1 =	slt.u32 s1, $0x38;
	[tilespmem:s15+$0x8070] =	vst v6;
	v5 =	vadd.f32 v11, v5;
	v56 =	vmul.f32 v58, v49  }
.Ltmp4:
0x2f8: {  	[tilespmem:s29+$0x8070] =	vst v8;
	v0 =	vadd.f32 v55, v0;
	v6 =	vmul.f32 v58, v52;
	(pc) =	sbr.rel @p1 .LBB2_6-.Ltmp4, $4  }
0x2f9: {  	[tilespmem:s14+$0x8070] =	vst v5;
	v5 =	vadd.f32 v56, v9  }
0x2fa: {  	[tilespmem:s22+$0x8070] =	vst v0;
	v0 =	vadd.f32 v6, v7  }
0x2fb: {  	s31 =	sadd.s32 $0x8, s1;
	[tilespmem:s23+$0x8070] =	vst v5  }
0x2fc: {  	s1 =	smov.u32 s31;
	[tilespmem:s24+$0x8070] =	vst v0  }
0x2fd: {  	p1 =	seq.s32 s25, $0x1F  }
0x2fe: {  	s1 =	sadd.s32 @!p1 s26, s11  }
0x2ff: {  	s2 =	sadd.s32 s3, s28;
	s6 =	smul.u32 @!p1 $0x7F, s1  }
0x300: {  	[hbm4b:s2+s4] =	stream.linear.scatter [tilespmem:s19], [sflag:$0x3], $0x2000, $0x38;
	[tilespmem:$0x12400] =	vst v63  }
0x301: {  	s1 =	sshll.u32 @!p1 s1, $0x4;
	s2 =	sshrl.u32 @!p1 s6, $0x3  }
0x302: {  	s1 =	sand.u32 @!p1 $0x1FFFF800, s1;
	s6 =	simm.s32 @!p1 $0x0;
	s2 =	sadd.s32 @!p1 s5, s2  }
0x303: {  	[tilespmem:s6], [sflag:$0x1] =	stream.linear.gather @!p1 [hbm4b:s2+s6], $0x1FC0, $0x38;
	[tilespmem:$0x12400] =	vst v63  }
0x304: {  	s1 =	sadd.s32 @!p1 s0, s1;
	s2 =	simm.s32 @!p1 $0x4000  }
0x305: {  	[tilespmem:s2], [sflag:$0x1] =	stream.linear.gather @!p1 [hbm4b:s1+s6], $0x2000, $0x38;
	[tilespmem:$0x12400] =	vst v63  }
0x306: {  	_ =	swait.ge [sflag:s20], $0x1FC0  }
0x307: {  	[sflag:s20] =	ssyncset.done $0x0  }
0x308: {  	[sflag:s20] =	ssyncadd.s32 $0xFFFFE040  }
0x309: {  	_ =	swait.ge [sflag:s20], $0x2000  }
0x30a: {  	[sflag:s20] =	ssyncset.done $0x0  }
0x30b: {  	s1 =	simm.s32 @!p0 $0x4;
	[sflag:s20] =	ssyncadd.s32 $0xFFFFE000  }
0x30c: {  	_ =	swait.ge @!p0 [sflag:s1], $0x2000  }
0x30d: {  	[sflag:s1] =	ssyncset.done @!p0 $0x0  }
0x30e: {  	s29 =	simm.s32 $0x0;
	s30 =	simm.s32 $0x0;
	v61 =	vimm.s32 $0x1;
	v2 =	vlaneseq.u32;
	[sflag:s1] =	ssyncadd.s32 @!p0 $0xFFFFE000  }
.LBB2_8:
0x30f: {  	s1 =	smul.u32 $0x1FC, s30;
	_ =	sdelay $0x1  }
0x310: {  	s2 =	sshra.s32 s1, $0x2  }
0x311: {  	v0 =	vld [tilespmem:s2+$0x2000];
	_ =	sdelay $0x1  }
0x312: {  	v5 =	vld [tilespmem:s2+$0x2010];
	_ =	sdelay $0x1  }
0x313: {  	v6 =	vld [tilespmem:s2+$0x2020]  }
0x314: {  	v0 =	vadd.f32 $9.999999740e-06, v0  }
0x315: {  	v7 =	vld [tilespmem:s2+$0x2030]  }
0x316: {  	v5 =	vadd.f32 $9.999999740e-06, v5;
	(xrf2) =	vadd.scan.msk.f32 $0xffff, v0  }
0x317: {  	v0 =	vld [tilespmem:s2+$0x2040]  }
0x318: {  	v6 =	vadd.f32 $9.999999740e-06, v6;
	(xrf2) =	vadd.scan.msk.f32 $0xffff, v5  }
0x319: {  	v5 =	vld [tilespmem:s2+$0x2050]  }
0x31a: {  	v7 =	vadd.f32 $9.999999740e-06, v7;
	(xrf2) =	vadd.scan.msk.f32 $0xffff, v6  }
0x31b: {  	v6 =	vld [tilespmem:s2+$0x2060]  }
0x31c: {  	v8 =	vld [tilespmem:s2+$0x2070];
	(xrf2) =	vadd.scan.msk.f32 $0xffff, v7;
	v0 =	vadd.f32 $9.999999740e-06, v0;
	_ =	sdelay $0x1  }
0x31d: {  	v5 =	vadd.f32 $9.999999740e-06, v5;
	(xrf2) =	vadd.scan.msk.f32 $0xffff, v0;
	_ =	sdelay $0x1  }
0x31e: {  	v0 =	vadd.f32 $9.999999740e-06, v6;
	v6, _, _ =	vpop (xrf2);
	(xrf2) =	vadd.scan.msk.f32 $0xffff, v5  }
0x31f: {  	v5 =	vadd.f32 $9.999999740e-06, v8;
	v7 =	vperm.xlane v6, v1  }
0x320: {  	vm2 =	veq.s32 v2, $0xF;
	v51, _, _ =	vpop (xrf2);
	(xrf2) =	vadd.scan.msk.f32 $0xffff, v0  }
0x321: {  	v0 =	vsel vm2, $0x0, v5;
	v5 =	vperm.xlane v51, v1;
	v7 =	vadd.f32 $0.0e+00, v7  }
0x322: {  	v9, _, _ =	vpop (xrf2);
	(xrf2) =	vadd.scan.msk.f32 $0xffff, v0  }
0x323: {  	v0 =	vperm.xlane v9, v1;
	v5 =	vadd.f32 v5, v7  }
0x324: {  	v10, _, _ =	vpop (xrf2)  }
0x325: {  	v11 =	vperm.xlane v10, v1;
	v0 =	vadd.f32 v0, v5  }
0x326: {  	v12, _, _ =	vpop (xrf2)  }
0x327: {  	v13 =	vperm.xlane v12, v1;
	v11 =	vadd.f32 v11, v0  }
0x328: {  	v25, _, _ =	vpop (xrf2)  }
0x329: {  	v14 =	vperm.xlane v25, v1;
	v23 =	vadd.f32 v13, v11  }
0x32a: {  	v24, _, _ =	vpop (xrf2)  }
0x32b: {  	v52 =	vperm.xlane v24, v1;
	v21 =	vadd.f32 v14, v23  }
0x32c: {  	v22, _, _ =	vpop (xrf2)  }
0x32d: {  	v53 =	vperm.xlane v22, v1;
	v19 =	vadd.f32 v52, v21;
	_ =	sdelay $0x1  }
0x32e: {  	v13 =	vadd.f32 v53, v19;
	_ =	sdelay $0x1  }
0x32f: {  	(erf) = vrcp.f32 v13;
	_ =	sdelay $0x7  }
0x330: {  	v6 =	vadd.f32 $0.0e+00, v6  }
0x331: {  	v8 =	vadd.f32 v7, v51;
	v20 =	vpop (erf)  }
0x332: {  	v6 =	vmul.f32 v20, v6  }
0x333: {  	s31 =	sshll.u32 s30, $0x7;
	s6 =	sadd.s32 $0x1FC, s1;
	v8 =	vmul.f32 v20, v8  }
0x334: {  	v27 =	vld [tilespmem:s31+$0x6000];
	s2 =	sshra.s32 s6, $0x2;
	v54 =	vmul.f32 $0.0e+00, v20;
	v55 =	vperm.xlane v6, v57  }
0x335: {  	v34 =	vld [tilespmem:s2+$0x2010];
	v9 =	vadd.f32 v5, v9;
	v7 =	vmul.f32 v20, v7;
	v15 =	vperm.xlane v8, v57  }
0x336: {  	v63 =	vld [tilespmem:s2+$0x2030];
	v13 =	vsel vm0, v54, v55  }
0x337: {  	v14 =	vld [tilespmem:s31+$0x6010];
	v9 =	vmul.f32 v20, v9;
	v7 =	vsel vm0, v7, v15;
	v17 =	vsub.f32 v6, v13  }
0x338: {  	v5 =	vmul.f32 v20, v5;
	v18 =	vsub.f32 v8, v7  }
0x339: {  	v56 =	vld [tilespmem:s2+$0x2000];
	v16 =	vperm.xlane v9, v57;
	(erf) = vrcp.f32 v17  }
0x33a: {  	v26 =	vperm.xlane v27, v4;
	v15 =	vld [tilespmem:s31+$0x6020];
	(erf) = vrcp.f32 v18  }
0x33b: {  	v34 =	vadd.f32 $9.999999740e-06, v34;
	v37 =	vadd.f32 $9.999999740e-06, v63;
	v5 =	vsel vm0, v5, v16  }
0x33c: {  	v10 =	vadd.f32 v0, v10;
	v28 =	vperm.xlane v14, v3;
	v30 =	vsub.f32 v9, v5  }
0x33d: {  	v12 =	vadd.f32 v11, v12;
	v29 =	vperm.xlane v14, v4;
	v16 =	vld [tilespmem:s31+$0x6030];
	v6 =	vmul.f32 $1.280000000e+02, v6  }
0x33e: {  	v26 =	vsel vm1, v26, v28;
	v28 =	vadd.f32 $9.999999740e-06, v56;
	(erf) = vrcp.f32 v30  }
0x33f: {  	v59 =	vld [tilespmem:s2+$0x2020];
	v10 =	vmul.f32 v20, v10;
	v6 =	vadd.f32 $4.999999700e-01, v6;
	v31 =	vperm.xlane v15, v3  }
0x340: {  	v26 =	vsub.f32 v26, v27;
	v0 =	vmul.f32 v20, v0;
	v8 =	vmul.f32 $1.280000000e+02, v8  }
0x341: {  	v9 =	vmul.f32 $1.280000000e+02, v9;
	v6 =	vtrunc.f32 v6;
	v29 =	vsel vm1, v29, v31  }
0x342: {  	(xrf2) =	vadd.scan.msk.f32 $0xffff, v28;
	v35 =	vperm.xlane v15, v4;
	v36 =	vperm.xlane v16, v3;
	v58 =	vsub.f32 v29, v14;
	v32 =	vpop (erf)  }
0x343: {  	vm3 =	vlt.f32 v17, $9.999999740e-06;
	v38 =	vcvt.f32.s32 v6;
	v6 =	vld [tilespmem:s2+$0x2040];
	v32 =	vmul.f32 v26, v32;
	v60 =	vpop (erf)  }
0x344: {  	(xrf2) =	vadd.scan.msk.f32 $0xffff, v34;
	v28 =	vsel vm1, v35, v36;
	v35 =	vadd.f32 $9.999999740e-06, v59;
	v36 =	vld [tilespmem:s2+$0x2050];
	v62 =	vmul.f32 v58, v60  }
0x345: {  	v9 =	vadd.f32 $4.999999700e-01, v9;
	v33 =	vsel vm3, v26, v32;
	vm3 =	vlt.f32 v18, $9.999999740e-06  }
0x346: {  	(xrf2) =	vadd.scan.msk.f32 $0xffff, v35;
	v29 =	vmul.f32 v33, v13;
	v26 =	vsel vm3, v58, v62;
	v13 =	vsub.f32 v28, v15  }
0x347: {  	v39 =	vld [tilespmem:s2+$0x2060];
	v8 =	vadd.f32 $4.999999700e-01, v8;
	v42 =	vtrunc.f32 v9;
	v40 =	vmul.f32 v26, v7;
	v7 =	vpop (erf)  }
0x348: {  	v41 =	vld [tilespmem:s2+$0x2070];
	v9 =	vmul.f32 v20, v12;
	(xrf2) =	vadd.scan.msk.f32 $0xffff, v37;
	v6 =	vadd.f32 $9.999999740e-06, v6;
	v7 =	vmul.f32 v13, v7  }
0x349: {  	v8 =	vtrunc.f32 v8;
	v43 =	vadd.f32 $9.999999740e-06, v36;
	vm3 =	vlt.f32 v30, $9.999999740e-06  }
0x34a: {  	(xrf2) =	vadd.scan.msk.f32 $0xffff, v6;
	v6 =	vperm.xlane v9, v57;
	v18 =	vsel vm3, v13, v7;
	v7 =	vperm.xlane v10, v57  }
0x34b: {  	v24 =	vadd.f32 v21, v24;
	v28 =	vcvt.f32.s32 v8;
	v48 =	vmul.f32 v18, v5  }
0x34c: {  	v8, _, _ =	vpop (xrf2);
	(xrf2) =	vadd.scan.msk.f32 $0xffff, v43;
	v5 =	vmul.f32 v20, v11;
	v0 =	vsel vm0, v0, v7;
	v7 =	vadd.f32 $9.999999740e-06, v39  }
0x34d: {  	v45 =	vadd.f32 $9.999999740e-06, v41;
	v46 =	vperm.xlane v8, v1  }
0x34e: {  	v25 =	vadd.f32 v23, v25;
	v41 =	vmul.f32 v20, v24;
	v5 =	vsel vm0, v5, v6;
	v6, _, _ =	vpop (xrf2);
	(xrf2) =	vadd.scan.msk.f32 $0xffff, v7  }
0x34f: {  	v13 =	vadd.f32 $0.0e+00, v46;
	v7 =	vsel vm2, $0x0, v45;
	v50 =	vperm.xlane v6, v1  }
0x350: {  	v22 =	vadd.f32 v19, v22;
	v23 =	vmul.f32 v20, v23;
	v19 =	vmul.f32 v20, v19;
	v37, _, _ =	vpop (xrf2);
	(xrf2) =	vadd.scan.msk.f32 $0xffff, v7  }
0x351: {  	v56 =	vperm.xlane v41, v57;
	v51 =	vperm.xlane v37, v1;
	v46 =	vadd.f32 v50, v13  }
0x352: {  	v55 =	vmul.f32 v20, v21;
	v44 =	vperm.xlane v16, v4;
	v30 =	vld [tilespmem:s31+$0x6040];
	v39, _, _ =	vpop (xrf2)  }
0x353: {  	v49 =	vsub.f32 v10, v0;
	v52 =	vperm.xlane v39, v1;
	v34 =	vadd.f32 v51, v46  }
0x354: {  	v12 =	vmul.f32 v20, v25;
	v17 =	vcvt.f32.s32 v42;
	v42, _, _ =	vpop (xrf2)  }
0x355: {  	(erf) = vrcp.f32 v49;
	v54 =	vperm.xlane v42, v1;
	v35 =	vadd.f32 v52, v34  }
0x356: {  	v53 =	vperm.xlane v12, v57;
	v45 =	vmul.f32 v20, v22;
	v24, _, _ =	vpop (xrf2)  }
0x357: {  	v47 =	vperm.xlane v30, v3;
	v58 =	vperm.xlane v24, v1;
	v21 =	vadd.f32 v54, v35  }
0x358: {  	v11 =	vsel vm0, v23, v53;
	v36 =	vsub.f32 v9, v5;
	v60 =	vperm.xlane v45, v57;
	v23, _, _ =	vpop (xrf2)  }
0x359: {  	v52 =	vsel vm0, v55, v56;
	v20 =	vadd.f32 v58, v21;
	v62 =	vperm.xlane v23, v1  }
0x35a: {  	v43 =	vsub.f32 v12, v11;
	(erf) = vrcp.f32 v36;
	v53 =	vsub.f32 v41, v52;
	v22, _, _ =	vpop (xrf2)  }
0x35b: {  	v50 =	vld [tilespmem:s31+$0x6050];
	v54 =	vsel vm0, v19, v60;
	v63 =	vperm.xlane v22, v1;
	v19 =	vadd.f32 v62, v20  }
0x35c: {  	v7 =	vsel vm1, v44, v47;
	(erf) = vrcp.f32 v43;
	v55 =	vsub.f32 v45, v54  }
0x35d: {  	v7 =	vsub.f32 v7, v16;
	(erf) = vrcp.f32 v53;
	v31 =	vadd.f32 v63, v19  }
0x35e: {  	v9 =	vmul.f32 $1.280000000e+02, v9;
	vm3 =	vlt.f32 v49, $9.999999740e-06;
	v49 =	vld [tilespmem:s31+$0x6060];
	v59 =	vpop (erf);
	(erf) = vrcp.f32 v55  }
0x35f: {  	v25 =	vmul.f32 v7, v59;
	(erf) = vrcp.f32 v31  }
0x360: {  	v51 =	vperm.xlane v30, v4;
	v47 =	vperm.xlane v50, v3  }
0x361: {  	v44 =	vsel vm3, v7, v25;
	v7 =	vmul.f32 $1.280000000e+02, v10  }
0x362: {  	v9 =	vadd.f32 $4.999999700e-01, v9;
	v56 =	vsel vm1, v51, v47;
	v51 =	vld [tilespmem:s31+$0x6070]  }
0x363: {  	v58 =	vperm.xlane v50, v4;
	v59 =	vperm.xlane v49, v3;
	v7 =	vadd.f32 $4.999999700e-01, v7  }
0x364: {  	v8 =	vadd.f32 $0.0e+00, v8;
	v12 =	vmul.f32 $1.280000000e+02, v12;
	v57 =	vpop (erf);
	v10 =	vsub.f32 v56, v30  }
0x365: {  	v9 =	vtrunc.f32 v9;
	v60 =	vpop (erf);
	v7 =	vtrunc.f32 v7;
	v31 =	vsel vm1, v58, v59  }
0x366: {  	v2 =	vld [tilespmem:$0x1FF70];
	v25 =	vmul.f32 v10, v57;
	v47 =	vcvt.f32.s32 v7;
	v7 =	vsub.f32 v31, v50;
	v32 =	vpop (erf)  }
0x367: {  	vm3 =	vlt.f32 v36, $9.999999740e-06;
	v62 =	vperm.xlane v49, v4;
	v63 =	vperm.xlane v51, v3;
	v57 =	vpop (erf)  }
0x368: {  	v25 =	vsel vm3, v10, v25;
	vm3 =	vlt.f32 v43, $9.999999740e-06;
	v10 =	vmul.f32 v7, v60;
	v43 =	vpop (erf)  }
0x369: {  	v56 =	vsub.f32 v27, v29;
	v27 =	vcvt.f32.s32 v9;
	v8 =	vmul.f32 v43, v8  }
0x36a: {  	v60 =	vadd.f32 $4.999999700e-01, v12;
	v29 =	vsel vm3, v7, v10;
	v7 =	vsel vm1, v62, v63  }
0x36b: {  	v58 =	vmul.f32 $1.280000000e+02, v41;
	v7 =	vsub.f32 v7, v49;
	v63 =	vperm.xlane v8, v2;
	v2 =	vld [tilespmem:$0x1FF70]  }
0x36c: {  	s8 =	smul.u32 $0x90, s30;
	v6 =	vadd.f32 v13, v6;
	v9 =	vtrunc.f32 v60;
	v62 =	vmul.f32 $0.0e+00, v43  }
0x36d: {  	vm3 =	vlt.f32 v53, $9.999999740e-06;
	v10 =	vmul.f32 v29, v11;
	v53 =	vmul.f32 v7, v32  }
0x36e: {  	[tilespmem:s8+$0x10000] =	vst v3;
	v31 =	vcvt.f32.s32 v9;
	v6 =	vmul.f32 v43, v6;
	v11 =	vsel vm0, v62, v63  }
0x36f: {  	[tilespmem:s8+$0x10010] =	vst v3;
	v36 =	vld [tilespmem:s31+$0x6090];
	v32 =	vsel vm3, v7, v53;
	v7 =	vperm.xlane v51, v4;
	v9 =	vsub.f32 v8, v11  }
0x370: {  	[tilespmem:s8+$0x10020] =	vst v3;
	v59 =	vadd.f32 $4.999999700e-01, v58;
	v13 =	vmul.f32 v43, v13;
	v60 =	vperm.xlane v6, v2;
	v2 =	vld [tilespmem:$0x1FF70]  }
0x371: {  	v37 =	vadd.f32 v46, v37;
	[tilespmem:s8+$0x10030] =	vst v3;
	v41 =	vld [tilespmem:s31+$0x6080];
	(erf) = vrcp.f32 v9  }
0x372: {  	[tilespmem:s8+$0x10040] =	vst v3;
	v12 =	vtrunc.f32 v59;
	v7 =	vsub.f32 v7, v51;
	v13 =	vsel vm0, v13, v60  }
0x373: {  	[tilespmem:s8+$0x10050] =	vst v3;
	v59 =	vmul.f32 v43, v37;
	v63 =	vmul.f32 $1.280000000e+02, v45;
	v58 =	vsub.f32 v6, v13  }
0x374: {  	[tilespmem:s8+$0x10060] =	vst v3;
	vm3 =	vlt.f32 v55, $9.999999740e-06;
	v62 =	vmul.f32 v57, v7;
	v57 =	vmul.f32 v43, v46  }
0x375: {  	s6 =	sand.u32 $0x3FF0, s8;
	[tilespmem:s8+$0x10070] =	vst v3;
	v45 =	vld [tilespmem:s31+$0x60A0];
	v53 =	vadd.f32 $4.999999700e-01, v63;
	(erf) = vrcp.f32 v58;
	v60 =	vperm.xlane v59, v2  }
0x376: {  	[tilespmem:s6+$0x10080] =	vst v3;
	v55 =	vperm.xlane v41, v4;
	v37 =	vsel vm3, v7, v62;
	v7 =	vperm.xlane v36, v3  }
0x377: {  	[tilespmem:s31+$0xC000] =	vst v33;
	v46 =	vcvt.f32.s32 v12;
	v33 =	vtrunc.f32 v53;
	v53 =	vsel vm0, v57, v60  }
0x378: {  	v12 =	vmul.f32 v37, v54;
	v7 =	vsel vm1, v55, v7;
	v54 =	vsub.f32 v59, v53  }
0x379: {  	v62 =	vperm.xlane v36, v4;
	v7 =	vsub.f32 v7, v41  }
0x37a: {  	v14 =	vsub.f32 v14, v40;
	v40 =	vld [tilespmem:s31+$0x60B0];
	v63 =	vperm.xlane v45, v3;
	v60 =	vpop (erf);
	(erf) = vrcp.f32 v54  }
0x37b: {  	[tilespmem:s31+$0xE000] =	vst v56;
	v60 =	vmul.f32 v7, v60  }
0x37c: {  	[tilespmem:v38+s8+$0x10000] =	vst.idx.add.s32.msk $0xffff, v61;
	vm3 =	vlt.f32 v9, $9.999999740e-06;
	v62 =	vsel vm1, v62, v63  }
0x37d: {  	[tilespmem:s31+$0xC010] =	vst v26;
	v26 =	vsel vm3, v7, v60;
	v7 =	vsub.f32 v62, v36  }
0x37e: {  	s10 =	sadd.s32 $0x3F8, s1;
	v6 =	vmul.f32 $1.280000000e+02, v6;
	v60 =	vperm.xlane v45, v4;
	v56 =	vpop (erf)  }
0x37f: {  	s6 =	sshra.s32 s10, $0x2;
	v62 =	vperm.xlane v40, v3;
	v9 =	vmul.f32 v7, v56  }
0x380: {  	[tilespmem:s31+$0xE010] =	vst v14;
	v5 =	vmul.f32 v25, v5;
	v6 =	vadd.f32 $4.999999700e-01, v6;
	v57 =	vld [tilespmem:s6+$0x2000];
	vm3 =	vlt.f32 v58, $9.999999740e-06  }
0x381: {  	[tilespmem:v28+s8+$0x10000] =	vst.idx.add.s32.msk $0xffff, v61;
	v28 =	vsel vm3, v7, v9;
	v7 =	vsel vm1, v60, v62  }
0x382: {  	v63 =	vld [tilespmem:s6+$0x2010];
	v6 =	vtrunc.f32 v6;
	v7 =	vsub.f32 v7, v45  }
0x383: {  	v5 =	vsub.f32 v30, v5;
	v30 =	vcvt.f32.s32 v6;
	v60 =	vpop (erf)  }
0x384: {  	v15 =	vsub.f32 v15, v48;
	v48 =	vmul.f32 v26, v11;
	v11 =	vld [tilespmem:s6+$0x2020];
	v6 =	vmul.f32 v7, v60  }
0x385: {  	v55 =	vld [tilespmem:s6+$0x2040];
	v14 =	vadd.f32 $9.999999740e-06, v57;
	vm3 =	vlt.f32 v54, $9.999999740e-06  }
0x386: {  	[tilespmem:s31+$0xC020] =	vst v18;
	v56 =	vld [tilespmem:s6+$0x2030];
	v2 =	vsel vm3, v7, v6  }
0x387: {  	v63 =	vadd.f32 $9.999999740e-06, v63;
	(xrf2) =	vadd.scan.msk.f32 $0xffff, v14;
	[tilespmem:$0x1FF60] =	vst v2;
	v54 =	vmul.f32 v2, v53;
	v2 =	vld [tilespmem:$0x1FF70]  }
0x388: {  	v39 =	vadd.f32 v34, v39;
	[tilespmem:s31+$0xE020] =	vst v15;
	v8 =	vmul.f32 $1.280000000e+02, v8  }
0x389: {  	v0 =	vmul.f32 v44, v0;
	[tilespmem:v17+s8+$0x10000] =	vst.idx.add.s32.msk $0xffff, v61;
	(xrf2) =	vadd.scan.msk.f32 $0xffff, v63;
	v11 =	vadd.f32 $9.999999740e-06, v11  }
0x38a: {  	v8 =	vadd.f32 $4.999999700e-01, v8;
	v63 =	vld [tilespmem:s6+$0x2050];
	v7 =	vadd.f32 $9.999999740e-06, v55;
	v55 =	vmul.f32 v43, v39  }
0x38b: {  	v52 =	vmul.f32 v32, v52;
	v62 =	vmul.f32 $1.280000000e+02, v59;
	v59 =	vld [tilespmem:s6+$0x2060];
	v57 =	vadd.f32 $9.999999740e-06, v56;
	(xrf2) =	vadd.scan.msk.f32 $0xffff, v11  }
0x38c: {  	v0 =	vsub.f32 v16, v0;
	v8 =	vtrunc.f32 v8;
	v60 =	vperm.xlane v55, v2;
	v2 =	vld [tilespmem:$0x1FF70]  }
0x38d: {  	v38 =	vcvt.f32.s32 v33;
	v33 =	vcvt.f32.s32 v8;
	v6 =	vadd.f32 v35, v42;
	v42 =	vld [tilespmem:s6+$0x2070];
	(xrf2) =	vadd.scan.msk.f32 $0xffff, v57  }
0x38e: {  	v8 =	vsub.f32 v50, v10;
	v10 =	vsub.f32 v49, v52;
	v49 =	vmul.f32 v43, v34  }
0x38f: {  	v41 =	vsub.f32 v41, v48;
	v16 =	vadd.f32 $9.999999740e-06, v63;
	v6 =	vmul.f32 v43, v6;
	(xrf2) =	vadd.scan.msk.f32 $0xffff, v7  }
0x390: {  	v13 =	vmul.f32 v28, v13;
	v58 =	vadd.f32 $4.999999700e-01, v62;
	v39 =	vadd.f32 $9.999999740e-06, v59;
	v53 =	vld [tilespmem:s31+$0x60C0]  }
0x391: {  	v59 =	vadd.f32 v21, v24;
	v7 =	vsub.f32 v51, v12;
	v56, _, _ =	vpop (xrf2);
	(xrf2) =	vadd.scan.msk.f32 $0xffff, v16;
	v63 =	vperm.xlane v6, v2;
	v2 =	vld [tilespmem:$0x1FF70]  }
0x392: {  	[tilespmem:s31+$0xC030] =	vst v44;
	v9 =	vadd.f32 $9.999999740e-06, v42;
	v42 =	vperm.xlane v56, v1;
	v12 =	vsel vm0, v49, v60  }
0x393: {  	v62 =	vmul.f32 v43, v35;
	v35 =	vmul.f32 v43, v59;
	v50, _, _ =	vpop (xrf2);
	(xrf2) =	vadd.scan.msk.f32 $0xffff, v39;
	v57 =	vsub.f32 v55, v12  }
0x394: {  	[tilespmem:s31+$0xE030] =	vst v0;
	v16 =	vperm.xlane v40, v4;
	v52 =	vperm.xlane v50, v1;
	v44 =	vadd.f32 $0.0e+00, v42  }
0x395: {  	[tilespmem:v47+s8+$0x10000] =	vst.idx.add.s32.msk $0xffff, v61;
	v0 =	vperm.xlane v53, v3;
	v9 =	vsel vm2, $0x0, v9;
	v49, _, _ =	vpop (xrf2);
	(erf) = vrcp.f32 v57  }
0x396: {  	v60 =	vperm.xlane v49, v1;
	v42 =	vadd.f32 v52, v44;
	v52 =	vperm.xlane v35, v2;
	v2 =	vld [tilespmem:$0x1FF70]  }
0x397: {  	v11 =	vtrunc.f32 v58;
	(xrf2) =	vadd.scan.msk.f32 $0xffff, v9;
	v51, _, _ =	vpop (xrf2);
	v58 =	vsel vm0, v62, v63;
	v62 =	vadd.f32 v20, v23  }
0x398: {  	v0 =	vsel vm1, v16, v0;
	v39 =	vperm.xlane v51, v1;
	v47 =	vadd.f32 v60, v42  }
0x399: {  	v24 =	vmul.f32 $1.280000000e+02, v55;
	v0 =	vsub.f32 v0, v40;
	v23, _, _ =	vpop (xrf2);
	v59 =	vmul.f32 v43, v62  }
0x39a: {  	v63 =	vmul.f32 v43, v21;
	v17 =	vadd.f32 v39, v47;
	v61 =	vperm.xlane v23, v1  }
0x39b: {  	v60 =	vadd.f32 v19, v22;
	v22 =	vmul.f32 v43, v19;
	v21, _, _ =	vpop (xrf2);
	v62 =	vperm.xlane v59, v2;
	v2 =	vld [tilespmem:$0x1FF70]  }
0x39c: {  	v19 =	vimm.s32 $0x1;
	v15 =	vperm.xlane v21, v1;
	v18 =	vadd.f32 v61, v17  }
0x39d: {  	v20 =	vmul.f32 v43, v20;
	v39 =	vmul.f32 v43, v60;
	v34 =	vsub.f32 v6, v58;
	v14, _, _ =	vpop (xrf2)  }
0x39e: {  	v43 =	vperm.xlane v14, v1;
	v9 =	vsel vm0, v63, v52;
	v16 =	vadd.f32 v15, v18;
	v63 =	vpop (erf)  }
0x39f: {  	v61 =	vld [tilespmem:s31+$0x60D0];
	v60 =	vsel vm0, v20, v62;
	v62 =	vmul.f32 v0, v63;
	v63 =	vsub.f32 v35, v9  }
0x3a0: {  	vm3 =	vlt.f32 v57, $9.999999740e-06;
	(erf) = vrcp.f32 v34;
	v52 =	vperm.xlane v39, v2  }
0x3a1: {  	v57 =	vadd.f32 $4.999999700e-01, v24;
	v15 =	vadd.f32 v43, v16;
	v20, _, _ =	vpop (xrf2);
	(erf) = vrcp.f32 v63  }
0x3a2: {  	[tilespmem:s31+$0xE040] =	vst v5;
	v5 =	vld [tilespmem:s31+$0x60E0];
	v2 =	vsub.f32 v59, v60;
	v52 =	vsel vm0, v22, v52;
	v22 =	vperm.xlane v20, v1  }
0x3a3: {  	[tilespmem:s31+$0xC040] =	vst v25;
	v24 =	vcvt.f32.s32 v11;
	v43 =	vperm.xlane v53, v4;
	v25 =	vsub.f32 v39, v52  }
0x3a4: {  	[tilespmem:v27+s8+$0x10000] =	vst.idx.add.s32.msk $0xffff, v19;
	v55 =	vperm.xlane v61, v3;
	(erf) = vrcp.f32 v2;
	v22 =	vadd.f32 v22, v15  }
0x3a5: {  	v13 =	vsub.f32 v36, v13;
	[tilespmem:s31+$0xC050] =	vst v29;
	v11 =	vtrunc.f32 v57;
	(erf) = vrcp.f32 v25  }
0x3a6: {  	[tilespmem:s31+$0xE050] =	vst v8;
	(erf) = vrcp.f32 v22;
	v22 =	vsel vm3, v0, v62;
	v0 =	vsel vm1, v43, v55  }
0x3a7: {  	v57 =	vperm.xlane v5, v3;
	[tilespmem:v31+s8+$0x10000] =	vst.idx.add.s32.msk $0xffff, v19;
	v43 =	vperm.xlane v61, v4  }
0x3a8: {  	v6 =	vmul.f32 $1.280000000e+02, v6;
	v55 =	vld [tilespmem:s31+$0x60F0];
	v8 =	vmul.f32 v22, v12;
	v12 =	vsub.f32 v0, v53  }
0x3a9: {  	v48 =	vsub.f32 v45, v54;
	[tilespmem:s31+$0xC060] =	vst v32;
	vm3 =	vlt.f32 v34, $9.999999740e-06;
	v34 =	vsel vm1, v43, v57;
	v0 =	vpop (erf)  }
0x3aa: {  	[tilespmem:s31+$0xE060] =	vst v10;
	v6 =	vadd.f32 $4.999999700e-01, v6;
	v10 =	vsub.f32 v34, v61;
	v62 =	vmul.f32 v12, v0  }
0x3ab: {  	v45 =	vadd.f32 $0.0e+00, v56;
	[tilespmem:v46+s8+$0x10000] =	vst.idx.add.s32.msk $0xffff, v19;
	v46 =	vperm.xlane v5, v4;
	v43 =	vmul.f32 $1.280000000e+02, v35;
	v36 =	vpop (erf)  }
0x3ac: {  	[tilespmem:s31+$0xE070] =	vst v7;
	v6 =	vtrunc.f32 v6;
	v7 =	vmul.f32 v10, v36;
	v27 =	vsel vm3, v12, v62  }
0x3ad: {  	v34 =	vsub.f32 v40, v8;
	v35 =	vpop (erf);
	v54 =	vperm.xlane v55, v3;
	v8 =	vmul.f32 v27, v58;
	v58 =	vld [tilespmem:$0x1FF70]  }
0x3ae: {  	v0 =	vcvt.f32.s32 v11;
	v12 =	vadd.f32 $4.999999700e-01, v43;
	vm3 =	vlt.f32 v63, $9.999999740e-06;
	v11 =	vpop (erf)  }
0x3af: {  	v29 =	vcvt.f32.s32 v6;
	v31 =	vsel vm3, v10, v7;
	v56 =	vsel vm1, v46, v54;
	v43 =	vpop (erf)  }
0x3b0: {  	[tilespmem:s31+$0xC070] =	vst v37;
	v7 =	vtrunc.f32 v12;
	v10 =	vsub.f32 v56, v5;
	v6 =	vmul.f32 v43, v45  }
0x3b1: {  	[tilespmem:v38+s8+$0x10000] =	vst.idx.add.s32.msk $0xffff, v19;
	v32 =	vcvt.f32.s32 v7;
	v57 =	vmul.f32 $0.0e+00, v43  }
0x3b2: {  	[tilespmem:s8+$0x10090] =	vst v3;
	v7 =	vmul.f32 v10, v35;
	v62 =	vperm.xlane v6, v58  }
0x3b3: {  	[tilespmem:s8+$0x100A0] =	vst v3;
	v46 =	vmul.f32 $1.280000000e+02, v59;
	vm3 =	vlt.f32 v2, $9.999999740e-06  }
0x3b4: {  	[tilespmem:s8+$0x100B0] =	vst v3;
	v63 =	vmul.f32 v31, v9;
	v9 =	vld [tilespmem:s31+$0x6100];
	v35 =	vsel vm3, v10, v7;
	v12 =	vsel vm0, v57, v62  }
0x3b5: {  	[tilespmem:s8+$0x100C0] =	vst v3;
	v37 =	vsub.f32 v53, v8;
	v53 =	vmul.f32 v35, v60;
	v60 =	vld [tilespmem:$0x1FF70];
	v40 =	vsub.f32 v6, v12  }
0x3b6: {  	v50 =	vadd.f32 v44, v50;
	[tilespmem:s8+$0x100D0] =	vst v3;
	v2 =	vperm.xlane v55, v4  }
0x3b7: {  	[tilespmem:s8+$0x100E0] =	vst v3;
	v45 =	vld [tilespmem:s31+$0x6110];
	v7 =	vadd.f32 $4.999999700e-01, v46;
	(erf) = vrcp.f32 v40  }
0x3b8: {  	s14 =	sadd.s32 $0x90, s8;
	[tilespmem:s8+$0x100F0] =	vst v3;
	v54 =	vsub.f32 v2, v55;
	v50 =	vmul.f32 v43, v50  }
0x3b9: {  	s6 =	sand.u32 $0x7FF0, s14;
	[tilespmem:s8+$0x10100] =	vst v3;
	v2 =	vsub.f32 v61, v63;
	v61 =	vperm.xlane v9, v4;
	v7 =	vtrunc.f32 v7  }
0x3ba: {  	[tilespmem:s6+$0x10080] =	vst v3;
	v56 =	vld [tilespmem:$0x1FF70];
	v38 =	vsub.f32 v5, v53;
	v5 =	vmul.f32 v43, v44;
	v10 =	vperm.xlane v50, v60  }
0x3bb: {  	[tilespmem:s31+$0xC080] =	vst v26;
	v59 =	vadd.f32 v42, v49;
	v36 =	vcvt.f32.s32 v7;
	v7 =	vmul.f32 v11, v54;
	v60 =	vld [tilespmem:$0x1FF70]  }
0x3bc: {  	s15 =	sadd.s32 $0x5F4, s1;
	[tilespmem:s31+$0xE080] =	vst v41;
	v62 =	vperm.xlane v45, v3;
	v58 =	vsel vm0, v5, v10;
	v5 =	vadd.f32 v47, v51  }
0x3bd: {  	s6 =	sshra.s32 s15, $0x2;
	[tilespmem:v33+s8+$0x10090] =	vst.idx.add.s32.msk $0xffff, v19;
	v49 =	vmul.f32 v43, v59;
	v33 =	vmul.f32 v43, v42;
	vm3 =	vlt.f32 v25, $9.999999740e-06  }
0x3be: {  	v63 =	vld [tilespmem:s6+$0x2000];
	v42 =	vsel vm3, v54, v7;
	v7 =	vsel vm1, v61, v62;
	v53 =	vmul.f32 v43, v5  }
0x3bf: {  	v59 =	vmul.f32 v43, v47;
	v44 =	vld [tilespmem:s31+$0x6120];
	v7 =	vsub.f32 v7, v9  }
0x3c0: {  	[tilespmem:s31+$0xC090] =	vst v28;
	v28 =	vperm.xlane v49, v56;
	v5 =	vld [tilespmem:s6+$0x2010];
	v26 =	vperm.xlane v53, v60;
	v57 =	vpop (erf)  }
0x3c1: {  	v61 =	vld [tilespmem:s6+$0x2020];
	vm3 =	vlt.f32 v40, $9.999999740e-06;
	v8 =	vmul.f32 v7, v57  }
0x3c2: {  	v51 =	vsel vm0, v33, v28;
	v25 =	vsub.f32 v50, v58;
	v54 =	vsel vm0, v59, v26;
	v59 =	vld [tilespmem:s6+$0x2030]  }
0x3c3: {  	v11 =	vsub.f32 v49, v51;
	v26 =	vsel vm3, v7, v8;
	v7 =	vld [tilespmem:s6+$0x2040]  }
0x3c4: {  	[tilespmem:s31+$0xE090] =	vst v13;
	v46 =	vld [tilespmem:s31+$0x6130];
	v6 =	vmul.f32 $1.280000000e+02, v6;
	v10 =	vadd.f32 $9.999999740e-06, v63;
	(erf) = vrcp.f32 v25  }
0x3c5: {  	[tilespmem:v30+s8+$0x10090] =	vst.idx.add.s32.msk $0xffff, v19;
	(erf) = vrcp.f32 v11;
	v5 =	vadd.f32 $9.999999740e-06, v5  }
0x3c6: {  	v6 =	vadd.f32 $4.999999700e-01, v6;
	v62 =	vperm.xlane v44, v3;
	(xrf2) =	vadd.scan.msk.f32 $0xffff, v10;
	v28 =	vadd.f32 $9.999999740e-06, v61  }
0x3c7: {  	v63 =	vmul.f32 v42, v52;
	v57 =	vperm.xlane v45, v4;
	(xrf2) =	vadd.scan.msk.f32 $0xffff, v5;
	v13 =	vadd.f32 $9.999999740e-06, v59  }
0x3c8: {  	v52 =	vmul.f32 $1.280000000e+02, v39;
	v39 =	vld [tilespmem:s31+$0x6140];
	v41 =	vsub.f32 v53, v54;
	(xrf2) =	vadd.scan.msk.f32 $0xffff, v28;
	v7 =	vadd.f32 $9.999999740e-06, v7  }
0x3c9: {  	v6 =	vtrunc.f32 v6;
	v61 =	vperm.xlane v46, v3;
	v56 =	vsel vm1, v57, v62;
	v57 =	vld [tilespmem:s6+$0x2050];
	(xrf2) =	vadd.scan.msk.f32 $0xffff, v13  }
0x3ca: {  	v60 =	vperm.xlane v44, v4;
	(erf) = vrcp.f32 v41;
	v5 =	vadd.f32 $4.999999700e-01, v52;
	(xrf2) =	vadd.scan.msk.f32 $0xffff, v7;
	v7 =	vld [tilespmem:$0x1FF60]  }
0x3cb: {  	v6 =	vcvt.f32.s32 v6;
	v52 =	vsub.f32 v55, v63;
	v63 =	vld [tilespmem:s6+$0x2060];
	v12 =	vmul.f32 v26, v12  }
0x3cc: {  	v47 =	vsel vm1, v60, v61;
	v55 =	vld [tilespmem:s6+$0x2070];
	v8 =	vsub.f32 v56, v45;
	v5 =	vtrunc.f32 v5  }
0x3cd: {  	v59 =	vperm.xlane v46, v4;
	v30 =	vsub.f32 v9, v12;
	v62 =	vpop (erf);
	v12 =	vsub.f32 v47, v44  }
0x3ce: {  	v60 =	vperm.xlane v39, v3;
	vm3 =	vlt.f32 v25, $9.999999740e-06;
	v5 =	vcvt.f32.s32 v5;
	v61 =	vpop (erf)  }
0x3cf: {  	v47 =	vadd.f32 v17, v23;
	v9 =	vmul.f32 v8, v62;
	[tilespmem:s31+$0xC0A0] =	vst v7;
	v7 =	vmul.f32 v12, v61  }
0x3d0: {  	v62 =	vsel vm1, v59, v60;
	v33 =	vadd.f32 $9.999999740e-06, v57;
	v63 =	vadd.f32 $9.999999740e-06, v63  }
0x3d1: {  	v25 =	vadd.f32 $9.999999740e-06, v55;
	v40 =	vsel vm3, v8, v9;
	vm3 =	vlt.f32 v11, $9.999999740e-06;
	v59, _, _ =	vpop (xrf2)  }
0x3d2: {  	[tilespmem:s31+$0xE0A0] =	vst v48;
	v8 =	vsub.f32 v62, v46;
	v62 =	vmul.f32 v43, v17;
	v28 =	vperm.xlane v59, v1;
	v56, _, _ =	vpop (xrf2)  }
0x3d3: {  	v17 =	vadd.f32 v16, v14;
	v55 =	vsel vm2, $0x0, v25;
	(xrf2) =	vadd.scan.msk.f32 $0xffff, v33;
	v33 =	vsel vm3, v12, v7;
	v7 =	vpop (erf)  }
0x3d4: {  	v48 =	vadd.f32 $0.0e+00, v28;
	v60 =	vperm.xlane v56, v1;
	v57, _, _ =	vpop (xrf2);
	[tilespmem:v24+s8+$0x10090] =	vst.idx.add.s32.msk $0xffff, v19;
	v7 =	vmul.f32 v8, v7  }
0x3d5: {  	v13 =	vld [tilespmem:$0x1FF70];
	(xrf2) =	vadd.scan.msk.f32 $0xffff, v63;
	v63 =	vperm.xlane v57, v1;
	vm3 =	vlt.f32 v41, $9.999999740e-06;
	[tilespmem:s31+$0xC0B0] =	vst v22  }
0x3d6: {  	v41 =	vld [tilespmem:$0x1FF70];
	[tilespmem:s31+$0xE0B0] =	vst v34;
	v28 =	vsel vm3, v8, v7;
	v7 =	vmul.f32 v43, v47;
	v47 =	vadd.f32 v60, v48  }
0x3d7: {  	v14 =	vmul.f32 v43, v16;
	(xrf2) =	vadd.scan.msk.f32 $0xffff, v55;
	v55 =	vadd.f32 v15, v20;
	[tilespmem:v0+s8+$0x10090] =	vst.idx.add.s32.msk $0xffff, v19  }
0x3d8: {  	v11 =	vmul.f32 v43, v17;
	v61 =	vadd.f32 v18, v21;
	v21 =	vadd.f32 v63, v47;
	v63 =	vld [tilespmem:$0x1FF70]  }
0x3d9: {  	v55 =	vmul.f32 v43, v55;
	v24, _, _ =	vpop (xrf2);
	v22 =	vmul.f32 v40, v58;
	[tilespmem:s31+$0xC0C0] =	vst v27  }
0x3da: {  	v25 =	vperm.xlane v24, v1;
	v51 =	vmul.f32 v33, v51;
	[tilespmem:s31+$0xE0C0] =	vst v37  }
0x3db: {  	[tilespmem:v29+s8+$0x10090] =	vst.idx.add.s32.msk $0xffff, v19;
	v8 =	vmul.f32 v43, v61;
	v10 =	vperm.xlane v7, v13  }
0x3dc: {  	v0 =	vsub.f32 v45, v22;
	v45 =	vperm.xlane v39, v4;
	[tilespmem:s31+$0xC0D0] =	vst v31;
	v13 =	vmul.f32 v43, v18  }
0x3dd: {  	v23, _, _ =	vpop (xrf2);
	[tilespmem:s31+$0xE0D0] =	vst v2;
	v31 =	vld [tilespmem:s31+$0x6170];
	v9 =	vsel vm0, v62, v10;
	v10 =	vperm.xlane v8, v41;
	v41 =	vperm.xlane v11, v63  }
0x3de: {  	v59 =	vadd.f32 $0.0e+00, v59;
	v17 =	vperm.xlane v23, v1;
	[tilespmem:v32+s8+$0x10090] =	vst.idx.add.s32.msk $0xffff, v19;
	v20 =	vadd.f32 v25, v21  }
0x3df: {  	[tilespmem:s31+$0xC0E0] =	vst v35;
	v10 =	vsel vm0, v13, v10;
	v63, _, _ =	vpop (xrf2);
	v13 =	vsel vm0, v14, v41;
	v14 =	vmul.f32 v43, v15;
	v43 =	vld [tilespmem:$0x1FF70]  }
0x3e0: {  	v37 =	vsub.f32 v44, v51;
	[tilespmem:s31+$0xE0E0] =	vst v38;
	v16 =	vadd.f32 v17, v20;
	v12 =	vperm.xlane v63, v1  }
0x3e1: {  	[tilespmem:v36+s8+$0x10090] =	vst.idx.add.s32.msk $0xffff, v19;
	v25 =	vsub.f32 v7, v9;
	v7 =	vmul.f32 $1.280000000e+02, v7;
	v23 =	vadd.f32 v20, v23  }
0x3e2: {  	v51 =	vperm.xlane v31, v3;
	v61 =	vsub.f32 v8, v10;
	v18, _, _ =	vpop (xrf2);
	v15 =	vadd.f32 v12, v16;
	v12 =	vld [tilespmem:s31+$0x6150]  }
0x3e3: {  	[tilespmem:s31+$0xC0F0] =	vst v42;
	(erf) = vrcp.f32 v25;
	v7 =	vadd.f32 $4.999999700e-01, v7;
	v60 =	vperm.xlane v18, v1  }
0x3e4: {  	[tilespmem:s31+$0xE0F0] =	vst v52;
	vm3 =	vlt.f32 v25, $9.999999740e-06;
	(erf) = vrcp.f32 v61;
	v41 =	vperm.xlane v55, v43  }
0x3e5: {  	[tilespmem:v5+s8+$0x10090] =	vst.idx.add.s32.msk $0xffff, v19;
	v5 =	vtrunc.f32 v7;
	v7 =	vmul.f32 $1.280000000e+02, v8;
	v62 =	vsub.f32 v11, v13  }
0x3e6: {  	v38 =	vcvt.f32.s32 v5;
	v11 =	vmul.f32 $1.280000000e+02, v11;
	v43 =	vsel vm0, v14, v41  }
0x3e7: {  	v17, _, _ =	vpop (xrf2);
	v14 =	vadd.f32 v60, v15;
	v60 =	vmul.f32 $1.280000000e+02, v50;
	v50 =	vperm.xlane v12, v3  }
0x3e8: {  	v7 =	vadd.f32 $4.999999700e-01, v7;
	(erf) = vrcp.f32 v62;
	v41 =	vperm.xlane v17, v1  }
0x3e9: {  	v11 =	vadd.f32 $4.999999700e-01, v11;
	v58 =	vsub.f32 v55, v43;
	v22 =	vsel vm1, v45, v50;
	v45 =	vld [tilespmem:s31+$0x6160];
	[tilespmem:s8+$0x10120] =	vst v3  }
0x3ea: {  	v18 =	vadd.f32 v15, v18;
	v7 =	vtrunc.f32 v7;
	v41 =	vadd.f32 v41, v14;
	[tilespmem:s8+$0x10130] =	vst v3  }
0x3eb: {  	v34 =	vadd.f32 $4.999999700e-01, v60;
	v60 =	vmul.f32 $1.280000000e+02, v49;
	[tilespmem:s8+$0x10140] =	vst v3;
	(erf) = vrcp.f32 v58  }
0x3ec: {  	[tilespmem:s8+$0x10150] =	vst v3;
	v22 =	vsub.f32 v22, v39;
	(erf) = vrcp.f32 v41;
	v41 =	vmul.f32 $1.280000000e+02, v53  }
0x3ed: {  	[tilespmem:s8+$0x10160] =	vst v3;
	v49 =	vtrunc.f32 v34;
	v50 =	vadd.f32 $4.999999700e-01, v60;
	v60 =	vmul.f32 v28, v54  }
0x3ee: {  	v35 =	vpop (erf);
	[tilespmem:s8+$0x10170] =	vst v3;
	v17 =	vadd.f32 v14, v17;
	v34 =	vcvt.f32.s32 v7;
	v2 =	vcvt.f32.s32 v49  }
0x3ef: {  	s22 =	sadd.s32 $0x120, s8;
	[tilespmem:s8+$0x10180] =	vst v3;
	v29 =	vmul.f32 v22, v35;
	v27 =	vadd.f32 $4.999999700e-01, v41;
	v53 =	vtrunc.f32 v50  }
0x3f0: {  	s6 =	sand.u32 $0x7FF0, s22;
	[tilespmem:s8+$0x10190] =	vst v3;
	v46 =	vsub.f32 v46, v60;
	v41 =	vperm.xlane v12, v4;
	v49 =	vperm.xlane v45, v3  }
0x3f1: {  	[tilespmem:s6+$0x10080] =	vst v3;
	v44 =	vcvt.f32.s32 v53;
	v25 =	vsel vm3, v22, v29;
	v50 =	vperm.xlane v45, v4  }
0x3f2: {  	[tilespmem:s31+$0xC100] =	vst v26;
	vm3 =	vlt.f32 v61, $9.999999740e-06;
	v61 =	vimm.s32 $0x1;
	v32 =	vsel vm1, v41, v49  }
0x3f3: {  	v52 =	vpop (erf);
	[tilespmem:s31+$0xE100] =	vst v30;
	v27 =	vtrunc.f32 v27;
	v22 =	vsel vm1, v50, v51;
	v32 =	vsub.f32 v32, v12  }
0x3f4: {  	v54 =	vpop (erf);
	v9 =	vmul.f32 v25, v9;
	[tilespmem:v6+s8+$0x10120] =	vst.idx.add.s32.msk $0xffff, v61;
	v6 =	vtrunc.f32 v11;
	v53 =	vsub.f32 v22, v45  }
0x3f5: {  	v27 =	vcvt.f32.s32 v27;
	v50 =	vadd.f32 v48, v56;
	v5 =	vmul.f32 v32, v52;
	v29 =	vpop (erf)  }
0x3f6: {  	v42 =	vld [tilespmem:$0x1FF70];
	v51 =	vadd.f32 v47, v57;
	v6 =	vcvt.f32.s32 v6;
	v60 =	vmul.f32 v53, v54;
	v22 =	vpop (erf)  }
0x3f7: {  	[tilespmem:s31+$0xC110] =	vst v40;
	v54 =	vperm.xlane v31, v4;
	v41 =	vsel vm3, v32, v5;
	v5 =	vmul.f32 v22, v59  }
0x3f8: {  	v57 =	vld [tilespmem:$0x1FF70];
	[tilespmem:s31+$0xE110] =	vst v0;
	v9 =	vsub.f32 v39, v9;
	v19 =	vmul.f32 $0.0e+00, v22;
	v52 =	vmul.f32 v22, v48  }
0x3f9: {  	[tilespmem:v2+s8+$0x10120] =	vst.idx.add.s32.msk $0xffff, v61;
	vm3 =	vlt.f32 v62, $9.999999740e-06;
	v48 =	vmul.f32 v22, v51;
	v56 =	vmul.f32 v22, v47  }
0x3fa: {  	v30 =	vld [tilespmem:s31+$0x61A0];
	[tilespmem:s31+$0xC120] =	vst v33;
	v59 =	vsub.f32 v54, v31;
	v20 =	vmul.f32 v22, v20;
	v14 =	vmul.f32 v22, v14  }
0x3fb: {  	[tilespmem:s31+$0xE120] =	vst v37;
	v10 =	vmul.f32 v41, v10;
	v32 =	vsel vm3, v53, v60;
	v49 =	vperm.xlane v5, v42  }
0x3fc: {  	[tilespmem:v44+s8+$0x10120] =	vst.idx.add.s32.msk $0xffff, v61;
	vm3 =	vlt.f32 v58, $9.999999740e-06;
	v60 =	vmul.f32 $1.280000000e+02, v55;
	v7 =	vmul.f32 v32, v13  }
0x3fd: {  	v13 =	vmul.f32 v22, v50;
	v35 =	vperm.xlane v48, v57;
	v8 =	vsel vm0, v19, v49  }
0x3fe: {  	[tilespmem:s31+$0xC130] =	vst v28;
	v0 =	vmul.f32 v29, v59;
	v10 =	vsub.f32 v12, v10;
	v12 =	vld [tilespmem:s31+$0x6180];
	v39 =	vsub.f32 v5, v8  }
0x3ff: {  	s1 =	sadd.s32 $0x7F0, s1;
	[tilespmem:s31+$0xE130] =	vst v46;
	v2 =	vadd.f32 $4.999999700e-01, v60;
	v60 =	vperm.xlane v30, v4;
	v53 =	vperm.xlane v13, v57;
	v49 =	vld [tilespmem:s31+$0x6190]  }
0x400: {  	s1 =	sshra.s32 s1, $0x2;
	[tilespmem:v27+s8+$0x10120] =	vst.idx.add.s32.msk $0xffff, v61;
	v40 =	vsel vm0, v56, v35;
	v7 =	vsub.f32 v45, v7;
	(erf) = vrcp.f32 v39  }
0x401: {  	v56 =	vperm.xlane v30, v3;
	v45 =	vmul.f32 v22, v21;
	v42 =	vsel vm0, v52, v53;
	v53 =	vld [tilespmem:s1+$0x2000]  }
0x402: {  	v58 =	vld [tilespmem:s1+$0x2010];
	[tilespmem:s31+$0xC140] =	vst v25;
	v35 =	vsel vm3, v59, v0;
	v2 =	vtrunc.f32 v2;
	v5 =	vmul.f32 $1.280000000e+02, v5  }
0x403: {  	v29 =	vld [tilespmem:s31+$0x61B0];
	[tilespmem:s31+$0xE140] =	vst v9;
	v0 =	vmul.f32 v35, v43;
	v36 =	vcvt.f32.s32 v2;
	v26 =	vsub.f32 v13, v42  }
0x404: {  	[tilespmem:v38+s8+$0x10120] =	vst.idx.add.s32.msk $0xffff, v61;
	v5 =	vadd.f32 $4.999999700e-01, v5;
	v62 =	vperm.xlane v12, v4;
	v19 =	vperm.xlane v49, v3  }
0x405: {  	[tilespmem:s31+$0xC150] =	vst v41;
	v47 =	vsub.f32 v48, v40;
	(erf) = vrcp.f32 v26;
	v55 =	vperm.xlane v49, v4  }
0x406: {  	[tilespmem:s31+$0xE150] =	vst v10;
	v5 =	vtrunc.f32 v5;
	v52 =	vsel vm1, v62, v19;
	v19 =	vld [tilespmem:s1+$0x2020];
	v50 =	vadd.f32 $9.999999740e-06, v53  }
0x407: {  	v44 =	vadd.f32 $9.999999740e-06, v58;
	[tilespmem:v34+s8+$0x10120] =	vst.idx.add.s32.msk $0xffff, v61;
	(erf) = vrcp.f32 v47;
	v28 =	vcvt.f32.s32 v5  }
0x408: {  	v5 =	vmul.f32 $1.280000000e+02, v13;
	v62 =	vperm.xlane v29, v3;
	v53 =	vld [tilespmem:s1+$0x2030];
	v2 =	vsub.f32 v52, v12;
	(xrf2) =	vadd.scan.msk.f32 $0xffff, v50  }
0x409: {  	vm3 =	vlt.f32 v39, $9.999999740e-06;
	v0 =	vsub.f32 v31, v0;
	v59 =	vsel vm1, v55, v56;
	v56 =	vld [tilespmem:s1+$0x2040];
	v54 =	vpop (erf)  }
0x40a: {  	v37 =	vld [tilespmem:s31+$0x61C0];
	v5 =	vadd.f32 $4.999999700e-01, v5;
	v52 =	vsel vm1, v60, v62;
	(xrf2) =	vadd.scan.msk.f32 $0xffff, v44;
	v11 =	vmul.f32 v2, v54  }
0x40b: {  	[tilespmem:s31+$0xE160] =	vst v7;
	v7 =	vmul.f32 v22, v16;
	v33 =	vsub.f32 v52, v30;
	v44 =	vld [tilespmem:s1+$0x2070];
	v58 =	vadd.f32 $9.999999740e-06, v19  }
0x40c: {  	v5 =	vtrunc.f32 v5;
	v27 =	vsel vm3, v2, v11;
	v2 =	vsub.f32 v59, v49;
	v59 =	vld [tilespmem:s1+$0x2050]  }
0x40d: {  	v62 =	vld [tilespmem:s1+$0x2060];
	v5 =	vcvt.f32.s32 v5;
	v60 =	vadd.f32 $9.999999740e-06, v53;
	(xrf2) =	vadd.scan.msk.f32 $0xffff, v58;
	v8 =	vmul.f32 v27, v8  }
0x40e: {  	v13 =	vadd.f32 $9.999999740e-06, v56;
	v56 =	vadd.f32 v16, v63;
	v51 =	vpop (erf);
	vm3 =	vlt.f32 v26, $9.999999740e-06  }
0x40f: {  	(xrf2) =	vadd.scan.msk.f32 $0xffff, v60;
	v54 =	vmul.f32 v2, v51;
	v38 =	vsub.f32 v12, v8;
	v8 =	vmul.f32 $1.280000000e+02, v48  }
0x410: {  	[tilespmem:s31+$0xC160] =	vst v32;
	v51 =	vadd.f32 $9.999999740e-06, v44;
	v48 =	vperm.xlane v29, v4;
	v12 =	vmul.f32 v22, v56  }
0x411: {  	v55 =	vpop (erf);
	(xrf2) =	vadd.scan.msk.f32 $0xffff, v13;
	v26 =	vsel vm3, v2, v54;
	vm3 =	vlt.f32 v47, $9.999999740e-06;
	v47 =	vadd.f32 $9.999999740e-06, v59  }
0x412: {  	[tilespmem:v6+s8+$0x10120] =	vst.idx.add.s32.msk $0xffff, v61;
	v11 =	vadd.f32 $9.999999740e-06, v62;
	v56 =	vperm.xlane v37, v4;
	v2 =	vmul.f32 v33, v55;
	v41, _, _ =	vpop (xrf2)  }
0x413: {  	v54 =	vsel vm2, $0x0, v51;
	v42 =	vmul.f32 v26, v42;
	v52 =	vperm.xlane v41, v1;
	(xrf2) =	vadd.scan.msk.f32 $0xffff, v47  }
0x414: {  	[tilespmem:s31+$0xC170] =	vst v35;
	v44, _, _ =	vpop (xrf2);
	v6 =	vperm.xlane v12, v57;
	v8 =	vadd.f32 $4.999999700e-01, v8;
	v41 =	vadd.f32 $0.0e+00, v41  }
0x415: {  	[tilespmem:s31+$0xE170] =	vst v0;
	v25 =	vsel vm3, v33, v2;
	v2 =	vadd.f32 v21, v24;
	v55 =	vperm.xlane v44, v1  }
0x416: {  	[tilespmem:v36+s8+$0x10120] =	vst.idx.add.s32.msk $0xffff, v61;
	v9 =	vmul.f32 v25, v40;
	v40 =	vmul.f32 v22, v23;
	v39 =	vadd.f32 $0.0e+00, v52  }
0x417: {  	v31 =	vsub.f32 v49, v42;
	v49 =	vperm.xlane v37, v3;
	v2 =	vmul.f32 v22, v2;
	v34, _, _ =	vpop (xrf2)  }
0x418: {  	v6 =	vsel vm0, v7, v6;
	v24 =	vadd.f32 v55, v39;
	v59 =	vperm.xlane v34, v1  }
0x419: {  	v47 =	vsub.f32 v12, v6;
	v50 =	vperm.xlane v40, v57;
	v46 =	vperm.xlane v2, v57;
	v33, _, _ =	vpop (xrf2)  }
0x41a: {  	(xrf2) =	vadd.scan.msk.f32 $0xffff, v11;
	v12 =	vmul.f32 $1.280000000e+02, v12;
	v60 =	vperm.xlane v33, v1;
	v23 =	vadd.f32 v59, v24  }
0x41b: {  	v13 =	vsel vm1, v48, v49;
	v43 =	vsel vm0, v20, v50;
	v21, _, _ =	vpop (xrf2);
	v10 =	vsel vm0, v45, v46  }
0x41c: {  	(xrf2) =	vadd.scan.msk.f32 $0xffff, v54;
	v62 =	vperm.xlane v21, v1;
	v53 =	vsub.f32 v2, v10;
	v20 =	vadd.f32 v60, v23  }
0x41d: {  	v0 =	vsub.f32 v30, v9;
	v58 =	vsub.f32 v13, v29;
	v13 =	vmul.f32 v22, v18;
	v19, _, _ =	vpop (xrf2)  }
0x41e: {  	v30 =	vld [tilespmem:s31+$0x61F0];
	(erf) = vrcp.f32 v53;
	v18 =	vadd.f32 v62, v20;
	v32 =	vperm.xlane v19, v1  }
0x41f: {  	v7 =	vmul.f32 v22, v15;
	v42 =	vmul.f32 v22, v17;
	v12 =	vadd.f32 $4.999999700e-01, v12;
	v46 =	vld [tilespmem:s31+$0x61D0]  }
0x420: {  	v8 =	vtrunc.f32 v8;
	v63 =	vperm.xlane v13, v57;
	v15 =	vadd.f32 v32, v18;
	v32 =	vld [tilespmem:s31+$0x61E0];
	[tilespmem:s8+$0x101B0] =	vst v3  }
0x421: {  	v8 =	vcvt.f32.s32 v8;
	v45 =	vsub.f32 v40, v43;
	v12 =	vtrunc.f32 v12;
	[tilespmem:s8+$0x101C0] =	vst v3  }
0x422: {  	v2 =	vmul.f32 $1.280000000e+02, v2;
	v12 =	vcvt.f32.s32 v12;
	v7 =	vsel vm0, v7, v63;
	[tilespmem:s8+$0x101D0] =	vst v3  }
0x423: {  	v33 =	vadd.f32 v23, v33;
	vm3 =	vlt.f32 v53, $9.999999740e-06;
	v53 =	vperm.xlane v42, v57;
	[tilespmem:s8+$0x101E0] =	vst v3  }
0x424: {  	v50 =	vsub.f32 v13, v7;
	v2 =	vadd.f32 $4.999999700e-01, v2;
	v13 =	vmul.f32 $1.280000000e+02, v13;
	v17, _, _ =	vpop (xrf2);
	[tilespmem:s8+$0x101F0] =	vst v3  }
0x425: {  	(erf) = vrcp.f32 v45;
	v21 =	vadd.f32 v20, v21;
	v54 =	vperm.xlane v17, v1;
	[tilespmem:s8+$0x10200] =	vst v3  }
0x426: {  	s23 =	sadd.s32 $0x1B0, s8;
	(erf) = vrcp.f32 v47;
	v48 =	vsel vm0, v14, v53;
	v59 =	vperm.xlane v46, v4;
	v16, _, _ =	vpop (xrf2);
	[tilespmem:s8+$0x10210] =	vst v3  }
0x427: {  	s1 =	sand.u32 $0x7FF0, s23;
	v2 =	vtrunc.f32 v2;
	v55 =	vperm.xlane v16, v1;
	[tilespmem:s8+$0x10220] =	vst v3;
	v14 =	vadd.f32 v54, v15;
	v52 =	vpop (erf)  }
0x428: {  	v53 =	vperm.xlane v30, v3;
	v49 =	vsub.f32 v42, v48;
	[tilespmem:s1+$0x10080] =	vst v3;
	v22 =	vmul.f32 v58, v52  }
0x429: {  	(erf) = vrcp.f32 v50;
	v2 =	vcvt.f32.s32 v2;
	[tilespmem:s31+$0xC180] =	vst v27;
	v51 =	vadd.f32 v55, v14  }
0x42a: {  	[tilespmem:s31+$0xE180] =	vst v38;
	v60 =	vperm.xlane v32, v3;
	v11 =	vsel vm3, v58, v22;
	v58 =	vperm.xlane v46, v3  }
0x42b: {  	v13 =	vadd.f32 $4.999999700e-01, v13;
	(erf) = vrcp.f32 v49;
	[tilespmem:v28+s8+$0x101B0] =	vst.idx.add.s32.msk $0xffff, v61;
	v52 =	vperm.xlane v32, v4  }
0x42c: {  	[tilespmem:s31+$0xC190] =	vst v26;
	(erf) = vrcp.f32 v51;
	v9 =	vsel vm1, v59, v60;
	v22 =	vsel vm1, v56, v58  }
0x42d: {  	[tilespmem:s31+$0xE190] =	vst v31;
	vm3 =	vlt.f32 v45, $9.999999740e-06;
	v45 =	vmul.f32 $1.280000000e+02, v40;
	v22 =	vsub.f32 v22, v37  }
0x42e: {  	v62 =	vpop (erf);
	[tilespmem:v5+s8+$0x101B0] =	vst.idx.add.s32.msk $0xffff, v61;
	v5 =	vtrunc.f32 v13;
	v10 =	vmul.f32 v11, v10;
	v9 =	vsub.f32 v9, v46  }
0x42f: {  	v28 =	vld [tilespmem:s31+$0x6200];
	v63 =	vpop (erf);
	v5 =	vcvt.f32.s32 v5;
	v36 =	vadd.f32 $4.999999700e-01, v45;
	v35 =	vmul.f32 v22, v62  }
0x430: {  	v59 =	vadd.f32 v39, v44;
	v10 =	vsub.f32 v29, v10;
	v29 =	vmul.f32 v9, v63  }
0x431: {  	v44 =	vld [tilespmem:s31+$0x6210];
	v36 =	vtrunc.f32 v36;
	v62 =	vperm.xlane v30, v4;
	v35 =	vsel vm3, v22, v35  }
0x432: {  	v36 =	vcvt.f32.s32 v36;
	vm3 =	vlt.f32 v47, $9.999999740e-06;
	v22 =	vmul.f32 v35, v43  }
0x433: {  	v51 =	vpop (erf);
	v40 =	vsub.f32 v62, v30;
	v9 =	vsel vm3, v9, v29;
	v29 =	vsel vm1, v52, v53  }
0x434: {  	v26 =	vld [tilespmem:s31+$0x6220];
	v54 =	vpop (erf);
	v52 =	vmul.f32 $1.280000000e+02, v42;
	v53 =	vperm.xlane v28, v4;
	v55 =	vsub.f32 v29, v32  }
0x435: {  	vm3 =	vlt.f32 v50, $9.999999740e-06;
	v6 =	vmul.f32 v9, v6;
	v50 =	vmul.f32 v54, v40  }
0x436: {  	v54 =	vperm.xlane v44, v3;
	v37 =	vsub.f32 v37, v22;
	v60 =	vmul.f32 v55, v51;
	v22 =	vpop (erf)  }
0x437: {  	v19 =	vadd.f32 v18, v19;
	v41 =	vmul.f32 v22, v41;
	v56 =	vmul.f32 $0.0e+00, v22  }
0x438: {  	v17 =	vadd.f32 v15, v17;
	v38 =	vmul.f32 v22, v59;
	v39 =	vmul.f32 v22, v39  }
0x439: {  	[tilespmem:s31+$0xC1A0] =	vst v25;
	v27 =	vsel vm3, v55, v60;
	v60 =	vperm.xlane v26, v3;
	v33 =	vmul.f32 v22, v33  }
0x43a: {  	v16 =	vadd.f32 v14, v16;
	v13 =	vld [tilespmem:s31+$0x6240];
	[tilespmem:s31+$0xE1A0] =	vst v0;
	v23 =	vmul.f32 v22, v23;
	v21 =	vmul.f32 v22, v21  }
0x43b: {  	[tilespmem:v8+s8+$0x101B0] =	vst.idx.add.s32.msk $0xffff, v61;
	v20 =	vmul.f32 v22, v20;
	v19 =	vmul.f32 v22, v19  }
0x43c: {  	[tilespmem:s31+$0xC1B0] =	vst v11;
	v6 =	vsub.f32 v46, v6;
	v18 =	vmul.f32 v22, v18;
	v17 =	vmul.f32 v22, v17  }
0x43d: {  	[tilespmem:s31+$0xE1B0] =	vst v10;
	v25 =	vsel vm1, v53, v54;
	v15 =	vmul.f32 v22, v15;
	v16 =	vmul.f32 v22, v16  }
0x43e: {  	[tilespmem:v2+s8+$0x101B0] =	vst.idx.add.s32.msk $0xffff, v61;
	vm3 =	vlt.f32 v49, $9.999999740e-06;
	v14 =	vmul.f32 v22, v14;
	v58 =	vperm.xlane v41, v57  }
0x43f: {  	v0 =	vmul.f32 v27, v7;
	v7 =	vadd.f32 v24, v34;
	v24 =	vmul.f32 v22, v24  }
0x440: {  	[tilespmem:s31+$0xC1C0] =	vst v35;
	v34 =	vperm.xlane v13, v4;
	v63 =	vperm.xlane v38, v57;
	v29 =	vsel vm0, v56, v58  }
0x441: {  	[tilespmem:s31+$0xE1C0] =	vst v37;
	v42 =	vperm.xlane v33, v57;
	v46 =	vmul.f32 $1.280000000e+02, v41;
	v43 =	vsub.f32 v41, v29  }
0x442: {  	v59 =	vsub.f32 v25, v28;
	[tilespmem:v36+s8+$0x101B0] =	vst.idx.add.s32.msk $0xffff, v61;
	v36 =	vperm.xlane v17, v57;
	v37 =	vmul.f32 $1.280000000e+02, v33  }
0x443: {  	v7 =	vmul.f32 v22, v7;
	v31 =	vsel vm0, v39, v63;
	(erf) = vrcp.f32 v43  }
0x444: {  	v0 =	vsub.f32 v32, v0;
	v39 =	vsel vm3, v40, v50;
	v51 =	vsub.f32 v38, v31  }
0x445: {  	v56 =	vadd.f32 $4.999999700e-01, v52;
	v58 =	vperm.xlane v44, v4;
	v52 =	vperm.xlane v26, v4  }
0x446: {  	[tilespmem:s31+$0xC1D0] =	vst v9;
	v23 =	vsel vm0, v23, v42;
	v55 =	vmul.f32 v39, v48;
	(erf) = vrcp.f32 v51  }
0x447: {  	[tilespmem:s31+$0xE1D0] =	vst v6;
	v32 =	vld [tilespmem:s31+$0x6230];
	v11 =	vadd.f32 $4.999999700e-01, v46;
	v63 =	vperm.xlane v7, v57;
	v40 =	vtrunc.f32 v56  }
0x448: {  	[tilespmem:v12+s8+$0x101B0] =	vst.idx.add.s32.msk $0xffff, v61;
	v48 =	vsub.f32 v33, v23;
	v2 =	vsel vm1, v58, v60;
	v25 =	vcvt.f32.s32 v40  }
0x449: {  	[tilespmem:s31+$0xC1E0] =	vst v27;
	v6 =	vtrunc.f32 v11;
	v56 =	vperm.xlane v21, v57;
	v24 =	vsel vm0, v24, v63  }
0x44a: {  	[tilespmem:s31+$0xE1E0] =	vst v0;
	v8 =	vsub.f32 v30, v55;
	v55 =	vperm.xlane v13, v3;
	v45 =	vsub.f32 v7, v24  }
0x44b: {  	[tilespmem:v5+s8+$0x101B0] =	vst.idx.add.s32.msk $0xffff, v61;
	vm3 =	vlt.f32 v43, $9.999999740e-06;
	v63 =	vperm.xlane v19, v57;
	v40 =	vperm.xlane v16, v57  }
0x44c: {  	v2 =	vsub.f32 v2, v44;
	[tilespmem:s31+$0xC1F0] =	vst v39;
	v53 =	vperm.xlane v32, v3;
	v62 =	vpop (erf);
	(erf) = vrcp.f32 v45  }
0x44d: {  	v54 =	vperm.xlane v32, v4;
	v7 =	vmul.f32 $1.280000000e+02, v7;
	[tilespmem:s31+$0xE1F0] =	vst v8;
	v18 =	vsel vm0, v18, v63  }
0x44e: {  	v5 =	vcvt.f32.s32 v6;
	v0 =	vsel vm1, v52, v53;
	[tilespmem:v25+s8+$0x101B0] =	vst.idx.add.s32.msk $0xffff, v61;
	v10 =	vmul.f32 v59, v62  }
0x44f: {  	v7 =	vadd.f32 $4.999999700e-01, v7;
	v30 =	vsub.f32 v19, v18;
	v25 =	vld [tilespmem:s31+$0x6270];
	v47 =	vpop (erf);
	(erf) = vrcp.f32 v48  }
0x450: {  	v19 =	vmul.f32 $1.280000000e+02, v19;
	v53 =	vmul.f32 $1.280000000e+02, v17;
	v10 =	vsel vm3, v59, v10;
	v59 =	vld [tilespmem:s31+$0x6250]  }
0x451: {  	v20 =	vsel vm0, v20, v56;
	v35 =	vmul.f32 v2, v47;
	v49 =	vmul.f32 v10, v29;
	v29 =	vld [tilespmem:s31+$0x6260];
	[tilespmem:s8+$0x10240] =	vst v3  }
0x452: {  	v7 =	vtrunc.f32 v7;
	vm3 =	vlt.f32 v51, $9.999999740e-06;
	v51 =	vmul.f32 $1.280000000e+02, v38;
	[tilespmem:s8+$0x10250] =	vst v3  }
0x453: {  	v2 =	vsel vm3, v2, v35;
	[tilespmem:s8+$0x10260] =	vst v3;
	v9 =	vsub.f32 v28, v49;
	v28 =	vsub.f32 v21, v20  }
0x454: {  	v15 =	vsel vm0, v15, v36;
	v7 =	vcvt.f32.s32 v7;
	[tilespmem:s8+$0x10270] =	vst v3;
	v50 =	vmul.f32 v2, v31  }
0x455: {  	[tilespmem:s8+$0x10280] =	vst v3;
	v6 =	vadd.f32 $4.999999700e-01, v51;
	v31 =	vadd.f32 $4.999999700e-01, v37;
	v58 =	vpop (erf);
	(erf) = vrcp.f32 v28  }
0x456: {  	v27 =	vsel vm1, v54, v55;
	[tilespmem:s8+$0x10290] =	vst v3;
	v51 =	vperm.xlane v25, v3;
	v21 =	vmul.f32 $1.280000000e+02, v21  }
0x457: {  	s24 =	sadd.s32 $0x240, s8;
	[tilespmem:s8+$0x102A0] =	vst v3;
	v11 =	vsub.f32 v44, v50;
	v6 =	vtrunc.f32 v6;
	v44 =	vtrunc.f32 v31  }
0x458: {  	s1 =	sand.u32 $0x7FF0, s24;
	v0 =	vsub.f32 v0, v26;
	[tilespmem:s8+$0x102B0] =	vst v3;
	v35 =	vperm.xlane v59, v3;
	v60 =	vpop (erf);
	(erf) = vrcp.f32 v30  }
0x459: {  	v27 =	vsub.f32 v27, v32;
	[tilespmem:s1+$0x10080] =	vst v3;
	v6 =	vcvt.f32.s32 v6;
	v42 =	vperm.xlane v59, v4  }
0x45a: {  	v39 =	vsub.f32 v17, v15;
	[tilespmem:s31+$0xC200] =	vst v10;
	v46 =	vcvt.f32.s32 v44;
	v12 =	vmul.f32 v0, v58  }
0x45b: {  	vm3 =	vlt.f32 v45, $9.999999740e-06;
	[tilespmem:s31+$0xE200] =	vst v9;
	v43 =	vperm.xlane v29, v3;
	v62 =	vmul.f32 v27, v60  }
0x45c: {  	[tilespmem:v5+s8+$0x10240] =	vst.idx.add.s32.msk $0xffff, v61;
	v5 =	vsel vm0, v14, v40;
	v0 =	vsel vm3, v0, v12;
	vm3 =	vlt.f32 v48, $9.999999740e-06  }
0x45d: {  	v50 =	vperm.xlane v29, v4;
	v12 =	vsel vm3, v27, v62;
	v27 =	vsel vm1, v34, v35  }
0x45e: {  	[tilespmem:s31+$0xC210] =	vst v2;
	v2 =	vadd.f32 $4.999999700e-01, v21;
	v27 =	vsub.f32 v27, v13;
	v38 =	vpop (erf);
	(erf) = vrcp.f32 v39  }
0x45f: {  	v22 =	vsub.f32 v16, v5;
	v45 =	vsel vm1, v42, v43;
	v24 =	vmul.f32 v0, v24  }
0x460: {  	[tilespmem:s31+$0xE210] =	vst v11;
	v48 =	vsub.f32 v45, v59;
	vm3 =	vlt.f32 v28, $9.999999740e-06;
	v28 =	vmul.f32 v27, v38  }
0x461: {  	v2 =	vtrunc.f32 v2;
	[tilespmem:v6+s8+$0x10240] =	vst.idx.add.s32.msk $0xffff, v61;
	v6 =	vsub.f32 v26, v24;
	v49 =	vpop (erf);
	(erf) = vrcp.f32 v22  }
0x462: {  	v2 =	vcvt.f32.s32 v2;
	v23 =	vmul.f32 v12, v23;
	[tilespmem:s31+$0xC220] =	vst v0;
	v41 =	vsel vm3, v27, v28  }
0x463: {  	[tilespmem:s31+$0xE220] =	vst v6;
	v21 =	vmul.f32 v48, v49;
	v47 =	vmul.f32 v41, v20  }
0x464: {  	v0 =	vsub.f32 v32, v23;
	[tilespmem:v7+s8+$0x10240] =	vst.idx.add.s32.msk $0xffff, v61;
	v7 =	vadd.f32 $4.999999700e-01, v19;
	vm3 =	vlt.f32 v30, $9.999999740e-06  }
0x465: {  	[tilespmem:s31+$0xC230] =	vst v12;
	v52 =	vsel vm3, v48, v21;
	v6 =	vsub.f32 v13, v47;
	v13 =	vsel vm1, v50, v51  }
0x466: {  	[tilespmem:s31+$0xE230] =	vst v0;
	v7 =	vtrunc.f32 v7;
	v0 =	vmul.f32 v52, v18;
	v13 =	vsub.f32 v13, v29  }
0x467: {  	v55 =	vadd.f32 $4.999999700e-01, v53;
	v56 =	vperm.xlane v25, v4;
	[tilespmem:v46+s8+$0x10240] =	vst.idx.add.s32.msk $0xffff, v61;
	v7 =	vcvt.f32.s32 v7;
	v54 =	vpop (erf)  }
0x468: {  	[tilespmem:s31+$0xC240] =	vst v41;
	v0 =	vsub.f32 v59, v0;
	v59 =	vmul.f32 $1.280000000e+02, v16;
	v58 =	vmul.f32 v13, v54  }
0x469: {  	v60 =	vsub.f32 v56, v25;
	vm3 =	vlt.f32 v39, $9.999999740e-06;
	[tilespmem:s31+$0xE240] =	vst v6;
	v6 =	vtrunc.f32 v55  }
0x46a: {  	[tilespmem:v2+s8+$0x10240] =	vst.idx.add.s32.msk $0xffff, v61;
	v6 =	vcvt.f32.s32 v6;
	v9 =	vadd.f32 $4.999999700e-01, v59;
	v62 =	vpop (erf);
	v2 =	vsel vm3, v13, v58  }
0x46b: {  	[tilespmem:s31+$0xC250] =	vst v52;
	v8 =	vmul.f32 v62, v60;
	v63 =	vmul.f32 v2, v15  }
0x46c: {  	[tilespmem:s31+$0xE250] =	vst v0;
	v0 =	vtrunc.f32 v9;
	vm3 =	vlt.f32 v22, $9.999999740e-06  }
0x46d: {  	[tilespmem:v7+s8+$0x10240] =	vst.idx.add.s32.msk $0xffff, v61;
	v0 =	vcvt.f32.s32 v0;
	v8 =	vsel vm3, v60, v8;
	v7 =	vsub.f32 v29, v63  }
0x46e: {  	p0 =	slt.u32 s30, $0x37;
	[tilespmem:s31+$0xC260] =	vst v2;
	v2 =	vmul.f32 v8, v5  }
.Ltmp5:
0x46f: {  	[tilespmem:s31+$0xE260] =	vst v7;
	(pc) =	sbr.rel @p0 .LBB2_8-.Ltmp5, $4  }
0x470: {  	v2 =	vsub.f32 v25, v2;
	[tilespmem:v6+s8+$0x10240] =	vst.idx.add.s32.msk $0xffff, v61  }
0x471: {  	s9 =	sadd.s32 $0x5, s30;
	[tilespmem:s31+$0xC270] =	vst v8  }
0x472: {  	s30 =	smov.u32 s9;
	s2 =	simm.s32 $0x121C0;
	[tilespmem:s31+$0xE270] =	vst v2  }
0x473: {  	s6 =	simm.s32 $0x100C0;
	s1 =	simm.s32 $0x3E34;
	v2 =	vlaneseq.u32;
	[tilespmem:v0+s8+$0x10240] =	vst.idx.add.s32.msk $0xffff, v61;
	s8 =	simm.s32 $0x21C0  }
.LBB2_9:
0x474: {  	v0 =	vld [tilespmem:s1+$0xFFFFFF90];
	_ =	sdelay $0x1  }
0x475: {  	v2 =	vld [tilespmem:s1+$0xFFFFFFA0];
	_ =	sdelay $0x1  }
0x476: {  	v5 =	vld [tilespmem:s1+$0xFFFFFFB0]  }
0x477: {  	v0 =	vadd.f32 $9.999999740e-06, v0  }
0x478: {  	v6 =	vld [tilespmem:s1+$0xFFFFFFC0]  }
0x479: {  	v2 =	vadd.f32 $9.999999740e-06, v2;
	(xrf2) =	vadd.scan.msk.f32 $0xffff, v0  }
0x47a: {  	v0 =	vld [tilespmem:s1+$0xFFFFFFD0]  }
0x47b: {  	v5 =	vadd.f32 $9.999999740e-06, v5;
	(xrf2) =	vadd.scan.msk.f32 $0xffff, v2  }
0x47c: {  	v2 =	vld [tilespmem:s1+$0xFFFFFFE0]  }
0x47d: {  	v6 =	vadd.f32 $9.999999740e-06, v6;
	(xrf2) =	vadd.scan.msk.f32 $0xffff, v5  }
0x47e: {  	v5 =	vld [tilespmem:s1+$0xFFFFFFF0]  }
0x47f: {  	v7 =	vld [tilespmem:s1+$0x0];
	(xrf2) =	vadd.scan.msk.f32 $0xffff, v6;
	v0 =	vadd.f32 $9.999999740e-06, v0;
	_ =	sdelay $0x1  }
0x480: {  	v2 =	vadd.f32 $9.999999740e-06, v2;
	(xrf2) =	vadd.scan.msk.f32 $0xffff, v0;
	_ =	sdelay $0x1  }
0x481: {  	v0 =	vadd.f32 $9.999999740e-06, v5;
	v5, _, _ =	vpop (xrf2);
	(xrf2) =	vadd.scan.msk.f32 $0xffff, v2  }
0x482: {  	v2 =	vadd.f32 $9.999999740e-06, v7;
	v6 =	vperm.xlane v5, v1  }
0x483: {  	v7, _, _ =	vpop (xrf2);
	(xrf2) =	vadd.scan.msk.f32 $0xffff, v0  }
0x484: {  	v0 =	vsel vm2, $0x0, v2;
	v2 =	vperm.xlane v7, v1;
	v6 =	vadd.f32 $0.0e+00, v6  }
0x485: {  	v8, _, _ =	vpop (xrf2);
	(xrf2) =	vadd.scan.msk.f32 $0xffff, v0  }
0x486: {  	v0 =	vperm.xlane v8, v1;
	v2 =	vadd.f32 v2, v6  }
0x487: {  	v9, _, _ =	vpop (xrf2)  }
0x488: {  	v10 =	vperm.xlane v9, v1;
	v0 =	vadd.f32 v0, v2  }
0x489: {  	v11, _, _ =	vpop (xrf2)  }
0x48a: {  	v12 =	vperm.xlane v11, v1;
	v10 =	vadd.f32 v10, v0  }
0x48b: {  	v13, _, _ =	vpop (xrf2)  }
0x48c: {  	v14 =	vperm.xlane v13, v1;
	v12 =	vadd.f32 v12, v10  }
0x48d: {  	v17, _, _ =	vpop (xrf2)  }
0x48e: {  	v15 =	vperm.xlane v17, v1;
	v18 =	vadd.f32 v14, v12  }
0x48f: {  	v19, _, _ =	vpop (xrf2)  }
0x490: {  	v16 =	vperm.xlane v19, v1;
	v14 =	vadd.f32 v15, v18;
	_ =	sdelay $0x1  }
0x491: {  	v15 =	vadd.f32 v16, v14;
	_ =	sdelay $0x1  }
0x492: {  	(erf) = vrcp.f32 v15  }
0x493: {  	s9 =	sshra.s32 s29, $0x2  }
0x494: {  	v22 =	vld [tilespmem:s9+$0x7E00]  }
0x495: {  	v23 =	vld [tilespmem:s9+$0x7E10]  }
0x496: {  	v51 =	vld [tilespmem:s9+$0x7E30];
	_ =	sdelay $0x1  }
0x497: {  	v31 =	vld [tilespmem:s9+$0x7E40];
	_ =	sdelay $0x1  }
0x498: {  	v59 =	vld [tilespmem:s9+$0x7E50];
	v25 =	vperm.xlane v22, v4;
	v26 =	vperm.xlane v23, v3;
	v5 =	vadd.f32 $0.0e+00, v5  }
0x499: {  	v27 =	vperm.xlane v23, v4;
	v53 =	vperm.xlane v51, v3;
	v45 =	vpop (erf)  }
0x49a: {  	v54 =	vperm.xlane v51, v4;
	v15 =	vld [tilespmem:s9+$0x7E20];
	v5 =	vmul.f32 v45, v5  }
0x49b: {  	v55 =	vperm.xlane v31, v3;
	v38 =	vperm.xlane v31, v4  }
0x49c: {  	v46 =	vmul.f32 $0.0e+00, v45;
	v20 =	vperm.xlane v5, v57  }
0x49d: {  	v33 =	vperm.xlane v59, v3;
	v44 =	vperm.xlane v59, v4;
	v7 =	vadd.f32 v6, v7  }
0x49e: {  	v25 =	vsel vm1, v25, v26;
	v8 =	vadd.f32 v2, v8;
	v20 =	vsel vm0, v46, v20  }
0x49f: {  	v28 =	vperm.xlane v15, v3;
	v7 =	vmul.f32 v45, v7;
	v24 =	vsub.f32 v5, v20  }
0x4a0: {  	v9 =	vadd.f32 v0, v9;
	v52 =	vperm.xlane v15, v4;
	v6 =	vmul.f32 v45, v6  }
0x4a1: {  	v11 =	vadd.f32 v10, v11;
	v21 =	vperm.xlane v7, v57;
	(erf) = vrcp.f32 v24  }
0x4a2: {  	v13 =	vadd.f32 v12, v13;
	v8 =	vmul.f32 v45, v8;
	v2 =	vmul.f32 v45, v2  }
0x4a3: {  	v9 =	vmul.f32 v45, v9;
	v0 =	vmul.f32 v45, v0;
	v6 =	vsel vm0, v6, v21  }
0x4a4: {  	v32 =	vld [tilespmem:s9+$0x7E60];
	v11 =	vmul.f32 v45, v11;
	v10 =	vmul.f32 v45, v10;
	v21 =	vsub.f32 v7, v6  }
0x4a5: {  	v17 =	vadd.f32 v18, v17;
	v13 =	vmul.f32 v45, v13;
	v47 =	vperm.xlane v8, v57  }
0x4a6: {  	v19 =	vadd.f32 v14, v19;
	v12 =	vmul.f32 v45, v12;
	(erf) = vrcp.f32 v21  }
0x4a7: {  	v17 =	vmul.f32 v45, v17;
	v18 =	vmul.f32 v45, v18;
	v2 =	vsel vm0, v2, v47  }
0x4a8: {  	v19 =	vmul.f32 v45, v19;
	v14 =	vmul.f32 v45, v14;
	v50 =	vsub.f32 v8, v2  }
0x4a9: {  	v36 =	vld [tilespmem:s9+$0x7E70];
	v25 =	vsub.f32 v25, v22;
	v45 =	vperm.xlane v32, v3;
	v48 =	vperm.xlane v9, v57  }
0x4aa: {  	v27 =	vsel vm1, v27, v28;
	v56 =	vperm.xlane v11, v57;
	v49 =	vpop (erf);
	(erf) = vrcp.f32 v50  }
0x4ab: {  	v27 =	vsub.f32 v27, v23;
	v37 =	vperm.xlane v13, v57;
	v39 =	vperm.xlane v17, v57  }
0x4ac: {  	v0 =	vsel vm0, v0, v48;
	vm3 =	vlt.f32 v24, $9.999999740e-06;
	v24 =	vmul.f32 v25, v49  }
0x4ad: {  	v42 =	vperm.xlane v19, v57;
	v10 =	vsel vm0, v10, v56;
	v30 =	vsub.f32 v9, v0  }
0x4ae: {  	v12 =	vsel vm0, v12, v37;
	v56 =	vperm.xlane v36, v4;
	v24 =	vsel vm3, v25, v24  }
0x4af: {  	v18 =	vsel vm0, v18, v39;
	v29 =	vpop (erf);
	(erf) = vrcp.f32 v30;
	v20 =	vmul.f32 v24, v20  }
0x4b0: {  	v46 =	vsel vm1, v44, v45;
	v5 =	vmul.f32 $1.280000000e+02, v5;
	v7 =	vmul.f32 $1.280000000e+02, v7  }
0x4b1: {  	v8 =	vmul.f32 $1.280000000e+02, v8;
	v20 =	vsub.f32 v22, v20;
	v22 =	vsel vm1, v52, v53  }
0x4b2: {  	[tilespmem:s2+$0x0] =	vst v3;
	v9 =	vmul.f32 $1.280000000e+02, v9;
	v5 =	vadd.f32 $4.999999700e-01, v5;
	v22 =	vsub.f32 v22, v15  }
0x4b3: {  	[tilespmem:s2+$0x10] =	vst v3;
	v62 =	vsub.f32 v11, v10;
	v11 =	vmul.f32 $1.280000000e+02, v11;
	v29 =	vmul.f32 v27, v29;
	v58 =	vpop (erf)  }
0x4b4: {  	[tilespmem:s2+$0x20] =	vst v3;
	v5 =	vtrunc.f32 v5;
	vm3 =	vlt.f32 v21, $9.999999740e-06;
	v60 =	vmul.f32 v22, v58  }
0x4b5: {  	[tilespmem:s2+$0x30] =	vst v3;
	v21 =	vsel vm3, v27, v29;
	vm3 =	vlt.f32 v50, $9.999999740e-06;
	(erf) = vrcp.f32 v62  }
0x4b6: {  	[tilespmem:s2+$0x40] =	vst v3;
	v22 =	vsel vm3, v22, v60;
	vm3 =	vlt.f32 v30, $9.999999740e-06;
	v30 =	vsub.f32 v13, v12  }
0x4b7: {  	[tilespmem:s2+$0x50] =	vst v3;
	v41 =	vsub.f32 v17, v18;
	v7 =	vadd.f32 $4.999999700e-01, v7;
	v5 =	vcvt.f32.s32 v5  }
0x4b8: {  	s10 =	sand.u32 $0x3FFFFF80, s8;
	[tilespmem:s2+$0x60] =	vst v3;
	v48 =	vsub.f32 v46, v59;
	v8 =	vadd.f32 $4.999999700e-01, v8;
	v63 =	vpop (erf);
	(erf) = vrcp.f32 v30  }
0x4b9: {  	s10 =	sadd.s32 s10, s6;
	[tilespmem:s2+$0x70] =	vst v3;
	v9 =	vadd.f32 $4.999999700e-01, v9;
	v7 =	vtrunc.f32 v7;
	v6 =	vmul.f32 v21, v6  }
0x4ba: {  	[tilespmem:s10+$0x0] =	vst v3;
	v11 =	vadd.f32 $4.999999700e-01, v11;
	v8 =	vtrunc.f32 v8;
	v7 =	vcvt.f32.s32 v7  }
0x4bb: {  	v9 =	vtrunc.f32 v9;
	[tilespmem:s9+$0xDE00] =	vst v24;
	v6 =	vsub.f32 v23, v6;
	v23 =	vsel vm1, v54, v55  }
0x4bc: {  	v8 =	vcvt.f32.s32 v8;
	v27 =	vsel vm1, v38, v33;
	v23 =	vsub.f32 v23, v51;
	[tilespmem:s9+$0xFE00] =	vst v20  }
0x4bd: {  	v50 =	vperm.xlane v32, v4;
	v27 =	vsub.f32 v27, v31;
	v53 =	vmul.f32 $1.280000000e+02, v17;
	[tilespmem:v5+s2+$0x0] =	vst.idx.add.s32.msk $0xffff, v61  }
0x4be: {  	v5 =	vsel vm0, v14, v42;
	[tilespmem:s9+$0xDE10] =	vst v21;
	v35 =	vmul.f32 v23, v63;
	v40 =	vpop (erf);
	(erf) = vrcp.f32 v41  }
0x4bf: {  	v16 =	vsub.f32 v19, v5;
	[tilespmem:s9+$0xFE10] =	vst v6;
	v6 =	vcvt.f32.s32 v9;
	v2 =	vmul.f32 v22, v2  }
0x4c0: {  	[tilespmem:v7+s2+$0x0] =	vst.idx.add.s32.msk $0xffff, v61;
	v7 =	vtrunc.f32 v11;
	v13 =	vmul.f32 $1.280000000e+02, v13;
	v23 =	vsel vm3, v23, v35  }
0x4c1: {  	v0 =	vmul.f32 v23, v0;
	v2 =	vsub.f32 v15, v2;
	v49 =	vpop (erf);
	(erf) = vrcp.f32 v16  }
0x4c2: {  	v55 =	vadd.f32 $4.999999700e-01, v53;
	v7 =	vcvt.f32.s32 v7;
	[tilespmem:s9+$0xDE20] =	vst v22;
	v29 =	vmul.f32 v27, v40  }
0x4c3: {  	vm3 =	vlt.f32 v62, $9.999999740e-06;
	v0 =	vsub.f32 v51, v0;
	v51 =	vperm.xlane v36, v3;
	[tilespmem:s9+$0xFE20] =	vst v2  }
0x4c4: {  	v52 =	vadd.f32 $4.999999700e-01, v13;
	[tilespmem:v8+s2+$0x0] =	vst.idx.add.s32.msk $0xffff, v61;
	v43 =	vsel vm3, v27, v29;
	v11 =	vmul.f32 v48, v49  }
0x4c5: {  	v9 =	vsel vm1, v50, v51;
	[tilespmem:s9+$0xDE30] =	vst v23;
	vm3 =	vlt.f32 v30, $9.999999740e-06;
	v47 =	vmul.f32 v43, v10  }
0x4c6: {  	v8 =	vtrunc.f32 v52;
	[tilespmem:s9+$0xFE30] =	vst v0;
	v9 =	vsub.f32 v9, v32;
	v10 =	vsel vm3, v48, v11  }
0x4c7: {  	[tilespmem:v6+s2+$0x0] =	vst.idx.add.s32.msk $0xffff, v61;
	v6 =	vcvt.f32.s32 v8;
	v2 =	vsub.f32 v31, v47;
	v0 =	vmul.f32 v10, v12;
	v54 =	vpop (erf)  }
0x4c8: {  	v58 =	vmul.f32 $1.280000000e+02, v19;
	[tilespmem:s9+$0xDE40] =	vst v43;
	vm3 =	vlt.f32 v41, $9.999999740e-06;
	v12 =	vmul.f32 v9, v54  }
0x4c9: {  	[tilespmem:s9+$0xFE40] =	vst v2;
	v2 =	vtrunc.f32 v55;
	v0 =	vsub.f32 v59, v0;
	v59 =	vsub.f32 v56, v36  }
0x4ca: {  	v62 =	vadd.f32 $4.999999700e-01, v58;
	[tilespmem:v7+s2+$0x0] =	vst.idx.add.s32.msk $0xffff, v61;
	v2 =	vcvt.f32.s32 v2;
	v7 =	vsel vm3, v9, v12;
	v60 =	vpop (erf)  }
0x4cb: {  	[tilespmem:s9+$0xDE50] =	vst v10;
	v63 =	vmul.f32 v7, v18;
	v9 =	vmul.f32 v60, v59  }
0x4cc: {  	vm3 =	vlt.f32 v16, $9.999999740e-06;
	[tilespmem:s9+$0xFE50] =	vst v0;
	v0 =	vtrunc.f32 v62  }
0x4cd: {  	[tilespmem:v6+s2+$0x0] =	vst.idx.add.s32.msk $0xffff, v61;
	v0 =	vcvt.f32.s32 v0;
	v6 =	vsub.f32 v32, v63;
	v8 =	vsel vm3, v59, v9  }
0x4ce: {  	p0 =	sne.s32 s29, $0x600;
	[tilespmem:s9+$0xDE60] =	vst v7;
	v5 =	vmul.f32 v8, v5  }
.Ltmp6:
0x4cf: {  	[tilespmem:s9+$0xFE60] =	vst v6;
	(pc) =	sbr.rel @p0 .LBB2_9-.Ltmp6, $4  }
0x4d0: {  	[tilespmem:v2+s2+$0x0] =	vst.idx.add.s32.msk $0xffff, v61;
	v2 =	vsub.f32 v36, v5  }
0x4d1: {  	[tilespmem:s9+$0xDE70] =	vst v8  }
0x4d2: {  	s8 =	sadd.s32 $0x90, s8;
	s29 =	sadd.s32 $0x200, s29;
	[tilespmem:s9+$0xFE70] =	vst v2  }
0x4d3: {  	s6 =	sadd.s32 $0x10, s6;
	s1 =	sadd.s32 $0x7F, s1;
	[tilespmem:v0+s2+$0x0] =	vst.idx.add.s32.msk $0xffff, v61;
	s2 =	sadd.s32 $0x90, s2  }
0x4d4: {  	v58 =	vld [tilespmem:$0x1FF80]  }
0x4d5: {  	v50 =	vld [tilespmem:$0x1FF90]  }
0x4d6: {  	v60 =	vld [tilespmem:$0x1FFA0]  }
0x4d7: {  	v61 =	vld [tilespmem:$0x1FFB0]  }
0x4d8: {  	v62 =	vld [tilespmem:$0x1FFC0]  }
0x4d9: {  	v31 =	vld [tilespmem:$0x1FFD0]  }
0x4da: {  	v63 =	vld [tilespmem:$0x1FFE0]  }
0x4db: {  	s1 =	simm.s32 $0x0;
	v56 =	vld [tilespmem:$0x1FFF0]  }
.LBB2_11:
0x4dc: {  	s2 =	smul.u32 $0x240, s1;
	_ =	sdelay $0x1  }
0x4dd: {  	s2 =	sshra.s32 s2, $0x2  }
0x4de: {  	v0 =	vld [tilespmem:s2+$0x10000];
	_ =	sdelay $0x4  }
0x4df: {  	(xrf0) =	vadd.scan.msk.s32 $0xffff, v0;
	_ =	sdelay $0x1  }
0x4e0: {  	v0 =	vld [tilespmem:s2+$0x10010]  }
0x4e1: {  	v2 =	vld [tilespmem:s2+$0x10020]  }
0x4e2: {  	v5 =	vld [tilespmem:s2+$0x10030]  }
0x4e3: {  	v7 =	vld [tilespmem:s2+$0x10040]  }
0x4e4: {  	s8 =	sor.u32 $0x1, s1;
	v8 =	vld [tilespmem:s2+$0x10050];
	v6, _, _ =	vpop (xrf0)  }
0x4e5: {  	s23 =	smul.u32 $0x90, s8;
	v9 =	vld [tilespmem:s2+$0x10070];
	(xrf0) =	vadd.scan.msk.s32 $0xffff, v0  }
0x4e6: {  	v0 =	vld [tilespmem:s2+$0x10060];
	(xrf0) =	vadd.scan.msk.s32 $0xffff, v2  }
0x4e7: {  	s6 =	sshll.u32 s1, $0x7;
	(xrf0) =	vadd.scan.msk.s32 $0xffff, v5;
	v5 =	vld [tilespmem:s23+$0x10000]  }
0x4e8: {  	v2 =	vld.idx.msk [tilespmem:v6+s6+$0xC000], $0xffff  }
0x4e9: {  	(xrf0) =	vadd.scan.msk.s32 $0xffff, v7  }
0x4ea: {  	(xrf0) =	vadd.scan.msk.s32 $0xffff, v8;
	v7 =	vld.idx.msk [tilespmem:v6+s6+$0xE000], $0xffff  }
0x4eb: {  	(xrf0) =	vadd.scan.msk.s32 $0xffff, v0  }
0x4ec: {  	v32, _, _ =	vpop (xrf0);
	(xrf0) =	vadd.scan.msk.s32 $0xffff, v9  }
0x4ed: {  	v33, _, _ =	vpop (xrf0);
	(xrf0) =	vadd.scan.msk.s32 $0xffff, v5;
	v0 =	vmul.f32 v58, v2  }
0x4ee: {  	v5, _, _ =	vpop (xrf0)  }
0x4ef: {  	v0 =	vadd.f32 v0, v7;
	v7, _, _ =	vpop (xrf0)  }
0x4f0: {  	v18, _, _ =	vpop (xrf0)  }
0x4f1: {  	v6 =	vperm.xlane v6, v1;
	[tilespmem:s6+$0xA000] =	vst v0;
	v0 =	vld [tilespmem:s23+$0x10010];
	v15, _, _ =	vpop (xrf0)  }
0x4f2: {  	v13 =	vld [tilespmem:s23+$0x10030];
	v14, _, _ =	vpop (xrf0)  }
0x4f3: {  	s9 =	sor.u32 $0x30, s23;
	v16 =	vld [tilespmem:s23+$0x10050];
	v2 =	vadd.s32 v32, v6;
	v11, _, _ =	vpop (xrf0)  }
0x4f4: {  	s29 =	sor.u32 $0x70, s23;
	v12 =	vld [tilespmem:s9+$0x10000]  }
0x4f5: {  	s24 =	sor.u32 $0x50, s23;
	v34 =	vld [tilespmem:s29+$0x10000]  }
0x4f6: {  	s9 =	sshll.u32 s8, $0x7;
	(xrf0) =	vadd.scan.msk.s32 $0xffff, v0;
	v0 =	vld [tilespmem:s24+$0x10000]  }
0x4f7: {  	v17 =	vld.idx.msk [tilespmem:v11+s9+$0xC000], $0xffff  }
0x4f8: {  	v10 =	vld.idx.msk [tilespmem:v2+s6+$0xC000], $0xffff  }
0x4f9: {  	s30 =	sor.u32 $0x2, s1;
	v20 =	vld.idx.msk [tilespmem:v11+s9+$0xE000], $0xffff  }
0x4fa: {  	s10 =	smul.u32 $0x90, s30;
	v2 =	vld.idx.msk [tilespmem:v2+s6+$0xE000], $0xffff;
	(xrf0) =	vadd.scan.msk.s32 $0xffff, v12  }
0x4fb: {  	v35 =	vld [tilespmem:s23+$0x10070];
	v8 =	vperm.xlane v32, v1;
	(xrf0) =	vadd.scan.msk.s32 $0xffff, v13  }
0x4fc: {  	v37 =	vld [tilespmem:s10+$0x10000];
	v36, _, _ =	vpop (xrf0);
	(xrf0) =	vadd.scan.msk.s32 $0xffff, v0;
	v0 =	vmul.f32 v58, v17  }
0x4fd: {  	v6 =	vadd.s32 v6, v8;
	v10 =	vmul.f32 v50, v10  }
0x4fe: {  	v19 =	vadd.s32 v33, v6;
	(xrf0) =	vadd.scan.msk.s32 $0xffff, v16;
	v0 =	vadd.f32 v0, v20  }
0x4ff: {  	v2 =	vadd.f32 v10, v2;
	(xrf0) =	vadd.scan.msk.s32 $0xffff, v34  }
0x500: {  	s2 =	sand.u32 $0x3FFFFF80, s6;
	v11 =	vperm.xlane v11, v1;
	(xrf0) =	vadd.scan.msk.s32 $0xffff, v35  }
0x501: {  	s14 =	sor.u32 $0x30, s10;
	[tilespmem:s2+$0xA010] =	vst v2;
	v41, _, _ =	vpop (xrf0);
	(xrf0) =	vadd.scan.msk.s32 $0xffff, v37  }
0x502: {  	v22 =	vld [tilespmem:s14+$0x10000];
	v38 =	vadd.s32 v36, v11;
	[tilespmem:s9+$0xA000] =	vst v0;
	v0, _, _ =	vpop (xrf0)  }
0x503: {  	v2 =	vld.idx.msk [tilespmem:v19+s6+$0xC000], $0xffff;
	v43, _, _ =	vpop (xrf0)  }
0x504: {  	v40 =	vld.idx.msk [tilespmem:v19+s6+$0xE000], $0xffff;
	v19, _, _ =	vpop (xrf0)  }
0x505: {  	v17, _, _ =	vpop (xrf0)  }
0x506: {  	v16, _, _ =	vpop (xrf0)  }
0x507: {  	v42 =	vld.idx.msk [tilespmem:v38+s9+$0xC000], $0xffff;
	v47, _, _ =	vpop (xrf0);
	_ =	sdelay $0x1  }
0x508: {  	v39 =	vperm.xlane v33, v1;
	v44 =	vld.idx.msk [tilespmem:v38+s9+$0xE000], $0xffff;
	(xrf0) =	vadd.scan.msk.s32 $0xffff, v22  }
0x509: {  	s8 =	sshll.u32 s30, $0x7  }
0x50a: {  	v6 =	vadd.s32 v39, v6;
	v2 =	vmul.f32 v60, v2;
	v49 =	vld.idx.msk [tilespmem:v47+s8+$0xC000], $0xffff  }
0x50b: {  	v23 =	vld [tilespmem:s10+$0x10020];
	v21 =	vadd.s32 v5, v6;
	v10 =	vperm.xlane v36, v1;
	v46 =	vmul.f32 v50, v42  }
0x50c: {  	v2 =	vadd.f32 v2, v40;
	v52 =	vld.idx.msk [tilespmem:v47+s8+$0xE000], $0xffff  }
0x50d: {  	v29 =	vld [tilespmem:s10+$0x10060];
	v45 =	vadd.s32 v11, v10;
	v13 =	vperm.xlane v47, v1;
	v10 =	vadd.f32 v46, v44  }
0x50e: {  	s15 =	sor.u32 $0x60, s10;
	v53 =	vld [tilespmem:s10+$0x10070];
	s29 =	sand.u32 $0x3FFFFF80, s9;
	[tilespmem:s2+$0xA020] =	vst v2;
	v24, _, _ =	vpop (xrf0)  }
0x50f: {  	v26 =	vld [tilespmem:s15+$0x10000];
	[tilespmem:s29+$0xA010] =	vst v10;
	v27 =	vadd.s32 v24, v13;
	v10 =	vmul.f32 v58, v49  }
0x510: {  	s22 =	sor.u32 $0x70, s10;
	v2 =	vld.idx.msk [tilespmem:v21+s6+$0xC000], $0xffff  }
0x511: {  	s31 =	sadd.s32 $0x20, s10;
	v28 =	vld [tilespmem:s22+$0x10000];
	v10 =	vadd.f32 v10, v52  }
0x512: {  	s14 =	sor.u32 $0x50, s31;
	v5 =	vperm.xlane v5, v1;
	v11 =	vadd.s32 v41, v45;
	(xrf0) =	vadd.scan.msk.s32 $0xffff, v23;
	v48 =	vld.idx.msk [tilespmem:v21+s6+$0xE000], $0xffff  }
0x513: {  	v25 =	vld [tilespmem:s14+$0x10000];
	[tilespmem:s8+$0xA000] =	vst v10  }
0x514: {  	v5 =	vadd.s32 v5, v6;
	v6 =	vld.idx.msk [tilespmem:v27+s8+$0xC000], $0xffff  }
0x515: {  	v54 =	vadd.s32 v7, v5;
	v2 =	vmul.f32 v61, v2  }
0x516: {  	v32 =	vperm.xlane v24, v1;
	v33 =	vld.idx.msk [tilespmem:v27+s8+$0xE000], $0xffff  }
0x517: {  	v51 =	vld.idx.msk [tilespmem:v11+s9+$0xC000], $0xffff;
	v2 =	vadd.f32 v2, v48  }
0x518: {  	v12 =	vperm.xlane v41, v1;
	v34, _, _ =	vpop (xrf0);
	v13 =	vadd.s32 v13, v32  }
0x519: {  	v11 =	vld.idx.msk [tilespmem:v11+s9+$0xE000], $0xffff;
	[tilespmem:s2+$0xA030] =	vst v2;
	v2 =	vmul.f32 v50, v6;
	v6 =	vadd.s32 v34, v13  }
0x51a: {  	v35 =	vld.idx.msk [tilespmem:v54+s6+$0xC000], $0xffff  }
0x51b: {  	v7 =	vperm.xlane v7, v1;
	v9 =	vadd.s32 v12, v45;
	v2 =	vadd.f32 v2, v33  }
0x51c: {  	s30 =	sand.u32 $0x3FFFFF80, s8;
	s23 =	sor.u32 $0x3, s1;
	v59 =	vadd.s32 v0, v9;
	(xrf0) =	vadd.scan.msk.s32 $0xffff, v25;
	v55 =	vmul.f32 v60, v51;
	v10 =	vld.idx.msk [tilespmem:v54+s6+$0xE000], $0xffff  }
0x51d: {  	s24 =	smul.u32 $0x90, s23;
	[tilespmem:s30+$0xA010] =	vst v2  }
0x51e: {  	v11 =	vadd.f32 v55, v11;
	v2 =	vadd.s32 v7, v5;
	v5 =	vld.idx.msk [tilespmem:v6+s8+$0xC000], $0xffff  }
0x51f: {  	v30 =	vld [tilespmem:s24+$0x10060];
	v7 =	vmul.f32 v62, v35  }
0x520: {  	v12 =	vperm.xlane v34, v1;
	[tilespmem:s29+$0xA020] =	vst v11;
	v6 =	vld.idx.msk [tilespmem:v6+s8+$0xE000], $0xffff  }
0x521: {  	v11 =	vld.idx.msk [tilespmem:v59+s9+$0xC000], $0xffff;
	v7 =	vadd.f32 v7, v10  }
0x522: {  	v0 =	vperm.xlane v0, v1;
	v40 =	vld [tilespmem:s24+$0x10000];
	(xrf0) =	vadd.scan.msk.s32 $0xffff, v26;
	v39, _, _ =	vpop (xrf0);
	v12 =	vadd.s32 v12, v13  }
0x523: {  	(xrf0) =	vadd.scan.msk.s32 $0xffff, v28;
	v21 =	vld.idx.msk [tilespmem:v59+s9+$0xE000], $0xffff;
	[tilespmem:s2+$0xA040] =	vst v7;
	v7 =	vadd.s32 v39, v12;
	v5 =	vmul.f32 v60, v5  }
0x524: {  	(xrf0) =	vadd.scan.msk.s32 $0xffff, v29;
	v29 =	vld [tilespmem:s24+$0x10050];
	v36 =	vadd.s32 v18, v2  }
0x525: {  	v0 =	vadd.s32 v0, v9;
	v47 =	vld [tilespmem:s24+$0x10010];
	v5 =	vadd.f32 v5, v6  }
0x526: {  	v38 =	vadd.s32 v43, v0;
	(xrf0) =	vadd.scan.msk.s32 $0xffff, v53;
	v53 =	vld [tilespmem:s24+$0x10020];
	v37 =	vmul.f32 v61, v11  }
0x527: {  	(xrf0) =	vadd.scan.msk.s32 $0xffff, v40;
	v55 =	vld [tilespmem:s24+$0x10030];
	[tilespmem:s30+$0xA020] =	vst v5  }
0x528: {  	v9 =	vadd.f32 v37, v21;
	v5 =	vld.idx.msk [tilespmem:v7+s8+$0xC000], $0xffff  }
0x529: {  	v44, _, _ =	vpop (xrf0);
	v41 =	vld.idx.msk [tilespmem:v36+s6+$0xC000], $0xffff  }
0x52a: {  	v46, _, _ =	vpop (xrf0);
	[tilespmem:s29+$0xA030] =	vst v9;
	v7 =	vld.idx.msk [tilespmem:v7+s8+$0xE000], $0xffff  }
0x52b: {  	v22, _, _ =	vpop (xrf0);
	v9 =	vld.idx.msk [tilespmem:v38+s9+$0xC000], $0xffff  }
0x52c: {  	s10 =	sor.u32 $0x4, s1;
	v8 =	vperm.xlane v43, v1;
	v21, _, _ =	vpop (xrf0);
	v42 =	vld.idx.msk [tilespmem:v36+s6+$0xE000], $0xffff;
	v6 =	vperm.xlane v18, v1  }
0x52d: {  	s22 =	smul.u32 $0x90, s10;
	v48, _, _ =	vpop (xrf0);
	v11 =	vld.idx.msk [tilespmem:v38+s9+$0xE000], $0xffff;
	v5 =	vmul.f32 v61, v5  }
0x52e: {  	s15 =	sor.u32 $0x70, s24;
	v0 =	vadd.s32 v8, v0;
	v32 =	vld [tilespmem:s24+$0x10070];
	v2 =	vadd.s32 v6, v2  }
0x52f: {  	(xrf0) =	vadd.scan.msk.s32 $0xffff, v47;
	s24 =	sor.u32 $0x60, s22;
	v59 =	vld [tilespmem:s15+$0x10000];
	v6 =	vmul.f32 v31, v41;
	v43 =	vadd.s32 v15, v2;
	v5 =	vadd.f32 v5, v7  }
0x530: {  	s31 =	sshll.u32 s23, $0x7;
	v45 =	vadd.s32 v19, v0;
	(xrf0) =	vadd.scan.msk.s32 $0xffff, v53;
	v53 =	vld [tilespmem:s24+$0x10000];
	v9 =	vmul.f32 v62, v9  }
0x531: {  	v10 =	vperm.xlane v39, v1;
	v6 =	vadd.f32 v6, v42;
	[tilespmem:s30+$0xA030] =	vst v5;
	v5 =	vld.idx.msk [tilespmem:v48+s31+$0xC000], $0xffff  }
0x532: {  	(xrf0) =	vadd.scan.msk.s32 $0xffff, v55;
	v55 =	vld [tilespmem:s22+$0x10040];
	v9 =	vadd.f32 v9, v11  }
0x533: {  	v10 =	vadd.s32 v10, v12;
	v52 =	vld.idx.msk [tilespmem:v48+s31+$0xE000], $0xffff;
	[tilespmem:s2+$0xA050] =	vst v6  }
0x534: {  	v11 =	vperm.xlane v48, v1;
	[tilespmem:s29+$0xA040] =	vst v9;
	v6 =	vadd.s32 v44, v10;
	v49 =	vld.idx.msk [tilespmem:v43+s6+$0xC000], $0xffff  }
0x535: {  	v54, _, _ =	vpop (xrf0);
	v9 =	vld.idx.msk [tilespmem:v45+s9+$0xC000], $0xffff  }
0x536: {  	v28 =	vadd.s32 v54, v11;
	v15 =	vperm.xlane v15, v1;
	v13 =	vld.idx.msk [tilespmem:v43+s6+$0xE000], $0xffff;
	v5 =	vmul.f32 v58, v5  }
0x537: {  	v19 =	vperm.xlane v19, v1;
	v7 =	vld.idx.msk [tilespmem:v45+s9+$0xE000], $0xffff  }
0x538: {  	(xrf0) =	vadd.scan.msk.s32 $0xffff, v59;
	v59 =	vld [tilespmem:s22+$0x10050];
	v14 =	vadd.s32 v14, v15;
	v5 =	vadd.f32 v5, v52  }
0x539: {  	v0 =	vadd.s32 v19, v0;
	v2 =	vadd.s32 v2, v14;
	v51 =	vld.idx.msk [tilespmem:v6+s8+$0xC000], $0xffff;
	v12 =	vmul.f32 v63, v49  }
0x53a: {  	v33 =	vadd.s32 v17, v0;
	v6 =	vld.idx.msk [tilespmem:v6+s8+$0xE000], $0xffff;
	[tilespmem:s31+$0xA000] =	vst v5;
	v5 =	vmul.f32 v31, v9  }
0x53b: {  	v8 =	vperm.xlane v44, v1;
	v12 =	vadd.f32 v12, v13;
	v34 =	vld.idx.msk [tilespmem:v28+s31+$0xC000], $0xffff  }
0x53c: {  	v48 =	vld [tilespmem:s22+$0x10000];
	v5 =	vadd.f32 v5, v7  }
0x53d: {  	[tilespmem:s2+$0xA060] =	vst v12;
	v36 =	vld.idx.msk [tilespmem:v28+s31+$0xE000], $0xffff;
	v7 =	vadd.s32 v8, v10  }
0x53e: {  	v18 =	vmul.f32 v62, v51;
	v14 =	vld.idx.msk [tilespmem:v2+s6+$0xC000], $0xffff;
	v37 =	vadd.s32 v46, v7;
	[tilespmem:s29+$0xA050] =	vst v5  }
0x53f: {  	v35 =	vperm.xlane v54, v1;
	v38 =	vld.idx.msk [tilespmem:v33+s9+$0xC000], $0xffff  }
0x540: {  	v15 =	vld.idx.msk [tilespmem:v2+s6+$0xE000], $0xffff;
	v6 =	vadd.f32 v18, v6;
	v39 =	vmul.f32 v50, v34  }
0x541: {  	s23 =	sor.u32 $0x50, s22;
	v41 =	vperm.xlane v17, v1;
	v8 =	vadd.s32 v11, v35;
	v9 =	vld.idx.msk [tilespmem:v33+s9+$0xE000], $0xffff;
	v5, _, _ =	vpop (xrf0)  }
0x542: {  	v52 =	vld [tilespmem:s23+$0x10000];
	[tilespmem:s30+$0xA040] =	vst v6;
	v40 =	vadd.s32 v5, v8;
	v6 =	vadd.f32 v39, v36  }
0x543: {  	s15 =	sand.u32 $0x3FFFFF80, s31;
	v10 =	vadd.s32 v16, v41;
	v42 =	vld.idx.msk [tilespmem:v37+s8+$0xC000], $0xffff  }
0x544: {  	(xrf0) =	vadd.scan.msk.s32 $0xffff, v29;
	v0 =	vadd.s32 v0, v10;
	v33 =	vld [tilespmem:s22+$0x10070];
	[tilespmem:s15+$0xA010] =	vst v6;
	v6 =	vmul.f32 v63, v38  }
0x545: {  	(xrf0) =	vadd.scan.msk.s32 $0xffff, v30;
	v44 =	vperm.xlane v46, v1;
	v43 =	vld.idx.msk [tilespmem:v37+s8+$0xE000], $0xffff  }
0x546: {  	(xrf0) =	vadd.scan.msk.s32 $0xffff, v32;
	v32 =	vld [tilespmem:s22+$0x10060];
	v6 =	vadd.f32 v6, v9  }
0x547: {  	v7 =	vadd.s32 v44, v7;
	v45 =	vld.idx.msk [tilespmem:v40+s31+$0xC000], $0xffff  }
0x548: {  	v47 =	vadd.s32 v22, v7;
	v46 =	vld.idx.msk [tilespmem:v40+s31+$0xE000], $0xffff;
	v2 =	vmul.f32 v31, v42;
	[tilespmem:s29+$0xA060] =	vst v6  }
0x549: {  	s6 =	sshll.u32 s10, $0x7;
	s10 =	sor.u32 $0x6, s1;
	v17 =	vld.idx.msk [tilespmem:v0+s9+$0xC000], $0xffff  }
0x54a: {  	s23 =	smul.u32 $0x90, s10;
	v2 =	vadd.f32 v2, v43;
	v16 =	vld.idx.msk [tilespmem:v0+s9+$0xE000], $0xffff;
	s9 =	sor.u32 $0x70, s22  }
0x54b: {  	v6, _, _ =	vpop (xrf0);
	(xrf0) =	vadd.scan.msk.s32 $0xffff, v48;
	v54 =	vld [tilespmem:s9+$0x10000]  }
0x54c: {  	[tilespmem:s30+$0xA050] =	vst v2;
	(xrf0) =	vadd.scan.msk.s32 $0xffff, v52;
	v52 =	vld [tilespmem:s23+$0x10020]  }
0x54d: {  	s9 =	sor.u32 $0x5, s1;
	v2 =	vld.idx.msk [tilespmem:v47+s8+$0xC000], $0xffff  }
0x54e: {  	s22 =	smul.u32 $0x90, s9;
	v9 =	vld.idx.msk [tilespmem:v47+s8+$0xE000], $0xffff  }
0x54f: {  	v35, _, _ =	vpop (xrf0);
	(xrf0) =	vadd.scan.msk.s32 $0xffff, v53;
	v53 =	vld [tilespmem:s23+$0x10030]  }
0x550: {  	v34 =	vld [tilespmem:s22+$0x10000]  }
0x551: {  	v42 =	vld [tilespmem:s22+$0x10010]  }
0x552: {  	v5 =	vperm.xlane v5, v1;
	v49 =	vmul.f32 v60, v45;
	v44 =	vld [tilespmem:s22+$0x10030]  }
0x553: {  	[tilespmem:$0x1FF50] =	vst v14;
	v14 =	vmov v31;
	v31, _, _ =	vpop (xrf0);
	v45 =	vld [tilespmem:s22+$0x10040];
	(xrf0) =	vadd.scan.msk.s32 $0xffff, v54  }
0x554: {  	v5 =	vadd.s32 v5, v8;
	v0 =	vadd.f32 v49, v46;
	v23, _, _ =	vpop (xrf0);
	s24 =	sor.u32 $0x70, s22;
	v46 =	vld [tilespmem:s22+$0x10050];
	(xrf0) =	vadd.scan.msk.s32 $0xffff, v55  }
0x555: {  	v51 =	vadd.s32 v6, v5;
	v20, _, _ =	vpop (xrf0);
	v43 =	vld [tilespmem:s24+$0x10000];
	(xrf0) =	vadd.scan.msk.s32 $0xffff, v59  }
0x556: {  	v47 =	vld [tilespmem:s22+$0x10060];
	v13, _, _ =	vpop (xrf0);
	(xrf0) =	vadd.scan.msk.s32 $0xffff, v32  }
0x557: {  	v48 =	vld [tilespmem:s22+$0x10070];
	v39, _, _ =	vpop (xrf0);
	(xrf0) =	vadd.scan.msk.s32 $0xffff, v33  }
0x558: {  	v49 =	vld [tilespmem:s23+$0x10000];
	v38, _, _ =	vpop (xrf0);
	(xrf0) =	vadd.scan.msk.s32 $0xffff, v34  }
0x559: {  	[tilespmem:s15+$0xA020] =	vst v0;
	v54 =	vld [tilespmem:s23+$0x10040];
	v34, _, _ =	vpop (xrf0);
	(xrf0) =	vadd.scan.msk.s32 $0xffff, v42  }
0x55a: {  	v0 =	vld.idx.msk [tilespmem:v51+s31+$0xC000], $0xffff;
	v30, _, _ =	vpop (xrf0);
	(xrf0) =	vadd.scan.msk.s32 $0xffff, v43  }
0x55b: {  	s22 =	sor.u32 $0x70, s23;
	v8 =	vld.idx.msk [tilespmem:v51+s31+$0xE000], $0xffff;
	v26, _, _ =	vpop (xrf0);
	(xrf0) =	vadd.scan.msk.s32 $0xffff, v44  }
0x55c: {  	s24 =	sor.u32 $0x30, s23;
	v51 =	vld [tilespmem:s22+$0x10000];
	v19, _, _ =	vpop (xrf0);
	(xrf0) =	vadd.scan.msk.s32 $0xffff, v45  }
0x55d: {  	s14 =	sadd.s32 $0x60, s23;
	s22 =	sor.u32 $0x7, s1;
	v55 =	vld [tilespmem:s24+$0x10040];
	v18, _, _ =	vpop (xrf0);
	(xrf0) =	vadd.scan.msk.s32 $0xffff, v46  }
0x55e: {  	s14 =	sor.u32 $0x50, s14;
	s24 =	smul.u32 $0x240, s22;
	v59 =	vld [tilespmem:s23+$0x10060];
	v28, _, _ =	vpop (xrf0);
	(xrf0) =	vadd.scan.msk.s32 $0xffff, v47  }
0x55f: {  	v22 =	vperm.xlane v22, v1;
	v32 =	vld [tilespmem:s14+$0x10000];
	v42, _, _ =	vpop (xrf0);
	(xrf0) =	vadd.scan.msk.s32 $0xffff, v48  }
0x560: {  	v6 =	vperm.xlane v6, v1;
	s24 =	sshra.s32 s24, $0x2;
	v11 =	vld.idx.msk [tilespmem:v13+s6+$0xC000], $0xffff;
	v41, _, _ =	vpop (xrf0);
	(xrf0) =	vadd.scan.msk.s32 $0xffff, v49  }
0x561: {  	v21 =	vadd.s32 v21, v22;
	v2 =	vmul.f32 v63, v2;
	v36 =	vld [tilespmem:s24+$0x10000];
	v37, _, _ =	vpop (xrf0);
	(xrf0) =	vadd.scan.msk.s32 $0xffff, v51  }
0x562: {  	v7 =	vadd.s32 v7, v21;
	s9 =	sshll.u32 s9, $0x7;
	v5 =	vadd.s32 v6, v5;
	v6 =	vld.idx.msk [tilespmem:v13+s6+$0xE000], $0xffff;
	v33, _, _ =	vpop (xrf0);
	(xrf0) =	vadd.scan.msk.s32 $0xffff, v52  }
0x563: {  	v2 =	vadd.f32 v2, v9;
	v48 =	vld.idx.msk [tilespmem:v28+s9+$0xC000], $0xffff;
	v29, _, _ =	vpop (xrf0);
	(xrf0) =	vadd.scan.msk.s32 $0xffff, v53  }
0x564: {  	v24, _, _ =	vpop (xrf0);
	(xrf0) =	vadd.scan.msk.s32 $0xffff, v54  }
0x565: {  	[tilespmem:s30+$0xA060] =	vst v2;
	v0 =	vmul.f32 v61, v0;
	v2 =	vadd.s32 v35, v5;
	v49 =	vld.idx.msk [tilespmem:v28+s9+$0xE000], $0xffff;
	v25, _, _ =	vpop (xrf0);
	(xrf0) =	vadd.scan.msk.s32 $0xffff, v55  }
0x566: {  	v13 =	vperm.xlane v13, v1;
	v11 =	vmul.f32 v58, v11;
	v43, _, _ =	vpop (xrf0);
	(xrf0) =	vadd.scan.msk.s32 $0xffff, v59  }
0x567: {  	v35 =	vperm.xlane v35, v1;
	v21 =	vld.idx.msk [tilespmem:v7+s8+$0xC000], $0xffff;
	v0 =	vadd.f32 v0, v8;
	v10, _, _ =	vpop (xrf0);
	(xrf0) =	vadd.scan.msk.s32 $0xffff, v32  }
0x568: {  	v22 =	vld.idx.msk [tilespmem:v7+s8+$0xE000], $0xffff;
	v6 =	vadd.f32 v11, v6;
	v7 =	vmul.f32 v58, v48;
	v45, _, _ =	vpop (xrf0);
	(xrf0) =	vadd.scan.msk.s32 $0xffff, v36  }
0x569: {  	v5 =	vadd.s32 v35, v5;
	v35 =	vld [tilespmem:s24+$0x10070];
	[tilespmem:s15+$0xA030] =	vst v0;
	v51 =	vadd.s32 v39, v13;
	v40, _, _ =	vpop (xrf0)  }
0x56a: {  	v0 =	vld.idx.msk [tilespmem:v2+s31+$0xC000], $0xffff;
	[tilespmem:s6+$0xA000] =	vst v6;
	v6 =	vadd.f32 v7, v49;
	v36, _, _ =	vpop (xrf0)  }
0x56b: {  	v53 =	vld [tilespmem:s24+$0x10010];
	v32, _, _ =	vpop (xrf0)  }
0x56c: {  	v2 =	vld.idx.msk [tilespmem:v2+s31+$0xE000], $0xffff;
	v44 =	vperm.xlane v28, v1;
	v28, _, _ =	vpop (xrf0)  }
0x56d: {  	v55 =	vperm.xlane v39, v1;
	v39 =	vld [tilespmem:s24+$0x10060];
	v27, _, _ =	vpop (xrf0)  }
0x56e: {  	s10 =	sshll.u32 s10, $0x7;
	v8 =	vld.idx.msk [tilespmem:v51+s6+$0xE000], $0xffff;
	[tilespmem:s9+$0xA000] =	vst v6;
	v6, _, _ =	vpop (xrf0)  }
0x56f: {  	v54 =	vld.idx.msk [tilespmem:v43+s10+$0xC000], $0xffff  }
0x570: {  	v7 =	vld.idx.msk [tilespmem:v51+s6+$0xC000], $0xffff;
	(xrf0) =	vadd.scan.msk.s32 $0xffff, v53  }
0x571: {  	s8 =	sshll.u32 s22, $0x7;
	v52 =	vadd.s32 v42, v44;
	v47 =	vld.idx.msk [tilespmem:v43+s10+$0xE000], $0xffff  }
0x572: {  	v43 =	vperm.xlane v43, v1;
	v46 =	vld.idx.msk [tilespmem:v6+s8+$0xC000], $0xffff  }
0x573: {  	v49 =	vld [tilespmem:s24+$0x10020]  }
0x574: {  	v59 =	vadd.s32 v10, v43;
	v11 =	vmul.f32 v58, v54;
	v48 =	vld.idx.msk [tilespmem:v6+s8+$0xE000], $0xffff  }
0x575: {  	v53 =	vld [tilespmem:s24+$0x10040];
	v6 =	vperm.xlane v6, v1  }
0x576: {  	v12 =	vld.idx.msk [tilespmem:v52+s9+$0xC000], $0xffff;
	v51, _, _ =	vpop (xrf0);
	v11 =	vadd.f32 v11, v47  }
0x577: {  	v0 =	vmul.f32 v62, v0;
	v9 =	vld.idx.msk [tilespmem:v52+s9+$0xE000], $0xffff;
	v54 =	vadd.s32 v51, v6;
	v46 =	vmul.f32 v58, v46  }
0x578: {  	v42 =	vperm.xlane v42, v1;
	v52 =	vld [tilespmem:s24+$0x10030];
	[tilespmem:s10+$0xA000] =	vst v11  }
0x579: {  	v0 =	vadd.f32 v0, v2;
	v2 =	vadd.s32 v13, v55;
	v13 =	vld.idx.msk [tilespmem:v59+s10+$0xC000], $0xffff;
	v46 =	vadd.f32 v46, v48  }
0x57a: {  	v42 =	vadd.s32 v44, v42;
	v7 =	vmul.f32 v50, v7;
	(xrf0) =	vadd.scan.msk.s32 $0xffff, v49;
	v47 =	vld [tilespmem:s24+$0x10050]  }
0x57b: {  	v12 =	vmul.f32 v50, v12;
	v59 =	vld.idx.msk [tilespmem:v59+s10+$0xE000], $0xffff;
	v48 =	vadd.s32 v41, v42;
	[tilespmem:s8+$0xA000] =	vst v46  }
0x57c: {  	[tilespmem:s15+$0xA040] =	vst v0;
	v0 =	vadd.f32 v7, v8;
	v46 =	vadd.s32 v38, v2;
	v55 =	vld.idx.msk [tilespmem:v54+s8+$0xC000], $0xffff  }
0x57d: {  	s14 =	sand.u32 $0x3FFFFF80, s6;
	v10 =	vperm.xlane v10, v1;
	v9 =	vadd.f32 v12, v9  }
0x57e: {  	s22 =	sand.u32 $0x3FFFFF80, s9;
	v7 =	vperm.xlane v51, v1;
	[tilespmem:s14+$0xA010] =	vst v0;
	v0 =	vmul.f32 v50, v13;
	v54 =	vld.idx.msk [tilespmem:v54+s8+$0xE000], $0xffff  }
0x57f: {  	v10 =	vadd.s32 v43, v10;
	[tilespmem:s22+$0xA010] =	vst v9  }
0x580: {  	v6 =	vadd.s32 v6, v7;
	v43, _, _ =	vpop (xrf0);
	v13 =	vadd.s32 v45, v10;
	v0 =	vadd.f32 v0, v59;
	v59 =	vld.idx.msk [tilespmem:v48+s9+$0xC000], $0xffff  }
0x581: {  	s23 =	sand.u32 $0x3FFFFF80, s10;
	v44 =	vadd.s32 v43, v6;
	v7 =	vld.idx.msk [tilespmem:v46+s6+$0xC000], $0xffff;
	v55 =	vmul.f32 v50, v55  }
0x582: {  	v51 =	vperm.xlane v38, v1;
	[tilespmem:s23+$0xA010] =	vst v0;
	v0 =	vperm.xlane v41, v1;
	v41 =	vld.idx.msk [tilespmem:v48+s9+$0xE000], $0xffff  }
0x583: {  	v8 =	vadd.f32 v55, v54;
	v54 =	vld.idx.msk [tilespmem:v46+s6+$0xE000], $0xffff  }
0x584: {  	s24 =	sand.u32 $0x3FFFFF80, s8;
	v11 =	vadd.s32 v31, v5;
	(xrf0) =	vadd.scan.msk.s32 $0xffff, v52;
	v2 =	vadd.s32 v51, v2;
	v0 =	vadd.s32 v0, v42  }
0x585: {  	v48 =	vadd.s32 v37, v0;
	v55 =	vld.idx.msk [tilespmem:v13+s10+$0xC000], $0xffff;
	v59 =	vmul.f32 v60, v59;
	[tilespmem:s24+$0xA010] =	vst v8  }
0x586: {  	v7 =	vmul.f32 v60, v7;
	v8 =	vadd.s32 v34, v2;
	v42 =	vld.idx.msk [tilespmem:v44+s8+$0xC000], $0xffff  }
0x587: {  	v52 =	vperm.xlane v43, v1;
	v45 =	vperm.xlane v45, v1;
	v13 =	vld.idx.msk [tilespmem:v13+s10+$0xE000], $0xffff;
	v41 =	vadd.f32 v59, v41  }
0x588: {  	v7 =	vadd.f32 v7, v54;
	v54 =	vld.idx.msk [tilespmem:v44+s8+$0xE000], $0xffff  }
0x589: {  	v12 =	vld.idx.msk [tilespmem:v11+s31+$0xC000], $0xffff;
	v6 =	vadd.s32 v52, v6;
	v10 =	vadd.s32 v45, v10;
	[tilespmem:s22+$0xA020] =	vst v41  }
0x58a: {  	v9 =	vadd.s32 v40, v10;
	v49 =	vld.idx.msk [tilespmem:v48+s9+$0xC000], $0xffff;
	[tilespmem:s14+$0xA020] =	vst v7;
	v7 =	vmul.f32 v60, v55;
	v55, _, _ =	vpop (xrf0)  }
0x58b: {  	v31 =	vperm.xlane v31, v1;
	v59 =	vld.idx.msk [tilespmem:v8+s6+$0xC000], $0xffff;
	v45 =	vmul.f32 v60, v42;
	v46 =	vadd.s32 v55, v6  }
0x58c: {  	v37 =	vperm.xlane v37, v1;
	v34 =	vperm.xlane v34, v1;
	v51 =	vld.idx.msk [tilespmem:v48+s9+$0xE000], $0xffff;
	v7 =	vadd.f32 v7, v13  }
0x58d: {  	v5 =	vadd.s32 v31, v5;
	v8 =	vld.idx.msk [tilespmem:v8+s6+$0xE000], $0xffff;
	v31 =	vadd.f32 v45, v54  }
0x58e: {  	v11 =	vld.idx.msk [tilespmem:v11+s31+$0xE000], $0xffff;
	v0 =	vadd.s32 v37, v0;
	v2 =	vadd.s32 v34, v2;
	(xrf0) =	vadd.scan.msk.s32 $0xffff, v53;
	[tilespmem:s23+$0xA020] =	vst v7  }
0x58f: {  	v13 =	vmul.f32 v61, v49;
	v54 =	vadd.s32 v33, v0;
	v52 =	vld.idx.msk [tilespmem:v9+s10+$0xC000], $0xffff;
	[tilespmem:s24+$0xA020] =	vst v31  }
0x590: {  	v40 =	vperm.xlane v40, v1;
	v34 =	vadd.s32 v30, v2;
	v31 =	vmul.f32 v61, v59;
	v53 =	vld.idx.msk [tilespmem:v46+s8+$0xC000], $0xffff  }
0x591: {  	v12 =	vmul.f32 v14, v12;
	v7 =	vadd.s32 v23, v5;
	v9 =	vld.idx.msk [tilespmem:v9+s10+$0xE000], $0xffff;
	v13 =	vadd.f32 v13, v51  }
0x592: {  	v10 =	vadd.s32 v40, v10;
	v55 =	vperm.xlane v55, v1;
	v8 =	vadd.f32 v31, v8;
	v31 =	vld.idx.msk [tilespmem:v46+s8+$0xE000], $0xffff  }
0x593: {  	v11 =	vadd.f32 v12, v11;
	v44 =	vadd.s32 v36, v10;
	[tilespmem:s22+$0xA030] =	vst v13  }
0x594: {  	v6 =	vadd.s32 v55, v6;
	v45, _, _ =	vpop (xrf0);
	v51 =	vld.idx.msk [tilespmem:v54+s9+$0xC000], $0xffff;
	[tilespmem:s14+$0xA030] =	vst v8;
	v59 =	vmul.f32 v61, v52  }
0x595: {  	[tilespmem:s15+$0xA050] =	vst v11;
	v49 =	vadd.s32 v45, v6;
	v46 =	vld.idx.msk [tilespmem:v34+s6+$0xC000], $0xffff;
	v48 =	vmul.f32 v61, v53  }
0x596: {  	v41 =	vld.idx.msk [tilespmem:v7+s31+$0xC000], $0xffff;
	v8 =	vadd.f32 v59, v9  }
0x597: {  	v30 =	vperm.xlane v30, v1;
	v13 =	vadd.f32 v48, v31;
	v31 =	vld.idx.msk [tilespmem:v34+s6+$0xE000], $0xffff  }
0x598: {  	(xrf0) =	vadd.scan.msk.s32 $0xffff, v47;
	v52 =	vperm.xlane v33, v1;
	v53 =	vld.idx.msk [tilespmem:v54+s9+$0xE000], $0xffff;
	[tilespmem:s23+$0xA030] =	vst v8  }
0x599: {  	v2 =	vadd.s32 v30, v2;
	v30 =	vld.idx.msk [tilespmem:v44+s10+$0xC000], $0xffff;
	[tilespmem:s24+$0xA030] =	vst v13  }
0x59a: {  	v54 =	vadd.s32 v26, v2;
	v0 =	vadd.s32 v52, v0;
	v11 =	vmul.f32 v62, v46;
	v55 =	vld.idx.msk [tilespmem:v49+s8+$0xC000], $0xffff  }
0x59b: {  	v36 =	vperm.xlane v36, v1;
	v9 =	vmul.f32 v62, v51;
	v59 =	vadd.s32 v29, v0;
	v12 =	vld.idx.msk [tilespmem:v44+s10+$0xE000], $0xffff  }
0x59c: {  	v37 =	vld.idx.msk [tilespmem:v49+s8+$0xE000], $0xffff;
	v11 =	vadd.f32 v11, v31;
	v31 =	vperm.xlane v45, v1  }
0x59d: {  	v10 =	vadd.s32 v36, v10;
	v23 =	vperm.xlane v23, v1;
	v7 =	vld.idx.msk [tilespmem:v7+s31+$0xE000], $0xffff;
	v9 =	vadd.f32 v9, v53  }
0x59e: {  	v43, _, _ =	vpop (xrf0);
	[tilespmem:s14+$0xA040] =	vst v11;
	v42 =	vmul.f32 v62, v30;
	v30 =	vadd.s32 v32, v10;
	v6 =	vadd.s32 v31, v6  }
0x59f: {  	[tilespmem:s22+$0xA040] =	vst v9;
	v31 =	vld.idx.msk [tilespmem:v54+s6+$0xC000], $0xffff;
	v8 =	vmul.f32 v62, v55;
	v44 =	vadd.s32 v43, v6  }
0x5a0: {  	v26 =	vperm.xlane v26, v1;
	v45 =	vld.idx.msk [tilespmem:v59+s9+$0xC000], $0xffff;
	v11 =	vadd.f32 v42, v12  }
0x5a1: {  	v20 =	vadd.s32 v20, v23;
	v47 =	vperm.xlane v29, v1;
	v13 =	vld.idx.msk [tilespmem:v54+s6+$0xE000], $0xffff;
	v8 =	vadd.f32 v8, v37  }
0x5a2: {  	(xrf0) =	vadd.scan.msk.s32 $0xffff, v39;
	v2 =	vadd.s32 v26, v2;
	v46 =	vmul.f32 v63, v41;
	v48 =	vld.idx.msk [tilespmem:v59+s9+$0xE000], $0xffff;
	[tilespmem:s23+$0xA040] =	vst v11  }
0x5a3: {  	v5 =	vadd.s32 v5, v20;
	v26 =	vadd.s32 v19, v2;
	v49 =	vld.idx.msk [tilespmem:v30+s10+$0xC000], $0xffff;
	[tilespmem:s24+$0xA040] =	vst v8  }
0x5a4: {  	v53 =	vperm.xlane v43, v1;
	v7 =	vadd.f32 v46, v7;
	v51 =	vmul.f32 v14, v31;
	v52 =	vld.idx.msk [tilespmem:v44+s8+$0xC000], $0xffff  }
0x5a5: {  	v0 =	vadd.s32 v47, v0;
	v12 =	vmul.f32 v14, v45;
	v30 =	vld.idx.msk [tilespmem:v30+s10+$0xE000], $0xffff;
	v31 =	vperm.xlane v32, v1  }
0x5a6: {  	v29 =	vadd.s32 v24, v0;
	[tilespmem:s15+$0xA060] =	vst v7;
	v9 =	vld.idx.msk [tilespmem:v44+s8+$0xE000], $0xffff;
	v7 =	vadd.f32 v51, v13  }
0x5a7: {  	v6 =	vadd.s32 v53, v6;
	v12 =	vadd.f32 v12, v48;
	v10 =	vadd.s32 v31, v10  }
0x5a8: {  	v55, _, _ =	vpop (xrf0);
	v13 =	vld.idx.msk [tilespmem:v5+s31+$0xC000], $0xffff;
	v54 =	vadd.s32 v28, v10;
	[tilespmem:s14+$0xA050] =	vst v7;
	v7 =	vmul.f32 v14, v49  }
0x5a9: {  	v33 =	vadd.s32 v55, v6;
	v59 =	vld.idx.msk [tilespmem:v26+s6+$0xC000], $0xffff;
	v11 =	vmul.f32 v14, v52  }
0x5aa: {  	(xrf0) =	vadd.scan.msk.s32 $0xffff, v35;
	[tilespmem:s22+$0xA050] =	vst v12;
	v35 =	vld.idx.msk [tilespmem:v26+s6+$0xE000], $0xffff;
	v7 =	vadd.f32 v7, v30  }
0x5ab: {  	v34 =	vperm.xlane v19, v1;
	v30 =	vld.idx.msk [tilespmem:v29+s9+$0xC000], $0xffff;
	v9 =	vadd.f32 v11, v9  }
0x5ac: {  	[tilespmem:s23+$0xA050] =	vst v7;
	v7 =	vld.idx.msk [tilespmem:v29+s9+$0xE000], $0xffff  }
0x5ad: {  	v36 =	vperm.xlane v24, v1;
	v11 =	vadd.s32 v18, v34;
	[tilespmem:s24+$0xA050] =	vst v9;
	v37 =	vld.idx.msk [tilespmem:v54+s10+$0xC000], $0xffff  }
0x5ae: {  	v2 =	vadd.s32 v2, v11;
	v8 =	vmul.f32 v63, v59;
	v38 =	vld.idx.msk [tilespmem:v33+s8+$0xC000], $0xffff  }
0x5af: {  	v40 =	vperm.xlane v28, v1;
	v41 =	vperm.xlane v55, v1;
	v18 =	vadd.s32 v25, v36;
	v20 =	vld.idx.msk [tilespmem:v54+s10+$0xE000], $0xffff  }
0x5b0: {  	v43, _, _ =	vpop (xrf0);
	v0 =	vadd.s32 v0, v18;
	v12 =	vld.idx.msk [tilespmem:v33+s8+$0xE000], $0xffff;
	v39 =	vmul.f32 v63, v30;
	v8 =	vadd.f32 v8, v35  }
0x5b1: {  	v42 =	vadd.s32 v27, v40;
	v5 =	vld.idx.msk [tilespmem:v5+s31+$0xE000], $0xffff;
	v45 =	vadd.s32 v43, v41  }
0x5b2: {  	v44 =	vadd.s32 v10, v42;
	v49 =	vld [tilespmem:$0x1FF50];
	v7 =	vadd.f32 v39, v7;
	[tilespmem:s14+$0xA060] =	vst v8;
	v9 =	vmul.f32 v63, v37  }
0x5b3: {  	v6 =	vadd.s32 v6, v45;
	v46 =	vld.idx.msk [tilespmem:v2+s6+$0xC000], $0xffff;
	v11 =	vmul.f32 v63, v38  }
0x5b4: {  	v2 =	vld.idx.msk [tilespmem:v2+s6+$0xE000], $0xffff;
	[tilespmem:s22+$0xA060] =	vst v7;
	v7 =	vadd.f32 v9, v20  }
0x5b5: {  	v48 =	vld.idx.msk [tilespmem:v0+s9+$0xC000], $0xffff;
	v47 =	vadd.f32 v11, v12  }
0x5b6: {  	v53 =	vmul.f32 v56, v21;
	v0 =	vld.idx.msk [tilespmem:v0+s9+$0xE000], $0xffff;
	[tilespmem:s23+$0xA060] =	vst v7  }
0x5b7: {  	v7 =	vmul.f32 v56, v17;
	v51 =	vld.idx.msk [tilespmem:v44+s10+$0xC000], $0xffff;
	[tilespmem:s24+$0xA060] =	vst v47  }
0x5b8: {  	v55 =	vadd.f32 v53, v22;
	v13 =	vmul.f32 v56, v13;
	v54 =	vld.idx.msk [tilespmem:v6+s8+$0xC000], $0xffff  }
0x5b9: {  	v12 =	vmul.f32 v56, v49;
	v8 =	vld.idx.msk [tilespmem:v44+s10+$0xE000], $0xffff;
	v7 =	vadd.f32 v7, v16  }
0x5ba: {  	[tilespmem:s30+$0xA070] =	vst v55;
	v5 =	vadd.f32 v13, v5;
	v6 =	vld.idx.msk [tilespmem:v6+s8+$0xE000], $0xffff;
	v10 =	vmul.f32 v56, v46  }
0x5bb: {  	v52 =	vadd.f32 v12, v15;
	[tilespmem:s29+$0xA070] =	vst v7;
	v7 =	vmul.f32 v56, v48  }
0x5bc: {  	p0 =	slt.u32 s1, $0x38;
	[tilespmem:s15+$0xA070] =	vst v5;
	v2 =	vadd.f32 v10, v2;
	v59 =	vmul.f32 v56, v51  }
.Ltmp7:
0x5bd: {  	[tilespmem:s2+$0xA070] =	vst v52;
	v0 =	vadd.f32 v7, v0;
	v5 =	vmul.f32 v56, v54;
	(pc) =	sbr.rel @p0 .LBB2_11-.Ltmp7, $4  }
0x5be: {  	[tilespmem:s14+$0xA070] =	vst v2;
	v2 =	vadd.f32 v59, v8  }
0x5bf: {  	[tilespmem:s22+$0xA070] =	vst v0;
	v0 =	vadd.f32 v5, v6  }
0x5c0: {  	s31 =	sadd.s32 $0x8, s1;
	[tilespmem:s23+$0xA070] =	vst v2  }
0x5c1: {  	s1 =	smov.u32 s31;
	v31 =	vmov v14;
	[tilespmem:s24+$0xA070] =	vst v0  }
.Ltmp8:
0x5c2: {  	(pc) =	sbr.rel @p1 .LBB2_14-.Ltmp8, $3  }
0x5c3: {  	_ =	sdelay $0x1  }
0x5c4: {  	s1 =	sadd.s32 s28, s12  }
0x5c5: {  	[hbm4b:s1+s4] =	stream.linear.scatter [tilespmem:s21], [sflag:$0x4], $0x2000, $0x38;
	[tilespmem:$0x12400] =	vst v63  }
0x5c6: {  	s1 =	sadd.s32 s26, s13  }
0x5c7: {  	s2 =	smul.u32 $0x7F, s1;
	_ =	sdelay $0x1  }
.Ltmp9:
0x5c8: {  	s1 =	sshll.u32 s1, $0x4;
	s2 =	sshrl.u32 s2, $0x3;
	(pc) =	sbr.rel .LBB2_2-.Ltmp9, $4  }
0x5c9: {  	s1 =	sand.u32 $0x1FFFFC00, s1;
	s2 =	sadd.s32 s5, s2  }
0x5ca: {  	[tilespmem:s16], [sflag:$0x2] =	stream.linear.gather [hbm4b:s2+s4], $0x1FC0, $0x38;
	[tilespmem:$0x12400] =	vst v63  }
0x5cb: {  	s25 =	sadd.s32 $0x1, s25;
	s1 =	sadd.s32 s0, s1  }
0x5cc: {  	v2 =	vlaneseq.u32;
	[tilespmem:s17], [sflag:$0x2] =	stream.linear.gather [hbm4b:s1+s4], $0x2000, $0x38;
	[tilespmem:$0x12400] =	vst v63  }
.LBB2_15:
0x5cd: {  	_ =	sfence.sel $0x180000  }
0x5ce: {  	[bflag:$0x0] =	sbarrier.arrive $0xFFFF  }
0x5cf: {  	_ =	strace $0x90000047  }
0x5d0: {  	s0 =	stileid.u32;
	[bflag:$0x2] =	sbarrier.arrive $0xFFFF  }
0x5d1: {  	p0 =	sne.s32 s0, $0x0;
	s0 =	rddreg [dreg:$0x3]  }
0x5d2: {  	s0 =	sadd.s32 @!p0 $0x100000, s0  }
0x5d3: {  	[sflag:s0] =	ssyncadd.tile.s32 @!p0 $0x1;
	_ =	shalt  }
.Lfunc_end2:
_tile_overlayer_lowered:
.L_overlay_start_2:
0x5d4: {  	(tag) =	ssettag $0x2  }
0x5d5: {  	s0 =	rddreg [dreg:$0x0];
	s2 =	stileid.u32  }
0x5d6: {  	s1 =	rddreg [dreg:$0x1];
	p0 =	sne.s32 s2, $0x0  }
0x5d7: {  	s3 =	rddreg [dreg:$0x2];
	[bflag:$0x3] =	sbarrier.arrive $0xFFFF;
	s2 =	simm.s32 @!p0 $0x1C05  }
0x5d8: {  	[timem:s3], [sflag:s2] =	dma.local @!p0 [hbm:s0], s1  }
0x5d9: {  	s0 =	simm.s32 @!p0 $0x5  }
0x5da: {  	_ =	swait.ge @!p0 [sflag:s0], s1  }
0x5db: {  	s1 =	ssub.s32 @!p0 $0x0, s1;
	[sflag:s0] =	ssyncset.done @!p0 $0x0  }
0x5dc: {  	[sflag:s0] =	ssyncadd.s32 @!p0 s1  }
0x5dd: {  	[bflag:$0x3] =	sbarrier.arrive $0xFFFF  }
0x5de: {  	_ =	shalt  }

</sc_bundles>
